<compile_context>
chip_gen: v7x
topology: tpu7x:2x2x1
jax: 0.10.2.dev20260603
libtpu: 0.0.44.dev20260713+nightly
codegen_flags: <defaults>
</compile_context>

<pallas_src>
import functools

import jax
import jax.numpy as jnp
from jax import lax
from jax.experimental import pallas as pl
from jax.experimental.pallas import tpu as pltpu
from jax.experimental.pallas import tpu_sc as plsc

_EPS = 1e-5
_G = 64
_NC = 2
_NS = 16
_LANE = 128
_NBUF = 8
_LOOK = 4


def _mesh():
  return plsc.VectorSubcoreMesh(
      core_axis_name="c", subcore_axis_name="s",
      num_cores=_NC, num_subcores=_NS)


_SC_PARAMS = pltpu.CompilerParams(use_tc_tiling_on_sc=False,
                                  needs_layout_passes=False)



def _deg_kernel(kch, nacc):

  @functools.partial(
      pl.kernel,
      out_type=jax.ShapeDtypeStruct((_NC, nacc, 1), jnp.float32),
      mesh=_mesh(),
      compiler_params=_SC_PARAMS,
      scratch_types=[
          pltpu.VMEM((kch, _LANE), jnp.int32),
          pltpu.VMEM((_LANE, 1), jnp.float32),
          pltpu.VMEM_SHARED((nacc, 1), jnp.float32),
      ])
  def dk(dst_hbm, out_hbm, didx, vals, acc):
    c = lax.axis_index("c")
    s = lax.axis_index("s")
    wid = c * _NS + s

    def _fill_vals(v):
      @pl.loop(0, _LANE // 16)
      def _f(i):
        rows = lax.iota(jnp.int32, 16) + i * 16
        cols = jnp.zeros((16,), jnp.int32)
        plsc.store_scatter(vals, [rows, cols],
                           jnp.full((16,), v, jnp.float32))

    _fill_vals(0.0)

    base = s * (nacc // _NS)

    @pl.loop(0, nacc // _NS // _LANE)
    def _zero_acc(i):
      pltpu.sync_copy(vals, acc.at[pl.ds(base + i * _LANE, _LANE)])

    _fill_vals(1.0)

    pltpu.sync_copy(dst_hbm.at[pl.ds(wid * kch, kch)], didx)
    plsc.subcore_barrier()

    @pl.loop(0, kch)
    def _edges(j):
      pltpu.sync_copy(vals, acc.at[didx.at[j]], add=True)

    plsc.subcore_barrier()
    rpt = nacc // _NS
    pltpu.sync_copy(acc.at[pl.ds(s * rpt, rpt)],
                    out_hbm.at[c, pl.ds(s * rpt, rpt)])

  return dk


def _scatter_kernel(kch, nacc, F):

  @functools.partial(
      pl.kernel,
      out_type=jax.ShapeDtypeStruct((_NC, nacc, F), jnp.float32),
      mesh=_mesh(),
      compiler_params=_SC_PARAMS,
      scratch_types=[
          pltpu.VMEM((kch, _LANE), jnp.int32),
          pltpu.VMEM((kch, _LANE), jnp.int32),
          pltpu.VMEM((_NBUF, _LANE, F), jnp.float32),
          pltpu.VMEM_SHARED((nacc, F), jnp.float32),
          [pltpu.SemaphoreType.DMA] * _NBUF,
          [pltpu.SemaphoreType.DMA] * _NBUF,
      ])
  def sk(src_hbm, dst_hbm, hp_hbm, out_hbm, sidx, didx, rows, acc, gsems,
         ssems):
    c = lax.axis_index("c")
    s = lax.axis_index("s")
    wid = c * _NS + s

    @pl.loop(0, _LANE)
    def _zero_rows(i):
      for j in range(F // 16):
        rows[0, i, pl.ds(j * 16, 16)] = jnp.zeros((16,), jnp.float32)

    base = s * (nacc // _NS)

    @pl.loop(0, nacc // _NS // _LANE)
    def _zero_acc(i):
      pltpu.sync_copy(rows.at[0], acc.at[pl.ds(base + i * _LANE, _LANE)])

    pltpu.sync_copy(src_hbm.at[pl.ds(wid * kch, kch)], sidx)
    pltpu.sync_copy(dst_hbm.at[pl.ds(wid * kch, kch)], didx)
    plsc.subcore_barrier()

    def _fire_gather(j, b):
      pltpu.async_copy(hp_hbm.at[sidx.at[j]], rows.at[b], gsems[b])

    def _wait_gather(j, b):
      pltpu.make_async_copy(hp_hbm.at[sidx.at[j]], rows.at[b],
                            gsems[b]).wait()

    def _fire_scatter(j, b):
      pltpu.async_copy(rows.at[b], acc.at[didx.at[j]], ssems[b], add=True)

    def _wait_scatter(j, b):
      pltpu.make_async_copy(rows.at[b], acc.at[didx.at[j]],
                            ssems[b]).wait()

    for r in range(_LOOK):
      _fire_gather(r, r)

    @pl.loop(0, kch // _NBUF)
    def _edges(p):
      for r in range(_NBUF):
        j = p * _NBUF + r
        _wait_gather(j, r)
        _fire_scatter(j, r)
        jn = j + _LOOK
        bn = (r + _LOOK) % _NBUF

        @pl.when(jn < kch)
        def _prefetch():
          @pl.when(j >= _LOOK)
          def _reclaim():
            _wait_scatter(jn - _NBUF, bn)

          _fire_gather(jn, bn)

    for r in range(_NBUF):
      _wait_scatter(kch - _NBUF + r, r)

    plsc.subcore_barrier()
    rpt = nacc // _NS
    ob = s * rpt
    pltpu.sync_copy(acc.at[pl.ds(ob, rpt)], out_hbm.at[c, pl.ds(ob, rpt)])

  return sk



def _proj1_body(x_ref, w_ref, deg_ref, out_ref):
  n = x_ref.shape[0]
  dinv = lax.rsqrt(deg_ref[0, :n] + deg_ref[1, :n] + 1.0)
  h = jnp.dot(x_ref[...], w_ref[...], preferred_element_type=jnp.float32)
  out_ref[...] = h * dinv


def _mid_body(p_ref, hp_ref, deg_ref, b_ref, g_ref, be_ref, w_ref, out_ref):
  n = hp_ref.shape[0]
  dinv = lax.rsqrt(deg_ref[0, :n] + deg_ref[1, :n] + 1.0)
  tmp = p_ref[0, :n] + p_ref[1, :n] + hp_ref[...]
  h = tmp * dinv + b_ref[...]
  t = jnp.tanh(h)
  mu = jnp.mean(t, axis=0, keepdims=True)
  var = jnp.mean((t - mu) * (t - mu), axis=0, keepdims=True)
  hbn = g_ref[...] * (t - mu) * lax.rsqrt(var + _EPS) + be_ref[...]
  out_ref[...] = jnp.dot(
      hbn, w_ref[...], preferred_element_type=jnp.float32) * dinv


def _final_body(p_ref, hp_ref, deg_ref, b_ref, batch_ref, wc_ref, bc_ref,
                out_ref):
  n = hp_ref.shape[0]
  dinv = lax.rsqrt(deg_ref[0, :n] + deg_ref[1, :n] + 1.0)
  h = (p_ref[0, :n] + p_ref[1, :n] + hp_ref[...]) * dinv + b_ref[...]
  t = jnp.tanh(h)
  gid = lax.broadcasted_iota(jnp.int32, (_G, n), 0)
  onehot = (gid == batch_ref[...]).astype(jnp.float32)
  sums = jnp.dot(onehot, t, preferred_element_type=jnp.float32)
  counts = jnp.sum(onehot, axis=1, keepdims=True)
  pooled = sums / jnp.maximum(counts, 1.0)
  out_ref[...] = jnp.dot(
      pooled, wc_ref[...], preferred_element_type=jnp.float32) + bc_ref[...]



def kernel(x, edge_index, batch, W1, b1, g1, be1, W2, b2, g2, be2, W3, b3,
           Wc, bc):
  N, _ = x.shape
  E = edge_index.shape[1]
  grp = _NC * _NS * _LANE * 8
  epad = ((E + grp - 1) // grp) * grp
  idt = edge_index.dtype
  kch = epad // (_NC * _NS * _LANE)
  blk = _NS * _LANE
  nacc = ((N + 1 + blk - 1) // blk) * blk
  pad = jnp.arange(epad - E, dtype=idt)
  src = jnp.concatenate([edge_index[0], pad % N])
  dst = jnp.concatenate([edge_index[1], N + pad % (nacc - N)])
  src2 = src.reshape(epad // _LANE, _LANE)
  dst2 = dst.reshape(epad // _LANE, _LANE)

  deg3 = _deg_kernel(kch, nacc)(dst2)

  f1, f2, f3 = W1.shape[1], W2.shape[1], W3.shape[1]
  h1p = pl.pallas_call(
      _proj1_body,
      out_shape=jax.ShapeDtypeStruct((N, f1), jnp.float32))(x, W1, deg3)
  p1 = _scatter_kernel(kch, nacc, f1)(src2, dst2, h1p)
  h2p = pl.pallas_call(
      _mid_body,
      out_shape=jax.ShapeDtypeStruct((N, f2), jnp.float32))(
          p1, h1p, deg3, b1.reshape(1, -1), g1.reshape(1, -1),
          be1.reshape(1, -1), W2)
  p2 = _scatter_kernel(kch, nacc, f2)(src2, dst2, h2p)
  h3p = pl.pallas_call(
      _mid_body,
      out_shape=jax.ShapeDtypeStruct((N, f3), jnp.float32))(
          p2, h2p, deg3, b2.reshape(1, -1), g2.reshape(1, -1),
          be2.reshape(1, -1), W3)
  p3 = _scatter_kernel(kch, nacc, f3)(src2, dst2, h3p)
  out = pl.pallas_call(
      _final_body,
      out_shape=jax.ShapeDtypeStruct((_G, 1), jnp.float32))(
          p3, h3p, deg3, b3.reshape(1, -1), batch.reshape(1, -1), Wc,
          bc.reshape(1, -1))
  return out

# --- scband reference (transcript-rebuilt; emitter-appended) ---
"""Pipeline reference for scband-gcn-55757265436824 (READ-ONLY COPY).

The authoritative reference and input builder live on the scoring server;
editing this copy changes nothing except your own understanding.
"""

import jax, jax.numpy as jnp
import numpy as np

N = 10000
E = 320000
F_IN = 128
G = 64
EPS = 1e-5


def setup_inputs(seed: int = 0) -> dict:
    key = jax.random.key(seed)
    ks = jax.random.split(key, 16)
    x = jax.random.normal(ks[0], (N, F_IN), dtype=jnp.float32)
    edge_index = jax.random.randint(ks[1], (2, E), 0, N, dtype=jnp.int32)
    batch = jnp.sort(jax.random.randint(ks[2], (N,), 0, G, dtype=jnp.int32))
    W1 = jax.random.normal(ks[3], (F_IN, 16), dtype=jnp.float32) / np.sqrt(F_IN)
    b1 = jnp.zeros((16,), dtype=jnp.float32)
    g1 = jnp.ones((16,), dtype=jnp.float32)
    be1 = jnp.zeros((16,), dtype=jnp.float32)
    W2 = jax.random.normal(ks[4], (16, 64), dtype=jnp.float32) / np.sqrt(16.0)
    b2 = jnp.zeros((64,), dtype=jnp.float32)
    g2 = jnp.ones((64,), dtype=jnp.float32)
    be2 = jnp.zeros((64,), dtype=jnp.float32)
    W3 = jax.random.normal(ks[5], (64, 64), dtype=jnp.float32) / np.sqrt(64.0)
    b3 = jnp.zeros((64,), dtype=jnp.float32)
    Wc = jax.random.normal(ks[6], (64, 1), dtype=jnp.float32) / np.sqrt(64.0)
    bc = jnp.zeros((1,), dtype=jnp.float32)
    return {"x": x, "edge_index": edge_index, "batch": batch,
            "W1": W1, "b1": b1, "g1": g1, "be1": be1,
            "W2": W2, "b2": b2, "g2": g2, "be2": be2,
            "W3": W3, "b3": b3, "Wc": Wc, "bc": bc}


def _gcn_conv(x, W, b, src, dst, dinv):
    h = x @ W
    norm = dinv[src] * dinv[dst]
    out = jnp.zeros((x.shape[0], W.shape[1]), dtype=x.dtype).at[dst].add(h[src] * norm[:, None])
    return out + b


def _batchnorm(h, gamma, beta):
    mean = jnp.mean(h, axis=0)
    var = jnp.var(h, axis=0)
    return gamma * (h - mean) * jax.lax.rsqrt(var + EPS) + beta


def reference(x, edge_index, batch, W1, b1, g1, be1, W2, b2, g2, be2, W3, b3, Wc, bc):
    n = x.shape[0]
    loop = jnp.arange(n, dtype=edge_index.dtype)
    src = jnp.concatenate([edge_index[0], loop])
    dst = jnp.concatenate([edge_index[1], loop])
    deg = jnp.zeros((n,), dtype=x.dtype).at[dst].add(1.0)
    dinv = jax.lax.rsqrt(deg)
    h = _gcn_conv(x, W1, b1, src, dst, dinv)
    h = jnp.tanh(h)
    h = _batchnorm(h, g1, be1)
    h = _gcn_conv(h, W2, b2, src, dst, dinv)
    h = jnp.tanh(h)
    h = _batchnorm(h, g2, be2)
    h = _gcn_conv(h, W3, b3, src, dst, dinv)
    h = jnp.tanh(h)
    sums = jax.ops.segment_sum(h, batch, num_segments=G)
    counts = jax.ops.segment_sum(jnp.ones((n,), dtype=x.dtype), batch, num_segments=G)
    pooled = sums / jnp.maximum(counts, 1.0)[:, None]
    out = pooled @ Wc + bc
    return out

if __name__ == "__main__":
    import jax
    _d = setup_inputs()
    print(jax.jit(kernel)(*tuple(_d.values())))

</pallas_src>

<mosaic_0001>
#map = affine_map<(d0, d1) -> (0, 0)>
#map1 = affine_map<(d0, d1) -> (0, 0, 0)>
module attributes {stable_mosaic.version = 14 : i64} {
  func.func @dk(%arg0: i32, %arg1: i32, %arg2: memref<2560x128xi32, #tpu.memory_space<hbm>>, %arg3: memref<2x10240x1xf32, #tpu.memory_space<hbm>>, %arg4: memref<80x128xi32, #tpu.memory_space<vmem>>, %arg5: memref<128x1xf32, #tpu.memory_space<vmem>>, %arg6: memref<10240x1xf32, #tpu.memory_space<vmem_shared>>) attributes {dimension_semantics = [#tpu.dimension_semantics<core_parallel>, #tpu.dimension_semantics<subcore_parallel>], iteration_bounds = array<i64: 2, 16>, scalar_prefetch = 0 : i64, scratch_operands = 3 : i64, tpu.core_type = #tpu.core_type<sc_vector_subcore>, window_params = [{transform_indices = #map}, {transform_indices = #map1}]} {
    %mul3A = arith.constant 16 : i32
    %mul3A_0 = arith.muli %arg0, %mul3A : i32
    %add3A = arith.addi %mul3A_0, %arg1 : i32
    %scan3A = arith.constant 0 : i32
    %scan3A_1 = arith.constant 8 : i32
    %scan3A_2 = arith.addi %scan3A, %scan3A_1 : i32
    %scan3A_3 = arith.constant 1 : i32
    scf.for %scan3A_29 = %scan3A to %scan3A_2 step %scan3A_3  : i32 {
      %mul3A_30 = arith.constant 1 : i32
      %mul3A_31 = arith.muli %scan3A_29, %mul3A_30 : i32
      %add3A_32 = arith.constant 0 : i32
      %add3A_33 = arith.addi %add3A_32, %mul3A_31 : i32
      %iota3A = tpu.iota {dimensions = array<i32: 0>} : vector<16xi32>
      %mul3A_34 = arith.constant 16 : i32
      %mul3A_35 = arith.muli %add3A_33, %mul3A_34 : i32
      %add3A_36 = vector.broadcast %mul3A_35 : i32 to vector<16xi32>
      %add3A_37 = arith.addi %iota3A, %add3A_36 : vector<16xi32>
      %broadcast_in_dim3A = arith.constant 0 : i32
      %broadcast_in_dim3A_38 = vector.broadcast %broadcast_in_dim3A : i32 to vector<16xi32>
      %broadcast_in_dim3A_39 = arith.constant 0.000000e+00 : f32
      %broadcast_in_dim3A_40 = vector.broadcast %broadcast_in_dim3A_39 : f32 to vector<16xf32>
      tpu.vector_store_idx %arg5[%add3A_37, %broadcast_in_dim3A_38], %broadcast_in_dim3A_40 : memref<128x1xf32, #tpu.memory_space<vmem>>[vector<16xi32>, vector<16xi32>], vector<16xf32>,
    }
    %scan3A_4 = arith.constant 8 : i32
    %mul3A_5 = arith.constant 640 : i32
    %mul3A_6 = arith.muli %arg1, %mul3A_5 : i32
    %scan3A_7 = arith.constant 0 : i32
    %scan3A_8 = arith.constant 5 : i32
    %scan3A_9 = arith.addi %scan3A_7, %scan3A_8 : i32
    %scan3A_10 = arith.constant 1 : i32
    scf.for %scan3A_29 = %scan3A_7 to %scan3A_9 step %scan3A_10  : i32 {
      %mul3A_30 = arith.constant 1 : i32
      %mul3A_31 = arith.muli %scan3A_29, %mul3A_30 : i32
      %add3A_32 = arith.constant 0 : i32
      %add3A_33 = arith.addi %add3A_32, %mul3A_31 : i32
      %mul3A_34 = arith.constant 128 : i32
      %mul3A_35 = arith.muli %add3A_33, %mul3A_34 : i32
      %add3A_36 = arith.addi %mul3A_6, %mul3A_35 : i32
      "tpu.region"() ({
        %run_scoped3A = tpu.sem_alloc : memref<!tpu.dma_semaphore, #tpu.memory_space<semaphore_mem>>
        %dma_start3A = arith.constant 0 : i32
        %dma_start3A_37 = tpu.memref_slice %arg6[%add3A_36, %dma_start3A] : memref<10240x1xf32, #tpu.memory_space<vmem_shared>> -> memref<128x1xf32, #tpu.memory_space<vmem_shared>>
        %dma_start3A_38 = arith.constant 0 : i32
        %dma_start3A_39 = tpu.memref_slice %arg6[%add3A_36, %dma_start3A_38] : memref<10240x1xf32, #tpu.memory_space<vmem_shared>> -> memref<128x1xf32, #tpu.memory_space<vmem_shared>>
        tpu.enqueue_dma source(%arg5 : memref<128x1xf32, #tpu.memory_space<vmem>>) target(%dma_start3A_39 : memref<128x1xf32, #tpu.memory_space<vmem_shared>>) target_semaphore(%run_scoped3A : memref<!tpu.dma_semaphore, #tpu.memory_space<semaphore_mem>>)
        %dma_wait3A = arith.constant 0 : i32
        %dma_wait3A_40 = tpu.memref_slice %arg6[%add3A_36, %dma_wait3A] : memref<10240x1xf32, #tpu.memory_space<vmem_shared>> -> memref<128x1xf32, #tpu.memory_space<vmem_shared>>
        %dma_wait3A_41 = arith.constant 0 : i32
        %dma_wait3A_42 = tpu.memref_slice %arg6[%add3A_36, %dma_wait3A_41] : memref<10240x1xf32, #tpu.memory_space<vmem_shared>> -> memref<128x1xf32, #tpu.memory_space<vmem_shared>>
        tpu.wait_dma2 semaphore(%run_scoped3A : memref<!tpu.dma_semaphore, #tpu.memory_space<semaphore_mem>>) src(%arg5 : memref<128x1xf32, #tpu.memory_space<vmem>>) dst(%dma_wait3A_42 : memref<128x1xf32, #tpu.memory_space<vmem_shared>>)
        tpu.yield
      }) : () -> ()
    }
    %scan3A_11 = arith.constant 5 : i32
    %scan3A_12 = arith.constant 0 : i32
    %scan3A_13 = arith.constant 8 : i32
    %scan3A_14 = arith.addi %scan3A_12, %scan3A_13 : i32
    %scan3A_15 = arith.constant 1 : i32
    scf.for %scan3A_29 = %scan3A_12 to %scan3A_14 step %scan3A_15  : i32 {
      %mul3A_30 = arith.constant 1 : i32
      %mul3A_31 = arith.muli %scan3A_29, %mul3A_30 : i32
      %add3A_32 = arith.constant 0 : i32
      %add3A_33 = arith.addi %add3A_32, %mul3A_31 : i32
      %iota3A = tpu.iota {dimensions = array<i32: 0>} : vector<16xi32>
      %mul3A_34 = arith.constant 16 : i32
      %mul3A_35 = arith.muli %add3A_33, %mul3A_34 : i32
      %add3A_36 = vector.broadcast %mul3A_35 : i32 to vector<16xi32>
      %add3A_37 = arith.addi %iota3A, %add3A_36 : vector<16xi32>
      %broadcast_in_dim3A = arith.constant 0 : i32
      %broadcast_in_dim3A_38 = vector.broadcast %broadcast_in_dim3A : i32 to vector<16xi32>
      %broadcast_in_dim3A_39 = arith.constant 1.000000e+00 : f32
      %broadcast_in_dim3A_40 = vector.broadcast %broadcast_in_dim3A_39 : f32 to vector<16xf32>
      tpu.vector_store_idx %arg5[%add3A_37, %broadcast_in_dim3A_38], %broadcast_in_dim3A_40 : memref<128x1xf32, #tpu.memory_space<vmem>>[vector<16xi32>, vector<16xi32>], vector<16xf32>,
    }
    %scan3A_16 = arith.constant 8 : i32
    %mul3A_17 = arith.constant 80 : i32
    %mul3A_18 = arith.muli %add3A, %mul3A_17 : i32
    "tpu.region"() ({
      %run_scoped3A = tpu.sem_alloc : memref<!tpu.dma_semaphore, #tpu.memory_space<semaphore_mem>>
      %dma_start3A = arith.constant 0 : i32
      %dma_start3A_29 = tpu.memref_slice %arg2[%mul3A_18, %dma_start3A] : memref<2560x128xi32, #tpu.memory_space<hbm>> -> memref<80x128xi32, #tpu.memory_space<hbm>>
      %dma_start3A_30 = arith.constant 0 : i32
      %dma_start3A_31 = tpu.memref_slice %arg2[%mul3A_18, %dma_start3A_30] : memref<2560x128xi32, #tpu.memory_space<hbm>> -> memref<80x128xi32, #tpu.memory_space<hbm>>
      tpu.enqueue_dma source(%dma_start3A_31 : memref<80x128xi32, #tpu.memory_space<hbm>>) target(%arg4 : memref<80x128xi32, #tpu.memory_space<vmem>>) target_semaphore(%run_scoped3A : memref<!tpu.dma_semaphore, #tpu.memory_space<semaphore_mem>>)
      %dma_wait3A = arith.constant 0 : i32
      %dma_wait3A_32 = tpu.memref_slice %arg2[%mul3A_18, %dma_wait3A] : memref<2560x128xi32, #tpu.memory_space<hbm>> -> memref<80x128xi32, #tpu.memory_space<hbm>>
      %dma_wait3A_33 = arith.constant 0 : i32
      %dma_wait3A_34 = tpu.memref_slice %arg2[%mul3A_18, %dma_wait3A_33] : memref<2560x128xi32, #tpu.memory_space<hbm>> -> memref<80x128xi32, #tpu.memory_space<hbm>>
      tpu.wait_dma2 semaphore(%run_scoped3A : memref<!tpu.dma_semaphore, #tpu.memory_space<semaphore_mem>>) src(%dma_wait3A_34 : memref<80x128xi32, #tpu.memory_space<hbm>>) dst(%arg4 : memref<80x128xi32, #tpu.memory_space<vmem>>)
      tpu.yield
    }) : () -> ()
    %barrier3A = arith.constant 0 : index
    tpu.barrier barrier_id(%barrier3A)
    %scan3A_19 = arith.constant 0 : i32
    %scan3A_20 = arith.constant 80 : i32
    %scan3A_21 = arith.addi %scan3A_19, %scan3A_20 : i32
    %scan3A_22 = arith.constant 1 : i32
    scf.for %scan3A_29 = %scan3A_19 to %scan3A_21 step %scan3A_22  : i32 {
      %mul3A_30 = arith.constant 1 : i32
      %mul3A_31 = arith.muli %scan3A_29, %mul3A_30 : i32
      %add3A_32 = arith.constant 0 : i32
      %add3A_33 = arith.addi %add3A_32, %mul3A_31 : i32
      "tpu.region"() ({
        %run_scoped3A = tpu.sem_alloc : memref<!tpu.dma_semaphore, #tpu.memory_space<semaphore_mem>>
        %dma_start3A = arith.constant 0 : i32
        %dma_start3A_34 = tpu.memref_slice %arg4[%add3A_33, %dma_start3A] : memref<80x128xi32, #tpu.memory_space<vmem>> -> memref<1x128xi32, #tpu.memory_space<vmem>>
        %dma_start3A_35 = tpu.memref_squeeze %dma_start3A_34 : memref<1x128xi32, #tpu.memory_space<vmem>> -> memref<128xi32, #tpu.memory_space<vmem>>
        %dma_start3A_36 = arith.constant 0 : i32
        %dma_start3A_37 = arith.constant 0 : i32
        %dma_start3A_38 = tpu.memref_slice %arg6[%dma_start3A_36, %dma_start3A_37] : memref<10240x1xf32, #tpu.memory_space<vmem_shared>> -> memref<10240x1xf32, #tpu.memory_space<vmem_shared>>
        tpu.enqueue_indirect_dma source(%arg5 : memref<128x1xf32, #tpu.memory_space<vmem>>) target(%dma_start3A_38 : memref<10240x1xf32, #tpu.memory_space<vmem_shared>>) offsets(%dma_start3A_35 : memref<128xi32, #tpu.memory_space<vmem>>) semaphore(%run_scoped3A : memref<!tpu.dma_semaphore, #tpu.memory_space<semaphore_mem>>) {add = true}
        %dma_wait3A = arith.constant 0 : i32
        %dma_wait3A_39 = tpu.memref_slice %arg4[%add3A_33, %dma_wait3A] : memref<80x128xi32, #tpu.memory_space<vmem>> -> memref<1x128xi32, #tpu.memory_space<vmem>>
        %dma_wait3A_40 = tpu.memref_squeeze %dma_wait3A_39 : memref<1x128xi32, #tpu.memory_space<vmem>> -> memref<128xi32, #tpu.memory_space<vmem>>
        %dma_wait3A_41 = arith.constant 0 : i32
        %dma_wait3A_42 = arith.constant 0 : i32
        %dma_wait3A_43 = tpu.memref_slice %arg6[%dma_wait3A_41, %dma_wait3A_42] : memref<10240x1xf32, #tpu.memory_space<vmem_shared>> -> memref<10240x1xf32, #tpu.memory_space<vmem_shared>>
        tpu.wait_indirect_dma semaphore(%run_scoped3A : memref<!tpu.dma_semaphore, #tpu.memory_space<semaphore_mem>>) src(%arg5 : memref<128x1xf32, #tpu.memory_space<vmem>>) dst(%dma_wait3A_43 : memref<10240x1xf32, #tpu.memory_space<vmem_shared>>)
        tpu.yield
      }) : () -> ()
    }
    %scan3A_23 = arith.constant 80 : i32
    %barrier3A_24 = arith.constant 0 : index
    tpu.barrier barrier_id(%barrier3A_24)
    %mul3A_25 = arith.constant 640 : i32
    %mul3A_26 = arith.muli %arg1, %mul3A_25 : i32
    %mul3A_27 = arith.constant 640 : i32
    %mul3A_28 = arith.muli %arg1, %mul3A_27 : i32
    "tpu.region"() ({
      %run_scoped3A = tpu.sem_alloc : memref<!tpu.dma_semaphore, #tpu.memory_space<semaphore_mem>>
      %dma_start3A = arith.constant 0 : i32
      %dma_start3A_29 = tpu.memref_slice %arg3[%arg0, %mul3A_28, %dma_start3A] : memref<2x10240x1xf32, #tpu.memory_space<hbm>> -> memref<1x640x1xf32, #tpu.memory_space<hbm>>
      %dma_start3A_30 = tpu.memref_squeeze %dma_start3A_29 : memref<1x640x1xf32, #tpu.memory_space<hbm>> -> memref<640x1xf32, #tpu.memory_space<hbm>>
      %dma_start3A_31 = arith.constant 0 : i32
      %dma_start3A_32 = tpu.memref_slice %arg6[%mul3A_26, %dma_start3A_31] : memref<10240x1xf32, #tpu.memory_space<vmem_shared>> -> memref<640x1xf32, #tpu.memory_space<vmem_shared>>
      tpu.enqueue_dma source(%dma_start3A_32 : memref<640x1xf32, #tpu.memory_space<vmem_shared>>) target(%dma_start3A_30 : memref<640x1xf32, #tpu.memory_space<hbm>>) target_semaphore(%run_scoped3A : memref<!tpu.dma_semaphore, #tpu.memory_space<semaphore_mem>>)
      %dma_wait3A = arith.constant 0 : i32
      %dma_wait3A_33 = tpu.memref_slice %arg3[%arg0, %mul3A_28, %dma_wait3A] : memref<2x10240x1xf32, #tpu.memory_space<hbm>> -> memref<1x640x1xf32, #tpu.memory_space<hbm>>
      %dma_wait3A_34 = tpu.memref_squeeze %dma_wait3A_33 : memref<1x640x1xf32, #tpu.memory_space<hbm>> -> memref<640x1xf32, #tpu.memory_space<hbm>>
      %dma_wait3A_35 = arith.constant 0 : i32
      %dma_wait3A_36 = tpu.memref_slice %arg6[%mul3A_26, %dma_wait3A_35] : memref<10240x1xf32, #tpu.memory_space<vmem_shared>> -> memref<640x1xf32, #tpu.memory_space<vmem_shared>>
      tpu.wait_dma2 semaphore(%run_scoped3A : memref<!tpu.dma_semaphore, #tpu.memory_space<semaphore_mem>>) src(%dma_wait3A_36 : memref<640x1xf32, #tpu.memory_space<vmem_shared>>) dst(%dma_wait3A_34 : memref<640x1xf32, #tpu.memory_space<hbm>>)
      tpu.yield
    }) : () -> ()
    return
  }
}

#map = affine_map<(d0, d1) -> (0, 0)>
#map1 = affine_map<(d0, d1) -> (0, 0, 0)>
module attributes {stable_mosaic.version = 14 : i64} {
  func.func @sk(%arg0: i32, %arg1: i32, %arg2: memref<2560x128xi32, #tpu.memory_space<hbm>>, %arg3: memref<2560x128xi32, #tpu.memory_space<hbm>>, %arg4: memref<10000x16xf32, #tpu.memory_space<hbm>>, %arg5: memref<2x10240x16xf32, #tpu.memory_space<hbm>>, %arg6: memref<80x128xi32, #tpu.memory_space<vmem>>, %arg7: memref<80x128xi32, #tpu.memory_space<vmem>>, %arg8: memref<8x128x16xf32, #tpu.memory_space<vmem>>, %arg9: memref<10240x16xf32, #tpu.memory_space<vmem_shared>>, %arg10: memref<!tpu.dma_semaphore, #tpu.memory_space<semaphore_mem>>, %arg11: memref<!tpu.dma_semaphore, #tpu.memory_space<semaphore_mem>>, %arg12: memref<!tpu.dma_semaphore, #tpu.memory_space<semaphore_mem>>, %arg13: memref<!tpu.dma_semaphore, #tpu.memory_space<semaphore_mem>>, %arg14: memref<!tpu.dma_semaphore, #tpu.memory_space<semaphore_mem>>, %arg15: memref<!tpu.dma_semaphore, #tpu.memory_space<semaphore_mem>>, %arg16: memref<!tpu.dma_semaphore, #tpu.memory_space<semaphore_mem>>, %arg17: memref<!tpu.dma_semaphore, #tpu.memory_space<semaphore_mem>>, %arg18: memref<!tpu.dma_semaphore, #tpu.memory_space<semaphore_mem>>, %arg19: memref<!tpu.dma_semaphore, #tpu.memory_space<semaphore_mem>>, %arg20: memref<!tpu.dma_semaphore, #tpu.memory_space<semaphore_mem>>, %arg21: memref<!tpu.dma_semaphore, #tpu.memory_space<semaphore_mem>>, %arg22: memref<!tpu.dma_semaphore, #tpu.memory_space<semaphore_mem>>, %arg23: memref<!tpu.dma_semaphore, #tpu.memory_space<semaphore_mem>>, %arg24: memref<!tpu.dma_semaphore, #tpu.memory_space<semaphore_mem>>, %arg25: memref<!tpu.dma_semaphore, #tpu.memory_space<semaphore_mem>>) attributes {dimension_semantics = [#tpu.dimension_semantics<core_parallel>, #tpu.dimension_semantics<subcore_parallel>], iteration_bounds = array<i64: 2, 16>, scalar_prefetch = 0 : i64, scratch_operands = 20 : i64, tpu.core_type = #tpu.core_type<sc_vector_subcore>, window_params = [{transform_indices = #map}, {transform_indices = #map}, {transform_indices = #map}, {transform_indices = #map1}]} {
    %mul3A = arith.constant 16 : i32
    %mul3A_0 = arith.muli %arg0, %mul3A : i32
    %add3A = arith.addi %mul3A_0, %arg1 : i32
    %scan3A = arith.constant 0 : i32
    %scan3A_1 = arith.constant 128 : i32
    %scan3A_2 = arith.addi %scan3A, %scan3A_1 : i32
    %scan3A_3 = arith.constant 1 : i32
    scf.for %scan3A_166 = %scan3A to %scan3A_2 step %scan3A_3  : i32 {
      %mul3A_167 = arith.constant 1 : i32
      %mul3A_168 = arith.muli %scan3A_166, %mul3A_167 : i32
      %add3A_169 = arith.constant 0 : i32
      %add3A_170 = arith.addi %add3A_169, %mul3A_168 : i32
      %broadcast_in_dim3A = arith.constant 0.000000e+00 : f32
      %broadcast_in_dim3A_171 = vector.broadcast %broadcast_in_dim3A : f32 to vector<16xf32>
      %swap3A = arith.constant 0 : i32
      %swap3A_172 = arith.index_cast %swap3A : i32 to index
      %swap3A_173 = arith.index_cast %add3A_170 : i32 to index
      %swap3A_174 = arith.constant 0 : index
      %swap3A_175 = tpu.vector_load %arg8[%swap3A_172, %swap3A_173, %swap3A_174] {strides = array<i32>} : memref<8x128x16xf32, #tpu.memory_space<vmem>>, vector<16xf32>,
      tpu.vector_store %arg8[%swap3A_172, %swap3A_173, %swap3A_174], %broadcast_in_dim3A_171 {strides = array<i32>} : memref<8x128x16xf32, #tpu.memory_space<vmem>>, vector<16xf32>,
    }
    %scan3A_4 = arith.constant 128 : i32
    %mul3A_5 = arith.constant 640 : i32
    %mul3A_6 = arith.muli %arg1, %mul3A_5 : i32
    %scan3A_7 = arith.constant 0 : i32
    %scan3A_8 = arith.constant 5 : i32
    %scan3A_9 = arith.addi %scan3A_7, %scan3A_8 : i32
    %scan3A_10 = arith.constant 1 : i32
    scf.for %scan3A_166 = %scan3A_7 to %scan3A_9 step %scan3A_10  : i32 {
      %mul3A_167 = arith.constant 1 : i32
      %mul3A_168 = arith.muli %scan3A_166, %mul3A_167 : i32
      %add3A_169 = arith.constant 0 : i32
      %add3A_170 = arith.addi %add3A_169, %mul3A_168 : i32
      %mul3A_171 = arith.constant 128 : i32
      %mul3A_172 = arith.muli %add3A_170, %mul3A_171 : i32
      %add3A_173 = arith.addi %mul3A_6, %mul3A_172 : i32
      %run_scoped3A = arith.constant 0 : i32
      "tpu.region"() ({
        %run_scoped3A_174 = tpu.sem_alloc : memref<!tpu.dma_semaphore, #tpu.memory_space<semaphore_mem>>
        %dma_start3A_175 = arith.constant 0 : i32
        %dma_start3A_176 = arith.constant 0 : i32
        %dma_start3A_177 = tpu.memref_slice %arg8[%run_scoped3A, %dma_start3A_175, %dma_start3A_176] : memref<8x128x16xf32, #tpu.memory_space<vmem>> -> memref<1x128x16xf32, #tpu.memory_space<vmem>>
        %dma_start3A_178 = tpu.memref_squeeze %dma_start3A_177 : memref<1x128x16xf32, #tpu.memory_space<vmem>> -> memref<128x16xf32, #tpu.memory_space<vmem>>
        %dma_start3A_179 = arith.constant 0 : i32
        %dma_start3A_180 = tpu.memref_slice %arg9[%add3A_173, %dma_start3A_179] : memref<10240x16xf32, #tpu.memory_space<vmem_shared>> -> memref<128x16xf32, #tpu.memory_space<vmem_shared>>
        %dma_start3A_181 = arith.constant 0 : i32
        %dma_start3A_182 = tpu.memref_slice %arg9[%add3A_173, %dma_start3A_181] : memref<10240x16xf32, #tpu.memory_space<vmem_shared>> -> memref<128x16xf32, #tpu.memory_space<vmem_shared>>
        %dma_start3A_183 = arith.constant 0 : i32
        %dma_start3A_184 = arith.constant 0 : i32
        %dma_start3A_185 = tpu.memref_slice %arg8[%run_scoped3A, %dma_start3A_183, %dma_start3A_184] : memref<8x128x16xf32, #tpu.memory_space<vmem>> -> memref<1x128x16xf32, #tpu.memory_space<vmem>>
        %dma_start3A_186 = tpu.memref_squeeze %dma_start3A_185 : memref<1x128x16xf32, #tpu.memory_space<vmem>> -> memref<128x16xf32, #tpu.memory_space<vmem>>
        tpu.enqueue_dma source(%dma_start3A_186 : memref<128x16xf32, #tpu.memory_space<vmem>>) target(%dma_start3A_182 : memref<128x16xf32, #tpu.memory_space<vmem_shared>>) target_semaphore(%run_scoped3A_174 : memref<!tpu.dma_semaphore, #tpu.memory_space<semaphore_mem>>)
        %dma_wait3A_187 = arith.constant 0 : i32
        %dma_wait3A_188 = arith.constant 0 : i32
        %dma_wait3A_189 = tpu.memref_slice %arg8[%run_scoped3A, %dma_wait3A_187, %dma_wait3A_188] : memref<8x128x16xf32, #tpu.memory_space<vmem>> -> memref<1x128x16xf32, #tpu.memory_space<vmem>>
        %dma_wait3A_190 = tpu.memref_squeeze %dma_wait3A_189 : memref<1x128x16xf32, #tpu.memory_space<vmem>> -> memref<128x16xf32, #tpu.memory_space<vmem>>
        %dma_wait3A_191 = arith.constant 0 : i32
        %dma_wait3A_192 = tpu.memref_slice %arg9[%add3A_173, %dma_wait3A_191] : memref<10240x16xf32, #tpu.memory_space<vmem_shared>> -> memref<128x16xf32, #tpu.memory_space<vmem_shared>>
        %dma_wait3A_193 = arith.constant 0 : i32
        %dma_wait3A_194 = tpu.memref_slice %arg9[%add3A_173, %dma_wait3A_193] : memref<10240x16xf32, #tpu.memory_space<vmem_shared>> -> memref<128x16xf32, #tpu.memory_space<vmem_shared>>
        %dma_wait3A_195 = arith.constant 0 : i32
        %dma_wait3A_196 = arith.constant 0 : i32
        %dma_wait3A_197 = tpu.memref_slice %arg8[%run_scoped3A, %dma_wait3A_195, %dma_wait3A_196] : memref<8x128x16xf32, #tpu.memory_space<vmem>> -> memref<1x128x16xf32, #tpu.memory_space<vmem>>
        %dma_wait3A_198 = tpu.memref_squeeze %dma_wait3A_197 : memref<1x128x16xf32, #tpu.memory_space<vmem>> -> memref<128x16xf32, #tpu.memory_space<vmem>>
        tpu.wait_dma2 semaphore(%run_scoped3A_174 : memref<!tpu.dma_semaphore, #tpu.memory_space<semaphore_mem>>) src(%dma_wait3A_198 : memref<128x16xf32, #tpu.memory_space<vmem>>) dst(%dma_wait3A_194 : memref<128x16xf32, #tpu.memory_space<vmem_shared>>)
        tpu.yield
      }) : () -> ()
    }
    %scan3A_11 = arith.constant 5 : i32
    %mul3A_12 = arith.constant 80 : i32
    %mul3A_13 = arith.muli %add3A, %mul3A_12 : i32
    "tpu.region"() ({
      %run_scoped3A = tpu.sem_alloc : memref<!tpu.dma_semaphore, #tpu.memory_space<semaphore_mem>>
      %dma_start3A_166 = arith.constant 0 : i32
      %dma_start3A_167 = tpu.memref_slice %arg2[%mul3A_13, %dma_start3A_166] : memref<2560x128xi32, #tpu.memory_space<hbm>> -> memref<80x128xi32, #tpu.memory_space<hbm>>
      %dma_start3A_168 = arith.constant 0 : i32
      %dma_start3A_169 = tpu.memref_slice %arg2[%mul3A_13, %dma_start3A_168] : memref<2560x128xi32, #tpu.memory_space<hbm>> -> memref<80x128xi32, #tpu.memory_space<hbm>>
      tpu.enqueue_dma source(%dma_start3A_169 : memref<80x128xi32, #tpu.memory_space<hbm>>) target(%arg6 : memref<80x128xi32, #tpu.memory_space<vmem>>) target_semaphore(%run_scoped3A : memref<!tpu.dma_semaphore, #tpu.memory_space<semaphore_mem>>)
      %dma_wait3A_170 = arith.constant 0 : i32
      %dma_wait3A_171 = tpu.memref_slice %arg2[%mul3A_13, %dma_wait3A_170] : memref<2560x128xi32, #tpu.memory_space<hbm>> -> memref<80x128xi32, #tpu.memory_space<hbm>>
      %dma_wait3A_172 = arith.constant 0 : i32
      %dma_wait3A_173 = tpu.memref_slice %arg2[%mul3A_13, %dma_wait3A_172] : memref<2560x128xi32, #tpu.memory_space<hbm>> -> memref<80x128xi32, #tpu.memory_space<hbm>>
      tpu.wait_dma2 semaphore(%run_scoped3A : memref<!tpu.dma_semaphore, #tpu.memory_space<semaphore_mem>>) src(%dma_wait3A_173 : memref<80x128xi32, #tpu.memory_space<hbm>>) dst(%arg6 : memref<80x128xi32, #tpu.memory_space<vmem>>)
      tpu.yield
    }) : () -> ()
    %mul3A_14 = arith.constant 80 : i32
    %mul3A_15 = arith.muli %add3A, %mul3A_14 : i32
    "tpu.region"() ({
      %run_scoped3A = tpu.sem_alloc : memref<!tpu.dma_semaphore, #tpu.memory_space<semaphore_mem>>
      %dma_start3A_166 = arith.constant 0 : i32
      %dma_start3A_167 = tpu.memref_slice %arg3[%mul3A_15, %dma_start3A_166] : memref<2560x128xi32, #tpu.memory_space<hbm>> -> memref<80x128xi32, #tpu.memory_space<hbm>>
      %dma_start3A_168 = arith.constant 0 : i32
      %dma_start3A_169 = tpu.memref_slice %arg3[%mul3A_15, %dma_start3A_168] : memref<2560x128xi32, #tpu.memory_space<hbm>> -> memref<80x128xi32, #tpu.memory_space<hbm>>
      tpu.enqueue_dma source(%dma_start3A_169 : memref<80x128xi32, #tpu.memory_space<hbm>>) target(%arg7 : memref<80x128xi32, #tpu.memory_space<vmem>>) target_semaphore(%run_scoped3A : memref<!tpu.dma_semaphore, #tpu.memory_space<semaphore_mem>>)
      %dma_wait3A_170 = arith.constant 0 : i32
      %dma_wait3A_171 = tpu.memref_slice %arg3[%mul3A_15, %dma_wait3A_170] : memref<2560x128xi32, #tpu.memory_space<hbm>> -> memref<80x128xi32, #tpu.memory_space<hbm>>
      %dma_wait3A_172 = arith.constant 0 : i32
      %dma_wait3A_173 = tpu.memref_slice %arg3[%mul3A_15, %dma_wait3A_172] : memref<2560x128xi32, #tpu.memory_space<hbm>> -> memref<80x128xi32, #tpu.memory_space<hbm>>
      tpu.wait_dma2 semaphore(%run_scoped3A : memref<!tpu.dma_semaphore, #tpu.memory_space<semaphore_mem>>) src(%dma_wait3A_173 : memref<80x128xi32, #tpu.memory_space<hbm>>) dst(%arg7 : memref<80x128xi32, #tpu.memory_space<vmem>>)
      tpu.yield
    }) : () -> ()
    %barrier3A = arith.constant 0 : index
    tpu.barrier barrier_id(%barrier3A)
    %dma_start3A = arith.constant 0 : i32
    %dma_start3A_16 = arith.constant 0 : i32
    %dma_start3A_17 = arith.constant 0 : i32
    %dma_start3A_18 = arith.constant 0 : i32
    %dma_start3A_19 = tpu.memref_slice %arg8[%dma_start3A_16, %dma_start3A_17, %dma_start3A_18] : memref<8x128x16xf32, #tpu.memory_space<vmem>> -> memref<1x128x16xf32, #tpu.memory_space<vmem>>
    %dma_start3A_20 = tpu.memref_squeeze %dma_start3A_19 : memref<1x128x16xf32, #tpu.memory_space<vmem>> -> memref<128x16xf32, #tpu.memory_space<vmem>>
    %dma_start3A_21 = arith.constant 0 : i32
    %dma_start3A_22 = tpu.memref_slice %arg6[%dma_start3A, %dma_start3A_21] : memref<80x128xi32, #tpu.memory_space<vmem>> -> memref<1x128xi32, #tpu.memory_space<vmem>>
    %dma_start3A_23 = tpu.memref_squeeze %dma_start3A_22 : memref<1x128xi32, #tpu.memory_space<vmem>> -> memref<128xi32, #tpu.memory_space<vmem>>
    %dma_start3A_24 = arith.constant 0 : i32
    %dma_start3A_25 = arith.constant 0 : i32
    %dma_start3A_26 = tpu.memref_slice %arg4[%dma_start3A_24, %dma_start3A_25] : memref<10000x16xf32, #tpu.memory_space<hbm>> -> memref<10000x16xf32, #tpu.memory_space<hbm>>
    tpu.enqueue_indirect_dma source(%dma_start3A_26 : memref<10000x16xf32, #tpu.memory_space<hbm>>) target(%dma_start3A_20 : memref<128x16xf32, #tpu.memory_space<vmem>>) offsets(%dma_start3A_23 : memref<128xi32, #tpu.memory_space<vmem>>) semaphore(%arg10 : memref<!tpu.dma_semaphore, #tpu.memory_space<semaphore_mem>>)
    %dma_start3A_27 = arith.constant 1 : i32
    %dma_start3A_28 = arith.constant 1 : i32
    %dma_start3A_29 = arith.constant 0 : i32
    %dma_start3A_30 = arith.constant 0 : i32
    %dma_start3A_31 = tpu.memref_slice %arg8[%dma_start3A_28, %dma_start3A_29, %dma_start3A_30] : memref<8x128x16xf32, #tpu.memory_space<vmem>> -> memref<1x128x16xf32, #tpu.memory_space<vmem>>
    %dma_start3A_32 = tpu.memref_squeeze %dma_start3A_31 : memref<1x128x16xf32, #tpu.memory_space<vmem>> -> memref<128x16xf32, #tpu.memory_space<vmem>>
    %dma_start3A_33 = arith.constant 0 : i32
    %dma_start3A_34 = tpu.memref_slice %arg6[%dma_start3A_27, %dma_start3A_33] : memref<80x128xi32, #tpu.memory_space<vmem>> -> memref<1x128xi32, #tpu.memory_space<vmem>>
    %dma_start3A_35 = tpu.memref_squeeze %dma_start3A_34 : memref<1x128xi32, #tpu.memory_space<vmem>> -> memref<128xi32, #tpu.memory_space<vmem>>
    %dma_start3A_36 = arith.constant 0 : i32
    %dma_start3A_37 = arith.constant 0 : i32
    %dma_start3A_38 = tpu.memref_slice %arg4[%dma_start3A_36, %dma_start3A_37] : memref<10000x16xf32, #tpu.memory_space<hbm>> -> memref<10000x16xf32, #tpu.memory_space<hbm>>
    tpu.enqueue_indirect_dma source(%dma_start3A_38 : memref<10000x16xf32, #tpu.memory_space<hbm>>) target(%dma_start3A_32 : memref<128x16xf32, #tpu.memory_space<vmem>>) offsets(%dma_start3A_35 : memref<128xi32, #tpu.memory_space<vmem>>) semaphore(%arg11 : memref<!tpu.dma_semaphore, #tpu.memory_space<semaphore_mem>>)
    %dma_start3A_39 = arith.constant 2 : i32
    %dma_start3A_40 = arith.constant 2 : i32
    %dma_start3A_41 = arith.constant 0 : i32
    %dma_start3A_42 = arith.constant 0 : i32
    %dma_start3A_43 = tpu.memref_slice %arg8[%dma_start3A_40, %dma_start3A_41, %dma_start3A_42] : memref<8x128x16xf32, #tpu.memory_space<vmem>> -> memref<1x128x16xf32, #tpu.memory_space<vmem>>
    %dma_start3A_44 = tpu.memref_squeeze %dma_start3A_43 : memref<1x128x16xf32, #tpu.memory_space<vmem>> -> memref<128x16xf32, #tpu.memory_space<vmem>>
    %dma_start3A_45 = arith.constant 0 : i32
    %dma_start3A_46 = tpu.memref_slice %arg6[%dma_start3A_39, %dma_start3A_45] : memref<80x128xi32, #tpu.memory_space<vmem>> -> memref<1x128xi32, #tpu.memory_space<vmem>>
    %dma_start3A_47 = tpu.memref_squeeze %dma_start3A_46 : memref<1x128xi32, #tpu.memory_space<vmem>> -> memref<128xi32, #tpu.memory_space<vmem>>
    %dma_start3A_48 = arith.constant 0 : i32
    %dma_start3A_49 = arith.constant 0 : i32
    %dma_start3A_50 = tpu.memref_slice %arg4[%dma_start3A_48, %dma_start3A_49] : memref<10000x16xf32, #tpu.memory_space<hbm>> -> memref<10000x16xf32, #tpu.memory_space<hbm>>
    tpu.enqueue_indirect_dma source(%dma_start3A_50 : memref<10000x16xf32, #tpu.memory_space<hbm>>) target(%dma_start3A_44 : memref<128x16xf32, #tpu.memory_space<vmem>>) offsets(%dma_start3A_47 : memref<128xi32, #tpu.memory_space<vmem>>) semaphore(%arg12 : memref<!tpu.dma_semaphore, #tpu.memory_space<semaphore_mem>>)
    %dma_start3A_51 = arith.constant 3 : i32
    %dma_start3A_52 = arith.constant 3 : i32
    %dma_start3A_53 = arith.constant 0 : i32
    %dma_start3A_54 = arith.constant 0 : i32
    %dma_start3A_55 = tpu.memref_slice %arg8[%dma_start3A_52, %dma_start3A_53, %dma_start3A_54] : memref<8x128x16xf32, #tpu.memory_space<vmem>> -> memref<1x128x16xf32, #tpu.memory_space<vmem>>
    %dma_start3A_56 = tpu.memref_squeeze %dma_start3A_55 : memref<1x128x16xf32, #tpu.memory_space<vmem>> -> memref<128x16xf32, #tpu.memory_space<vmem>>
    %dma_start3A_57 = arith.constant 0 : i32
    %dma_start3A_58 = tpu.memref_slice %arg6[%dma_start3A_51, %dma_start3A_57] : memref<80x128xi32, #tpu.memory_space<vmem>> -> memref<1x128xi32, #tpu.memory_space<vmem>>
    %dma_start3A_59 = tpu.memref_squeeze %dma_start3A_58 : memref<1x128xi32, #tpu.memory_space<vmem>> -> memref<128xi32, #tpu.memory_space<vmem>>
    %dma_start3A_60 = arith.constant 0 : i32
    %dma_start3A_61 = arith.constant 0 : i32
    %dma_start3A_62 = tpu.memref_slice %arg4[%dma_start3A_60, %dma_start3A_61] : memref<10000x16xf32, #tpu.memory_space<hbm>> -> memref<10000x16xf32, #tpu.memory_space<hbm>>
    tpu.enqueue_indirect_dma source(%dma_start3A_62 : memref<10000x16xf32, #tpu.memory_space<hbm>>) target(%dma_start3A_56 : memref<128x16xf32, #tpu.memory_space<vmem>>) offsets(%dma_start3A_59 : memref<128xi32, #tpu.memory_space<vmem>>) semaphore(%arg13 : memref<!tpu.dma_semaphore, #tpu.memory_space<semaphore_mem>>)
    %scan3A_63 = arith.constant 0 : i32
    %scan3A_64 = arith.constant 10 : i32
    %scan3A_65 = arith.addi %scan3A_63, %scan3A_64 : i32
    %scan3A_66 = arith.constant 1 : i32
    scf.for %scan3A_166 = %scan3A_63 to %scan3A_65 step %scan3A_66  : i32 {
      %mul3A_167 = arith.constant 1 : i32
      %mul3A_168 = arith.muli %scan3A_166, %mul3A_167 : i32
      %add3A_169 = arith.constant 0 : i32
      %add3A_170 = arith.addi %add3A_169, %mul3A_168 : i32
      %mul3A_171 = arith.constant 8 : i32
      %mul3A_172 = arith.muli %add3A_170, %mul3A_171 : i32
      %add3A_173 = arith.constant 0 : i32
      %add3A_174 = arith.addi %mul3A_172, %add3A_173 : i32
      %dma_wait3A_175 = arith.constant 0 : i32
      %dma_wait3A_176 = arith.constant 0 : i32
      %dma_wait3A_177 = arith.constant 0 : i32
      %dma_wait3A_178 = tpu.memref_slice %arg8[%dma_wait3A_175, %dma_wait3A_176, %dma_wait3A_177] : memref<8x128x16xf32, #tpu.memory_space<vmem>> -> memref<1x128x16xf32, #tpu.memory_space<vmem>>
      %dma_wait3A_179 = tpu.memref_squeeze %dma_wait3A_178 : memref<1x128x16xf32, #tpu.memory_space<vmem>> -> memref<128x16xf32, #tpu.memory_space<vmem>>
      %dma_wait3A_180 = arith.constant 0 : i32
      %dma_wait3A_181 = tpu.memref_slice %arg6[%add3A_174, %dma_wait3A_180] : memref<80x128xi32, #tpu.memory_space<vmem>> -> memref<1x128xi32, #tpu.memory_space<vmem>>
      %dma_wait3A_182 = tpu.memref_squeeze %dma_wait3A_181 : memref<1x128xi32, #tpu.memory_space<vmem>> -> memref<128xi32, #tpu.memory_space<vmem>>
      %dma_wait3A_183 = arith.constant 0 : i32
      %dma_wait3A_184 = arith.constant 0 : i32
      %dma_wait3A_185 = tpu.memref_slice %arg4[%dma_wait3A_183, %dma_wait3A_184] : memref<10000x16xf32, #tpu.memory_space<hbm>> -> memref<10000x16xf32, #tpu.memory_space<hbm>>
      tpu.wait_indirect_dma semaphore(%arg10 : memref<!tpu.dma_semaphore, #tpu.memory_space<semaphore_mem>>) src(%dma_wait3A_185 : memref<10000x16xf32, #tpu.memory_space<hbm>>) dst(%dma_wait3A_179 : memref<128x16xf32, #tpu.memory_space<vmem>>)
      %dma_start3A_186 = arith.constant 0 : i32
      %dma_start3A_187 = arith.constant 0 : i32
      %dma_start3A_188 = arith.constant 0 : i32
      %dma_start3A_189 = tpu.memref_slice %arg8[%dma_start3A_186, %dma_start3A_187, %dma_start3A_188] : memref<8x128x16xf32, #tpu.memory_space<vmem>> -> memref<1x128x16xf32, #tpu.memory_space<vmem>>
      %dma_start3A_190 = tpu.memref_squeeze %dma_start3A_189 : memref<1x128x16xf32, #tpu.memory_space<vmem>> -> memref<128x16xf32, #tpu.memory_space<vmem>>
      %dma_start3A_191 = arith.constant 0 : i32
      %dma_start3A_192 = tpu.memref_slice %arg7[%add3A_174, %dma_start3A_191] : memref<80x128xi32, #tpu.memory_space<vmem>> -> memref<1x128xi32, #tpu.memory_space<vmem>>
      %dma_start3A_193 = tpu.memref_squeeze %dma_start3A_192 : memref<1x128xi32, #tpu.memory_space<vmem>> -> memref<128xi32, #tpu.memory_space<vmem>>
      %dma_start3A_194 = arith.constant 0 : i32
      %dma_start3A_195 = arith.constant 0 : i32
      %dma_start3A_196 = tpu.memref_slice %arg9[%dma_start3A_194, %dma_start3A_195] : memref<10240x16xf32, #tpu.memory_space<vmem_shared>> -> memref<10240x16xf32, #tpu.memory_space<vmem_shared>>
      tpu.enqueue_indirect_dma source(%dma_start3A_190 : memref<128x16xf32, #tpu.memory_space<vmem>>) target(%dma_start3A_196 : memref<10240x16xf32, #tpu.memory_space<vmem_shared>>) offsets(%dma_start3A_193 : memref<128xi32, #tpu.memory_space<vmem>>) semaphore(%arg18 : memref<!tpu.dma_semaphore, #tpu.memory_space<semaphore_mem>>) {add = true}
      %add3A_197 = arith.constant 4 : i32
      %add3A_198 = arith.addi %add3A_174, %add3A_197 : i32
      %lt3A = arith.constant 80 : i32
      %lt3A_199 = arith.cmpi slt, %add3A_198, %lt3A : i32
      %convert_element_type3A = arith.extui %lt3A_199 : i1 to i32
      %cond3A = arith.constant 0 : i32
      %cond3A_200 = arith.cmpi ne, %convert_element_type3A, %cond3A : i32
      scf.if %cond3A_200 {
        %ge3A = arith.constant 4 : i32
        %ge3A_432 = arith.cmpi sge, %add3A_174, %ge3A : i32
        %convert_element_type3A_433 = arith.extui %ge3A_432 : i1 to i32
        %cond3A_434 = arith.constant 0 : i32
        %cond3A_435 = arith.cmpi ne, %convert_element_type3A_433, %cond3A_434 : i32
        scf.if %cond3A_435 {
          %sub3A = arith.constant 8 : i32
          %sub3A_447 = arith.subi %add3A_198, %sub3A : i32
          %dma_wait3A_448 = arith.constant 4 : i32
          %dma_wait3A_449 = arith.constant 0 : i32
          %dma_wait3A_450 = arith.constant 0 : i32
          %dma_wait3A_451 = tpu.memref_slice %arg8[%dma_wait3A_448, %dma_wait3A_449, %dma_wait3A_450] : memref<8x128x16xf32, #tpu.memory_space<vmem>> -> memref<1x128x16xf32, #tpu.memory_space<vmem>>
          %dma_wait3A_452 = tpu.memref_squeeze %dma_wait3A_451 : memref<1x128x16xf32, #tpu.memory_space<vmem>> -> memref<128x16xf32, #tpu.memory_space<vmem>>
          %dma_wait3A_453 = arith.constant 0 : i32
          %dma_wait3A_454 = tpu.memref_slice %arg7[%sub3A_447, %dma_wait3A_453] : memref<80x128xi32, #tpu.memory_space<vmem>> -> memref<1x128xi32, #tpu.memory_space<vmem>>
          %dma_wait3A_455 = tpu.memref_squeeze %dma_wait3A_454 : memref<1x128xi32, #tpu.memory_space<vmem>> -> memref<128xi32, #tpu.memory_space<vmem>>
          %dma_wait3A_456 = arith.constant 0 : i32
          %dma_wait3A_457 = arith.constant 0 : i32
          %dma_wait3A_458 = tpu.memref_slice %arg9[%dma_wait3A_456, %dma_wait3A_457] : memref<10240x16xf32, #tpu.memory_space<vmem_shared>> -> memref<10240x16xf32, #tpu.memory_space<vmem_shared>>
          tpu.wait_indirect_dma semaphore(%arg22 : memref<!tpu.dma_semaphore, #tpu.memory_space<semaphore_mem>>) src(%dma_wait3A_452 : memref<128x16xf32, #tpu.memory_space<vmem>>) dst(%dma_wait3A_458 : memref<10240x16xf32, #tpu.memory_space<vmem_shared>>)
        } else {
        }
        %dma_start3A_436 = arith.constant 4 : i32
        %dma_start3A_437 = arith.constant 0 : i32
        %dma_start3A_438 = arith.constant 0 : i32
        %dma_start3A_439 = tpu.memref_slice %arg8[%dma_start3A_436, %dma_start3A_437, %dma_start3A_438] : memref<8x128x16xf32, #tpu.memory_space<vmem>> -> memref<1x128x16xf32, #tpu.memory_space<vmem>>
        %dma_start3A_440 = tpu.memref_squeeze %dma_start3A_439 : memref<1x128x16xf32, #tpu.memory_space<vmem>> -> memref<128x16xf32, #tpu.memory_space<vmem>>
        %dma_start3A_441 = arith.constant 0 : i32
        %dma_start3A_442 = tpu.memref_slice %arg6[%add3A_198, %dma_start3A_441] : memref<80x128xi32, #tpu.memory_space<vmem>> -> memref<1x128xi32, #tpu.memory_space<vmem>>
        %dma_start3A_443 = tpu.memref_squeeze %dma_start3A_442 : memref<1x128xi32, #tpu.memory_space<vmem>> -> memref<128xi32, #tpu.memory_space<vmem>>
        %dma_start3A_444 = arith.constant 0 : i32
        %dma_start3A_445 = arith.constant 0 : i32
        %dma_start3A_446 = tpu.memref_slice %arg4[%dma_start3A_444, %dma_start3A_445] : memref<10000x16xf32, #tpu.memory_space<hbm>> -> memref<10000x16xf32, #tpu.memory_space<hbm>>
        tpu.enqueue_indirect_dma source(%dma_start3A_446 : memref<10000x16xf32, #tpu.memory_space<hbm>>) target(%dma_start3A_440 : memref<128x16xf32, #tpu.memory_space<vmem>>) offsets(%dma_start3A_443 : memref<128xi32, #tpu.memory_space<vmem>>) semaphore(%arg14 : memref<!tpu.dma_semaphore, #tpu.memory_space<semaphore_mem>>)
      } else {
      }
      %mul3A_201 = arith.constant 8 : i32
      %mul3A_202 = arith.muli %add3A_170, %mul3A_201 : i32
      %add3A_203 = arith.constant 1 : i32
      %add3A_204 = arith.addi %mul3A_202, %add3A_203 : i32
      %dma_wait3A_205 = arith.constant 1 : i32
      %dma_wait3A_206 = arith.constant 0 : i32
      %dma_wait3A_207 = arith.constant 0 : i32
      %dma_wait3A_208 = tpu.memref_slice %arg8[%dma_wait3A_205, %dma_wait3A_206, %dma_wait3A_207] : memref<8x128x16xf32, #tpu.memory_space<vmem>> -> memref<1x128x16xf32, #tpu.memory_space<vmem>>
      %dma_wait3A_209 = tpu.memref_squeeze %dma_wait3A_208 : memref<1x128x16xf32, #tpu.memory_space<vmem>> -> memref<128x16xf32, #tpu.memory_space<vmem>>
      %dma_wait3A_210 = arith.constant 0 : i32
      %dma_wait3A_211 = tpu.memref_slice %arg6[%add3A_204, %dma_wait3A_210] : memref<80x128xi32, #tpu.memory_space<vmem>> -> memref<1x128xi32, #tpu.memory_space<vmem>>
      %dma_wait3A_212 = tpu.memref_squeeze %dma_wait3A_211 : memref<1x128xi32, #tpu.memory_space<vmem>> -> memref<128xi32, #tpu.memory_space<vmem>>
      %dma_wait3A_213 = arith.constant 0 : i32
      %dma_wait3A_214 = arith.constant 0 : i32
      %dma_wait3A_215 = tpu.memref_slice %arg4[%dma_wait3A_213, %dma_wait3A_214] : memref<10000x16xf32, #tpu.memory_space<hbm>> -> memref<10000x16xf32, #tpu.memory_space<hbm>>
      tpu.wait_indirect_dma semaphore(%arg11 : memref<!tpu.dma_semaphore, #tpu.memory_space<semaphore_mem>>) src(%dma_wait3A_215 : memref<10000x16xf32, #tpu.memory_space<hbm>>) dst(%dma_wait3A_209 : memref<128x16xf32, #tpu.memory_space<vmem>>)
      %dma_start3A_216 = arith.constant 1 : i32
      %dma_start3A_217 = arith.constant 0 : i32
      %dma_start3A_218 = arith.constant 0 : i32
      %dma_start3A_219 = tpu.memref_slice %arg8[%dma_start3A_216, %dma_start3A_217, %dma_start3A_218] : memref<8x128x16xf32, #tpu.memory_space<vmem>> -> memref<1x128x16xf32, #tpu.memory_space<vmem>>
      %dma_start3A_220 = tpu.memref_squeeze %dma_start3A_219 : memref<1x128x16xf32, #tpu.memory_space<vmem>> -> memref<128x16xf32, #tpu.memory_space<vmem>>
      %dma_start3A_221 = arith.constant 0 : i32
      %dma_start3A_222 = tpu.memref_slice %arg7[%add3A_204, %dma_start3A_221] : memref<80x128xi32, #tpu.memory_space<vmem>> -> memref<1x128xi32, #tpu.memory_space<vmem>>
      %dma_start3A_223 = tpu.memref_squeeze %dma_start3A_222 : memref<1x128xi32, #tpu.memory_space<vmem>> -> memref<128xi32, #tpu.memory_space<vmem>>
      %dma_start3A_224 = arith.constant 0 : i32
      %dma_start3A_225 = arith.constant 0 : i32
      %dma_start3A_226 = tpu.memref_slice %arg9[%dma_start3A_224, %dma_start3A_225] : memref<10240x16xf32, #tpu.memory_space<vmem_shared>> -> memref<10240x16xf32, #tpu.memory_space<vmem_shared>>
      tpu.enqueue_indirect_dma source(%dma_start3A_220 : memref<128x16xf32, #tpu.memory_space<vmem>>) target(%dma_start3A_226 : memref<10240x16xf32, #tpu.memory_space<vmem_shared>>) offsets(%dma_start3A_223 : memref<128xi32, #tpu.memory_space<vmem>>) semaphore(%arg19 : memref<!tpu.dma_semaphore, #tpu.memory_space<semaphore_mem>>) {add = true}
      %add3A_227 = arith.constant 4 : i32
      %add3A_228 = arith.addi %add3A_204, %add3A_227 : i32
      %lt3A_229 = arith.constant 80 : i32
      %lt3A_230 = arith.cmpi slt, %add3A_228, %lt3A_229 : i32
      %convert_element_type3A_231 = arith.extui %lt3A_230 : i1 to i32
      %cond3A_232 = arith.constant 0 : i32
      %cond3A_233 = arith.cmpi ne, %convert_element_type3A_231, %cond3A_232 : i32
      scf.if %cond3A_233 {
        %ge3A = arith.constant 4 : i32
        %ge3A_432 = arith.cmpi sge, %add3A_204, %ge3A : i32
        %convert_element_type3A_433 = arith.extui %ge3A_432 : i1 to i32
        %cond3A_434 = arith.constant 0 : i32
        %cond3A_435 = arith.cmpi ne, %convert_element_type3A_433, %cond3A_434 : i32
        scf.if %cond3A_435 {
          %sub3A = arith.constant 8 : i32
          %sub3A_447 = arith.subi %add3A_228, %sub3A : i32
          %dma_wait3A_448 = arith.constant 5 : i32
          %dma_wait3A_449 = arith.constant 0 : i32
          %dma_wait3A_450 = arith.constant 0 : i32
          %dma_wait3A_451 = tpu.memref_slice %arg8[%dma_wait3A_448, %dma_wait3A_449, %dma_wait3A_450] : memref<8x128x16xf32, #tpu.memory_space<vmem>> -> memref<1x128x16xf32, #tpu.memory_space<vmem>>
          %dma_wait3A_452 = tpu.memref_squeeze %dma_wait3A_451 : memref<1x128x16xf32, #tpu.memory_space<vmem>> -> memref<128x16xf32, #tpu.memory_space<vmem>>
          %dma_wait3A_453 = arith.constant 0 : i32
          %dma_wait3A_454 = tpu.memref_slice %arg7[%sub3A_447, %dma_wait3A_453] : memref<80x128xi32, #tpu.memory_space<vmem>> -> memref<1x128xi32, #tpu.memory_space<vmem>>
          %dma_wait3A_455 = tpu.memref_squeeze %dma_wait3A_454 : memref<1x128xi32, #tpu.memory_space<vmem>> -> memref<128xi32, #tpu.memory_space<vmem>>
          %dma_wait3A_456 = arith.constant 0 : i32
          %dma_wait3A_457 = arith.constant 0 : i32
          %dma_wait3A_458 = tpu.memref_slice %arg9[%dma_wait3A_456, %dma_wait3A_457] : memref<10240x16xf32, #tpu.memory_space<vmem_shared>> -> memref<10240x16xf32, #tpu.memory_space<vmem_shared>>
          tpu.wait_indirect_dma semaphore(%arg23 : memref<!tpu.dma_semaphore, #tpu.memory_space<semaphore_mem>>) src(%dma_wait3A_452 : memref<128x16xf32, #tpu.memory_space<vmem>>) dst(%dma_wait3A_458 : memref<10240x16xf32, #tpu.memory_space<vmem_shared>>)
        } else {
        }
        %dma_start3A_436 = arith.constant 5 : i32
        %dma_start3A_437 = arith.constant 0 : i32
        %dma_start3A_438 = arith.constant 0 : i32
        %dma_start3A_439 = tpu.memref_slice %arg8[%dma_start3A_436, %dma_start3A_437, %dma_start3A_438] : memref<8x128x16xf32, #tpu.memory_space<vmem>> -> memref<1x128x16xf32, #tpu.memory_space<vmem>>
        %dma_start3A_440 = tpu.memref_squeeze %dma_start3A_439 : memref<1x128x16xf32, #tpu.memory_space<vmem>> -> memref<128x16xf32, #tpu.memory_space<vmem>>
        %dma_start3A_441 = arith.constant 0 : i32
        %dma_start3A_442 = tpu.memref_slice %arg6[%add3A_228, %dma_start3A_441] : memref<80x128xi32, #tpu.memory_space<vmem>> -> memref<1x128xi32, #tpu.memory_space<vmem>>
        %dma_start3A_443 = tpu.memref_squeeze %dma_start3A_442 : memref<1x128xi32, #tpu.memory_space<vmem>> -> memref<128xi32, #tpu.memory_space<vmem>>
        %dma_start3A_444 = arith.constant 0 : i32
        %dma_start3A_445 = arith.constant 0 : i32
        %dma_start3A_446 = tpu.memref_slice %arg4[%dma_start3A_444, %dma_start3A_445] : memref<10000x16xf32, #tpu.memory_space<hbm>> -> memref<10000x16xf32, #tpu.memory_space<hbm>>
        tpu.enqueue_indirect_dma source(%dma_start3A_446 : memref<10000x16xf32, #tpu.memory_space<hbm>>) target(%dma_start3A_440 : memref<128x16xf32, #tpu.memory_space<vmem>>) offsets(%dma_start3A_443 : memref<128xi32, #tpu.memory_space<vmem>>) semaphore(%arg15 : memref<!tpu.dma_semaphore, #tpu.memory_space<semaphore_mem>>)
      } else {
      }
      %mul3A_234 = arith.constant 8 : i32
      %mul3A_235 = arith.muli %add3A_170, %mul3A_234 : i32
      %add3A_236 = arith.constant 2 : i32
      %add3A_237 = arith.addi %mul3A_235, %add3A_236 : i32
      %dma_wait3A_238 = arith.constant 2 : i32
      %dma_wait3A_239 = arith.constant 0 : i32
      %dma_wait3A_240 = arith.constant 0 : i32
      %dma_wait3A_241 = tpu.memref_slice %arg8[%dma_wait3A_238, %dma_wait3A_239, %dma_wait3A_240] : memref<8x128x16xf32, #tpu.memory_space<vmem>> -> memref<1x128x16xf32, #tpu.memory_space<vmem>>
      %dma_wait3A_242 = tpu.memref_squeeze %dma_wait3A_241 : memref<1x128x16xf32, #tpu.memory_space<vmem>> -> memref<128x16xf32, #tpu.memory_space<vmem>>
      %dma_wait3A_243 = arith.constant 0 : i32
      %dma_wait3A_244 = tpu.memref_slice %arg6[%add3A_237, %dma_wait3A_243] : memref<80x128xi32, #tpu.memory_space<vmem>> -> memref<1x128xi32, #tpu.memory_space<vmem>>
      %dma_wait3A_245 = tpu.memref_squeeze %dma_wait3A_244 : memref<1x128xi32, #tpu.memory_space<vmem>> -> memref<128xi32, #tpu.memory_space<vmem>>
      %dma_wait3A_246 = arith.constant 0 : i32
      %dma_wait3A_247 = arith.constant 0 : i32
      %dma_wait3A_248 = tpu.memref_slice %arg4[%dma_wait3A_246, %dma_wait3A_247] : memref<10000x16xf32, #tpu.memory_space<hbm>> -> memref<10000x16xf32, #tpu.memory_space<hbm>>
      tpu.wait_indirect_dma semaphore(%arg12 : memref<!tpu.dma_semaphore, #tpu.memory_space<semaphore_mem>>) src(%dma_wait3A_248 : memref<10000x16xf32, #tpu.memory_space<hbm>>) dst(%dma_wait3A_242 : memref<128x16xf32, #tpu.memory_space<vmem>>)
      %dma_start3A_249 = arith.constant 2 : i32
      %dma_start3A_250 = arith.constant 0 : i32
      %dma_start3A_251 = arith.constant 0 : i32
      %dma_start3A_252 = tpu.memref_slice %arg8[%dma_start3A_249, %dma_start3A_250, %dma_start3A_251] : memref<8x128x16xf32, #tpu.memory_space<vmem>> -> memref<1x128x16xf32, #tpu.memory_space<vmem>>
      %dma_start3A_253 = tpu.memref_squeeze %dma_start3A_252 : memref<1x128x16xf32, #tpu.memory_space<vmem>> -> memref<128x16xf32, #tpu.memory_space<vmem>>
      %dma_start3A_254 = arith.constant 0 : i32
      %dma_start3A_255 = tpu.memref_slice %arg7[%add3A_237, %dma_start3A_254] : memref<80x128xi32, #tpu.memory_space<vmem>> -> memref<1x128xi32, #tpu.memory_space<vmem>>
      %dma_start3A_256 = tpu.memref_squeeze %dma_start3A_255 : memref<1x128xi32, #tpu.memory_space<vmem>> -> memref<128xi32, #tpu.memory_space<vmem>>
      %dma_start3A_257 = arith.constant 0 : i32
      %dma_start3A_258 = arith.constant 0 : i32
      %dma_start3A_259 = tpu.memref_slice %arg9[%dma_start3A_257, %dma_start3A_258] : memref<10240x16xf32, #tpu.memory_space<vmem_shared>> -> memref<10240x16xf32, #tpu.memory_space<vmem_shared>>
      tpu.enqueue_indirect_dma source(%dma_start3A_253 : memref<128x16xf32, #tpu.memory_space<vmem>>) target(%dma_start3A_259 : memref<10240x16xf32, #tpu.memory_space<vmem_shared>>) offsets(%dma_start3A_256 : memref<128xi32, #tpu.memory_space<vmem>>) semaphore(%arg20 : memref<!tpu.dma_semaphore, #tpu.memory_space<semaphore_mem>>) {add = true}
      %add3A_260 = arith.constant 4 : i32
      %add3A_261 = arith.addi %add3A_237, %add3A_260 : i32
      %lt3A_262 = arith.constant 80 : i32
      %lt3A_263 = arith.cmpi slt, %add3A_261, %lt3A_262 : i32
      %convert_element_type3A_264 = arith.extui %lt3A_263 : i1 to i32
      %cond3A_265 = arith.constant 0 : i32
      %cond3A_266 = arith.cmpi ne, %convert_element_type3A_264, %cond3A_265 : i32
      scf.if %cond3A_266 {
        %ge3A = arith.constant 4 : i32
        %ge3A_432 = arith.cmpi sge, %add3A_237, %ge3A : i32
        %convert_element_type3A_433 = arith.extui %ge3A_432 : i1 to i32
        %cond3A_434 = arith.constant 0 : i32
        %cond3A_435 = arith.cmpi ne, %convert_element_type3A_433, %cond3A_434 : i32
        scf.if %cond3A_435 {
          %sub3A = arith.constant 8 : i32
          %sub3A_447 = arith.subi %add3A_261, %sub3A : i32
          %dma_wait3A_448 = arith.constant 6 : i32
          %dma_wait3A_449 = arith.constant 0 : i32
          %dma_wait3A_450 = arith.constant 0 : i32
          %dma_wait3A_451 = tpu.memref_slice %arg8[%dma_wait3A_448, %dma_wait3A_449, %dma_wait3A_450] : memref<8x128x16xf32, #tpu.memory_space<vmem>> -> memref<1x128x16xf32, #tpu.memory_space<vmem>>
          %dma_wait3A_452 = tpu.memref_squeeze %dma_wait3A_451 : memref<1x128x16xf32, #tpu.memory_space<vmem>> -> memref<128x16xf32, #tpu.memory_space<vmem>>
          %dma_wait3A_453 = arith.constant 0 : i32
          %dma_wait3A_454 = tpu.memref_slice %arg7[%sub3A_447, %dma_wait3A_453] : memref<80x128xi32, #tpu.memory_space<vmem>> -> memref<1x128xi32, #tpu.memory_space<vmem>>
          %dma_wait3A_455 = tpu.memref_squeeze %dma_wait3A_454 : memref<1x128xi32, #tpu.memory_space<vmem>> -> memref<128xi32, #tpu.memory_space<vmem>>
          %dma_wait3A_456 = arith.constant 0 : i32
          %dma_wait3A_457 = arith.constant 0 : i32
          %dma_wait3A_458 = tpu.memref_slice %arg9[%dma_wait3A_456, %dma_wait3A_457] : memref<10240x16xf32, #tpu.memory_space<vmem_shared>> -> memref<10240x16xf32, #tpu.memory_space<vmem_shared>>
          tpu.wait_indirect_dma semaphore(%arg24 : memref<!tpu.dma_semaphore, #tpu.memory_space<semaphore_mem>>) src(%dma_wait3A_452 : memref<128x16xf32, #tpu.memory_space<vmem>>) dst(%dma_wait3A_458 : memref<10240x16xf32, #tpu.memory_space<vmem_shared>>)
        } else {
        }
        %dma_start3A_436 = arith.constant 6 : i32
        %dma_start3A_437 = arith.constant 0 : i32
        %dma_start3A_438 = arith.constant 0 : i32
        %dma_start3A_439 = tpu.memref_slice %arg8[%dma_start3A_436, %dma_start3A_437, %dma_start3A_438] : memref<8x128x16xf32, #tpu.memory_space<vmem>> -> memref<1x128x16xf32, #tpu.memory_space<vmem>>
        %dma_start3A_440 = tpu.memref_squeeze %dma_start3A_439 : memref<1x128x16xf32, #tpu.memory_space<vmem>> -> memref<128x16xf32, #tpu.memory_space<vmem>>
        %dma_start3A_441 = arith.constant 0 : i32
        %dma_start3A_442 = tpu.memref_slice %arg6[%add3A_261, %dma_start3A_441] : memref<80x128xi32, #tpu.memory_space<vmem>> -> memref<1x128xi32, #tpu.memory_space<vmem>>
        %dma_start3A_443 = tpu.memref_squeeze %dma_start3A_442 : memref<1x128xi32, #tpu.memory_space<vmem>> -> memref<128xi32, #tpu.memory_space<vmem>>
        %dma_start3A_444 = arith.constant 0 : i32
        %dma_start3A_445 = arith.constant 0 : i32
        %dma_start3A_446 = tpu.memref_slice %arg4[%dma_start3A_444, %dma_start3A_445] : memref<10000x16xf32, #tpu.memory_space<hbm>> -> memref<10000x16xf32, #tpu.memory_space<hbm>>
        tpu.enqueue_indirect_dma source(%dma_start3A_446 : memref<10000x16xf32, #tpu.memory_space<hbm>>) target(%dma_start3A_440 : memref<128x16xf32, #tpu.memory_space<vmem>>) offsets(%dma_start3A_443 : memref<128xi32, #tpu.memory_space<vmem>>) semaphore(%arg16 : memref<!tpu.dma_semaphore, #tpu.memory_space<semaphore_mem>>)
      } else {
      }
      %mul3A_267 = arith.constant 8 : i32
      %mul3A_268 = arith.muli %add3A_170, %mul3A_267 : i32
      %add3A_269 = arith.constant 3 : i32
      %add3A_270 = arith.addi %mul3A_268, %add3A_269 : i32
      %dma_wait3A_271 = arith.constant 3 : i32
      %dma_wait3A_272 = arith.constant 0 : i32
      %dma_wait3A_273 = arith.constant 0 : i32
      %dma_wait3A_274 = tpu.memref_slice %arg8[%dma_wait3A_271, %dma_wait3A_272, %dma_wait3A_273] : memref<8x128x16xf32, #tpu.memory_space<vmem>> -> memref<1x128x16xf32, #tpu.memory_space<vmem>>
      %dma_wait3A_275 = tpu.memref_squeeze %dma_wait3A_274 : memref<1x128x16xf32, #tpu.memory_space<vmem>> -> memref<128x16xf32, #tpu.memory_space<vmem>>
      %dma_wait3A_276 = arith.constant 0 : i32
      %dma_wait3A_277 = tpu.memref_slice %arg6[%add3A_270, %dma_wait3A_276] : memref<80x128xi32, #tpu.memory_space<vmem>> -> memref<1x128xi32, #tpu.memory_space<vmem>>
      %dma_wait3A_278 = tpu.memref_squeeze %dma_wait3A_277 : memref<1x128xi32, #tpu.memory_space<vmem>> -> memref<128xi32, #tpu.memory_space<vmem>>
      %dma_wait3A_279 = arith.constant 0 : i32
      %dma_wait3A_280 = arith.constant 0 : i32
      %dma_wait3A_281 = tpu.memref_slice %arg4[%dma_wait3A_279, %dma_wait3A_280] : memref<10000x16xf32, #tpu.memory_space<hbm>> -> memref<10000x16xf32, #tpu.memory_space<hbm>>
      tpu.wait_indirect_dma semaphore(%arg13 : memref<!tpu.dma_semaphore, #tpu.memory_space<semaphore_mem>>) src(%dma_wait3A_281 : memref<10000x16xf32, #tpu.memory_space<hbm>>) dst(%dma_wait3A_275 : memref<128x16xf32, #tpu.memory_space<vmem>>)
      %dma_start3A_282 = arith.constant 3 : i32
      %dma_start3A_283 = arith.constant 0 : i32
      %dma_start3A_284 = arith.constant 0 : i32
      %dma_start3A_285 = tpu.memref_slice %arg8[%dma_start3A_282, %dma_start3A_283, %dma_start3A_284] : memref<8x128x16xf32, #tpu.memory_space<vmem>> -> memref<1x128x16xf32, #tpu.memory_space<vmem>>
      %dma_start3A_286 = tpu.memref_squeeze %dma_start3A_285 : memref<1x128x16xf32, #tpu.memory_space<vmem>> -> memref<128x16xf32, #tpu.memory_space<vmem>>
      %dma_start3A_287 = arith.constant 0 : i32
      %dma_start3A_288 = tpu.memref_slice %arg7[%add3A_270, %dma_start3A_287] : memref<80x128xi32, #tpu.memory_space<vmem>> -> memref<1x128xi32, #tpu.memory_space<vmem>>
      %dma_start3A_289 = tpu.memref_squeeze %dma_start3A_288 : memref<1x128xi32, #tpu.memory_space<vmem>> -> memref<128xi32, #tpu.memory_space<vmem>>
      %dma_start3A_290 = arith.constant 0 : i32
      %dma_start3A_291 = arith.constant 0 : i32
      %dma_start3A_292 = tpu.memref_slice %arg9[%dma_start3A_290, %dma_start3A_291] : memref<10240x16xf32, #tpu.memory_space<vmem_shared>> -> memref<10240x16xf32, #tpu.memory_space<vmem_shared>>
      tpu.enqueue_indirect_dma source(%dma_start3A_286 : memref<128x16xf32, #tpu.memory_space<vmem>>) target(%dma_start3A_292 : memref<10240x16xf32, #tpu.memory_space<vmem_shared>>) offsets(%dma_start3A_289 : memref<128xi32, #tpu.memory_space<vmem>>) semaphore(%arg21 : memref<!tpu.dma_semaphore, #tpu.memory_space<semaphore_mem>>) {add = true}
      %add3A_293 = arith.constant 4 : i32
      %add3A_294 = arith.addi %add3A_270, %add3A_293 : i32
      %lt3A_295 = arith.constant 80 : i32
      %lt3A_296 = arith.cmpi slt, %add3A_294, %lt3A_295 : i32
      %convert_element_type3A_297 = arith.extui %lt3A_296 : i1 to i32
      %cond3A_298 = arith.constant 0 : i32
      %cond3A_299 = arith.cmpi ne, %convert_element_type3A_297, %cond3A_298 : i32
      scf.if %cond3A_299 {
        %ge3A = arith.constant 4 : i32
        %ge3A_432 = arith.cmpi sge, %add3A_270, %ge3A : i32
        %convert_element_type3A_433 = arith.extui %ge3A_432 : i1 to i32
        %cond3A_434 = arith.constant 0 : i32
        %cond3A_435 = arith.cmpi ne, %convert_element_type3A_433, %cond3A_434 : i32
        scf.if %cond3A_435 {
          %sub3A = arith.constant 8 : i32
          %sub3A_447 = arith.subi %add3A_294, %sub3A : i32
          %dma_wait3A_448 = arith.constant 7 : i32
          %dma_wait3A_449 = arith.constant 0 : i32
          %dma_wait3A_450 = arith.constant 0 : i32
          %dma_wait3A_451 = tpu.memref_slice %arg8[%dma_wait3A_448, %dma_wait3A_449, %dma_wait3A_450] : memref<8x128x16xf32, #tpu.memory_space<vmem>> -> memref<1x128x16xf32, #tpu.memory_space<vmem>>
          %dma_wait3A_452 = tpu.memref_squeeze %dma_wait3A_451 : memref<1x128x16xf32, #tpu.memory_space<vmem>> -> memref<128x16xf32, #tpu.memory_space<vmem>>
          %dma_wait3A_453 = arith.constant 0 : i32
          %dma_wait3A_454 = tpu.memref_slice %arg7[%sub3A_447, %dma_wait3A_453] : memref<80x128xi32, #tpu.memory_space<vmem>> -> memref<1x128xi32, #tpu.memory_space<vmem>>
          %dma_wait3A_455 = tpu.memref_squeeze %dma_wait3A_454 : memref<1x128xi32, #tpu.memory_space<vmem>> -> memref<128xi32, #tpu.memory_space<vmem>>
          %dma_wait3A_456 = arith.constant 0 : i32
          %dma_wait3A_457 = arith.constant 0 : i32
          %dma_wait3A_458 = tpu.memref_slice %arg9[%dma_wait3A_456, %dma_wait3A_457] : memref<10240x16xf32, #tpu.memory_space<vmem_shared>> -> memref<10240x16xf32, #tpu.memory_space<vmem_shared>>
          tpu.wait_indirect_dma semaphore(%arg25 : memref<!tpu.dma_semaphore, #tpu.memory_space<semaphore_mem>>) src(%dma_wait3A_452 : memref<128x16xf32, #tpu.memory_space<vmem>>) dst(%dma_wait3A_458 : memref<10240x16xf32, #tpu.memory_space<vmem_shared>>)
        } else {
        }
        %dma_start3A_436 = arith.constant 7 : i32
        %dma_start3A_437 = arith.constant 0 : i32
        %dma_start3A_438 = arith.constant 0 : i32
        %dma_start3A_439 = tpu.memref_slice %arg8[%dma_start3A_436, %dma_start3A_437, %dma_start3A_438] : memref<8x128x16xf32, #tpu.memory_space<vmem>> -> memref<1x128x16xf32, #tpu.memory_space<vmem>>
        %dma_start3A_440 = tpu.memref_squeeze %dma_start3A_439 : memref<1x128x16xf32, #tpu.memory_space<vmem>> -> memref<128x16xf32, #tpu.memory_space<vmem>>
        %dma_start3A_441 = arith.constant 0 : i32
        %dma_start3A_442 = tpu.memref_slice %arg6[%add3A_294, %dma_start3A_441] : memref<80x128xi32, #tpu.memory_space<vmem>> -> memref<1x128xi32, #tpu.memory_space<vmem>>
        %dma_start3A_443 = tpu.memref_squeeze %dma_start3A_442 : memref<1x128xi32, #tpu.memory_space<vmem>> -> memref<128xi32, #tpu.memory_space<vmem>>
        %dma_start3A_444 = arith.constant 0 : i32
        %dma_start3A_445 = arith.constant 0 : i32
        %dma_start3A_446 = tpu.memref_slice %arg4[%dma_start3A_444, %dma_start3A_445] : memref<10000x16xf32, #tpu.memory_space<hbm>> -> memref<10000x16xf32, #tpu.memory_space<hbm>>
        tpu.enqueue_indirect_dma source(%dma_start3A_446 : memref<10000x16xf32, #tpu.memory_space<hbm>>) target(%dma_start3A_440 : memref<128x16xf32, #tpu.memory_space<vmem>>) offsets(%dma_start3A_443 : memref<128xi32, #tpu.memory_space<vmem>>) semaphore(%arg17 : memref<!tpu.dma_semaphore, #tpu.memory_space<semaphore_mem>>)
      } else {
      }
      %mul3A_300 = arith.constant 8 : i32
      %mul3A_301 = arith.muli %add3A_170, %mul3A_300 : i32
      %add3A_302 = arith.constant 4 : i32
      %add3A_303 = arith.addi %mul3A_301, %add3A_302 : i32
      %dma_wait3A_304 = arith.constant 4 : i32
      %dma_wait3A_305 = arith.constant 0 : i32
      %dma_wait3A_306 = arith.constant 0 : i32
      %dma_wait3A_307 = tpu.memref_slice %arg8[%dma_wait3A_304, %dma_wait3A_305, %dma_wait3A_306] : memref<8x128x16xf32, #tpu.memory_space<vmem>> -> memref<1x128x16xf32, #tpu.memory_space<vmem>>
      %dma_wait3A_308 = tpu.memref_squeeze %dma_wait3A_307 : memref<1x128x16xf32, #tpu.memory_space<vmem>> -> memref<128x16xf32, #tpu.memory_space<vmem>>
      %dma_wait3A_309 = arith.constant 0 : i32
      %dma_wait3A_310 = tpu.memref_slice %arg6[%add3A_303, %dma_wait3A_309] : memref<80x128xi32, #tpu.memory_space<vmem>> -> memref<1x128xi32, #tpu.memory_space<vmem>>
      %dma_wait3A_311 = tpu.memref_squeeze %dma_wait3A_310 : memref<1x128xi32, #tpu.memory_space<vmem>> -> memref<128xi32, #tpu.memory_space<vmem>>
      %dma_wait3A_312 = arith.constant 0 : i32
      %dma_wait3A_313 = arith.constant 0 : i32
      %dma_wait3A_314 = tpu.memref_slice %arg4[%dma_wait3A_312, %dma_wait3A_313] : memref<10000x16xf32, #tpu.memory_space<hbm>> -> memref<10000x16xf32, #tpu.memory_space<hbm>>
      tpu.wait_indirect_dma semaphore(%arg14 : memref<!tpu.dma_semaphore, #tpu.memory_space<semaphore_mem>>) src(%dma_wait3A_314 : memref<10000x16xf32, #tpu.memory_space<hbm>>) dst(%dma_wait3A_308 : memref<128x16xf32, #tpu.memory_space<vmem>>)
      %dma_start3A_315 = arith.constant 4 : i32
      %dma_start3A_316 = arith.constant 0 : i32
      %dma_start3A_317 = arith.constant 0 : i32
      %dma_start3A_318 = tpu.memref_slice %arg8[%dma_start3A_315, %dma_start3A_316, %dma_start3A_317] : memref<8x128x16xf32, #tpu.memory_space<vmem>> -> memref<1x128x16xf32, #tpu.memory_space<vmem>>
      %dma_start3A_319 = tpu.memref_squeeze %dma_start3A_318 : memref<1x128x16xf32, #tpu.memory_space<vmem>> -> memref<128x16xf32, #tpu.memory_space<vmem>>
      %dma_start3A_320 = arith.constant 0 : i32
      %dma_start3A_321 = tpu.memref_slice %arg7[%add3A_303, %dma_start3A_320] : memref<80x128xi32, #tpu.memory_space<vmem>> -> memref<1x128xi32, #tpu.memory_space<vmem>>
      %dma_start3A_322 = tpu.memref_squeeze %dma_start3A_321 : memref<1x128xi32, #tpu.memory_space<vmem>> -> memref<128xi32, #tpu.memory_space<vmem>>
      %dma_start3A_323 = arith.constant 0 : i32
      %dma_start3A_324 = arith.constant 0 : i32
      %dma_start3A_325 = tpu.memref_slice %arg9[%dma_start3A_323, %dma_start3A_324] : memref<10240x16xf32, #tpu.memory_space<vmem_shared>> -> memref<10240x16xf32, #tpu.memory_space<vmem_shared>>
      tpu.enqueue_indirect_dma source(%dma_start3A_319 : memref<128x16xf32, #tpu.memory_space<vmem>>) target(%dma_start3A_325 : memref<10240x16xf32, #tpu.memory_space<vmem_shared>>) offsets(%dma_start3A_322 : memref<128xi32, #tpu.memory_space<vmem>>) semaphore(%arg22 : memref<!tpu.dma_semaphore, #tpu.memory_space<semaphore_mem>>) {add = true}
      %add3A_326 = arith.constant 4 : i32
      %add3A_327 = arith.addi %add3A_303, %add3A_326 : i32
      %lt3A_328 = arith.constant 80 : i32
      %lt3A_329 = arith.cmpi slt, %add3A_327, %lt3A_328 : i32
      %convert_element_type3A_330 = arith.extui %lt3A_329 : i1 to i32
      %cond3A_331 = arith.constant 0 : i32
      %cond3A_332 = arith.cmpi ne, %convert_element_type3A_330, %cond3A_331 : i32
      scf.if %cond3A_332 {
        %ge3A = arith.constant 4 : i32
        %ge3A_432 = arith.cmpi sge, %add3A_303, %ge3A : i32
        %convert_element_type3A_433 = arith.extui %ge3A_432 : i1 to i32
        %cond3A_434 = arith.constant 0 : i32
        %cond3A_435 = arith.cmpi ne, %convert_element_type3A_433, %cond3A_434 : i32
        scf.if %cond3A_435 {
          %sub3A = arith.constant 8 : i32
          %sub3A_447 = arith.subi %add3A_327, %sub3A : i32
          %dma_wait3A_448 = arith.constant 0 : i32
          %dma_wait3A_449 = arith.constant 0 : i32
          %dma_wait3A_450 = arith.constant 0 : i32
          %dma_wait3A_451 = tpu.memref_slice %arg8[%dma_wait3A_448, %dma_wait3A_449, %dma_wait3A_450] : memref<8x128x16xf32, #tpu.memory_space<vmem>> -> memref<1x128x16xf32, #tpu.memory_space<vmem>>
          %dma_wait3A_452 = tpu.memref_squeeze %dma_wait3A_451 : memref<1x128x16xf32, #tpu.memory_space<vmem>> -> memref<128x16xf32, #tpu.memory_space<vmem>>
          %dma_wait3A_453 = arith.constant 0 : i32
          %dma_wait3A_454 = tpu.memref_slice %arg7[%sub3A_447, %dma_wait3A_453] : memref<80x128xi32, #tpu.memory_space<vmem>> -> memref<1x128xi32, #tpu.memory_space<vmem>>
          %dma_wait3A_455 = tpu.memref_squeeze %dma_wait3A_454 : memref<1x128xi32, #tpu.memory_space<vmem>> -> memref<128xi32, #tpu.memory_space<vmem>>
          %dma_wait3A_456 = arith.constant 0 : i32
          %dma_wait3A_457 = arith.constant 0 : i32
          %dma_wait3A_458 = tpu.memref_slice %arg9[%dma_wait3A_456, %dma_wait3A_457] : memref<10240x16xf32, #tpu.memory_space<vmem_shared>> -> memref<10240x16xf32, #tpu.memory_space<vmem_shared>>
          tpu.wait_indirect_dma semaphore(%arg18 : memref<!tpu.dma_semaphore, #tpu.memory_space<semaphore_mem>>) src(%dma_wait3A_452 : memref<128x16xf32, #tpu.memory_space<vmem>>) dst(%dma_wait3A_458 : memref<10240x16xf32, #tpu.memory_space<vmem_shared>>)
        } else {
        }
        %dma_start3A_436 = arith.constant 0 : i32
        %dma_start3A_437 = arith.constant 0 : i32
        %dma_start3A_438 = arith.constant 0 : i32
        %dma_start3A_439 = tpu.memref_slice %arg8[%dma_start3A_436, %dma_start3A_437, %dma_start3A_438] : memref<8x128x16xf32, #tpu.memory_space<vmem>> -> memref<1x128x16xf32, #tpu.memory_space<vmem>>
        %dma_start3A_440 = tpu.memref_squeeze %dma_start3A_439 : memref<1x128x16xf32, #tpu.memory_space<vmem>> -> memref<128x16xf32, #tpu.memory_space<vmem>>
        %dma_start3A_441 = arith.constant 0 : i32
        %dma_start3A_442 = tpu.memref_slice %arg6[%add3A_327, %dma_start3A_441] : memref<80x128xi32, #tpu.memory_space<vmem>> -> memref<1x128xi32, #tpu.memory_space<vmem>>
        %dma_start3A_443 = tpu.memref_squeeze %dma_start3A_442 : memref<1x128xi32, #tpu.memory_space<vmem>> -> memref<128xi32, #tpu.memory_space<vmem>>
        %dma_start3A_444 = arith.constant 0 : i32
        %dma_start3A_445 = arith.constant 0 : i32
        %dma_start3A_446 = tpu.memref_slice %arg4[%dma_start3A_444, %dma_start3A_445] : memref<10000x16xf32, #tpu.memory_space<hbm>> -> memref<10000x16xf32, #tpu.memory_space<hbm>>
        tpu.enqueue_indirect_dma source(%dma_start3A_446 : memref<10000x16xf32, #tpu.memory_space<hbm>>) target(%dma_start3A_440 : memref<128x16xf32, #tpu.memory_space<vmem>>) offsets(%dma_start3A_443 : memref<128xi32, #tpu.memory_space<vmem>>) semaphore(%arg10 : memref<!tpu.dma_semaphore, #tpu.memory_space<semaphore_mem>>)
      } else {
      }
      %mul3A_333 = arith.constant 8 : i32
      %mul3A_334 = arith.muli %add3A_170, %mul3A_333 : i32
      %add3A_335 = arith.constant 5 : i32
      %add3A_336 = arith.addi %mul3A_334, %add3A_335 : i32
      %dma_wait3A_337 = arith.constant 5 : i32
      %dma_wait3A_338 = arith.constant 0 : i32
      %dma_wait3A_339 = arith.constant 0 : i32
      %dma_wait3A_340 = tpu.memref_slice %arg8[%dma_wait3A_337, %dma_wait3A_338, %dma_wait3A_339] : memref<8x128x16xf32, #tpu.memory_space<vmem>> -> memref<1x128x16xf32, #tpu.memory_space<vmem>>
      %dma_wait3A_341 = tpu.memref_squeeze %dma_wait3A_340 : memref<1x128x16xf32, #tpu.memory_space<vmem>> -> memref<128x16xf32, #tpu.memory_space<vmem>>
      %dma_wait3A_342 = arith.constant 0 : i32
      %dma_wait3A_343 = tpu.memref_slice %arg6[%add3A_336, %dma_wait3A_342] : memref<80x128xi32, #tpu.memory_space<vmem>> -> memref<1x128xi32, #tpu.memory_space<vmem>>
      %dma_wait3A_344 = tpu.memref_squeeze %dma_wait3A_343 : memref<1x128xi32, #tpu.memory_space<vmem>> -> memref<128xi32, #tpu.memory_space<vmem>>
      %dma_wait3A_345 = arith.constant 0 : i32
      %dma_wait3A_346 = arith.constant 0 : i32
      %dma_wait3A_347 = tpu.memref_slice %arg4[%dma_wait3A_345, %dma_wait3A_346] : memref<10000x16xf32, #tpu.memory_space<hbm>> -> memref<10000x16xf32, #tpu.memory_space<hbm>>
      tpu.wait_indirect_dma semaphore(%arg15 : memref<!tpu.dma_semaphore, #tpu.memory_space<semaphore_mem>>) src(%dma_wait3A_347 : memref<10000x16xf32, #tpu.memory_space<hbm>>) dst(%dma_wait3A_341 : memref<128x16xf32, #tpu.memory_space<vmem>>)
      %dma_start3A_348 = arith.constant 5 : i32
      %dma_start3A_349 = arith.constant 0 : i32
      %dma_start3A_350 = arith.constant 0 : i32
      %dma_start3A_351 = tpu.memref_slice %arg8[%dma_start3A_348, %dma_start3A_349, %dma_start3A_350] : memref<8x128x16xf32, #tpu.memory_space<vmem>> -> memref<1x128x16xf32, #tpu.memory_space<vmem>>
      %dma_start3A_352 = tpu.memref_squeeze %dma_start3A_351 : memref<1x128x16xf32, #tpu.memory_space<vmem>> -> memref<128x16xf32, #tpu.memory_space<vmem>>
      %dma_start3A_353 = arith.constant 0 : i32
      %dma_start3A_354 = tpu.memref_slice %arg7[%add3A_336, %dma_start3A_353] : memref<80x128xi32, #tpu.memory_space<vmem>> -> memref<1x128xi32, #tpu.memory_space<vmem>>
      %dma_start3A_355 = tpu.memref_squeeze %dma_start3A_354 : memref<1x128xi32, #tpu.memory_space<vmem>> -> memref<128xi32, #tpu.memory_space<vmem>>
      %dma_start3A_356 = arith.constant 0 : i32
      %dma_start3A_357 = arith.constant 0 : i32
      %dma_start3A_358 = tpu.memref_slice %arg9[%dma_start3A_356, %dma_start3A_357] : memref<10240x16xf32, #tpu.memory_space<vmem_shared>> -> memref<10240x16xf32, #tpu.memory_space<vmem_shared>>
      tpu.enqueue_indirect_dma source(%dma_start3A_352 : memref<128x16xf32, #tpu.memory_space<vmem>>) target(%dma_start3A_358 : memref<10240x16xf32, #tpu.memory_space<vmem_shared>>) offsets(%dma_start3A_355 : memref<128xi32, #tpu.memory_space<vmem>>) semaphore(%arg23 : memref<!tpu.dma_semaphore, #tpu.memory_space<semaphore_mem>>) {add = true}
      %add3A_359 = arith.constant 4 : i32
      %add3A_360 = arith.addi %add3A_336, %add3A_359 : i32
      %lt3A_361 = arith.constant 80 : i32
      %lt3A_362 = arith.cmpi slt, %add3A_360, %lt3A_361 : i32
      %convert_element_type3A_363 = arith.extui %lt3A_362 : i1 to i32
      %cond3A_364 = arith.constant 0 : i32
      %cond3A_365 = arith.cmpi ne, %convert_element_type3A_363, %cond3A_364 : i32
      scf.if %cond3A_365 {
        %ge3A = arith.constant 4 : i32
        %ge3A_432 = arith.cmpi sge, %add3A_336, %ge3A : i32
        %convert_element_type3A_433 = arith.extui %ge3A_432 : i1 to i32
        %cond3A_434 = arith.constant 0 : i32
        %cond3A_435 = arith.cmpi ne, %convert_element_type3A_433, %cond3A_434 : i32
        scf.if %cond3A_435 {
          %sub3A = arith.constant 8 : i32
          %sub3A_447 = arith.subi %add3A_360, %sub3A : i32
          %dma_wait3A_448 = arith.constant 1 : i32
          %dma_wait3A_449 = arith.constant 0 : i32
          %dma_wait3A_450 = arith.constant 0 : i32
          %dma_wait3A_451 = tpu.memref_slice %arg8[%dma_wait3A_448, %dma_wait3A_449, %dma_wait3A_450] : memref<8x128x16xf32, #tpu.memory_space<vmem>> -> memref<1x128x16xf32, #tpu.memory_space<vmem>>
          %dma_wait3A_452 = tpu.memref_squeeze %dma_wait3A_451 : memref<1x128x16xf32, #tpu.memory_space<vmem>> -> memref<128x16xf32, #tpu.memory_space<vmem>>
          %dma_wait3A_453 = arith.constant 0 : i32
          %dma_wait3A_454 = tpu.memref_slice %arg7[%sub3A_447, %dma_wait3A_453] : memref<80x128xi32, #tpu.memory_space<vmem>> -> memref<1x128xi32, #tpu.memory_space<vmem>>
          %dma_wait3A_455 = tpu.memref_squeeze %dma_wait3A_454 : memref<1x128xi32, #tpu.memory_space<vmem>> -> memref<128xi32, #tpu.memory_space<vmem>>
          %dma_wait3A_456 = arith.constant 0 : i32
          %dma_wait3A_457 = arith.constant 0 : i32
          %dma_wait3A_458 = tpu.memref_slice %arg9[%dma_wait3A_456, %dma_wait3A_457] : memref<10240x16xf32, #tpu.memory_space<vmem_shared>> -> memref<10240x16xf32, #tpu.memory_space<vmem_shared>>
          tpu.wait_indirect_dma semaphore(%arg19 : memref<!tpu.dma_semaphore, #tpu.memory_space<semaphore_mem>>) src(%dma_wait3A_452 : memref<128x16xf32, #tpu.memory_space<vmem>>) dst(%dma_wait3A_458 : memref<10240x16xf32, #tpu.memory_space<vmem_shared>>)
        } else {
        }
        %dma_start3A_436 = arith.constant 1 : i32
        %dma_start3A_437 = arith.constant 0 : i32
        %dma_start3A_438 = arith.constant 0 : i32
        %dma_start3A_439 = tpu.memref_slice %arg8[%dma_start3A_436, %dma_start3A_437, %dma_start3A_438] : memref<8x128x16xf32, #tpu.memory_space<vmem>> -> memref<1x128x16xf32, #tpu.memory_space<vmem>>
        %dma_start3A_440 = tpu.memref_squeeze %dma_start3A_439 : memref<1x128x16xf32, #tpu.memory_space<vmem>> -> memref<128x16xf32, #tpu.memory_space<vmem>>
        %dma_start3A_441 = arith.constant 0 : i32
        %dma_start3A_442 = tpu.memref_slice %arg6[%add3A_360, %dma_start3A_441] : memref<80x128xi32, #tpu.memory_space<vmem>> -> memref<1x128xi32, #tpu.memory_space<vmem>>
        %dma_start3A_443 = tpu.memref_squeeze %dma_start3A_442 : memref<1x128xi32, #tpu.memory_space<vmem>> -> memref<128xi32, #tpu.memory_space<vmem>>
        %dma_start3A_444 = arith.constant 0 : i32
        %dma_start3A_445 = arith.constant 0 : i32
        %dma_start3A_446 = tpu.memref_slice %arg4[%dma_start3A_444, %dma_start3A_445] : memref<10000x16xf32, #tpu.memory_space<hbm>> -> memref<10000x16xf32, #tpu.memory_space<hbm>>
        tpu.enqueue_indirect_dma source(%dma_start3A_446 : memref<10000x16xf32, #tpu.memory_space<hbm>>) target(%dma_start3A_440 : memref<128x16xf32, #tpu.memory_space<vmem>>) offsets(%dma_start3A_443 : memref<128xi32, #tpu.memory_space<vmem>>) semaphore(%arg11 : memref<!tpu.dma_semaphore, #tpu.memory_space<semaphore_mem>>)
      } else {
      }
      %mul3A_366 = arith.constant 8 : i32
      %mul3A_367 = arith.muli %add3A_170, %mul3A_366 : i32
      %add3A_368 = arith.constant 6 : i32
      %add3A_369 = arith.addi %mul3A_367, %add3A_368 : i32
      %dma_wait3A_370 = arith.constant 6 : i32
      %dma_wait3A_371 = arith.constant 0 : i32
      %dma_wait3A_372 = arith.constant 0 : i32
      %dma_wait3A_373 = tpu.memref_slice %arg8[%dma_wait3A_370, %dma_wait3A_371, %dma_wait3A_372] : memref<8x128x16xf32, #tpu.memory_space<vmem>> -> memref<1x128x16xf32, #tpu.memory_space<vmem>>
      %dma_wait3A_374 = tpu.memref_squeeze %dma_wait3A_373 : memref<1x128x16xf32, #tpu.memory_space<vmem>> -> memref<128x16xf32, #tpu.memory_space<vmem>>
      %dma_wait3A_375 = arith.constant 0 : i32
      %dma_wait3A_376 = tpu.memref_slice %arg6[%add3A_369, %dma_wait3A_375] : memref<80x128xi32, #tpu.memory_space<vmem>> -> memref<1x128xi32, #tpu.memory_space<vmem>>
      %dma_wait3A_377 = tpu.memref_squeeze %dma_wait3A_376 : memref<1x128xi32, #tpu.memory_space<vmem>> -> memref<128xi32, #tpu.memory_space<vmem>>
      %dma_wait3A_378 = arith.constant 0 : i32
      %dma_wait3A_379 = arith.constant 0 : i32
      %dma_wait3A_380 = tpu.memref_slice %arg4[%dma_wait3A_378, %dma_wait3A_379] : memref<10000x16xf32, #tpu.memory_space<hbm>> -> memref<10000x16xf32, #tpu.memory_space<hbm>>
      tpu.wait_indirect_dma semaphore(%arg16 : memref<!tpu.dma_semaphore, #tpu.memory_space<semaphore_mem>>) src(%dma_wait3A_380 : memref<10000x16xf32, #tpu.memory_space<hbm>>) dst(%dma_wait3A_374 : memref<128x16xf32, #tpu.memory_space<vmem>>)
      %dma_start3A_381 = arith.constant 6 : i32
      %dma_start3A_382 = arith.constant 0 : i32
      %dma_start3A_383 = arith.constant 0 : i32
      %dma_start3A_384 = tpu.memref_slice %arg8[%dma_start3A_381, %dma_start3A_382, %dma_start3A_383] : memref<8x128x16xf32, #tpu.memory_space<vmem>> -> memref<1x128x16xf32, #tpu.memory_space<vmem>>
      %dma_start3A_385 = tpu.memref_squeeze %dma_start3A_384 : memref<1x128x16xf32, #tpu.memory_space<vmem>> -> memref<128x16xf32, #tpu.memory_space<vmem>>
      %dma_start3A_386 = arith.constant 0 : i32
      %dma_start3A_387 = tpu.memref_slice %arg7[%add3A_369, %dma_start3A_386] : memref<80x128xi32, #tpu.memory_space<vmem>> -> memref<1x128xi32, #tpu.memory_space<vmem>>
      %dma_start3A_388 = tpu.memref_squeeze %dma_start3A_387 : memref<1x128xi32, #tpu.memory_space<vmem>> -> memref<128xi32, #tpu.memory_space<vmem>>
      %dma_start3A_389 = arith.constant 0 : i32
      %dma_start3A_390 = arith.constant 0 : i32
      %dma_start3A_391 = tpu.memref_slice %arg9[%dma_start3A_389, %dma_start3A_390] : memref<10240x16xf32, #tpu.memory_space<vmem_shared>> -> memref<10240x16xf32, #tpu.memory_space<vmem_shared>>
      tpu.enqueue_indirect_dma source(%dma_start3A_385 : memref<128x16xf32, #tpu.memory_space<vmem>>) target(%dma_start3A_391 : memref<10240x16xf32, #tpu.memory_space<vmem_shared>>) offsets(%dma_start3A_388 : memref<128xi32, #tpu.memory_space<vmem>>) semaphore(%arg24 : memref<!tpu.dma_semaphore, #tpu.memory_space<semaphore_mem>>) {add = true}
      %add3A_392 = arith.constant 4 : i32
      %add3A_393 = arith.addi %add3A_369, %add3A_392 : i32
      %lt3A_394 = arith.constant 80 : i32
      %lt3A_395 = arith.cmpi slt, %add3A_393, %lt3A_394 : i32
      %convert_element_type3A_396 = arith.extui %lt3A_395 : i1 to i32
      %cond3A_397 = arith.constant 0 : i32
      %cond3A_398 = arith.cmpi ne, %convert_element_type3A_396, %cond3A_397 : i32
      scf.if %cond3A_398 {
        %ge3A = arith.constant 4 : i32
        %ge3A_432 = arith.cmpi sge, %add3A_369, %ge3A : i32
        %convert_element_type3A_433 = arith.extui %ge3A_432 : i1 to i32
        %cond3A_434 = arith.constant 0 : i32
        %cond3A_435 = arith.cmpi ne, %convert_element_type3A_433, %cond3A_434 : i32
        scf.if %cond3A_435 {
          %sub3A = arith.constant 8 : i32
          %sub3A_447 = arith.subi %add3A_393, %sub3A : i32
          %dma_wait3A_448 = arith.constant 2 : i32
          %dma_wait3A_449 = arith.constant 0 : i32
          %dma_wait3A_450 = arith.constant 0 : i32
          %dma_wait3A_451 = tpu.memref_slice %arg8[%dma_wait3A_448, %dma_wait3A_449, %dma_wait3A_450] : memref<8x128x16xf32, #tpu.memory_space<vmem>> -> memref<1x128x16xf32, #tpu.memory_space<vmem>>
          %dma_wait3A_452 = tpu.memref_squeeze %dma_wait3A_451 : memref<1x128x16xf32, #tpu.memory_space<vmem>> -> memref<128x16xf32, #tpu.memory_space<vmem>>
          %dma_wait3A_453 = arith.constant 0 : i32
          %dma_wait3A_454 = tpu.memref_slice %arg7[%sub3A_447, %dma_wait3A_453] : memref<80x128xi32, #tpu.memory_space<vmem>> -> memref<1x128xi32, #tpu.memory_space<vmem>>
          %dma_wait3A_455 = tpu.memref_squeeze %dma_wait3A_454 : memref<1x128xi32, #tpu.memory_space<vmem>> -> memref<128xi32, #tpu.memory_space<vmem>>
          %dma_wait3A_456 = arith.constant 0 : i32
          %dma_wait3A_457 = arith.constant 0 : i32
          %dma_wait3A_458 = tpu.memref_slice %arg9[%dma_wait3A_456, %dma_wait3A_457] : memref<10240x16xf32, #tpu.memory_space<vmem_shared>> -> memref<10240x16xf32, #tpu.memory_space<vmem_shared>>
          tpu.wait_indirect_dma semaphore(%arg20 : memref<!tpu.dma_semaphore, #tpu.memory_space<semaphore_mem>>) src(%dma_wait3A_452 : memref<128x16xf32, #tpu.memory_space<vmem>>) dst(%dma_wait3A_458 : memref<10240x16xf32, #tpu.memory_space<vmem_shared>>)
        } else {
        }
        %dma_start3A_436 = arith.constant 2 : i32
        %dma_start3A_437 = arith.constant 0 : i32
        %dma_start3A_438 = arith.constant 0 : i32
        %dma_start3A_439 = tpu.memref_slice %arg8[%dma_start3A_436, %dma_start3A_437, %dma_start3A_438] : memref<8x128x16xf32, #tpu.memory_space<vmem>> -> memref<1x128x16xf32, #tpu.memory_space<vmem>>
        %dma_start3A_440 = tpu.memref_squeeze %dma_start3A_439 : memref<1x128x16xf32, #tpu.memory_space<vmem>> -> memref<128x16xf32, #tpu.memory_space<vmem>>
        %dma_start3A_441 = arith.constant 0 : i32
        %dma_start3A_442 = tpu.memref_slice %arg6[%add3A_393, %dma_start3A_441] : memref<80x128xi32, #tpu.memory_space<vmem>> -> memref<1x128xi32, #tpu.memory_space<vmem>>
        %dma_start3A_443 = tpu.memref_squeeze %dma_start3A_442 : memref<1x128xi32, #tpu.memory_space<vmem>> -> memref<128xi32, #tpu.memory_space<vmem>>
        %dma_start3A_444 = arith.constant 0 : i32
        %dma_start3A_445 = arith.constant 0 : i32
        %dma_start3A_446 = tpu.memref_slice %arg4[%dma_start3A_444, %dma_start3A_445] : memref<10000x16xf32, #tpu.memory_space<hbm>> -> memref<10000x16xf32, #tpu.memory_space<hbm>>
        tpu.enqueue_indirect_dma source(%dma_start3A_446 : memref<10000x16xf32, #tpu.memory_space<hbm>>) target(%dma_start3A_440 : memref<128x16xf32, #tpu.memory_space<vmem>>) offsets(%dma_start3A_443 : memref<128xi32, #tpu.memory_space<vmem>>) semaphore(%arg12 : memref<!tpu.dma_semaphore, #tpu.memory_space<semaphore_mem>>)
      } else {
      }
      %mul3A_399 = arith.constant 8 : i32
      %mul3A_400 = arith.muli %add3A_170, %mul3A_399 : i32
      %add3A_401 = arith.constant 7 : i32
      %add3A_402 = arith.addi %mul3A_400, %add3A_401 : i32
      %dma_wait3A_403 = arith.constant 7 : i32
      %dma_wait3A_404 = arith.constant 0 : i32
      %dma_wait3A_405 = arith.constant 0 : i32
      %dma_wait3A_406 = tpu.memref_slice %arg8[%dma_wait3A_403, %dma_wait3A_404, %dma_wait3A_405] : memref<8x128x16xf32, #tpu.memory_space<vmem>> -> memref<1x128x16xf32, #tpu.memory_space<vmem>>
      %dma_wait3A_407 = tpu.memref_squeeze %dma_wait3A_406 : memref<1x128x16xf32, #tpu.memory_space<vmem>> -> memref<128x16xf32, #tpu.memory_space<vmem>>
      %dma_wait3A_408 = arith.constant 0 : i32
      %dma_wait3A_409 = tpu.memref_slice %arg6[%add3A_402, %dma_wait3A_408] : memref<80x128xi32, #tpu.memory_space<vmem>> -> memref<1x128xi32, #tpu.memory_space<vmem>>
      %dma_wait3A_410 = tpu.memref_squeeze %dma_wait3A_409 : memref<1x128xi32, #tpu.memory_space<vmem>> -> memref<128xi32, #tpu.memory_space<vmem>>
      %dma_wait3A_411 = arith.constant 0 : i32
      %dma_wait3A_412 = arith.constant 0 : i32
      %dma_wait3A_413 = tpu.memref_slice %arg4[%dma_wait3A_411, %dma_wait3A_412] : memref<10000x16xf32, #tpu.memory_space<hbm>> -> memref<10000x16xf32, #tpu.memory_space<hbm>>
      tpu.wait_indirect_dma semaphore(%arg17 : memref<!tpu.dma_semaphore, #tpu.memory_space<semaphore_mem>>) src(%dma_wait3A_413 : memref<10000x16xf32, #tpu.memory_space<hbm>>) dst(%dma_wait3A_407 : memref<128x16xf32, #tpu.memory_space<vmem>>)
      %dma_start3A_414 = arith.constant 7 : i32
      %dma_start3A_415 = arith.constant 0 : i32
      %dma_start3A_416 = arith.constant 0 : i32
      %dma_start3A_417 = tpu.memref_slice %arg8[%dma_start3A_414, %dma_start3A_415, %dma_start3A_416] : memref<8x128x16xf32, #tpu.memory_space<vmem>> -> memref<1x128x16xf32, #tpu.memory_space<vmem>>
      %dma_start3A_418 = tpu.memref_squeeze %dma_start3A_417 : memref<1x128x16xf32, #tpu.memory_space<vmem>> -> memref<128x16xf32, #tpu.memory_space<vmem>>
      %dma_start3A_419 = arith.constant 0 : i32
      %dma_start3A_420 = tpu.memref_slice %arg7[%add3A_402, %dma_start3A_419] : memref<80x128xi32, #tpu.memory_space<vmem>> -> memref<1x128xi32, #tpu.memory_space<vmem>>
      %dma_start3A_421 = tpu.memref_squeeze %dma_start3A_420 : memref<1x128xi32, #tpu.memory_space<vmem>> -> memref<128xi32, #tpu.memory_space<vmem>>
      %dma_start3A_422 = arith.constant 0 : i32
      %dma_start3A_423 = arith.constant 0 : i32
      %dma_start3A_424 = tpu.memref_slice %arg9[%dma_start3A_422, %dma_start3A_423] : memref<10240x16xf32, #tpu.memory_space<vmem_shared>> -> memref<10240x16xf32, #tpu.memory_space<vmem_shared>>
      tpu.enqueue_indirect_dma source(%dma_start3A_418 : memref<128x16xf32, #tpu.memory_space<vmem>>) target(%dma_start3A_424 : memref<10240x16xf32, #tpu.memory_space<vmem_shared>>) offsets(%dma_start3A_421 : memref<128xi32, #tpu.memory_space<vmem>>) semaphore(%arg25 : memref<!tpu.dma_semaphore, #tpu.memory_space<semaphore_mem>>) {add = true}
      %add3A_425 = arith.constant 4 : i32
      %add3A_426 = arith.addi %add3A_402, %add3A_425 : i32
      %lt3A_427 = arith.constant 80 : i32
      %lt3A_428 = arith.cmpi slt, %add3A_426, %lt3A_427 : i32
      %convert_element_type3A_429 = arith.extui %lt3A_428 : i1 to i32
      %cond3A_430 = arith.constant 0 : i32
      %cond3A_431 = arith.cmpi ne, %convert_element_type3A_429, %cond3A_430 : i32
      scf.if %cond3A_431 {
        %ge3A = arith.constant 4 : i32
        %ge3A_432 = arith.cmpi sge, %add3A_402, %ge3A : i32
        %convert_element_type3A_433 = arith.extui %ge3A_432 : i1 to i32
        %cond3A_434 = arith.constant 0 : i32
        %cond3A_435 = arith.cmpi ne, %convert_element_type3A_433, %cond3A_434 : i32
        scf.if %cond3A_435 {
          %sub3A = arith.constant 8 : i32
          %sub3A_447 = arith.subi %add3A_426, %sub3A : i32
          %dma_wait3A_448 = arith.constant 3 : i32
          %dma_wait3A_449 = arith.constant 0 : i32
          %dma_wait3A_450 = arith.constant 0 : i32
          %dma_wait3A_451 = tpu.memref_slice %arg8[%dma_wait3A_448, %dma_wait3A_449, %dma_wait3A_450] : memref<8x128x16xf32, #tpu.memory_space<vmem>> -> memref<1x128x16xf32, #tpu.memory_space<vmem>>
          %dma_wait3A_452 = tpu.memref_squeeze %dma_wait3A_451 : memref<1x128x16xf32, #tpu.memory_space<vmem>> -> memref<128x16xf32, #tpu.memory_space<vmem>>
          %dma_wait3A_453 = arith.constant 0 : i32
          %dma_wait3A_454 = tpu.memref_slice %arg7[%sub3A_447, %dma_wait3A_453] : memref<80x128xi32, #tpu.memory_space<vmem>> -> memref<1x128xi32, #tpu.memory_space<vmem>>
          %dma_wait3A_455 = tpu.memref_squeeze %dma_wait3A_454 : memref<1x128xi32, #tpu.memory_space<vmem>> -> memref<128xi32, #tpu.memory_space<vmem>>
          %dma_wait3A_456 = arith.constant 0 : i32
          %dma_wait3A_457 = arith.constant 0 : i32
          %dma_wait3A_458 = tpu.memref_slice %arg9[%dma_wait3A_456, %dma_wait3A_457] : memref<10240x16xf32, #tpu.memory_space<vmem_shared>> -> memref<10240x16xf32, #tpu.memory_space<vmem_shared>>
          tpu.wait_indirect_dma semaphore(%arg21 : memref<!tpu.dma_semaphore, #tpu.memory_space<semaphore_mem>>) src(%dma_wait3A_452 : memref<128x16xf32, #tpu.memory_space<vmem>>) dst(%dma_wait3A_458 : memref<10240x16xf32, #tpu.memory_space<vmem_shared>>)
        } else {
        }
        %dma_start3A_436 = arith.constant 3 : i32
        %dma_start3A_437 = arith.constant 0 : i32
        %dma_start3A_438 = arith.constant 0 : i32
        %dma_start3A_439 = tpu.memref_slice %arg8[%dma_start3A_436, %dma_start3A_437, %dma_start3A_438] : memref<8x128x16xf32, #tpu.memory_space<vmem>> -> memref<1x128x16xf32, #tpu.memory_space<vmem>>
        %dma_start3A_440 = tpu.memref_squeeze %dma_start3A_439 : memref<1x128x16xf32, #tpu.memory_space<vmem>> -> memref<128x16xf32, #tpu.memory_space<vmem>>
        %dma_start3A_441 = arith.constant 0 : i32
        %dma_start3A_442 = tpu.memref_slice %arg6[%add3A_426, %dma_start3A_441] : memref<80x128xi32, #tpu.memory_space<vmem>> -> memref<1x128xi32, #tpu.memory_space<vmem>>
        %dma_start3A_443 = tpu.memref_squeeze %dma_start3A_442 : memref<1x128xi32, #tpu.memory_space<vmem>> -> memref<128xi32, #tpu.memory_space<vmem>>
        %dma_start3A_444 = arith.constant 0 : i32
        %dma_start3A_445 = arith.constant 0 : i32
        %dma_start3A_446 = tpu.memref_slice %arg4[%dma_start3A_444, %dma_start3A_445] : memref<10000x16xf32, #tpu.memory_space<hbm>> -> memref<10000x16xf32, #tpu.memory_space<hbm>>
        tpu.enqueue_indirect_dma source(%dma_start3A_446 : memref<10000x16xf32, #tpu.memory_space<hbm>>) target(%dma_start3A_440 : memref<128x16xf32, #tpu.memory_space<vmem>>) offsets(%dma_start3A_443 : memref<128xi32, #tpu.memory_space<vmem>>) semaphore(%arg13 : memref<!tpu.dma_semaphore, #tpu.memory_space<semaphore_mem>>)
      } else {
      }
    }
    %scan3A_67 = arith.constant 10 : i32
    %dma_wait3A = arith.constant 0 : i32
    %dma_wait3A_68 = arith.constant 72 : i32
    %dma_wait3A_69 = arith.constant 0 : i32
    %dma_wait3A_70 = arith.constant 0 : i32
    %dma_wait3A_71 = tpu.memref_slice %arg8[%dma_wait3A, %dma_wait3A_69, %dma_wait3A_70] : memref<8x128x16xf32, #tpu.memory_space<vmem>> -> memref<1x128x16xf32, #tpu.memory_space<vmem>>
    %dma_wait3A_72 = tpu.memref_squeeze %dma_wait3A_71 : memref<1x128x16xf32, #tpu.memory_space<vmem>> -> memref<128x16xf32, #tpu.memory_space<vmem>>
    %dma_wait3A_73 = arith.constant 0 : i32
    %dma_wait3A_74 = tpu.memref_slice %arg7[%dma_wait3A_68, %dma_wait3A_73] : memref<80x128xi32, #tpu.memory_space<vmem>> -> memref<1x128xi32, #tpu.memory_space<vmem>>
    %dma_wait3A_75 = tpu.memref_squeeze %dma_wait3A_74 : memref<1x128xi32, #tpu.memory_space<vmem>> -> memref<128xi32, #tpu.memory_space<vmem>>
    %dma_wait3A_76 = arith.constant 0 : i32
    %dma_wait3A_77 = arith.constant 0 : i32
    %dma_wait3A_78 = tpu.memref_slice %arg9[%dma_wait3A_76, %dma_wait3A_77] : memref<10240x16xf32, #tpu.memory_space<vmem_shared>> -> memref<10240x16xf32, #tpu.memory_space<vmem_shared>>
    tpu.wait_indirect_dma semaphore(%arg18 : memref<!tpu.dma_semaphore, #tpu.memory_space<semaphore_mem>>) src(%dma_wait3A_72 : memref<128x16xf32, #tpu.memory_space<vmem>>) dst(%dma_wait3A_78 : memref<10240x16xf32, #tpu.memory_space<vmem_shared>>)
    %dma_wait3A_79 = arith.constant 1 : i32
    %dma_wait3A_80 = arith.constant 73 : i32
    %dma_wait3A_81 = arith.constant 0 : i32
    %dma_wait3A_82 = arith.constant 0 : i32
    %dma_wait3A_83 = tpu.memref_slice %arg8[%dma_wait3A_79, %dma_wait3A_81, %dma_wait3A_82] : memref<8x128x16xf32, #tpu.memory_space<vmem>> -> memref<1x128x16xf32, #tpu.memory_space<vmem>>
    %dma_wait3A_84 = tpu.memref_squeeze %dma_wait3A_83 : memref<1x128x16xf32, #tpu.memory_space<vmem>> -> memref<128x16xf32, #tpu.memory_space<vmem>>
    %dma_wait3A_85 = arith.constant 0 : i32
    %dma_wait3A_86 = tpu.memref_slice %arg7[%dma_wait3A_80, %dma_wait3A_85] : memref<80x128xi32, #tpu.memory_space<vmem>> -> memref<1x128xi32, #tpu.memory_space<vmem>>
    %dma_wait3A_87 = tpu.memref_squeeze %dma_wait3A_86 : memref<1x128xi32, #tpu.memory_space<vmem>> -> memref<128xi32, #tpu.memory_space<vmem>>
    %dma_wait3A_88 = arith.constant 0 : i32
    %dma_wait3A_89 = arith.constant 0 : i32
    %dma_wait3A_90 = tpu.memref_slice %arg9[%dma_wait3A_88, %dma_wait3A_89] : memref<10240x16xf32, #tpu.memory_space<vmem_shared>> -> memref<10240x16xf32, #tpu.memory_space<vmem_shared>>
    tpu.wait_indirect_dma semaphore(%arg19 : memref<!tpu.dma_semaphore, #tpu.memory_space<semaphore_mem>>) src(%dma_wait3A_84 : memref<128x16xf32, #tpu.memory_space<vmem>>) dst(%dma_wait3A_90 : memref<10240x16xf32, #tpu.memory_space<vmem_shared>>)
    %dma_wait3A_91 = arith.constant 2 : i32
    %dma_wait3A_92 = arith.constant 74 : i32
    %dma_wait3A_93 = arith.constant 0 : i32
    %dma_wait3A_94 = arith.constant 0 : i32
    %dma_wait3A_95 = tpu.memref_slice %arg8[%dma_wait3A_91, %dma_wait3A_93, %dma_wait3A_94] : memref<8x128x16xf32, #tpu.memory_space<vmem>> -> memref<1x128x16xf32, #tpu.memory_space<vmem>>
    %dma_wait3A_96 = tpu.memref_squeeze %dma_wait3A_95 : memref<1x128x16xf32, #tpu.memory_space<vmem>> -> memref<128x16xf32, #tpu.memory_space<vmem>>
    %dma_wait3A_97 = arith.constant 0 : i32
    %dma_wait3A_98 = tpu.memref_slice %arg7[%dma_wait3A_92, %dma_wait3A_97] : memref<80x128xi32, #tpu.memory_space<vmem>> -> memref<1x128xi32, #tpu.memory_space<vmem>>
    %dma_wait3A_99 = tpu.memref_squeeze %dma_wait3A_98 : memref<1x128xi32, #tpu.memory_space<vmem>> -> memref<128xi32, #tpu.memory_space<vmem>>
    %dma_wait3A_100 = arith.constant 0 : i32
    %dma_wait3A_101 = arith.constant 0 : i32
    %dma_wait3A_102 = tpu.memref_slice %arg9[%dma_wait3A_100, %dma_wait3A_101] : memref<10240x16xf32, #tpu.memory_space<vmem_shared>> -> memref<10240x16xf32, #tpu.memory_space<vmem_shared>>
    tpu.wait_indirect_dma semaphore(%arg20 : memref<!tpu.dma_semaphore, #tpu.memory_space<semaphore_mem>>) src(%dma_wait3A_96 : memref<128x16xf32, #tpu.memory_space<vmem>>) dst(%dma_wait3A_102 : memref<10240x16xf32, #tpu.memory_space<vmem_shared>>)
    %dma_wait3A_103 = arith.constant 3 : i32
    %dma_wait3A_104 = arith.constant 75 : i32
    %dma_wait3A_105 = arith.constant 0 : i32
    %dma_wait3A_106 = arith.constant 0 : i32
    %dma_wait3A_107 = tpu.memref_slice %arg8[%dma_wait3A_103, %dma_wait3A_105, %dma_wait3A_106] : memref<8x128x16xf32, #tpu.memory_space<vmem>> -> memref<1x128x16xf32, #tpu.memory_space<vmem>>
    %dma_wait3A_108 = tpu.memref_squeeze %dma_wait3A_107 : memref<1x128x16xf32, #tpu.memory_space<vmem>> -> memref<128x16xf32, #tpu.memory_space<vmem>>
    %dma_wait3A_109 = arith.constant 0 : i32
    %dma_wait3A_110 = tpu.memref_slice %arg7[%dma_wait3A_104, %dma_wait3A_109] : memref<80x128xi32, #tpu.memory_space<vmem>> -> memref<1x128xi32, #tpu.memory_space<vmem>>
    %dma_wait3A_111 = tpu.memref_squeeze %dma_wait3A_110 : memref<1x128xi32, #tpu.memory_space<vmem>> -> memref<128xi32, #tpu.memory_space<vmem>>
    %dma_wait3A_112 = arith.constant 0 : i32
    %dma_wait3A_113 = arith.constant 0 : i32
    %dma_wait3A_114 = tpu.memref_slice %arg9[%dma_wait3A_112, %dma_wait3A_113] : memref<10240x16xf32, #tpu.memory_space<vmem_shared>> -> memref<10240x16xf32, #tpu.memory_space<vmem_shared>>
    tpu.wait_indirect_dma semaphore(%arg21 : memref<!tpu.dma_semaphore, #tpu.memory_space<semaphore_mem>>) src(%dma_wait3A_108 : memref<128x16xf32, #tpu.memory_space<vmem>>) dst(%dma_wait3A_114 : memref<10240x16xf32, #tpu.memory_space<vmem_shared>>)
    %dma_wait3A_115 = arith.constant 4 : i32
    %dma_wait3A_116 = arith.constant 76 : i32
    %dma_wait3A_117 = arith.constant 0 : i32
    %dma_wait3A_118 = arith.constant 0 : i32
    %dma_wait3A_119 = tpu.memref_slice %arg8[%dma_wait3A_115, %dma_wait3A_117, %dma_wait3A_118] : memref<8x128x16xf32, #tpu.memory_space<vmem>> -> memref<1x128x16xf32, #tpu.memory_space<vmem>>
    %dma_wait3A_120 = tpu.memref_squeeze %dma_wait3A_119 : memref<1x128x16xf32, #tpu.memory_space<vmem>> -> memref<128x16xf32, #tpu.memory_space<vmem>>
    %dma_wait3A_121 = arith.constant 0 : i32
    %dma_wait3A_122 = tpu.memref_slice %arg7[%dma_wait3A_116, %dma_wait3A_121] : memref<80x128xi32, #tpu.memory_space<vmem>> -> memref<1x128xi32, #tpu.memory_space<vmem>>
    %dma_wait3A_123 = tpu.memref_squeeze %dma_wait3A_122 : memref<1x128xi32, #tpu.memory_space<vmem>> -> memref<128xi32, #tpu.memory_space<vmem>>
    %dma_wait3A_124 = arith.constant 0 : i32
    %dma_wait3A_125 = arith.constant 0 : i32
    %dma_wait3A_126 = tpu.memref_slice %arg9[%dma_wait3A_124, %dma_wait3A_125] : memref<10240x16xf32, #tpu.memory_space<vmem_shared>> -> memref<10240x16xf32, #tpu.memory_space<vmem_shared>>
    tpu.wait_indirect_dma semaphore(%arg22 : memref<!tpu.dma_semaphore, #tpu.memory_space<semaphore_mem>>) src(%dma_wait3A_120 : memref<128x16xf32, #tpu.memory_space<vmem>>) dst(%dma_wait3A_126 : memref<10240x16xf32, #tpu.memory_space<vmem_shared>>)
    %dma_wait3A_127 = arith.constant 5 : i32
    %dma_wait3A_128 = arith.constant 77 : i32
    %dma_wait3A_129 = arith.constant 0 : i32
    %dma_wait3A_130 = arith.constant 0 : i32
    %dma_wait3A_131 = tpu.memref_slice %arg8[%dma_wait3A_127, %dma_wait3A_129, %dma_wait3A_130] : memref<8x128x16xf32, #tpu.memory_space<vmem>> -> memref<1x128x16xf32, #tpu.memory_space<vmem>>
    %dma_wait3A_132 = tpu.memref_squeeze %dma_wait3A_131 : memref<1x128x16xf32, #tpu.memory_space<vmem>> -> memref<128x16xf32, #tpu.memory_space<vmem>>
    %dma_wait3A_133 = arith.constant 0 : i32
    %dma_wait3A_134 = tpu.memref_slice %arg7[%dma_wait3A_128, %dma_wait3A_133] : memref<80x128xi32, #tpu.memory_space<vmem>> -> memref<1x128xi32, #tpu.memory_space<vmem>>
    %dma_wait3A_135 = tpu.memref_squeeze %dma_wait3A_134 : memref<1x128xi32, #tpu.memory_space<vmem>> -> memref<128xi32, #tpu.memory_space<vmem>>
    %dma_wait3A_136 = arith.constant 0 : i32
    %dma_wait3A_137 = arith.constant 0 : i32
    %dma_wait3A_138 = tpu.memref_slice %arg9[%dma_wait3A_136, %dma_wait3A_137] : memref<10240x16xf32, #tpu.memory_space<vmem_shared>> -> memref<10240x16xf32, #tpu.memory_space<vmem_shared>>
    tpu.wait_indirect_dma semaphore(%arg23 : memref<!tpu.dma_semaphore, #tpu.memory_space<semaphore_mem>>) src(%dma_wait3A_132 : memref<128x16xf32, #tpu.memory_space<vmem>>) dst(%dma_wait3A_138 : memref<10240x16xf32, #tpu.memory_space<vmem_shared>>)
    %dma_wait3A_139 = arith.constant 6 : i32
    %dma_wait3A_140 = arith.constant 78 : i32
    %dma_wait3A_141 = arith.constant 0 : i32
    %dma_wait3A_142 = arith.constant 0 : i32
    %dma_wait3A_143 = tpu.memref_slice %arg8[%dma_wait3A_139, %dma_wait3A_141, %dma_wait3A_142] : memref<8x128x16xf32, #tpu.memory_space<vmem>> -> memref<1x128x16xf32, #tpu.memory_space<vmem>>
    %dma_wait3A_144 = tpu.memref_squeeze %dma_wait3A_143 : memref<1x128x16xf32, #tpu.memory_space<vmem>> -> memref<128x16xf32, #tpu.memory_space<vmem>>
    %dma_wait3A_145 = arith.constant 0 : i32
    %dma_wait3A_146 = tpu.memref_slice %arg7[%dma_wait3A_140, %dma_wait3A_145] : memref<80x128xi32, #tpu.memory_space<vmem>> -> memref<1x128xi32, #tpu.memory_space<vmem>>
    %dma_wait3A_147 = tpu.memref_squeeze %dma_wait3A_146 : memref<1x128xi32, #tpu.memory_space<vmem>> -> memref<128xi32, #tpu.memory_space<vmem>>
    %dma_wait3A_148 = arith.constant 0 : i32
    %dma_wait3A_149 = arith.constant 0 : i32
    %dma_wait3A_150 = tpu.memref_slice %arg9[%dma_wait3A_148, %dma_wait3A_149] : memref<10240x16xf32, #tpu.memory_space<vmem_shared>> -> memref<10240x16xf32, #tpu.memory_space<vmem_shared>>
    tpu.wait_indirect_dma semaphore(%arg24 : memref<!tpu.dma_semaphore, #tpu.memory_space<semaphore_mem>>) src(%dma_wait3A_144 : memref<128x16xf32, #tpu.memory_space<vmem>>) dst(%dma_wait3A_150 : memref<10240x16xf32, #tpu.memory_space<vmem_shared>>)
    %dma_wait3A_151 = arith.constant 7 : i32
    %dma_wait3A_152 = arith.constant 79 : i32
    %dma_wait3A_153 = arith.constant 0 : i32
    %dma_wait3A_154 = arith.constant 0 : i32
    %dma_wait3A_155 = tpu.memref_slice %arg8[%dma_wait3A_151, %dma_wait3A_153, %dma_wait3A_154] : memref<8x128x16xf32, #tpu.memory_space<vmem>> -> memref<1x128x16xf32, #tpu.memory_space<vmem>>
    %dma_wait3A_156 = tpu.memref_squeeze %dma_wait3A_155 : memref<1x128x16xf32, #tpu.memory_space<vmem>> -> memref<128x16xf32, #tpu.memory_space<vmem>>
    %dma_wait3A_157 = arith.constant 0 : i32
    %dma_wait3A_158 = tpu.memref_slice %arg7[%dma_wait3A_152, %dma_wait3A_157] : memref<80x128xi32, #tpu.memory_space<vmem>> -> memref<1x128xi32, #tpu.memory_space<vmem>>
    %dma_wait3A_159 = tpu.memref_squeeze %dma_wait3A_158 : memref<1x128xi32, #tpu.memory_space<vmem>> -> memref<128xi32, #tpu.memory_space<vmem>>
    %dma_wait3A_160 = arith.constant 0 : i32
    %dma_wait3A_161 = arith.constant 0 : i32
    %dma_wait3A_162 = tpu.memref_slice %arg9[%dma_wait3A_160, %dma_wait3A_161] : memref<10240x16xf32, #tpu.memory_space<vmem_shared>> -> memref<10240x16xf32, #tpu.memory_space<vmem_shared>>
    tpu.wait_indirect_dma semaphore(%arg25 : memref<!tpu.dma_semaphore, #tpu.memory_space<semaphore_mem>>) src(%dma_wait3A_156 : memref<128x16xf32, #tpu.memory_space<vmem>>) dst(%dma_wait3A_162 : memref<10240x16xf32, #tpu.memory_space<vmem_shared>>)
    %barrier3A_163 = arith.constant 0 : index
    tpu.barrier barrier_id(%barrier3A_163)
    %mul3A_164 = arith.constant 640 : i32
    %mul3A_165 = arith.muli %arg1, %mul3A_164 : i32
    "tpu.region"() ({
      %run_scoped3A = tpu.sem_alloc : memref<!tpu.dma_semaphore, #tpu.memory_space<semaphore_mem>>
      %dma_start3A_166 = arith.constant 0 : i32
      %dma_start3A_167 = tpu.memref_slice %arg5[%arg0, %mul3A_165, %dma_start3A_166] : memref<2x10240x16xf32, #tpu.memory_space<hbm>> -> memref<1x640x16xf32, #tpu.memory_space<hbm>>
      %dma_start3A_168 = tpu.memref_squeeze %dma_start3A_167 : memref<1x640x16xf32, #tpu.memory_space<hbm>> -> memref<640x16xf32, #tpu.memory_space<hbm>>
      %dma_start3A_169 = arith.constant 0 : i32
      %dma_start3A_170 = tpu.memref_slice %arg9[%mul3A_165, %dma_start3A_169] : memref<10240x16xf32, #tpu.memory_space<vmem_shared>> -> memref<640x16xf32, #tpu.memory_space<vmem_shared>>
      tpu.enqueue_dma source(%dma_start3A_170 : memref<640x16xf32, #tpu.memory_space<vmem_shared>>) target(%dma_start3A_168 : memref<640x16xf32, #tpu.memory_space<hbm>>) target_semaphore(%run_scoped3A : memref<!tpu.dma_semaphore, #tpu.memory_space<semaphore_mem>>)
      %dma_wait3A_171 = arith.constant 0 : i32
      %dma_wait3A_172 = tpu.memref_slice %arg5[%arg0, %mul3A_165, %dma_wait3A_171] : memref<2x10240x16xf32, #tpu.memory_space<hbm>> -> memref<1x640x16xf32, #tpu.memory_space<hbm>>
      %dma_wait3A_173 = tpu.memref_squeeze %dma_wait3A_172 : memref<1x640x16xf32, #tpu.memory_space<hbm>> -> memref<640x16xf32, #tpu.memory_space<hbm>>
      %dma_wait3A_174 = arith.constant 0 : i32
      %dma_wait3A_175 = tpu.memref_slice %arg9[%mul3A_165, %dma_wait3A_174] : memref<10240x16xf32, #tpu.memory_space<vmem_shared>> -> memref<640x16xf32, #tpu.memory_space<vmem_shared>>
      tpu.wait_dma2 semaphore(%run_scoped3A : memref<!tpu.dma_semaphore, #tpu.memory_space<semaphore_mem>>) src(%dma_wait3A_175 : memref<640x16xf32, #tpu.memory_space<vmem_shared>>) dst(%dma_wait3A_173 : memref<640x16xf32, #tpu.memory_space<hbm>>)
      tpu.yield
    }) : () -> ()
    return
  }
}

#map = affine_map<(d0, d1) -> (0, 0)>
#map1 = affine_map<(d0, d1) -> (0, 0, 0)>
module attributes {stable_mosaic.version = 14 : i64} {
  func.func @sk(%arg0: i32, %arg1: i32, %arg2: memref<2560x128xi32, #tpu.memory_space<hbm>>, %arg3: memref<2560x128xi32, #tpu.memory_space<hbm>>, %arg4: memref<10000x64xf32, #tpu.memory_space<hbm>>, %arg5: memref<2x10240x64xf32, #tpu.memory_space<hbm>>, %arg6: memref<80x128xi32, #tpu.memory_space<vmem>>, %arg7: memref<80x128xi32, #tpu.memory_space<vmem>>, %arg8: memref<8x128x64xf32, #tpu.memory_space<vmem>>, %arg9: memref<10240x64xf32, #tpu.memory_space<vmem_shared>>, %arg10: memref<!tpu.dma_semaphore, #tpu.memory_space<semaphore_mem>>, %arg11: memref<!tpu.dma_semaphore, #tpu.memory_space<semaphore_mem>>, %arg12: memref<!tpu.dma_semaphore, #tpu.memory_space<semaphore_mem>>, %arg13: memref<!tpu.dma_semaphore, #tpu.memory_space<semaphore_mem>>, %arg14: memref<!tpu.dma_semaphore, #tpu.memory_space<semaphore_mem>>, %arg15: memref<!tpu.dma_semaphore, #tpu.memory_space<semaphore_mem>>, %arg16: memref<!tpu.dma_semaphore, #tpu.memory_space<semaphore_mem>>, %arg17: memref<!tpu.dma_semaphore, #tpu.memory_space<semaphore_mem>>, %arg18: memref<!tpu.dma_semaphore, #tpu.memory_space<semaphore_mem>>, %arg19: memref<!tpu.dma_semaphore, #tpu.memory_space<semaphore_mem>>, %arg20: memref<!tpu.dma_semaphore, #tpu.memory_space<semaphore_mem>>, %arg21: memref<!tpu.dma_semaphore, #tpu.memory_space<semaphore_mem>>, %arg22: memref<!tpu.dma_semaphore, #tpu.memory_space<semaphore_mem>>, %arg23: memref<!tpu.dma_semaphore, #tpu.memory_space<semaphore_mem>>, %arg24: memref<!tpu.dma_semaphore, #tpu.memory_space<semaphore_mem>>, %arg25: memref<!tpu.dma_semaphore, #tpu.memory_space<semaphore_mem>>) attributes {dimension_semantics = [#tpu.dimension_semantics<core_parallel>, #tpu.dimension_semantics<subcore_parallel>], iteration_bounds = array<i64: 2, 16>, scalar_prefetch = 0 : i64, scratch_operands = 20 : i64, tpu.core_type = #tpu.core_type<sc_vector_subcore>, window_params = [{transform_indices = #map}, {transform_indices = #map}, {transform_indices = #map}, {transform_indices = #map1}]} {
    %mul3A = arith.constant 16 : i32
    %mul3A_0 = arith.muli %arg0, %mul3A : i32
    %add3A = arith.addi %mul3A_0, %arg1 : i32
    %scan3A = arith.constant 0 : i32
    %scan3A_1 = arith.constant 128 : i32
    %scan3A_2 = arith.addi %scan3A, %scan3A_1 : i32
    %scan3A_3 = arith.constant 1 : i32
    scf.for %scan3A_166 = %scan3A to %scan3A_2 step %scan3A_3  : i32 {
      %mul3A_167 = arith.constant 1 : i32
      %mul3A_168 = arith.muli %scan3A_166, %mul3A_167 : i32
      %add3A_169 = arith.constant 0 : i32
      %add3A_170 = arith.addi %add3A_169, %mul3A_168 : i32
      %broadcast_in_dim3A = arith.constant 0.000000e+00 : f32
      %broadcast_in_dim3A_171 = vector.broadcast %broadcast_in_dim3A : f32 to vector<16xf32>
      %swap3A = arith.constant 0 : i32
      %swap3A_172 = arith.index_cast %swap3A : i32 to index
      %swap3A_173 = arith.index_cast %add3A_170 : i32 to index
      %swap3A_174 = arith.constant 0 : index
      %swap3A_175 = tpu.vector_load %arg8[%swap3A_172, %swap3A_173, %swap3A_174] {strides = array<i32>} : memref<8x128x64xf32, #tpu.memory_space<vmem>>, vector<16xf32>,
      tpu.vector_store %arg8[%swap3A_172, %swap3A_173, %swap3A_174], %broadcast_in_dim3A_171 {strides = array<i32>} : memref<8x128x64xf32, #tpu.memory_space<vmem>>, vector<16xf32>,
      %broadcast_in_dim3A_176 = arith.constant 0.000000e+00 : f32
      %broadcast_in_dim3A_177 = vector.broadcast %broadcast_in_dim3A_176 : f32 to vector<16xf32>
      %swap3A_178 = arith.constant 0 : i32
      %swap3A_179 = arith.index_cast %swap3A_178 : i32 to index
      %swap3A_180 = arith.index_cast %add3A_170 : i32 to index
      %swap3A_181 = arith.constant 16 : index
      %swap3A_182 = tpu.vector_load %arg8[%swap3A_179, %swap3A_180, %swap3A_181] {strides = array<i32>} : memref<8x128x64xf32, #tpu.memory_space<vmem>>, vector<16xf32>,
      tpu.vector_store %arg8[%swap3A_179, %swap3A_180, %swap3A_181], %broadcast_in_dim3A_177 {strides = array<i32>} : memref<8x128x64xf32, #tpu.memory_space<vmem>>, vector<16xf32>,
      %broadcast_in_dim3A_183 = arith.constant 0.000000e+00 : f32
      %broadcast_in_dim3A_184 = vector.broadcast %broadcast_in_dim3A_183 : f32 to vector<16xf32>
      %swap3A_185 = arith.constant 0 : i32
      %swap3A_186 = arith.index_cast %swap3A_185 : i32 to index
      %swap3A_187 = arith.index_cast %add3A_170 : i32 to index
      %swap3A_188 = arith.constant 32 : index
      %swap3A_189 = tpu.vector_load %arg8[%swap3A_186, %swap3A_187, %swap3A_188] {strides = array<i32>} : memref<8x128x64xf32, #tpu.memory_space<vmem>>, vector<16xf32>,
      tpu.vector_store %arg8[%swap3A_186, %swap3A_187, %swap3A_188], %broadcast_in_dim3A_184 {strides = array<i32>} : memref<8x128x64xf32, #tpu.memory_space<vmem>>, vector<16xf32>,
      %broadcast_in_dim3A_190 = arith.constant 0.000000e+00 : f32
      %broadcast_in_dim3A_191 = vector.broadcast %broadcast_in_dim3A_190 : f32 to vector<16xf32>
      %swap3A_192 = arith.constant 0 : i32
      %swap3A_193 = arith.index_cast %swap3A_192 : i32 to index
      %swap3A_194 = arith.index_cast %add3A_170 : i32 to index
      %swap3A_195 = arith.constant 48 : index
      %swap3A_196 = tpu.vector_load %arg8[%swap3A_193, %swap3A_194, %swap3A_195] {strides = array<i32>} : memref<8x128x64xf32, #tpu.memory_space<vmem>>, vector<16xf32>,
      tpu.vector_store %arg8[%swap3A_193, %swap3A_194, %swap3A_195], %broadcast_in_dim3A_191 {strides = array<i32>} : memref<8x128x64xf32, #tpu.memory_space<vmem>>, vector<16xf32>,
    }
    %scan3A_4 = arith.constant 128 : i32
    %mul3A_5 = arith.constant 640 : i32
    %mul3A_6 = arith.muli %arg1, %mul3A_5 : i32
    %scan3A_7 = arith.constant 0 : i32
    %scan3A_8 = arith.constant 5 : i32
    %scan3A_9 = arith.addi %scan3A_7, %scan3A_8 : i32
    %scan3A_10 = arith.constant 1 : i32
    scf.for %scan3A_166 = %scan3A_7 to %scan3A_9 step %scan3A_10  : i32 {
      %mul3A_167 = arith.constant 1 : i32
      %mul3A_168 = arith.muli %scan3A_166, %mul3A_167 : i32
      %add3A_169 = arith.constant 0 : i32
      %add3A_170 = arith.addi %add3A_169, %mul3A_168 : i32
      %mul3A_171 = arith.constant 128 : i32
      %mul3A_172 = arith.muli %add3A_170, %mul3A_171 : i32
      %add3A_173 = arith.addi %mul3A_6, %mul3A_172 : i32
      %run_scoped3A = arith.constant 0 : i32
      "tpu.region"() ({
        %run_scoped3A_174 = tpu.sem_alloc : memref<!tpu.dma_semaphore, #tpu.memory_space<semaphore_mem>>
        %dma_start3A_175 = arith.constant 0 : i32
        %dma_start3A_176 = arith.constant 0 : i32
        %dma_start3A_177 = tpu.memref_slice %arg8[%run_scoped3A, %dma_start3A_175, %dma_start3A_176] : memref<8x128x64xf32, #tpu.memory_space<vmem>> -> memref<1x128x64xf32, #tpu.memory_space<vmem>>
        %dma_start3A_178 = tpu.memref_squeeze %dma_start3A_177 : memref<1x128x64xf32, #tpu.memory_space<vmem>> -> memref<128x64xf32, #tpu.memory_space<vmem>>
        %dma_start3A_179 = arith.constant 0 : i32
        %dma_start3A_180 = tpu.memref_slice %arg9[%add3A_173, %dma_start3A_179] : memref<10240x64xf32, #tpu.memory_space<vmem_shared>> -> memref<128x64xf32, #tpu.memory_space<vmem_shared>>
        %dma_start3A_181 = arith.constant 0 : i32
        %dma_start3A_182 = tpu.memref_slice %arg9[%add3A_173, %dma_start3A_181] : memref<10240x64xf32, #tpu.memory_space<vmem_shared>> -> memref<128x64xf32, #tpu.memory_space<vmem_shared>>
        %dma_start3A_183 = arith.constant 0 : i32
        %dma_start3A_184 = arith.constant 0 : i32
        %dma_start3A_185 = tpu.memref_slice %arg8[%run_scoped3A, %dma_start3A_183, %dma_start3A_184] : memref<8x128x64xf32, #tpu.memory_space<vmem>> -> memref<1x128x64xf32, #tpu.memory_space<vmem>>
        %dma_start3A_186 = tpu.memref_squeeze %dma_start3A_185 : memref<1x128x64xf32, #tpu.memory_space<vmem>> -> memref<128x64xf32, #tpu.memory_space<vmem>>
        tpu.enqueue_dma source(%dma_start3A_186 : memref<128x64xf32, #tpu.memory_space<vmem>>) target(%dma_start3A_182 : memref<128x64xf32, #tpu.memory_space<vmem_shared>>) target_semaphore(%run_scoped3A_174 : memref<!tpu.dma_semaphore, #tpu.memory_space<semaphore_mem>>)
        %dma_wait3A_187 = arith.constant 0 : i32
        %dma_wait3A_188 = arith.constant 0 : i32
        %dma_wait3A_189 = tpu.memref_slice %arg8[%run_scoped3A, %dma_wait3A_187, %dma_wait3A_188] : memref<8x128x64xf32, #tpu.memory_space<vmem>> -> memref<1x128x64xf32, #tpu.memory_space<vmem>>
        %dma_wait3A_190 = tpu.memref_squeeze %dma_wait3A_189 : memref<1x128x64xf32, #tpu.memory_space<vmem>> -> memref<128x64xf32, #tpu.memory_space<vmem>>
        %dma_wait3A_191 = arith.constant 0 : i32
        %dma_wait3A_192 = tpu.memref_slice %arg9[%add3A_173, %dma_wait3A_191] : memref<10240x64xf32, #tpu.memory_space<vmem_shared>> -> memref<128x64xf32, #tpu.memory_space<vmem_shared>>
        %dma_wait3A_193 = arith.constant 0 : i32
        %dma_wait3A_194 = tpu.memref_slice %arg9[%add3A_173, %dma_wait3A_193] : memref<10240x64xf32, #tpu.memory_space<vmem_shared>> -> memref<128x64xf32, #tpu.memory_space<vmem_shared>>
        %dma_wait3A_195 = arith.constant 0 : i32
        %dma_wait3A_196 = arith.constant 0 : i32
        %dma_wait3A_197 = tpu.memref_slice %arg8[%run_scoped3A, %dma_wait3A_195, %dma_wait3A_196] : memref<8x128x64xf32, #tpu.memory_space<vmem>> -> memref<1x128x64xf32, #tpu.memory_space<vmem>>
        %dma_wait3A_198 = tpu.memref_squeeze %dma_wait3A_197 : memref<1x128x64xf32, #tpu.memory_space<vmem>> -> memref<128x64xf32, #tpu.memory_space<vmem>>
        tpu.wait_dma2 semaphore(%run_scoped3A_174 : memref<!tpu.dma_semaphore, #tpu.memory_space<semaphore_mem>>) src(%dma_wait3A_198 : memref<128x64xf32, #tpu.memory_space<vmem>>) dst(%dma_wait3A_194 : memref<128x64xf32, #tpu.memory_space<vmem_shared>>)
        tpu.yield
      }) : () -> ()
    }
    %scan3A_11 = arith.constant 5 : i32
    %mul3A_12 = arith.constant 80 : i32
    %mul3A_13 = arith.muli %add3A, %mul3A_12 : i32
    "tpu.region"() ({
      %run_scoped3A = tpu.sem_alloc : memref<!tpu.dma_semaphore, #tpu.memory_space<semaphore_mem>>
      %dma_start3A_166 = arith.constant 0 : i32
      %dma_start3A_167 = tpu.memref_slice %arg2[%mul3A_13, %dma_start3A_166] : memref<2560x128xi32, #tpu.memory_space<hbm>> -> memref<80x128xi32, #tpu.memory_space<hbm>>
      %dma_start3A_168 = arith.constant 0 : i32
      %dma_start3A_169 = tpu.memref_slice %arg2[%mul3A_13, %dma_start3A_168] : memref<2560x128xi32, #tpu.memory_space<hbm>> -> memref<80x128xi32, #tpu.memory_space<hbm>>
      tpu.enqueue_dma source(%dma_start3A_169 : memref<80x128xi32, #tpu.memory_space<hbm>>) target(%arg6 : memref<80x128xi32, #tpu.memory_space<vmem>>) target_semaphore(%run_scoped3A : memref<!tpu.dma_semaphore, #tpu.memory_space<semaphore_mem>>)
      %dma_wait3A_170 = arith.constant 0 : i32
      %dma_wait3A_171 = tpu.memref_slice %arg2[%mul3A_13, %dma_wait3A_170] : memref<2560x128xi32, #tpu.memory_space<hbm>> -> memref<80x128xi32, #tpu.memory_space<hbm>>
      %dma_wait3A_172 = arith.constant 0 : i32
      %dma_wait3A_173 = tpu.memref_slice %arg2[%mul3A_13, %dma_wait3A_172] : memref<2560x128xi32, #tpu.memory_space<hbm>> -> memref<80x128xi32, #tpu.memory_space<hbm>>
      tpu.wait_dma2 semaphore(%run_scoped3A : memref<!tpu.dma_semaphore, #tpu.memory_space<semaphore_mem>>) src(%dma_wait3A_173 : memref<80x128xi32, #tpu.memory_space<hbm>>) dst(%arg6 : memref<80x128xi32, #tpu.memory_space<vmem>>)
      tpu.yield
    }) : () -> ()
    %mul3A_14 = arith.constant 80 : i32
    %mul3A_15 = arith.muli %add3A, %mul3A_14 : i32
    "tpu.region"() ({
      %run_scoped3A = tpu.sem_alloc : memref<!tpu.dma_semaphore, #tpu.memory_space<semaphore_mem>>
      %dma_start3A_166 = arith.constant 0 : i32
      %dma_start3A_167 = tpu.memref_slice %arg3[%mul3A_15, %dma_start3A_166] : memref<2560x128xi32, #tpu.memory_space<hbm>> -> memref<80x128xi32, #tpu.memory_space<hbm>>
      %dma_start3A_168 = arith.constant 0 : i32
      %dma_start3A_169 = tpu.memref_slice %arg3[%mul3A_15, %dma_start3A_168] : memref<2560x128xi32, #tpu.memory_space<hbm>> -> memref<80x128xi32, #tpu.memory_space<hbm>>
      tpu.enqueue_dma source(%dma_start3A_169 : memref<80x128xi32, #tpu.memory_space<hbm>>) target(%arg7 : memref<80x128xi32, #tpu.memory_space<vmem>>) target_semaphore(%run_scoped3A : memref<!tpu.dma_semaphore, #tpu.memory_space<semaphore_mem>>)
      %dma_wait3A_170 = arith.constant 0 : i32
      %dma_wait3A_171 = tpu.memref_slice %arg3[%mul3A_15, %dma_wait3A_170] : memref<2560x128xi32, #tpu.memory_space<hbm>> -> memref<80x128xi32, #tpu.memory_space<hbm>>
      %dma_wait3A_172 = arith.constant 0 : i32
      %dma_wait3A_173 = tpu.memref_slice %arg3[%mul3A_15, %dma_wait3A_172] : memref<2560x128xi32, #tpu.memory_space<hbm>> -> memref<80x128xi32, #tpu.memory_space<hbm>>
      tpu.wait_dma2 semaphore(%run_scoped3A : memref<!tpu.dma_semaphore, #tpu.memory_space<semaphore_mem>>) src(%dma_wait3A_173 : memref<80x128xi32, #tpu.memory_space<hbm>>) dst(%arg7 : memref<80x128xi32, #tpu.memory_space<vmem>>)
      tpu.yield
    }) : () -> ()
    %barrier3A = arith.constant 0 : index
    tpu.barrier barrier_id(%barrier3A)
    %dma_start3A = arith.constant 0 : i32
    %dma_start3A_16 = arith.constant 0 : i32
    %dma_start3A_17 = arith.constant 0 : i32
    %dma_start3A_18 = arith.constant 0 : i32
    %dma_start3A_19 = tpu.memref_slice %arg8[%dma_start3A_16, %dma_start3A_17, %dma_start3A_18] : memref<8x128x64xf32, #tpu.memory_space<vmem>> -> memref<1x128x64xf32, #tpu.memory_space<vmem>>
    %dma_start3A_20 = tpu.memref_squeeze %dma_start3A_19 : memref<1x128x64xf32, #tpu.memory_space<vmem>> -> memref<128x64xf32, #tpu.memory_space<vmem>>
    %dma_start3A_21 = arith.constant 0 : i32
    %dma_start3A_22 = tpu.memref_slice %arg6[%dma_start3A, %dma_start3A_21] : memref<80x128xi32, #tpu.memory_space<vmem>> -> memref<1x128xi32, #tpu.memory_space<vmem>>
    %dma_start3A_23 = tpu.memref_squeeze %dma_start3A_22 : memref<1x128xi32, #tpu.memory_space<vmem>> -> memref<128xi32, #tpu.memory_space<vmem>>
    %dma_start3A_24 = arith.constant 0 : i32
    %dma_start3A_25 = arith.constant 0 : i32
    %dma_start3A_26 = tpu.memref_slice %arg4[%dma_start3A_24, %dma_start3A_25] : memref<10000x64xf32, #tpu.memory_space<hbm>> -> memref<10000x64xf32, #tpu.memory_space<hbm>>
    tpu.enqueue_indirect_dma source(%dma_start3A_26 : memref<10000x64xf32, #tpu.memory_space<hbm>>) target(%dma_start3A_20 : memref<128x64xf32, #tpu.memory_space<vmem>>) offsets(%dma_start3A_23 : memref<128xi32, #tpu.memory_space<vmem>>) semaphore(%arg10 : memref<!tpu.dma_semaphore, #tpu.memory_space<semaphore_mem>>)
    %dma_start3A_27 = arith.constant 1 : i32
    %dma_start3A_28 = arith.constant 1 : i32
    %dma_start3A_29 = arith.constant 0 : i32
    %dma_start3A_30 = arith.constant 0 : i32
    %dma_start3A_31 = tpu.memref_slice %arg8[%dma_start3A_28, %dma_start3A_29, %dma_start3A_30] : memref<8x128x64xf32, #tpu.memory_space<vmem>> -> memref<1x128x64xf32, #tpu.memory_space<vmem>>
    %dma_start3A_32 = tpu.memref_squeeze %dma_start3A_31 : memref<1x128x64xf32, #tpu.memory_space<vmem>> -> memref<128x64xf32, #tpu.memory_space<vmem>>
    %dma_start3A_33 = arith.constant 0 : i32
    %dma_start3A_34 = tpu.memref_slice %arg6[%dma_start3A_27, %dma_start3A_33] : memref<80x128xi32, #tpu.memory_space<vmem>> -> memref<1x128xi32, #tpu.memory_space<vmem>>
    %dma_start3A_35 = tpu.memref_squeeze %dma_start3A_34 : memref<1x128xi32, #tpu.memory_space<vmem>> -> memref<128xi32, #tpu.memory_space<vmem>>
    %dma_start3A_36 = arith.constant 0 : i32
    %dma_start3A_37 = arith.constant 0 : i32
    %dma_start3A_38 = tpu.memref_slice %arg4[%dma_start3A_36, %dma_start3A_37] : memref<10000x64xf32, #tpu.memory_space<hbm>> -> memref<10000x64xf32, #tpu.memory_space<hbm>>
    tpu.enqueue_indirect_dma source(%dma_start3A_38 : memref<10000x64xf32, #tpu.memory_space<hbm>>) target(%dma_start3A_32 : memref<128x64xf32, #tpu.memory_space<vmem>>) offsets(%dma_start3A_35 : memref<128xi32, #tpu.memory_space<vmem>>) semaphore(%arg11 : memref<!tpu.dma_semaphore, #tpu.memory_space<semaphore_mem>>)
    %dma_start3A_39 = arith.constant 2 : i32
    %dma_start3A_40 = arith.constant 2 : i32
    %dma_start3A_41 = arith.constant 0 : i32
    %dma_start3A_42 = arith.constant 0 : i32
    %dma_start3A_43 = tpu.memref_slice %arg8[%dma_start3A_40, %dma_start3A_41, %dma_start3A_42] : memref<8x128x64xf32, #tpu.memory_space<vmem>> -> memref<1x128x64xf32, #tpu.memory_space<vmem>>
    %dma_start3A_44 = tpu.memref_squeeze %dma_start3A_43 : memref<1x128x64xf32, #tpu.memory_space<vmem>> -> memref<128x64xf32, #tpu.memory_space<vmem>>
    %dma_start3A_45 = arith.constant 0 : i32
    %dma_start3A_46 = tpu.memref_slice %arg6[%dma_start3A_39, %dma_start3A_45] : memref<80x128xi32, #tpu.memory_space<vmem>> -> memref<1x128xi32, #tpu.memory_space<vmem>>
    %dma_start3A_47 = tpu.memref_squeeze %dma_start3A_46 : memref<1x128xi32, #tpu.memory_space<vmem>> -> memref<128xi32, #tpu.memory_space<vmem>>
    %dma_start3A_48 = arith.constant 0 : i32
    %dma_start3A_49 = arith.constant 0 : i32
    %dma_start3A_50 = tpu.memref_slice %arg4[%dma_start3A_48, %dma_start3A_49] : memref<10000x64xf32, #tpu.memory_space<hbm>> -> memref<10000x64xf32, #tpu.memory_space<hbm>>
    tpu.enqueue_indirect_dma source(%dma_start3A_50 : memref<10000x64xf32, #tpu.memory_space<hbm>>) target(%dma_start3A_44 : memref<128x64xf32, #tpu.memory_space<vmem>>) offsets(%dma_start3A_47 : memref<128xi32, #tpu.memory_space<vmem>>) semaphore(%arg12 : memref<!tpu.dma_semaphore, #tpu.memory_space<semaphore_mem>>)
    %dma_start3A_51 = arith.constant 3 : i32
    %dma_start3A_52 = arith.constant 3 : i32
    %dma_start3A_53 = arith.constant 0 : i32
    %dma_start3A_54 = arith.constant 0 : i32
    %dma_start3A_55 = tpu.memref_slice %arg8[%dma_start3A_52, %dma_start3A_53, %dma_start3A_54] : memref<8x128x64xf32, #tpu.memory_space<vmem>> -> memref<1x128x64xf32, #tpu.memory_space<vmem>>
    %dma_start3A_56 = tpu.memref_squeeze %dma_start3A_55 : memref<1x128x64xf32, #tpu.memory_space<vmem>> -> memref<128x64xf32, #tpu.memory_space<vmem>>
    %dma_start3A_57 = arith.constant 0 : i32
    %dma_start3A_58 = tpu.memref_slice %arg6[%dma_start3A_51, %dma_start3A_57] : memref<80x128xi32, #tpu.memory_space<vmem>> -> memref<1x128xi32, #tpu.memory_space<vmem>>
    %dma_start3A_59 = tpu.memref_squeeze %dma_start3A_58 : memref<1x128xi32, #tpu.memory_space<vmem>> -> memref<128xi32, #tpu.memory_space<vmem>>
    %dma_start3A_60 = arith.constant 0 : i32
    %dma_start3A_61 = arith.constant 0 : i32
    %dma_start3A_62 = tpu.memref_slice %arg4[%dma_start3A_60, %dma_start3A_61] : memref<10000x64xf32, #tpu.memory_space<hbm>> -> memref<10000x64xf32, #tpu.memory_space<hbm>>
    tpu.enqueue_indirect_dma source(%dma_start3A_62 : memref<10000x64xf32, #tpu.memory_space<hbm>>) target(%dma_start3A_56 : memref<128x64xf32, #tpu.memory_space<vmem>>) offsets(%dma_start3A_59 : memref<128xi32, #tpu.memory_space<vmem>>) semaphore(%arg13 : memref<!tpu.dma_semaphore, #tpu.memory_space<semaphore_mem>>)
    %scan3A_63 = arith.constant 0 : i32
    %scan3A_64 = arith.constant 10 : i32
    %scan3A_65 = arith.addi %scan3A_63, %scan3A_64 : i32
    %scan3A_66 = arith.constant 1 : i32
    scf.for %scan3A_166 = %scan3A_63 to %scan3A_65 step %scan3A_66  : i32 {
      %mul3A_167 = arith.constant 1 : i32
      %mul3A_168 = arith.muli %scan3A_166, %mul3A_167 : i32
      %add3A_169 = arith.constant 0 : i32
      %add3A_170 = arith.addi %add3A_169, %mul3A_168 : i32
      %mul3A_171 = arith.constant 8 : i32
      %mul3A_172 = arith.muli %add3A_170, %mul3A_171 : i32
      %add3A_173 = arith.constant 0 : i32
      %add3A_174 = arith.addi %mul3A_172, %add3A_173 : i32
      %dma_wait3A_175 = arith.constant 0 : i32
      %dma_wait3A_176 = arith.constant 0 : i32
      %dma_wait3A_177 = arith.constant 0 : i32
      %dma_wait3A_178 = tpu.memref_slice %arg8[%dma_wait3A_175, %dma_wait3A_176, %dma_wait3A_177] : memref<8x128x64xf32, #tpu.memory_space<vmem>> -> memref<1x128x64xf32, #tpu.memory_space<vmem>>
      %dma_wait3A_179 = tpu.memref_squeeze %dma_wait3A_178 : memref<1x128x64xf32, #tpu.memory_space<vmem>> -> memref<128x64xf32, #tpu.memory_space<vmem>>
      %dma_wait3A_180 = arith.constant 0 : i32
      %dma_wait3A_181 = tpu.memref_slice %arg6[%add3A_174, %dma_wait3A_180] : memref<80x128xi32, #tpu.memory_space<vmem>> -> memref<1x128xi32, #tpu.memory_space<vmem>>
      %dma_wait3A_182 = tpu.memref_squeeze %dma_wait3A_181 : memref<1x128xi32, #tpu.memory_space<vmem>> -> memref<128xi32, #tpu.memory_space<vmem>>
      %dma_wait3A_183 = arith.constant 0 : i32
      %dma_wait3A_184 = arith.constant 0 : i32
      %dma_wait3A_185 = tpu.memref_slice %arg4[%dma_wait3A_183, %dma_wait3A_184] : memref<10000x64xf32, #tpu.memory_space<hbm>> -> memref<10000x64xf32, #tpu.memory_space<hbm>>
      tpu.wait_indirect_dma semaphore(%arg10 : memref<!tpu.dma_semaphore, #tpu.memory_space<semaphore_mem>>) src(%dma_wait3A_185 : memref<10000x64xf32, #tpu.memory_space<hbm>>) dst(%dma_wait3A_179 : memref<128x64xf32, #tpu.memory_space<vmem>>)
      %dma_start3A_186 = arith.constant 0 : i32
      %dma_start3A_187 = arith.constant 0 : i32
      %dma_start3A_188 = arith.constant 0 : i32
      %dma_start3A_189 = tpu.memref_slice %arg8[%dma_start3A_186, %dma_start3A_187, %dma_start3A_188] : memref<8x128x64xf32, #tpu.memory_space<vmem>> -> memref<1x128x64xf32, #tpu.memory_space<vmem>>
      %dma_start3A_190 = tpu.memref_squeeze %dma_start3A_189 : memref<1x128x64xf32, #tpu.memory_space<vmem>> -> memref<128x64xf32, #tpu.memory_space<vmem>>
      %dma_start3A_191 = arith.constant 0 : i32
      %dma_start3A_192 = tpu.memref_slice %arg7[%add3A_174, %dma_start3A_191] : memref<80x128xi32, #tpu.memory_space<vmem>> -> memref<1x128xi32, #tpu.memory_space<vmem>>
      %dma_start3A_193 = tpu.memref_squeeze %dma_start3A_192 : memref<1x128xi32, #tpu.memory_space<vmem>> -> memref<128xi32, #tpu.memory_space<vmem>>
      %dma_start3A_194 = arith.constant 0 : i32
      %dma_start3A_195 = arith.constant 0 : i32
      %dma_start3A_196 = tpu.memref_slice %arg9[%dma_start3A_194, %dma_start3A_195] : memref<10240x64xf32, #tpu.memory_space<vmem_shared>> -> memref<10240x64xf32, #tpu.memory_space<vmem_shared>>
      tpu.enqueue_indirect_dma source(%dma_start3A_190 : memref<128x64xf32, #tpu.memory_space<vmem>>) target(%dma_start3A_196 : memref<10240x64xf32, #tpu.memory_space<vmem_shared>>) offsets(%dma_start3A_193 : memref<128xi32, #tpu.memory_space<vmem>>) semaphore(%arg18 : memref<!tpu.dma_semaphore, #tpu.memory_space<semaphore_mem>>) {add = true}
      %add3A_197 = arith.constant 4 : i32
      %add3A_198 = arith.addi %add3A_174, %add3A_197 : i32
      %lt3A = arith.constant 80 : i32
      %lt3A_199 = arith.cmpi slt, %add3A_198, %lt3A : i32
      %convert_element_type3A = arith.extui %lt3A_199 : i1 to i32
      %cond3A = arith.constant 0 : i32
      %cond3A_200 = arith.cmpi ne, %convert_element_type3A, %cond3A : i32
      scf.if %cond3A_200 {
        %ge3A = arith.constant 4 : i32
        %ge3A_432 = arith.cmpi sge, %add3A_174, %ge3A : i32
        %convert_element_type3A_433 = arith.extui %ge3A_432 : i1 to i32
        %cond3A_434 = arith.constant 0 : i32
        %cond3A_435 = arith.cmpi ne, %convert_element_type3A_433, %cond3A_434 : i32
        scf.if %cond3A_435 {
          %sub3A = arith.constant 8 : i32
          %sub3A_447 = arith.subi %add3A_198, %sub3A : i32
          %dma_wait3A_448 = arith.constant 4 : i32
          %dma_wait3A_449 = arith.constant 0 : i32
          %dma_wait3A_450 = arith.constant 0 : i32
          %dma_wait3A_451 = tpu.memref_slice %arg8[%dma_wait3A_448, %dma_wait3A_449, %dma_wait3A_450] : memref<8x128x64xf32, #tpu.memory_space<vmem>> -> memref<1x128x64xf32, #tpu.memory_space<vmem>>
          %dma_wait3A_452 = tpu.memref_squeeze %dma_wait3A_451 : memref<1x128x64xf32, #tpu.memory_space<vmem>> -> memref<128x64xf32, #tpu.memory_space<vmem>>
          %dma_wait3A_453 = arith.constant 0 : i32
          %dma_wait3A_454 = tpu.memref_slice %arg7[%sub3A_447, %dma_wait3A_453] : memref<80x128xi32, #tpu.memory_space<vmem>> -> memref<1x128xi32, #tpu.memory_space<vmem>>
          %dma_wait3A_455 = tpu.memref_squeeze %dma_wait3A_454 : memref<1x128xi32, #tpu.memory_space<vmem>> -> memref<128xi32, #tpu.memory_space<vmem>>
          %dma_wait3A_456 = arith.constant 0 : i32
          %dma_wait3A_457 = arith.constant 0 : i32
          %dma_wait3A_458 = tpu.memref_slice %arg9[%dma_wait3A_456, %dma_wait3A_457] : memref<10240x64xf32, #tpu.memory_space<vmem_shared>> -> memref<10240x64xf32, #tpu.memory_space<vmem_shared>>
          tpu.wait_indirect_dma semaphore(%arg22 : memref<!tpu.dma_semaphore, #tpu.memory_space<semaphore_mem>>) src(%dma_wait3A_452 : memref<128x64xf32, #tpu.memory_space<vmem>>) dst(%dma_wait3A_458 : memref<10240x64xf32, #tpu.memory_space<vmem_shared>>)
        } else {
        }
        %dma_start3A_436 = arith.constant 4 : i32
        %dma_start3A_437 = arith.constant 0 : i32
        %dma_start3A_438 = arith.constant 0 : i32
        %dma_start3A_439 = tpu.memref_slice %arg8[%dma_start3A_436, %dma_start3A_437, %dma_start3A_438] : memref<8x128x64xf32, #tpu.memory_space<vmem>> -> memref<1x128x64xf32, #tpu.memory_space<vmem>>
        %dma_start3A_440 = tpu.memref_squeeze %dma_start3A_439 : memref<1x128x64xf32, #tpu.memory_space<vmem>> -> memref<128x64xf32, #tpu.memory_space<vmem>>
        %dma_start3A_441 = arith.constant 0 : i32
        %dma_start3A_442 = tpu.memref_slice %arg6[%add3A_198, %dma_start3A_441] : memref<80x128xi32, #tpu.memory_space<vmem>> -> memref<1x128xi32, #tpu.memory_space<vmem>>
        %dma_start3A_443 = tpu.memref_squeeze %dma_start3A_442 : memref<1x128xi32, #tpu.memory_space<vmem>> -> memref<128xi32, #tpu.memory_space<vmem>>
        %dma_start3A_444 = arith.constant 0 : i32
        %dma_start3A_445 = arith.constant 0 : i32
        %dma_start3A_446 = tpu.memref_slice %arg4[%dma_start3A_444, %dma_start3A_445] : memref<10000x64xf32, #tpu.memory_space<hbm>> -> memref<10000x64xf32, #tpu.memory_space<hbm>>
        tpu.enqueue_indirect_dma source(%dma_start3A_446 : memref<10000x64xf32, #tpu.memory_space<hbm>>) target(%dma_start3A_440 : memref<128x64xf32, #tpu.memory_space<vmem>>) offsets(%dma_start3A_443 : memref<128xi32, #tpu.memory_space<vmem>>) semaphore(%arg14 : memref<!tpu.dma_semaphore, #tpu.memory_space<semaphore_mem>>)
      } else {
      }
      %mul3A_201 = arith.constant 8 : i32
      %mul3A_202 = arith.muli %add3A_170, %mul3A_201 : i32
      %add3A_203 = arith.constant 1 : i32
      %add3A_204 = arith.addi %mul3A_202, %add3A_203 : i32
      %dma_wait3A_205 = arith.constant 1 : i32
      %dma_wait3A_206 = arith.constant 0 : i32
      %dma_wait3A_207 = arith.constant 0 : i32
      %dma_wait3A_208 = tpu.memref_slice %arg8[%dma_wait3A_205, %dma_wait3A_206, %dma_wait3A_207] : memref<8x128x64xf32, #tpu.memory_space<vmem>> -> memref<1x128x64xf32, #tpu.memory_space<vmem>>
      %dma_wait3A_209 = tpu.memref_squeeze %dma_wait3A_208 : memref<1x128x64xf32, #tpu.memory_space<vmem>> -> memref<128x64xf32, #tpu.memory_space<vmem>>
      %dma_wait3A_210 = arith.constant 0 : i32
      %dma_wait3A_211 = tpu.memref_slice %arg6[%add3A_204, %dma_wait3A_210] : memref<80x128xi32, #tpu.memory_space<vmem>> -> memref<1x128xi32, #tpu.memory_space<vmem>>
      %dma_wait3A_212 = tpu.memref_squeeze %dma_wait3A_211 : memref<1x128xi32, #tpu.memory_space<vmem>> -> memref<128xi32, #tpu.memory_space<vmem>>
      %dma_wait3A_213 = arith.constant 0 : i32
      %dma_wait3A_214 = arith.constant 0 : i32
      %dma_wait3A_215 = tpu.memref_slice %arg4[%dma_wait3A_213, %dma_wait3A_214] : memref<10000x64xf32, #tpu.memory_space<hbm>> -> memref<10000x64xf32, #tpu.memory_space<hbm>>
      tpu.wait_indirect_dma semaphore(%arg11 : memref<!tpu.dma_semaphore, #tpu.memory_space<semaphore_mem>>) src(%dma_wait3A_215 : memref<10000x64xf32, #tpu.memory_space<hbm>>) dst(%dma_wait3A_209 : memref<128x64xf32, #tpu.memory_space<vmem>>)
      %dma_start3A_216 = arith.constant 1 : i32
      %dma_start3A_217 = arith.constant 0 : i32
      %dma_start3A_218 = arith.constant 0 : i32
      %dma_start3A_219 = tpu.memref_slice %arg8[%dma_start3A_216, %dma_start3A_217, %dma_start3A_218] : memref<8x128x64xf32, #tpu.memory_space<vmem>> -> memref<1x128x64xf32, #tpu.memory_space<vmem>>
      %dma_start3A_220 = tpu.memref_squeeze %dma_start3A_219 : memref<1x128x64xf32, #tpu.memory_space<vmem>> -> memref<128x64xf32, #tpu.memory_space<vmem>>
      %dma_start3A_221 = arith.constant 0 : i32
      %dma_start3A_222 = tpu.memref_slice %arg7[%add3A_204, %dma_start3A_221] : memref<80x128xi32, #tpu.memory_space<vmem>> -> memref<1x128xi32, #tpu.memory_space<vmem>>
      %dma_start3A_223 = tpu.memref_squeeze %dma_start3A_222 : memref<1x128xi32, #tpu.memory_space<vmem>> -> memref<128xi32, #tpu.memory_space<vmem>>
      %dma_start3A_224 = arith.constant 0 : i32
      %dma_start3A_225 = arith.constant 0 : i32
      %dma_start3A_226 = tpu.memref_slice %arg9[%dma_start3A_224, %dma_start3A_225] : memref<10240x64xf32, #tpu.memory_space<vmem_shared>> -> memref<10240x64xf32, #tpu.memory_space<vmem_shared>>
      tpu.enqueue_indirect_dma source(%dma_start3A_220 : memref<128x64xf32, #tpu.memory_space<vmem>>) target(%dma_start3A_226 : memref<10240x64xf32, #tpu.memory_space<vmem_shared>>) offsets(%dma_start3A_223 : memref<128xi32, #tpu.memory_space<vmem>>) semaphore(%arg19 : memref<!tpu.dma_semaphore, #tpu.memory_space<semaphore_mem>>) {add = true}
      %add3A_227 = arith.constant 4 : i32
      %add3A_228 = arith.addi %add3A_204, %add3A_227 : i32
      %lt3A_229 = arith.constant 80 : i32
      %lt3A_230 = arith.cmpi slt, %add3A_228, %lt3A_229 : i32
      %convert_element_type3A_231 = arith.extui %lt3A_230 : i1 to i32
      %cond3A_232 = arith.constant 0 : i32
      %cond3A_233 = arith.cmpi ne, %convert_element_type3A_231, %cond3A_232 : i32
      scf.if %cond3A_233 {
        %ge3A = arith.constant 4 : i32
        %ge3A_432 = arith.cmpi sge, %add3A_204, %ge3A : i32
        %convert_element_type3A_433 = arith.extui %ge3A_432 : i1 to i32
        %cond3A_434 = arith.constant 0 : i32
        %cond3A_435 = arith.cmpi ne, %convert_element_type3A_433, %cond3A_434 : i32
        scf.if %cond3A_435 {
          %sub3A = arith.constant 8 : i32
          %sub3A_447 = arith.subi %add3A_228, %sub3A : i32
          %dma_wait3A_448 = arith.constant 5 : i32
          %dma_wait3A_449 = arith.constant 0 : i32
          %dma_wait3A_450 = arith.constant 0 : i32
          %dma_wait3A_451 = tpu.memref_slice %arg8[%dma_wait3A_448, %dma_wait3A_449, %dma_wait3A_450] : memref<8x128x64xf32, #tpu.memory_space<vmem>> -> memref<1x128x64xf32, #tpu.memory_space<vmem>>
          %dma_wait3A_452 = tpu.memref_squeeze %dma_wait3A_451 : memref<1x128x64xf32, #tpu.memory_space<vmem>> -> memref<128x64xf32, #tpu.memory_space<vmem>>
          %dma_wait3A_453 = arith.constant 0 : i32
          %dma_wait3A_454 = tpu.memref_slice %arg7[%sub3A_447, %dma_wait3A_453] : memref<80x128xi32, #tpu.memory_space<vmem>> -> memref<1x128xi32, #tpu.memory_space<vmem>>
          %dma_wait3A_455 = tpu.memref_squeeze %dma_wait3A_454 : memref<1x128xi32, #tpu.memory_space<vmem>> -> memref<128xi32, #tpu.memory_space<vmem>>
          %dma_wait3A_456 = arith.constant 0 : i32
          %dma_wait3A_457 = arith.constant 0 : i32
          %dma_wait3A_458 = tpu.memref_slice %arg9[%dma_wait3A_456, %dma_wait3A_457] : memref<10240x64xf32, #tpu.memory_space<vmem_shared>> -> memref<10240x64xf32, #tpu.memory_space<vmem_shared>>
          tpu.wait_indirect_dma semaphore(%arg23 : memref<!tpu.dma_semaphore, #tpu.memory_space<semaphore_mem>>) src(%dma_wait3A_452 : memref<128x64xf32, #tpu.memory_space<vmem>>) dst(%dma_wait3A_458 : memref<10240x64xf32, #tpu.memory_space<vmem_shared>>)
        } else {
        }
        %dma_start3A_436 = arith.constant 5 : i32
        %dma_start3A_437 = arith.constant 0 : i32
        %dma_start3A_438 = arith.constant 0 : i32
        %dma_start3A_439 = tpu.memref_slice %arg8[%dma_start3A_436, %dma_start3A_437, %dma_start3A_438] : memref<8x128x64xf32, #tpu.memory_space<vmem>> -> memref<1x128x64xf32, #tpu.memory_space<vmem>>
        %dma_start3A_440 = tpu.memref_squeeze %dma_start3A_439 : memref<1x128x64xf32, #tpu.memory_space<vmem>> -> memref<128x64xf32, #tpu.memory_space<vmem>>
        %dma_start3A_441 = arith.constant 0 : i32
        %dma_start3A_442 = tpu.memref_slice %arg6[%add3A_228, %dma_start3A_441] : memref<80x128xi32, #tpu.memory_space<vmem>> -> memref<1x128xi32, #tpu.memory_space<vmem>>
        %dma_start3A_443 = tpu.memref_squeeze %dma_start3A_442 : memref<1x128xi32, #tpu.memory_space<vmem>> -> memref<128xi32, #tpu.memory_space<vmem>>
        %dma_start3A_444 = arith.constant 0 : i32
        %dma_start3A_445 = arith.constant 0 : i32
        %dma_start3A_446 = tpu.memref_slice %arg4[%dma_start3A_444, %dma_start3A_445] : memref<10000x64xf32, #tpu.memory_space<hbm>> -> memref<10000x64xf32, #tpu.memory_space<hbm>>
        tpu.enqueue_indirect_dma source(%dma_start3A_446 : memref<10000x64xf32, #tpu.memory_space<hbm>>) target(%dma_start3A_440 : memref<128x64xf32, #tpu.memory_space<vmem>>) offsets(%dma_start3A_443 : memref<128xi32, #tpu.memory_space<vmem>>) semaphore(%arg15 : memref<!tpu.dma_semaphore, #tpu.memory_space<semaphore_mem>>)
      } else {
      }
      %mul3A_234 = arith.constant 8 : i32
      %mul3A_235 = arith.muli %add3A_170, %mul3A_234 : i32
      %add3A_236 = arith.constant 2 : i32
      %add3A_237 = arith.addi %mul3A_235, %add3A_236 : i32
      %dma_wait3A_238 = arith.constant 2 : i32
      %dma_wait3A_239 = arith.constant 0 : i32
      %dma_wait3A_240 = arith.constant 0 : i32
      %dma_wait3A_241 = tpu.memref_slice %arg8[%dma_wait3A_238, %dma_wait3A_239, %dma_wait3A_240] : memref<8x128x64xf32, #tpu.memory_space<vmem>> -> memref<1x128x64xf32, #tpu.memory_space<vmem>>
      %dma_wait3A_242 = tpu.memref_squeeze %dma_wait3A_241 : memref<1x128x64xf32, #tpu.memory_space<vmem>> -> memref<128x64xf32, #tpu.memory_space<vmem>>
      %dma_wait3A_243 = arith.constant 0 : i32
      %dma_wait3A_244 = tpu.memref_slice %arg6[%add3A_237, %dma_wait3A_243] : memref<80x128xi32, #tpu.memory_space<vmem>> -> memref<1x128xi32, #tpu.memory_space<vmem>>
      %dma_wait3A_245 = tpu.memref_squeeze %dma_wait3A_244 : memref<1x128xi32, #tpu.memory_space<vmem>> -> memref<128xi32, #tpu.memory_space<vmem>>
      %dma_wait3A_246 = arith.constant 0 : i32
      %dma_wait3A_247 = arith.constant 0 : i32
      %dma_wait3A_248 = tpu.memref_slice %arg4[%dma_wait3A_246, %dma_wait3A_247] : memref<10000x64xf32, #tpu.memory_space<hbm>> -> memref<10000x64xf32, #tpu.memory_space<hbm>>
      tpu.wait_indirect_dma semaphore(%arg12 : memref<!tpu.dma_semaphore, #tpu.memory_space<semaphore_mem>>) src(%dma_wait3A_248 : memref<10000x64xf32, #tpu.memory_space<hbm>>) dst(%dma_wait3A_242 : memref<128x64xf32, #tpu.memory_space<vmem>>)
      %dma_start3A_249 = arith.constant 2 : i32
      %dma_start3A_250 = arith.constant 0 : i32
      %dma_start3A_251 = arith.constant 0 : i32
      %dma_start3A_252 = tpu.memref_slice %arg8[%dma_start3A_249, %dma_start3A_250, %dma_start3A_251] : memref<8x128x64xf32, #tpu.memory_space<vmem>> -> memref<1x128x64xf32, #tpu.memory_space<vmem>>
      %dma_start3A_253 = tpu.memref_squeeze %dma_start3A_252 : memref<1x128x64xf32, #tpu.memory_space<vmem>> -> memref<128x64xf32, #tpu.memory_space<vmem>>
      %dma_start3A_254 = arith.constant 0 : i32
      %dma_start3A_255 = tpu.memref_slice %arg7[%add3A_237, %dma_start3A_254] : memref<80x128xi32, #tpu.memory_space<vmem>> -> memref<1x128xi32, #tpu.memory_space<vmem>>
      %dma_start3A_256 = tpu.memref_squeeze %dma_start3A_255 : memref<1x128xi32, #tpu.memory_space<vmem>> -> memref<128xi32, #tpu.memory_space<vmem>>
      %dma_start3A_257 = arith.constant 0 : i32
      %dma_start3A_258 = arith.constant 0 : i32
      %dma_start3A_259 = tpu.memref_slice %arg9[%dma_start3A_257, %dma_start3A_258] : memref<10240x64xf32, #tpu.memory_space<vmem_shared>> -> memref<10240x64xf32, #tpu.memory_space<vmem_shared>>
      tpu.enqueue_indirect_dma source(%dma_start3A_253 : memref<128x64xf32, #tpu.memory_space<vmem>>) target(%dma_start3A_259 : memref<10240x64xf32, #tpu.memory_space<vmem_shared>>) offsets(%dma_start3A_256 : memref<128xi32, #tpu.memory_space<vmem>>) semaphore(%arg20 : memref<!tpu.dma_semaphore, #tpu.memory_space<semaphore_mem>>) {add = true}
      %add3A_260 = arith.constant 4 : i32
      %add3A_261 = arith.addi %add3A_237, %add3A_260 : i32
      %lt3A_262 = arith.constant 80 : i32
      %lt3A_263 = arith.cmpi slt, %add3A_261, %lt3A_262 : i32
      %convert_element_type3A_264 = arith.extui %lt3A_263 : i1 to i32
      %cond3A_265 = arith.constant 0 : i32
      %cond3A_266 = arith.cmpi ne, %convert_element_type3A_264, %cond3A_265 : i32
      scf.if %cond3A_266 {
        %ge3A = arith.constant 4 : i32
        %ge3A_432 = arith.cmpi sge, %add3A_237, %ge3A : i32
        %convert_element_type3A_433 = arith.extui %ge3A_432 : i1 to i32
        %cond3A_434 = arith.constant 0 : i32
        %cond3A_435 = arith.cmpi ne, %convert_element_type3A_433, %cond3A_434 : i32
        scf.if %cond3A_435 {
          %sub3A = arith.constant 8 : i32
          %sub3A_447 = arith.subi %add3A_261, %sub3A : i32
          %dma_wait3A_448 = arith.constant 6 : i32
          %dma_wait3A_449 = arith.constant 0 : i32
          %dma_wait3A_450 = arith.constant 0 : i32
          %dma_wait3A_451 = tpu.memref_slice %arg8[%dma_wait3A_448, %dma_wait3A_449, %dma_wait3A_450] : memref<8x128x64xf32, #tpu.memory_space<vmem>> -> memref<1x128x64xf32, #tpu.memory_space<vmem>>
          %dma_wait3A_452 = tpu.memref_squeeze %dma_wait3A_451 : memref<1x128x64xf32, #tpu.memory_space<vmem>> -> memref<128x64xf32, #tpu.memory_space<vmem>>
          %dma_wait3A_453 = arith.constant 0 : i32
          %dma_wait3A_454 = tpu.memref_slice %arg7[%sub3A_447, %dma_wait3A_453] : memref<80x128xi32, #tpu.memory_space<vmem>> -> memref<1x128xi32, #tpu.memory_space<vmem>>
          %dma_wait3A_455 = tpu.memref_squeeze %dma_wait3A_454 : memref<1x128xi32, #tpu.memory_space<vmem>> -> memref<128xi32, #tpu.memory_space<vmem>>
          %dma_wait3A_456 = arith.constant 0 : i32
          %dma_wait3A_457 = arith.constant 0 : i32
          %dma_wait3A_458 = tpu.memref_slice %arg9[%dma_wait3A_456, %dma_wait3A_457] : memref<10240x64xf32, #tpu.memory_space<vmem_shared>> -> memref<10240x64xf32, #tpu.memory_space<vmem_shared>>
          tpu.wait_indirect_dma semaphore(%arg24 : memref<!tpu.dma_semaphore, #tpu.memory_space<semaphore_mem>>) src(%dma_wait3A_452 : memref<128x64xf32, #tpu.memory_space<vmem>>) dst(%dma_wait3A_458 : memref<10240x64xf32, #tpu.memory_space<vmem_shared>>)
        } else {
        }
        %dma_start3A_436 = arith.constant 6 : i32
        %dma_start3A_437 = arith.constant 0 : i32
        %dma_start3A_438 = arith.constant 0 : i32
        %dma_start3A_439 = tpu.memref_slice %arg8[%dma_start3A_436, %dma_start3A_437, %dma_start3A_438] : memref<8x128x64xf32, #tpu.memory_space<vmem>> -> memref<1x128x64xf32, #tpu.memory_space<vmem>>
        %dma_start3A_440 = tpu.memref_squeeze %dma_start3A_439 : memref<1x128x64xf32, #tpu.memory_space<vmem>> -> memref<128x64xf32, #tpu.memory_space<vmem>>
        %dma_start3A_441 = arith.constant 0 : i32
        %dma_start3A_442 = tpu.memref_slice %arg6[%add3A_261, %dma_start3A_441] : memref<80x128xi32, #tpu.memory_space<vmem>> -> memref<1x128xi32, #tpu.memory_space<vmem>>
        %dma_start3A_443 = tpu.memref_squeeze %dma_start3A_442 : memref<1x128xi32, #tpu.memory_space<vmem>> -> memref<128xi32, #tpu.memory_space<vmem>>
        %dma_start3A_444 = arith.constant 0 : i32
        %dma_start3A_445 = arith.constant 0 : i32
        %dma_start3A_446 = tpu.memref_slice %arg4[%dma_start3A_444, %dma_start3A_445] : memref<10000x64xf32, #tpu.memory_space<hbm>> -> memref<10000x64xf32, #tpu.memory_space<hbm>>
        tpu.enqueue_indirect_dma source(%dma_start3A_446 : memref<10000x64xf32, #tpu.memory_space<hbm>>) target(%dma_start3A_440 : memref<128x64xf32, #tpu.memory_space<vmem>>) offsets(%dma_start3A_443 : memref<128xi32, #tpu.memory_space<vmem>>) semaphore(%arg16 : memref<!tpu.dma_semaphore, #tpu.memory_space<semaphore_mem>>)
      } else {
      }
      %mul3A_267 = arith.constant 8 : i32
      %mul3A_268 = arith.muli %add3A_170, %mul3A_267 : i32
      %add3A_269 = arith.constant 3 : i32
      %add3A_270 = arith.addi %mul3A_268, %add3A_269 : i32
      %dma_wait3A_271 = arith.constant 3 : i32
      %dma_wait3A_272 = arith.constant 0 : i32
      %dma_wait3A_273 = arith.constant 0 : i32
      %dma_wait3A_274 = tpu.memref_slice %arg8[%dma_wait3A_271, %dma_wait3A_272, %dma_wait3A_273] : memref<8x128x64xf32, #tpu.memory_space<vmem>> -> memref<1x128x64xf32, #tpu.memory_space<vmem>>
      %dma_wait3A_275 = tpu.memref_squeeze %dma_wait3A_274 : memref<1x128x64xf32, #tpu.memory_space<vmem>> -> memref<128x64xf32, #tpu.memory_space<vmem>>
      %dma_wait3A_276 = arith.constant 0 : i32
      %dma_wait3A_277 = tpu.memref_slice %arg6[%add3A_270, %dma_wait3A_276] : memref<80x128xi32, #tpu.memory_space<vmem>> -> memref<1x128xi32, #tpu.memory_space<vmem>>
      %dma_wait3A_278 = tpu.memref_squeeze %dma_wait3A_277 : memref<1x128xi32, #tpu.memory_space<vmem>> -> memref<128xi32, #tpu.memory_space<vmem>>
      %dma_wait3A_279 = arith.constant 0 : i32
      %dma_wait3A_280 = arith.constant 0 : i32
      %dma_wait3A_281 = tpu.memref_slice %arg4[%dma_wait3A_279, %dma_wait3A_280] : memref<10000x64xf32, #tpu.memory_space<hbm>> -> memref<10000x64xf32, #tpu.memory_space<hbm>>
      tpu.wait_indirect_dma semaphore(%arg13 : memref<!tpu.dma_semaphore, #tpu.memory_space<semaphore_mem>>) src(%dma_wait3A_281 : memref<10000x64xf32, #tpu.memory_space<hbm>>) dst(%dma_wait3A_275 : memref<128x64xf32, #tpu.memory_space<vmem>>)
      %dma_start3A_282 = arith.constant 3 : i32
      %dma_start3A_283 = arith.constant 0 : i32
      %dma_start3A_284 = arith.constant 0 : i32
      %dma_start3A_285 = tpu.memref_slice %arg8[%dma_start3A_282, %dma_start3A_283, %dma_start3A_284] : memref<8x128x64xf32, #tpu.memory_space<vmem>> -> memref<1x128x64xf32, #tpu.memory_space<vmem>>
      %dma_start3A_286 = tpu.memref_squeeze %dma_start3A_285 : memref<1x128x64xf32, #tpu.memory_space<vmem>> -> memref<128x64xf32, #tpu.memory_space<vmem>>
      %dma_start3A_287 = arith.constant 0 : i32
      %dma_start3A_288 = tpu.memref_slice %arg7[%add3A_270, %dma_start3A_287] : memref<80x128xi32, #tpu.memory_space<vmem>> -> memref<1x128xi32, #tpu.memory_space<vmem>>
      %dma_start3A_289 = tpu.memref_squeeze %dma_start3A_288 : memref<1x128xi32, #tpu.memory_space<vmem>> -> memref<128xi32, #tpu.memory_space<vmem>>
      %dma_start3A_290 = arith.constant 0 : i32
      %dma_start3A_291 = arith.constant 0 : i32
      %dma_start3A_292 = tpu.memref_slice %arg9[%dma_start3A_290, %dma_start3A_291] : memref<10240x64xf32, #tpu.memory_space<vmem_shared>> -> memref<10240x64xf32, #tpu.memory_space<vmem_shared>>
      tpu.enqueue_indirect_dma source(%dma_start3A_286 : memref<128x64xf32, #tpu.memory_space<vmem>>) target(%dma_start3A_292 : memref<10240x64xf32, #tpu.memory_space<vmem_shared>>) offsets(%dma_start3A_289 : memref<128xi32, #tpu.memory_space<vmem>>) semaphore(%arg21 : memref<!tpu.dma_semaphore, #tpu.memory_space<semaphore_mem>>) {add = true}
      %add3A_293 = arith.constant 4 : i32
      %add3A_294 = arith.addi %add3A_270, %add3A_293 : i32
      %lt3A_295 = arith.constant 80 : i32
      %lt3A_296 = arith.cmpi slt, %add3A_294, %lt3A_295 : i32
      %convert_element_type3A_297 = arith.extui %lt3A_296 : i1 to i32
      %cond3A_298 = arith.constant 0 : i32
      %cond3A_299 = arith.cmpi ne, %convert_element_type3A_297, %cond3A_298 : i32
      scf.if %cond3A_299 {
        %ge3A = arith.constant 4 : i32
        %ge3A_432 = arith.cmpi sge, %add3A_270, %ge3A : i32
        %convert_element_type3A_433 = arith.extui %ge3A_432 : i1 to i32
        %cond3A_434 = arith.constant 0 : i32
        %cond3A_435 = arith.cmpi ne, %convert_element_type3A_433, %cond3A_434 : i32
        scf.if %cond3A_435 {
          %sub3A = arith.constant 8 : i32
          %sub3A_447 = arith.subi %add3A_294, %sub3A : i32
          %dma_wait3A_448 = arith.constant 7 : i32
          %dma_wait3A_449 = arith.constant 0 : i32
          %dma_wait3A_450 = arith.constant 0 : i32
          %dma_wait3A_451 = tpu.memref_slice %arg8[%dma_wait3A_448, %dma_wait3A_449, %dma_wait3A_450] : memref<8x128x64xf32, #tpu.memory_space<vmem>> -> memref<1x128x64xf32, #tpu.memory_space<vmem>>
          %dma_wait3A_452 = tpu.memref_squeeze %dma_wait3A_451 : memref<1x128x64xf32, #tpu.memory_space<vmem>> -> memref<128x64xf32, #tpu.memory_space<vmem>>
          %dma_wait3A_453 = arith.constant 0 : i32
          %dma_wait3A_454 = tpu.memref_slice %arg7[%sub3A_447, %dma_wait3A_453] : memref<80x128xi32, #tpu.memory_space<vmem>> -> memref<1x128xi32, #tpu.memory_space<vmem>>
          %dma_wait3A_455 = tpu.memref_squeeze %dma_wait3A_454 : memref<1x128xi32, #tpu.memory_space<vmem>> -> memref<128xi32, #tpu.memory_space<vmem>>
          %dma_wait3A_456 = arith.constant 0 : i32
          %dma_wait3A_457 = arith.constant 0 : i32
          %dma_wait3A_458 = tpu.memref_slice %arg9[%dma_wait3A_456, %dma_wait3A_457] : memref<10240x64xf32, #tpu.memory_space<vmem_shared>> -> memref<10240x64xf32, #tpu.memory_space<vmem_shared>>
          tpu.wait_indirect_dma semaphore(%arg25 : memref<!tpu.dma_semaphore, #tpu.memory_space<semaphore_mem>>) src(%dma_wait3A_452 : memref<128x64xf32, #tpu.memory_space<vmem>>) dst(%dma_wait3A_458 : memref<10240x64xf32, #tpu.memory_space<vmem_shared>>)
        } else {
        }
        %dma_start3A_436 = arith.constant 7 : i32
        %dma_start3A_437 = arith.constant 0 : i32
        %dma_start3A_438 = arith.constant 0 : i32
        %dma_start3A_439 = tpu.memref_slice %arg8[%dma_start3A_436, %dma_start3A_437, %dma_start3A_438] : memref<8x128x64xf32, #tpu.memory_space<vmem>> -> memref<1x128x64xf32, #tpu.memory_space<vmem>>
        %dma_start3A_440 = tpu.memref_squeeze %dma_start3A_439 : memref<1x128x64xf32, #tpu.memory_space<vmem>> -> memref<128x64xf32, #tpu.memory_space<vmem>>
        %dma_start3A_441 = arith.constant 0 : i32
        %dma_start3A_442 = tpu.memref_slice %arg6[%add3A_294, %dma_start3A_441] : memref<80x128xi32, #tpu.memory_space<vmem>> -> memref<1x128xi32, #tpu.memory_space<vmem>>
        %dma_start3A_443 = tpu.memref_squeeze %dma_start3A_442 : memref<1x128xi32, #tpu.memory_space<vmem>> -> memref<128xi32, #tpu.memory_space<vmem>>
        %dma_start3A_444 = arith.constant 0 : i32
        %dma_start3A_445 = arith.constant 0 : i32
        %dma_start3A_446 = tpu.memref_slice %arg4[%dma_start3A_444, %dma_start3A_445] : memref<10000x64xf32, #tpu.memory_space<hbm>> -> memref<10000x64xf32, #tpu.memory_space<hbm>>
        tpu.enqueue_indirect_dma source(%dma_start3A_446 : memref<10000x64xf32, #tpu.memory_space<hbm>>) target(%dma_start3A_440 : memref<128x64xf32, #tpu.memory_space<vmem>>) offsets(%dma_start3A_443 : memref<128xi32, #tpu.memory_space<vmem>>) semaphore(%arg17 : memref<!tpu.dma_semaphore, #tpu.memory_space<semaphore_mem>>)
      } else {
      }
      %mul3A_300 = arith.constant 8 : i32
      %mul3A_301 = arith.muli %add3A_170, %mul3A_300 : i32
      %add3A_302 = arith.constant 4 : i32
      %add3A_303 = arith.addi %mul3A_301, %add3A_302 : i32
      %dma_wait3A_304 = arith.constant 4 : i32
      %dma_wait3A_305 = arith.constant 0 : i32
      %dma_wait3A_306 = arith.constant 0 : i32
      %dma_wait3A_307 = tpu.memref_slice %arg8[%dma_wait3A_304, %dma_wait3A_305, %dma_wait3A_306] : memref<8x128x64xf32, #tpu.memory_space<vmem>> -> memref<1x128x64xf32, #tpu.memory_space<vmem>>
      %dma_wait3A_308 = tpu.memref_squeeze %dma_wait3A_307 : memref<1x128x64xf32, #tpu.memory_space<vmem>> -> memref<128x64xf32, #tpu.memory_space<vmem>>
      %dma_wait3A_309 = arith.constant 0 : i32
      %dma_wait3A_310 = tpu.memref_slice %arg6[%add3A_303, %dma_wait3A_309] : memref<80x128xi32, #tpu.memory_space<vmem>> -> memref<1x128xi32, #tpu.memory_space<vmem>>
      %dma_wait3A_311 = tpu.memref_squeeze %dma_wait3A_310 : memref<1x128xi32, #tpu.memory_space<vmem>> -> memref<128xi32, #tpu.memory_space<vmem>>
      %dma_wait3A_312 = arith.constant 0 : i32
      %dma_wait3A_313 = arith.constant 0 : i32
      %dma_wait3A_314 = tpu.memref_slice %arg4[%dma_wait3A_312, %dma_wait3A_313] : memref<10000x64xf32, #tpu.memory_space<hbm>> -> memref<10000x64xf32, #tpu.memory_space<hbm>>
      tpu.wait_indirect_dma semaphore(%arg14 : memref<!tpu.dma_semaphore, #tpu.memory_space<semaphore_mem>>) src(%dma_wait3A_314 : memref<10000x64xf32, #tpu.memory_space<hbm>>) dst(%dma_wait3A_308 : memref<128x64xf32, #tpu.memory_space<vmem>>)
      %dma_start3A_315 = arith.constant 4 : i32
      %dma_start3A_316 = arith.constant 0 : i32
      %dma_start3A_317 = arith.constant 0 : i32
      %dma_start3A_318 = tpu.memref_slice %arg8[%dma_start3A_315, %dma_start3A_316, %dma_start3A_317] : memref<8x128x64xf32, #tpu.memory_space<vmem>> -> memref<1x128x64xf32, #tpu.memory_space<vmem>>
      %dma_start3A_319 = tpu.memref_squeeze %dma_start3A_318 : memref<1x128x64xf32, #tpu.memory_space<vmem>> -> memref<128x64xf32, #tpu.memory_space<vmem>>
      %dma_start3A_320 = arith.constant 0 : i32
      %dma_start3A_321 = tpu.memref_slice %arg7[%add3A_303, %dma_start3A_320] : memref<80x128xi32, #tpu.memory_space<vmem>> -> memref<1x128xi32, #tpu.memory_space<vmem>>
      %dma_start3A_322 = tpu.memref_squeeze %dma_start3A_321 : memref<1x128xi32, #tpu.memory_space<vmem>> -> memref<128xi32, #tpu.memory_space<vmem>>
      %dma_start3A_323 = arith.constant 0 : i32
      %dma_start3A_324 = arith.constant 0 : i32
      %dma_start3A_325 = tpu.memref_slice %arg9[%dma_start3A_323, %dma_start3A_324] : memref<10240x64xf32, #tpu.memory_space<vmem_shared>> -> memref<10240x64xf32, #tpu.memory_space<vmem_shared>>
      tpu.enqueue_indirect_dma source(%dma_start3A_319 : memref<128x64xf32, #tpu.memory_space<vmem>>) target(%dma_start3A_325 : memref<10240x64xf32, #tpu.memory_space<vmem_shared>>) offsets(%dma_start3A_322 : memref<128xi32, #tpu.memory_space<vmem>>) semaphore(%arg22 : memref<!tpu.dma_semaphore, #tpu.memory_space<semaphore_mem>>) {add = true}
      %add3A_326 = arith.constant 4 : i32
      %add3A_327 = arith.addi %add3A_303, %add3A_326 : i32
      %lt3A_328 = arith.constant 80 : i32
      %lt3A_329 = arith.cmpi slt, %add3A_327, %lt3A_328 : i32
      %convert_element_type3A_330 = arith.extui %lt3A_329 : i1 to i32
      %cond3A_331 = arith.constant 0 : i32
      %cond3A_332 = arith.cmpi ne, %convert_element_type3A_330, %cond3A_331 : i32
      scf.if %cond3A_332 {
        %ge3A = arith.constant 4 : i32
        %ge3A_432 = arith.cmpi sge, %add3A_303, %ge3A : i32
        %convert_element_type3A_433 = arith.extui %ge3A_432 : i1 to i32
        %cond3A_434 = arith.constant 0 : i32
        %cond3A_435 = arith.cmpi ne, %convert_element_type3A_433, %cond3A_434 : i32
        scf.if %cond3A_435 {
          %sub3A = arith.constant 8 : i32
          %sub3A_447 = arith.subi %add3A_327, %sub3A : i32
          %dma_wait3A_448 = arith.constant 0 : i32
          %dma_wait3A_449 = arith.constant 0 : i32
          %dma_wait3A_450 = arith.constant 0 : i32
          %dma_wait3A_451 = tpu.memref_slice %arg8[%dma_wait3A_448, %dma_wait3A_449, %dma_wait3A_450] : memref<8x128x64xf32, #tpu.memory_space<vmem>> -> memref<1x128x64xf32, #tpu.memory_space<vmem>>
          %dma_wait3A_452 = tpu.memref_squeeze %dma_wait3A_451 : memref<1x128x64xf32, #tpu.memory_space<vmem>> -> memref<128x64xf32, #tpu.memory_space<vmem>>
          %dma_wait3A_453 = arith.constant 0 : i32
          %dma_wait3A_454 = tpu.memref_slice %arg7[%sub3A_447, %dma_wait3A_453] : memref<80x128xi32, #tpu.memory_space<vmem>> -> memref<1x128xi32, #tpu.memory_space<vmem>>
          %dma_wait3A_455 = tpu.memref_squeeze %dma_wait3A_454 : memref<1x128xi32, #tpu.memory_space<vmem>> -> memref<128xi32, #tpu.memory_space<vmem>>
          %dma_wait3A_456 = arith.constant 0 : i32
          %dma_wait3A_457 = arith.constant 0 : i32
          %dma_wait3A_458 = tpu.memref_slice %arg9[%dma_wait3A_456, %dma_wait3A_457] : memref<10240x64xf32, #tpu.memory_space<vmem_shared>> -> memref<10240x64xf32, #tpu.memory_space<vmem_shared>>
          tpu.wait_indirect_dma semaphore(%arg18 : memref<!tpu.dma_semaphore, #tpu.memory_space<semaphore_mem>>) src(%dma_wait3A_452 : memref<128x64xf32, #tpu.memory_space<vmem>>) dst(%dma_wait3A_458 : memref<10240x64xf32, #tpu.memory_space<vmem_shared>>)
        } else {
        }
        %dma_start3A_436 = arith.constant 0 : i32
        %dma_start3A_437 = arith.constant 0 : i32
        %dma_start3A_438 = arith.constant 0 : i32
        %dma_start3A_439 = tpu.memref_slice %arg8[%dma_start3A_436, %dma_start3A_437, %dma_start3A_438] : memref<8x128x64xf32, #tpu.memory_space<vmem>> -> memref<1x128x64xf32, #tpu.memory_space<vmem>>
        %dma_start3A_440 = tpu.memref_squeeze %dma_start3A_439 : memref<1x128x64xf32, #tpu.memory_space<vmem>> -> memref<128x64xf32, #tpu.memory_space<vmem>>
        %dma_start3A_441 = arith.constant 0 : i32
        %dma_start3A_442 = tpu.memref_slice %arg6[%add3A_327, %dma_start3A_441] : memref<80x128xi32, #tpu.memory_space<vmem>> -> memref<1x128xi32, #tpu.memory_space<vmem>>
        %dma_start3A_443 = tpu.memref_squeeze %dma_start3A_442 : memref<1x128xi32, #tpu.memory_space<vmem>> -> memref<128xi32, #tpu.memory_space<vmem>>
        %dma_start3A_444 = arith.constant 0 : i32
        %dma_start3A_445 = arith.constant 0 : i32
        %dma_start3A_446 = tpu.memref_slice %arg4[%dma_start3A_444, %dma_start3A_445] : memref<10000x64xf32, #tpu.memory_space<hbm>> -> memref<10000x64xf32, #tpu.memory_space<hbm>>
        tpu.enqueue_indirect_dma source(%dma_start3A_446 : memref<10000x64xf32, #tpu.memory_space<hbm>>) target(%dma_start3A_440 : memref<128x64xf32, #tpu.memory_space<vmem>>) offsets(%dma_start3A_443 : memref<128xi32, #tpu.memory_space<vmem>>) semaphore(%arg10 : memref<!tpu.dma_semaphore, #tpu.memory_space<semaphore_mem>>)
      } else {
      }
      %mul3A_333 = arith.constant 8 : i32
      %mul3A_334 = arith.muli %add3A_170, %mul3A_333 : i32
      %add3A_335 = arith.constant 5 : i32
      %add3A_336 = arith.addi %mul3A_334, %add3A_335 : i32
      %dma_wait3A_337 = arith.constant 5 : i32
      %dma_wait3A_338 = arith.constant 0 : i32
      %dma_wait3A_339 = arith.constant 0 : i32
      %dma_wait3A_340 = tpu.memref_slice %arg8[%dma_wait3A_337, %dma_wait3A_338, %dma_wait3A_339] : memref<8x128x64xf32, #tpu.memory_space<vmem>> -> memref<1x128x64xf32, #tpu.memory_space<vmem>>
      %dma_wait3A_341 = tpu.memref_squeeze %dma_wait3A_340 : memref<1x128x64xf32, #tpu.memory_space<vmem>> -> memref<128x64xf32, #tpu.memory_space<vmem>>
      %dma_wait3A_342 = arith.constant 0 : i32
      %dma_wait3A_343 = tpu.memref_slice %arg6[%add3A_336, %dma_wait3A_342] : memref<80x128xi32, #tpu.memory_space<vmem>> -> memref<1x128xi32, #tpu.memory_space<vmem>>
      %dma_wait3A_344 = tpu.memref_squeeze %dma_wait3A_343 : memref<1x128xi32, #tpu.memory_space<vmem>> -> memref<128xi32, #tpu.memory_space<vmem>>
      %dma_wait3A_345 = arith.constant 0 : i32
      %dma_wait3A_346 = arith.constant 0 : i32
      %dma_wait3A_347 = tpu.memref_slice %arg4[%dma_wait3A_345, %dma_wait3A_346] : memref<10000x64xf32, #tpu.memory_space<hbm>> -> memref<10000x64xf32, #tpu.memory_space<hbm>>
      tpu.wait_indirect_dma semaphore(%arg15 : memref<!tpu.dma_semaphore, #tpu.memory_space<semaphore_mem>>) src(%dma_wait3A_347 : memref<10000x64xf32, #tpu.memory_space<hbm>>) dst(%dma_wait3A_341 : memref<128x64xf32, #tpu.memory_space<vmem>>)
      %dma_start3A_348 = arith.constant 5 : i32
      %dma_start3A_349 = arith.constant 0 : i32
      %dma_start3A_350 = arith.constant 0 : i32
      %dma_start3A_351 = tpu.memref_slice %arg8[%dma_start3A_348, %dma_start3A_349, %dma_start3A_350] : memref<8x128x64xf32, #tpu.memory_space<vmem>> -> memref<1x128x64xf32, #tpu.memory_space<vmem>>
      %dma_start3A_352 = tpu.memref_squeeze %dma_start3A_351 : memref<1x128x64xf32, #tpu.memory_space<vmem>> -> memref<128x64xf32, #tpu.memory_space<vmem>>
      %dma_start3A_353 = arith.constant 0 : i32
      %dma_start3A_354 = tpu.memref_slice %arg7[%add3A_336, %dma_start3A_353] : memref<80x128xi32, #tpu.memory_space<vmem>> -> memref<1x128xi32, #tpu.memory_space<vmem>>
      %dma_start3A_355 = tpu.memref_squeeze %dma_start3A_354 : memref<1x128xi32, #tpu.memory_space<vmem>> -> memref<128xi32, #tpu.memory_space<vmem>>
      %dma_start3A_356 = arith.constant 0 : i32
      %dma_start3A_357 = arith.constant 0 : i32
      %dma_start3A_358 = tpu.memref_slice %arg9[%dma_start3A_356, %dma_start3A_357] : memref<10240x64xf32, #tpu.memory_space<vmem_shared>> -> memref<10240x64xf32, #tpu.memory_space<vmem_shared>>
      tpu.enqueue_indirect_dma source(%dma_start3A_352 : memref<128x64xf32, #tpu.memory_space<vmem>>) target(%dma_start3A_358 : memref<10240x64xf32, #tpu.memory_space<vmem_shared>>) offsets(%dma_start3A_355 : memref<128xi32, #tpu.memory_space<vmem>>) semaphore(%arg23 : memref<!tpu.dma_semaphore, #tpu.memory_space<semaphore_mem>>) {add = true}
      %add3A_359 = arith.constant 4 : i32
      %add3A_360 = arith.addi %add3A_336, %add3A_359 : i32
      %lt3A_361 = arith.constant 80 : i32
      %lt3A_362 = arith.cmpi slt, %add3A_360, %lt3A_361 : i32
      %convert_element_type3A_363 = arith.extui %lt3A_362 : i1 to i32
      %cond3A_364 = arith.constant 0 : i32
      %cond3A_365 = arith.cmpi ne, %convert_element_type3A_363, %cond3A_364 : i32
      scf.if %cond3A_365 {
        %ge3A = arith.constant 4 : i32
        %ge3A_432 = arith.cmpi sge, %add3A_336, %ge3A : i32
        %convert_element_type3A_433 = arith.extui %ge3A_432 : i1 to i32
        %cond3A_434 = arith.constant 0 : i32
        %cond3A_435 = arith.cmpi ne, %convert_element_type3A_433, %cond3A_434 : i32
        scf.if %cond3A_435 {
          %sub3A = arith.constant 8 : i32
          %sub3A_447 = arith.subi %add3A_360, %sub3A : i32
          %dma_wait3A_448 = arith.constant 1 : i32
          %dma_wait3A_449 = arith.constant 0 : i32
          %dma_wait3A_450 = arith.constant 0 : i32
          %dma_wait3A_451 = tpu.memref_slice %arg8[%dma_wait3A_448, %dma_wait3A_449, %dma_wait3A_450] : memref<8x128x64xf32, #tpu.memory_space<vmem>> -> memref<1x128x64xf32, #tpu.memory_space<vmem>>
          %dma_wait3A_452 = tpu.memref_squeeze %dma_wait3A_451 : memref<1x128x64xf32, #tpu.memory_space<vmem>> -> memref<128x64xf32, #tpu.memory_space<vmem>>
          %dma_wait3A_453 = arith.constant 0 : i32
          %dma_wait3A_454 = tpu.memref_slice %arg7[%sub3A_447, %dma_wait3A_453] : memref<80x128xi32, #tpu.memory_space<vmem>> -> memref<1x128xi32, #tpu.memory_space<vmem>>
          %dma_wait3A_455 = tpu.memref_squeeze %dma_wait3A_454 : memref<1x128xi32, #tpu.memory_space<vmem>> -> memref<128xi32, #tpu.memory_space<vmem>>
          %dma_wait3A_456 = arith.constant 0 : i32
          %dma_wait3A_457 = arith.constant 0 : i32
          %dma_wait3A_458 = tpu.memref_slice %arg9[%dma_wait3A_456, %dma_wait3A_457] : memref<10240x64xf32, #tpu.memory_space<vmem_shared>> -> memref<10240x64xf32, #tpu.memory_space<vmem_shared>>
          tpu.wait_indirect_dma semaphore(%arg19 : memref<!tpu.dma_semaphore, #tpu.memory_space<semaphore_mem>>) src(%dma_wait3A_452 : memref<128x64xf32, #tpu.memory_space<vmem>>) dst(%dma_wait3A_458 : memref<10240x64xf32, #tpu.memory_space<vmem_shared>>)
        } else {
        }
        %dma_start3A_436 = arith.constant 1 : i32
        %dma_start3A_437 = arith.constant 0 : i32
        %dma_start3A_438 = arith.constant 0 : i32
        %dma_start3A_439 = tpu.memref_slice %arg8[%dma_start3A_436, %dma_start3A_437, %dma_start3A_438] : memref<8x128x64xf32, #tpu.memory_space<vmem>> -> memref<1x128x64xf32, #tpu.memory_space<vmem>>
        %dma_start3A_440 = tpu.memref_squeeze %dma_start3A_439 : memref<1x128x64xf32, #tpu.memory_space<vmem>> -> memref<128x64xf32, #tpu.memory_space<vmem>>
        %dma_start3A_441 = arith.constant 0 : i32
        %dma_start3A_442 = tpu.memref_slice %arg6[%add3A_360, %dma_start3A_441] : memref<80x128xi32, #tpu.memory_space<vmem>> -> memref<1x128xi32, #tpu.memory_space<vmem>>
        %dma_start3A_443 = tpu.memref_squeeze %dma_start3A_442 : memref<1x128xi32, #tpu.memory_space<vmem>> -> memref<128xi32, #tpu.memory_space<vmem>>
        %dma_start3A_444 = arith.constant 0 : i32
        %dma_start3A_445 = arith.constant 0 : i32
        %dma_start3A_446 = tpu.memref_slice %arg4[%dma_start3A_444, %dma_start3A_445] : memref<10000x64xf32, #tpu.memory_space<hbm>> -> memref<10000x64xf32, #tpu.memory_space<hbm>>
        tpu.enqueue_indirect_dma source(%dma_start3A_446 : memref<10000x64xf32, #tpu.memory_space<hbm>>) target(%dma_start3A_440 : memref<128x64xf32, #tpu.memory_space<vmem>>) offsets(%dma_start3A_443 : memref<128xi32, #tpu.memory_space<vmem>>) semaphore(%arg11 : memref<!tpu.dma_semaphore, #tpu.memory_space<semaphore_mem>>)
      } else {
      }
      %mul3A_366 = arith.constant 8 : i32
      %mul3A_367 = arith.muli %add3A_170, %mul3A_366 : i32
      %add3A_368 = arith.constant 6 : i32
      %add3A_369 = arith.addi %mul3A_367, %add3A_368 : i32
      %dma_wait3A_370 = arith.constant 6 : i32
      %dma_wait3A_371 = arith.constant 0 : i32
      %dma_wait3A_372 = arith.constant 0 : i32
      %dma_wait3A_373 = tpu.memref_slice %arg8[%dma_wait3A_370, %dma_wait3A_371, %dma_wait3A_372] : memref<8x128x64xf32, #tpu.memory_space<vmem>> -> memref<1x128x64xf32, #tpu.memory_space<vmem>>
      %dma_wait3A_374 = tpu.memref_squeeze %dma_wait3A_373 : memref<1x128x64xf32, #tpu.memory_space<vmem>> -> memref<128x64xf32, #tpu.memory_space<vmem>>
      %dma_wait3A_375 = arith.constant 0 : i32
      %dma_wait3A_376 = tpu.memref_slice %arg6[%add3A_369, %dma_wait3A_375] : memref<80x128xi32, #tpu.memory_space<vmem>> -> memref<1x128xi32, #tpu.memory_space<vmem>>
      %dma_wait3A_377 = tpu.memref_squeeze %dma_wait3A_376 : memref<1x128xi32, #tpu.memory_space<vmem>> -> memref<128xi32, #tpu.memory_space<vmem>>
      %dma_wait3A_378 = arith.constant 0 : i32
      %dma_wait3A_379 = arith.constant 0 : i32
      %dma_wait3A_380 = tpu.memref_slice %arg4[%dma_wait3A_378, %dma_wait3A_379] : memref<10000x64xf32, #tpu.memory_space<hbm>> -> memref<10000x64xf32, #tpu.memory_space<hbm>>
      tpu.wait_indirect_dma semaphore(%arg16 : memref<!tpu.dma_semaphore, #tpu.memory_space<semaphore_mem>>) src(%dma_wait3A_380 : memref<10000x64xf32, #tpu.memory_space<hbm>>) dst(%dma_wait3A_374 : memref<128x64xf32, #tpu.memory_space<vmem>>)
      %dma_start3A_381 = arith.constant 6 : i32
      %dma_start3A_382 = arith.constant 0 : i32
      %dma_start3A_383 = arith.constant 0 : i32
      %dma_start3A_384 = tpu.memref_slice %arg8[%dma_start3A_381, %dma_start3A_382, %dma_start3A_383] : memref<8x128x64xf32, #tpu.memory_space<vmem>> -> memref<1x128x64xf32, #tpu.memory_space<vmem>>
      %dma_start3A_385 = tpu.memref_squeeze %dma_start3A_384 : memref<1x128x64xf32, #tpu.memory_space<vmem>> -> memref<128x64xf32, #tpu.memory_space<vmem>>
      %dma_start3A_386 = arith.constant 0 : i32
      %dma_start3A_387 = tpu.memref_slice %arg7[%add3A_369, %dma_start3A_386] : memref<80x128xi32, #tpu.memory_space<vmem>> -> memref<1x128xi32, #tpu.memory_space<vmem>>
      %dma_start3A_388 = tpu.memref_squeeze %dma_start3A_387 : memref<1x128xi32, #tpu.memory_space<vmem>> -> memref<128xi32, #tpu.memory_space<vmem>>
      %dma_start3A_389 = arith.constant 0 : i32
      %dma_start3A_390 = arith.constant 0 : i32
      %dma_start3A_391 = tpu.memref_slice %arg9[%dma_start3A_389, %dma_start3A_390] : memref<10240x64xf32, #tpu.memory_space<vmem_shared>> -> memref<10240x64xf32, #tpu.memory_space<vmem_shared>>
      tpu.enqueue_indirect_dma source(%dma_start3A_385 : memref<128x64xf32, #tpu.memory_space<vmem>>) target(%dma_start3A_391 : memref<10240x64xf32, #tpu.memory_space<vmem_shared>>) offsets(%dma_start3A_388 : memref<128xi32, #tpu.memory_space<vmem>>) semaphore(%arg24 : memref<!tpu.dma_semaphore, #tpu.memory_space<semaphore_mem>>) {add = true}
      %add3A_392 = arith.constant 4 : i32
      %add3A_393 = arith.addi %add3A_369, %add3A_392 : i32
      %lt3A_394 = arith.constant 80 : i32
      %lt3A_395 = arith.cmpi slt, %add3A_393, %lt3A_394 : i32
      %convert_element_type3A_396 = arith.extui %lt3A_395 : i1 to i32
      %cond3A_397 = arith.constant 0 : i32
      %cond3A_398 = arith.cmpi ne, %convert_element_type3A_396, %cond3A_397 : i32
      scf.if %cond3A_398 {
        %ge3A = arith.constant 4 : i32
        %ge3A_432 = arith.cmpi sge, %add3A_369, %ge3A : i32
        %convert_element_type3A_433 = arith.extui %ge3A_432 : i1 to i32
        %cond3A_434 = arith.constant 0 : i32
        %cond3A_435 = arith.cmpi ne, %convert_element_type3A_433, %cond3A_434 : i32
        scf.if %cond3A_435 {
          %sub3A = arith.constant 8 : i32
          %sub3A_447 = arith.subi %add3A_393, %sub3A : i32
          %dma_wait3A_448 = arith.constant 2 : i32
          %dma_wait3A_449 = arith.constant 0 : i32
          %dma_wait3A_450 = arith.constant 0 : i32
          %dma_wait3A_451 = tpu.memref_slice %arg8[%dma_wait3A_448, %dma_wait3A_449, %dma_wait3A_450] : memref<8x128x64xf32, #tpu.memory_space<vmem>> -> memref<1x128x64xf32, #tpu.memory_space<vmem>>
          %dma_wait3A_452 = tpu.memref_squeeze %dma_wait3A_451 : memref<1x128x64xf32, #tpu.memory_space<vmem>> -> memref<128x64xf32, #tpu.memory_space<vmem>>
          %dma_wait3A_453 = arith.constant 0 : i32
          %dma_wait3A_454 = tpu.memref_slice %arg7[%sub3A_447, %dma_wait3A_453] : memref<80x128xi32, #tpu.memory_space<vmem>> -> memref<1x128xi32, #tpu.memory_space<vmem>>
          %dma_wait3A_455 = tpu.memref_squeeze %dma_wait3A_454 : memref<1x128xi32, #tpu.memory_space<vmem>> -> memref<128xi32, #tpu.memory_space<vmem>>
          %dma_wait3A_456 = arith.constant 0 : i32
          %dma_wait3A_457 = arith.constant 0 : i32
          %dma_wait3A_458 = tpu.memref_slice %arg9[%dma_wait3A_456, %dma_wait3A_457] : memref<10240x64xf32, #tpu.memory_space<vmem_shared>> -> memref<10240x64xf32, #tpu.memory_space<vmem_shared>>
          tpu.wait_indirect_dma semaphore(%arg20 : memref<!tpu.dma_semaphore, #tpu.memory_space<semaphore_mem>>) src(%dma_wait3A_452 : memref<128x64xf32, #tpu.memory_space<vmem>>) dst(%dma_wait3A_458 : memref<10240x64xf32, #tpu.memory_space<vmem_shared>>)
        } else {
        }
        %dma_start3A_436 = arith.constant 2 : i32
        %dma_start3A_437 = arith.constant 0 : i32
        %dma_start3A_438 = arith.constant 0 : i32
        %dma_start3A_439 = tpu.memref_slice %arg8[%dma_start3A_436, %dma_start3A_437, %dma_start3A_438] : memref<8x128x64xf32, #tpu.memory_space<vmem>> -> memref<1x128x64xf32, #tpu.memory_space<vmem>>
        %dma_start3A_440 = tpu.memref_squeeze %dma_start3A_439 : memref<1x128x64xf32, #tpu.memory_space<vmem>> -> memref<128x64xf32, #tpu.memory_space<vmem>>
        %dma_start3A_441 = arith.constant 0 : i32
        %dma_start3A_442 = tpu.memref_slice %arg6[%add3A_393, %dma_start3A_441] : memref<80x128xi32, #tpu.memory_space<vmem>> -> memref<1x128xi32, #tpu.memory_space<vmem>>
        %dma_start3A_443 = tpu.memref_squeeze %dma_start3A_442 : memref<1x128xi32, #tpu.memory_space<vmem>> -> memref<128xi32, #tpu.memory_space<vmem>>
        %dma_start3A_444 = arith.constant 0 : i32
        %dma_start3A_445 = arith.constant 0 : i32
        %dma_start3A_446 = tpu.memref_slice %arg4[%dma_start3A_444, %dma_start3A_445] : memref<10000x64xf32, #tpu.memory_space<hbm>> -> memref<10000x64xf32, #tpu.memory_space<hbm>>
        tpu.enqueue_indirect_dma source(%dma_start3A_446 : memref<10000x64xf32, #tpu.memory_space<hbm>>) target(%dma_start3A_440 : memref<128x64xf32, #tpu.memory_space<vmem>>) offsets(%dma_start3A_443 : memref<128xi32, #tpu.memory_space<vmem>>) semaphore(%arg12 : memref<!tpu.dma_semaphore, #tpu.memory_space<semaphore_mem>>)
      } else {
      }
      %mul3A_399 = arith.constant 8 : i32
      %mul3A_400 = arith.muli %add3A_170, %mul3A_399 : i32
      %add3A_401 = arith.constant 7 : i32
      %add3A_402 = arith.addi %mul3A_400, %add3A_401 : i32
      %dma_wait3A_403 = arith.constant 7 : i32
      %dma_wait3A_404 = arith.constant 0 : i32
      %dma_wait3A_405 = arith.constant 0 : i32
      %dma_wait3A_406 = tpu.memref_slice %arg8[%dma_wait3A_403, %dma_wait3A_404, %dma_wait3A_405] : memref<8x128x64xf32, #tpu.memory_space<vmem>> -> memref<1x128x64xf32, #tpu.memory_space<vmem>>
      %dma_wait3A_407 = tpu.memref_squeeze %dma_wait3A_406 : memref<1x128x64xf32, #tpu.memory_space<vmem>> -> memref<128x64xf32, #tpu.memory_space<vmem>>
      %dma_wait3A_408 = arith.constant 0 : i32
      %dma_wait3A_409 = tpu.memref_slice %arg6[%add3A_402, %dma_wait3A_408] : memref<80x128xi32, #tpu.memory_space<vmem>> -> memref<1x128xi32, #tpu.memory_space<vmem>>
      %dma_wait3A_410 = tpu.memref_squeeze %dma_wait3A_409 : memref<1x128xi32, #tpu.memory_space<vmem>> -> memref<128xi32, #tpu.memory_space<vmem>>
      %dma_wait3A_411 = arith.constant 0 : i32
      %dma_wait3A_412 = arith.constant 0 : i32
      %dma_wait3A_413 = tpu.memref_slice %arg4[%dma_wait3A_411, %dma_wait3A_412] : memref<10000x64xf32, #tpu.memory_space<hbm>> -> memref<10000x64xf32, #tpu.memory_space<hbm>>
      tpu.wait_indirect_dma semaphore(%arg17 : memref<!tpu.dma_semaphore, #tpu.memory_space<semaphore_mem>>) src(%dma_wait3A_413 : memref<10000x64xf32, #tpu.memory_space<hbm>>) dst(%dma_wait3A_407 : memref<128x64xf32, #tpu.memory_space<vmem>>)
      %dma_start3A_414 = arith.constant 7 : i32
      %dma_start3A_415 = arith.constant 0 : i32
      %dma_start3A_416 = arith.constant 0 : i32
      %dma_start3A_417 = tpu.memref_slice %arg8[%dma_start3A_414, %dma_start3A_415, %dma_start3A_416] : memref<8x128x64xf32, #tpu.memory_space<vmem>> -> memref<1x128x64xf32, #tpu.memory_space<vmem>>
      %dma_start3A_418 = tpu.memref_squeeze %dma_start3A_417 : memref<1x128x64xf32, #tpu.memory_space<vmem>> -> memref<128x64xf32, #tpu.memory_space<vmem>>
      %dma_start3A_419 = arith.constant 0 : i32
      %dma_start3A_420 = tpu.memref_slice %arg7[%add3A_402, %dma_start3A_419] : memref<80x128xi32, #tpu.memory_space<vmem>> -> memref<1x128xi32, #tpu.memory_space<vmem>>
      %dma_start3A_421 = tpu.memref_squeeze %dma_start3A_420 : memref<1x128xi32, #tpu.memory_space<vmem>> -> memref<128xi32, #tpu.memory_space<vmem>>
      %dma_start3A_422 = arith.constant 0 : i32
      %dma_start3A_423 = arith.constant 0 : i32
      %dma_start3A_424 = tpu.memref_slice %arg9[%dma_start3A_422, %dma_start3A_423] : memref<10240x64xf32, #tpu.memory_space<vmem_shared>> -> memref<10240x64xf32, #tpu.memory_space<vmem_shared>>
      tpu.enqueue_indirect_dma source(%dma_start3A_418 : memref<128x64xf32, #tpu.memory_space<vmem>>) target(%dma_start3A_424 : memref<10240x64xf32, #tpu.memory_space<vmem_shared>>) offsets(%dma_start3A_421 : memref<128xi32, #tpu.memory_space<vmem>>) semaphore(%arg25 : memref<!tpu.dma_semaphore, #tpu.memory_space<semaphore_mem>>) {add = true}
      %add3A_425 = arith.constant 4 : i32
      %add3A_426 = arith.addi %add3A_402, %add3A_425 : i32
      %lt3A_427 = arith.constant 80 : i32
      %lt3A_428 = arith.cmpi slt, %add3A_426, %lt3A_427 : i32
      %convert_element_type3A_429 = arith.extui %lt3A_428 : i1 to i32
      %cond3A_430 = arith.constant 0 : i32
      %cond3A_431 = arith.cmpi ne, %convert_element_type3A_429, %cond3A_430 : i32
      scf.if %cond3A_431 {
        %ge3A = arith.constant 4 : i32
        %ge3A_432 = arith.cmpi sge, %add3A_402, %ge3A : i32
        %convert_element_type3A_433 = arith.extui %ge3A_432 : i1 to i32
        %cond3A_434 = arith.constant 0 : i32
        %cond3A_435 = arith.cmpi ne, %convert_element_type3A_433, %cond3A_434 : i32
        scf.if %cond3A_435 {
          %sub3A = arith.constant 8 : i32
          %sub3A_447 = arith.subi %add3A_426, %sub3A : i32
          %dma_wait3A_448 = arith.constant 3 : i32
          %dma_wait3A_449 = arith.constant 0 : i32
          %dma_wait3A_450 = arith.constant 0 : i32
          %dma_wait3A_451 = tpu.memref_slice %arg8[%dma_wait3A_448, %dma_wait3A_449, %dma_wait3A_450] : memref<8x128x64xf32, #tpu.memory_space<vmem>> -> memref<1x128x64xf32, #tpu.memory_space<vmem>>
          %dma_wait3A_452 = tpu.memref_squeeze %dma_wait3A_451 : memref<1x128x64xf32, #tpu.memory_space<vmem>> -> memref<128x64xf32, #tpu.memory_space<vmem>>
          %dma_wait3A_453 = arith.constant 0 : i32
          %dma_wait3A_454 = tpu.memref_slice %arg7[%sub3A_447, %dma_wait3A_453] : memref<80x128xi32, #tpu.memory_space<vmem>> -> memref<1x128xi32, #tpu.memory_space<vmem>>
          %dma_wait3A_455 = tpu.memref_squeeze %dma_wait3A_454 : memref<1x128xi32, #tpu.memory_space<vmem>> -> memref<128xi32, #tpu.memory_space<vmem>>
          %dma_wait3A_456 = arith.constant 0 : i32
          %dma_wait3A_457 = arith.constant 0 : i32
          %dma_wait3A_458 = tpu.memref_slice %arg9[%dma_wait3A_456, %dma_wait3A_457] : memref<10240x64xf32, #tpu.memory_space<vmem_shared>> -> memref<10240x64xf32, #tpu.memory_space<vmem_shared>>
          tpu.wait_indirect_dma semaphore(%arg21 : memref<!tpu.dma_semaphore, #tpu.memory_space<semaphore_mem>>) src(%dma_wait3A_452 : memref<128x64xf32, #tpu.memory_space<vmem>>) dst(%dma_wait3A_458 : memref<10240x64xf32, #tpu.memory_space<vmem_shared>>)
        } else {
        }
        %dma_start3A_436 = arith.constant 3 : i32
        %dma_start3A_437 = arith.constant 0 : i32
        %dma_start3A_438 = arith.constant 0 : i32
        %dma_start3A_439 = tpu.memref_slice %arg8[%dma_start3A_436, %dma_start3A_437, %dma_start3A_438] : memref<8x128x64xf32, #tpu.memory_space<vmem>> -> memref<1x128x64xf32, #tpu.memory_space<vmem>>
        %dma_start3A_440 = tpu.memref_squeeze %dma_start3A_439 : memref<1x128x64xf32, #tpu.memory_space<vmem>> -> memref<128x64xf32, #tpu.memory_space<vmem>>
        %dma_start3A_441 = arith.constant 0 : i32
        %dma_start3A_442 = tpu.memref_slice %arg6[%add3A_426, %dma_start3A_441] : memref<80x128xi32, #tpu.memory_space<vmem>> -> memref<1x128xi32, #tpu.memory_space<vmem>>
        %dma_start3A_443 = tpu.memref_squeeze %dma_start3A_442 : memref<1x128xi32, #tpu.memory_space<vmem>> -> memref<128xi32, #tpu.memory_space<vmem>>
        %dma_start3A_444 = arith.constant 0 : i32
        %dma_start3A_445 = arith.constant 0 : i32
        %dma_start3A_446 = tpu.memref_slice %arg4[%dma_start3A_444, %dma_start3A_445] : memref<10000x64xf32, #tpu.memory_space<hbm>> -> memref<10000x64xf32, #tpu.memory_space<hbm>>
        tpu.enqueue_indirect_dma source(%dma_start3A_446 : memref<10000x64xf32, #tpu.memory_space<hbm>>) target(%dma_start3A_440 : memref<128x64xf32, #tpu.memory_space<vmem>>) offsets(%dma_start3A_443 : memref<128xi32, #tpu.memory_space<vmem>>) semaphore(%arg13 : memref<!tpu.dma_semaphore, #tpu.memory_space<semaphore_mem>>)
      } else {
      }
    }
    %scan3A_67 = arith.constant 10 : i32
    %dma_wait3A = arith.constant 0 : i32
    %dma_wait3A_68 = arith.constant 72 : i32
    %dma_wait3A_69 = arith.constant 0 : i32
    %dma_wait3A_70 = arith.constant 0 : i32
    %dma_wait3A_71 = tpu.memref_slice %arg8[%dma_wait3A, %dma_wait3A_69, %dma_wait3A_70] : memref<8x128x64xf32, #tpu.memory_space<vmem>> -> memref<1x128x64xf32, #tpu.memory_space<vmem>>
    %dma_wait3A_72 = tpu.memref_squeeze %dma_wait3A_71 : memref<1x128x64xf32, #tpu.memory_space<vmem>> -> memref<128x64xf32, #tpu.memory_space<vmem>>
    %dma_wait3A_73 = arith.constant 0 : i32
    %dma_wait3A_74 = tpu.memref_slice %arg7[%dma_wait3A_68, %dma_wait3A_73] : memref<80x128xi32, #tpu.memory_space<vmem>> -> memref<1x128xi32, #tpu.memory_space<vmem>>
    %dma_wait3A_75 = tpu.memref_squeeze %dma_wait3A_74 : memref<1x128xi32, #tpu.memory_space<vmem>> -> memref<128xi32, #tpu.memory_space<vmem>>
    %dma_wait3A_76 = arith.constant 0 : i32
    %dma_wait3A_77 = arith.constant 0 : i32
    %dma_wait3A_78 = tpu.memref_slice %arg9[%dma_wait3A_76, %dma_wait3A_77] : memref<10240x64xf32, #tpu.memory_space<vmem_shared>> -> memref<10240x64xf32, #tpu.memory_space<vmem_shared>>
    tpu.wait_indirect_dma semaphore(%arg18 : memref<!tpu.dma_semaphore, #tpu.memory_space<semaphore_mem>>) src(%dma_wait3A_72 : memref<128x64xf32, #tpu.memory_space<vmem>>) dst(%dma_wait3A_78 : memref<10240x64xf32, #tpu.memory_space<vmem_shared>>)
    %dma_wait3A_79 = arith.constant 1 : i32
    %dma_wait3A_80 = arith.constant 73 : i32
    %dma_wait3A_81 = arith.constant 0 : i32
    %dma_wait3A_82 = arith.constant 0 : i32
    %dma_wait3A_83 = tpu.memref_slice %arg8[%dma_wait3A_79, %dma_wait3A_81, %dma_wait3A_82] : memref<8x128x64xf32, #tpu.memory_space<vmem>> -> memref<1x128x64xf32, #tpu.memory_space<vmem>>
    %dma_wait3A_84 = tpu.memref_squeeze %dma_wait3A_83 : memref<1x128x64xf32, #tpu.memory_space<vmem>> -> memref<128x64xf32, #tpu.memory_space<vmem>>
    %dma_wait3A_85 = arith.constant 0 : i32
    %dma_wait3A_86 = tpu.memref_slice %arg7[%dma_wait3A_80, %dma_wait3A_85] : memref<80x128xi32, #tpu.memory_space<vmem>> -> memref<1x128xi32, #tpu.memory_space<vmem>>
    %dma_wait3A_87 = tpu.memref_squeeze %dma_wait3A_86 : memref<1x128xi32, #tpu.memory_space<vmem>> -> memref<128xi32, #tpu.memory_space<vmem>>
    %dma_wait3A_88 = arith.constant 0 : i32
    %dma_wait3A_89 = arith.constant 0 : i32
    %dma_wait3A_90 = tpu.memref_slice %arg9[%dma_wait3A_88, %dma_wait3A_89] : memref<10240x64xf32, #tpu.memory_space<vmem_shared>> -> memref<10240x64xf32, #tpu.memory_space<vmem_shared>>
    tpu.wait_indirect_dma semaphore(%arg19 : memref<!tpu.dma_semaphore, #tpu.memory_space<semaphore_mem>>) src(%dma_wait3A_84 : memref<128x64xf32, #tpu.memory_space<vmem>>) dst(%dma_wait3A_90 : memref<10240x64xf32, #tpu.memory_space<vmem_shared>>)
    %dma_wait3A_91 = arith.constant 2 : i32
    %dma_wait3A_92 = arith.constant 74 : i32
    %dma_wait3A_93 = arith.constant 0 : i32
    %dma_wait3A_94 = arith.constant 0 : i32
    %dma_wait3A_95 = tpu.memref_slice %arg8[%dma_wait3A_91, %dma_wait3A_93, %dma_wait3A_94] : memref<8x128x64xf32, #tpu.memory_space<vmem>> -> memref<1x128x64xf32, #tpu.memory_space<vmem>>
    %dma_wait3A_96 = tpu.memref_squeeze %dma_wait3A_95 : memref<1x128x64xf32, #tpu.memory_space<vmem>> -> memref<128x64xf32, #tpu.memory_space<vmem>>
    %dma_wait3A_97 = arith.constant 0 : i32
    %dma_wait3A_98 = tpu.memref_slice %arg7[%dma_wait3A_92, %dma_wait3A_97] : memref<80x128xi32, #tpu.memory_space<vmem>> -> memref<1x128xi32, #tpu.memory_space<vmem>>
    %dma_wait3A_99 = tpu.memref_squeeze %dma_wait3A_98 : memref<1x128xi32, #tpu.memory_space<vmem>> -> memref<128xi32, #tpu.memory_space<vmem>>
    %dma_wait3A_100 = arith.constant 0 : i32
    %dma_wait3A_101 = arith.constant 0 : i32
    %dma_wait3A_102 = tpu.memref_slice %arg9[%dma_wait3A_100, %dma_wait3A_101] : memref<10240x64xf32, #tpu.memory_space<vmem_shared>> -> memref<10240x64xf32, #tpu.memory_space<vmem_shared>>
    tpu.wait_indirect_dma semaphore(%arg20 : memref<!tpu.dma_semaphore, #tpu.memory_space<semaphore_mem>>) src(%dma_wait3A_96 : memref<128x64xf32, #tpu.memory_space<vmem>>) dst(%dma_wait3A_102 : memref<10240x64xf32, #tpu.memory_space<vmem_shared>>)
    %dma_wait3A_103 = arith.constant 3 : i32
    %dma_wait3A_104 = arith.constant 75 : i32
    %dma_wait3A_105 = arith.constant 0 : i32
    %dma_wait3A_106 = arith.constant 0 : i32
    %dma_wait3A_107 = tpu.memref_slice %arg8[%dma_wait3A_103, %dma_wait3A_105, %dma_wait3A_106] : memref<8x128x64xf32, #tpu.memory_space<vmem>> -> memref<1x128x64xf32, #tpu.memory_space<vmem>>
    %dma_wait3A_108 = tpu.memref_squeeze %dma_wait3A_107 : memref<1x128x64xf32, #tpu.memory_space<vmem>> -> memref<128x64xf32, #tpu.memory_space<vmem>>
    %dma_wait3A_109 = arith.constant 0 : i32
    %dma_wait3A_110 = tpu.memref_slice %arg7[%dma_wait3A_104, %dma_wait3A_109] : memref<80x128xi32, #tpu.memory_space<vmem>> -> memref<1x128xi32, #tpu.memory_space<vmem>>
    %dma_wait3A_111 = tpu.memref_squeeze %dma_wait3A_110 : memref<1x128xi32, #tpu.memory_space<vmem>> -> memref<128xi32, #tpu.memory_space<vmem>>
    %dma_wait3A_112 = arith.constant 0 : i32
    %dma_wait3A_113 = arith.constant 0 : i32
    %dma_wait3A_114 = tpu.memref_slice %arg9[%dma_wait3A_112, %dma_wait3A_113] : memref<10240x64xf32, #tpu.memory_space<vmem_shared>> -> memref<10240x64xf32, #tpu.memory_space<vmem_shared>>
    tpu.wait_indirect_dma semaphore(%arg21 : memref<!tpu.dma_semaphore, #tpu.memory_space<semaphore_mem>>) src(%dma_wait3A_108 : memref<128x64xf32, #tpu.memory_space<vmem>>) dst(%dma_wait3A_114 : memref<10240x64xf32, #tpu.memory_space<vmem_shared>>)
    %dma_wait3A_115 = arith.constant 4 : i32
    %dma_wait3A_116 = arith.constant 76 : i32
    %dma_wait3A_117 = arith.constant 0 : i32
    %dma_wait3A_118 = arith.constant 0 : i32
    %dma_wait3A_119 = tpu.memref_slice %arg8[%dma_wait3A_115, %dma_wait3A_117, %dma_wait3A_118] : memref<8x128x64xf32, #tpu.memory_space<vmem>> -> memref<1x128x64xf32, #tpu.memory_space<vmem>>
    %dma_wait3A_120 = tpu.memref_squeeze %dma_wait3A_119 : memref<1x128x64xf32, #tpu.memory_space<vmem>> -> memref<128x64xf32, #tpu.memory_space<vmem>>
    %dma_wait3A_121 = arith.constant 0 : i32
    %dma_wait3A_122 = tpu.memref_slice %arg7[%dma_wait3A_116, %dma_wait3A_121] : memref<80x128xi32, #tpu.memory_space<vmem>> -> memref<1x128xi32, #tpu.memory_space<vmem>>
    %dma_wait3A_123 = tpu.memref_squeeze %dma_wait3A_122 : memref<1x128xi32, #tpu.memory_space<vmem>> -> memref<128xi32, #tpu.memory_space<vmem>>
    %dma_wait3A_124 = arith.constant 0 : i32
    %dma_wait3A_125 = arith.constant 0 : i32
    %dma_wait3A_126 = tpu.memref_slice %arg9[%dma_wait3A_124, %dma_wait3A_125] : memref<10240x64xf32, #tpu.memory_space<vmem_shared>> -> memref<10240x64xf32, #tpu.memory_space<vmem_shared>>
    tpu.wait_indirect_dma semaphore(%arg22 : memref<!tpu.dma_semaphore, #tpu.memory_space<semaphore_mem>>) src(%dma_wait3A_120 : memref<128x64xf32, #tpu.memory_space<vmem>>) dst(%dma_wait3A_126 : memref<10240x64xf32, #tpu.memory_space<vmem_shared>>)
    %dma_wait3A_127 = arith.constant 5 : i32
    %dma_wait3A_128 = arith.constant 77 : i32
    %dma_wait3A_129 = arith.constant 0 : i32
    %dma_wait3A_130 = arith.constant 0 : i32
    %dma_wait3A_131 = tpu.memref_slice %arg8[%dma_wait3A_127, %dma_wait3A_129, %dma_wait3A_130] : memref<8x128x64xf32, #tpu.memory_space<vmem>> -> memref<1x128x64xf32, #tpu.memory_space<vmem>>
    %dma_wait3A_132 = tpu.memref_squeeze %dma_wait3A_131 : memref<1x128x64xf32, #tpu.memory_space<vmem>> -> memref<128x64xf32, #tpu.memory_space<vmem>>
    %dma_wait3A_133 = arith.constant 0 : i32
    %dma_wait3A_134 = tpu.memref_slice %arg7[%dma_wait3A_128, %dma_wait3A_133] : memref<80x128xi32, #tpu.memory_space<vmem>> -> memref<1x128xi32, #tpu.memory_space<vmem>>
    %dma_wait3A_135 = tpu.memref_squeeze %dma_wait3A_134 : memref<1x128xi32, #tpu.memory_space<vmem>> -> memref<128xi32, #tpu.memory_space<vmem>>
    %dma_wait3A_136 = arith.constant 0 : i32
    %dma_wait3A_137 = arith.constant 0 : i32
    %dma_wait3A_138 = tpu.memref_slice %arg9[%dma_wait3A_136, %dma_wait3A_137] : memref<10240x64xf32, #tpu.memory_space<vmem_shared>> -> memref<10240x64xf32, #tpu.memory_space<vmem_shared>>
    tpu.wait_indirect_dma semaphore(%arg23 : memref<!tpu.dma_semaphore, #tpu.memory_space<semaphore_mem>>) src(%dma_wait3A_132 : memref<128x64xf32, #tpu.memory_space<vmem>>) dst(%dma_wait3A_138 : memref<10240x64xf32, #tpu.memory_space<vmem_shared>>)
    %dma_wait3A_139 = arith.constant 6 : i32
    %dma_wait3A_140 = arith.constant 78 : i32
    %dma_wait3A_141 = arith.constant 0 : i32
    %dma_wait3A_142 = arith.constant 0 : i32
    %dma_wait3A_143 = tpu.memref_slice %arg8[%dma_wait3A_139, %dma_wait3A_141, %dma_wait3A_142] : memref<8x128x64xf32, #tpu.memory_space<vmem>> -> memref<1x128x64xf32, #tpu.memory_space<vmem>>
    %dma_wait3A_144 = tpu.memref_squeeze %dma_wait3A_143 : memref<1x128x64xf32, #tpu.memory_space<vmem>> -> memref<128x64xf32, #tpu.memory_space<vmem>>
    %dma_wait3A_145 = arith.constant 0 : i32
    %dma_wait3A_146 = tpu.memref_slice %arg7[%dma_wait3A_140, %dma_wait3A_145] : memref<80x128xi32, #tpu.memory_space<vmem>> -> memref<1x128xi32, #tpu.memory_space<vmem>>
    %dma_wait3A_147 = tpu.memref_squeeze %dma_wait3A_146 : memref<1x128xi32, #tpu.memory_space<vmem>> -> memref<128xi32, #tpu.memory_space<vmem>>
    %dma_wait3A_148 = arith.constant 0 : i32
    %dma_wait3A_149 = arith.constant 0 : i32
    %dma_wait3A_150 = tpu.memref_slice %arg9[%dma_wait3A_148, %dma_wait3A_149] : memref<10240x64xf32, #tpu.memory_space<vmem_shared>> -> memref<10240x64xf32, #tpu.memory_space<vmem_shared>>
    tpu.wait_indirect_dma semaphore(%arg24 : memref<!tpu.dma_semaphore, #tpu.memory_space<semaphore_mem>>) src(%dma_wait3A_144 : memref<128x64xf32, #tpu.memory_space<vmem>>) dst(%dma_wait3A_150 : memref<10240x64xf32, #tpu.memory_space<vmem_shared>>)
    %dma_wait3A_151 = arith.constant 7 : i32
    %dma_wait3A_152 = arith.constant 79 : i32
    %dma_wait3A_153 = arith.constant 0 : i32
    %dma_wait3A_154 = arith.constant 0 : i32
    %dma_wait3A_155 = tpu.memref_slice %arg8[%dma_wait3A_151, %dma_wait3A_153, %dma_wait3A_154] : memref<8x128x64xf32, #tpu.memory_space<vmem>> -> memref<1x128x64xf32, #tpu.memory_space<vmem>>
    %dma_wait3A_156 = tpu.memref_squeeze %dma_wait3A_155 : memref<1x128x64xf32, #tpu.memory_space<vmem>> -> memref<128x64xf32, #tpu.memory_space<vmem>>
    %dma_wait3A_157 = arith.constant 0 : i32
    %dma_wait3A_158 = tpu.memref_slice %arg7[%dma_wait3A_152, %dma_wait3A_157] : memref<80x128xi32, #tpu.memory_space<vmem>> -> memref<1x128xi32, #tpu.memory_space<vmem>>
    %dma_wait3A_159 = tpu.memref_squeeze %dma_wait3A_158 : memref<1x128xi32, #tpu.memory_space<vmem>> -> memref<128xi32, #tpu.memory_space<vmem>>
    %dma_wait3A_160 = arith.constant 0 : i32
    %dma_wait3A_161 = arith.constant 0 : i32
    %dma_wait3A_162 = tpu.memref_slice %arg9[%dma_wait3A_160, %dma_wait3A_161] : memref<10240x64xf32, #tpu.memory_space<vmem_shared>> -> memref<10240x64xf32, #tpu.memory_space<vmem_shared>>
    tpu.wait_indirect_dma semaphore(%arg25 : memref<!tpu.dma_semaphore, #tpu.memory_space<semaphore_mem>>) src(%dma_wait3A_156 : memref<128x64xf32, #tpu.memory_space<vmem>>) dst(%dma_wait3A_162 : memref<10240x64xf32, #tpu.memory_space<vmem_shared>>)
    %barrier3A_163 = arith.constant 0 : index
    tpu.barrier barrier_id(%barrier3A_163)
    %mul3A_164 = arith.constant 640 : i32
    %mul3A_165 = arith.muli %arg1, %mul3A_164 : i32
    "tpu.region"() ({
      %run_scoped3A = tpu.sem_alloc : memref<!tpu.dma_semaphore, #tpu.memory_space<semaphore_mem>>
      %dma_start3A_166 = arith.constant 0 : i32
      %dma_start3A_167 = tpu.memref_slice %arg5[%arg0, %mul3A_165, %dma_start3A_166] : memref<2x10240x64xf32, #tpu.memory_space<hbm>> -> memref<1x640x64xf32, #tpu.memory_space<hbm>>
      %dma_start3A_168 = tpu.memref_squeeze %dma_start3A_167 : memref<1x640x64xf32, #tpu.memory_space<hbm>> -> memref<640x64xf32, #tpu.memory_space<hbm>>
      %dma_start3A_169 = arith.constant 0 : i32
      %dma_start3A_170 = tpu.memref_slice %arg9[%mul3A_165, %dma_start3A_169] : memref<10240x64xf32, #tpu.memory_space<vmem_shared>> -> memref<640x64xf32, #tpu.memory_space<vmem_shared>>
      tpu.enqueue_dma source(%dma_start3A_170 : memref<640x64xf32, #tpu.memory_space<vmem_shared>>) target(%dma_start3A_168 : memref<640x64xf32, #tpu.memory_space<hbm>>) target_semaphore(%run_scoped3A : memref<!tpu.dma_semaphore, #tpu.memory_space<semaphore_mem>>)
      %dma_wait3A_171 = arith.constant 0 : i32
      %dma_wait3A_172 = tpu.memref_slice %arg5[%arg0, %mul3A_165, %dma_wait3A_171] : memref<2x10240x64xf32, #tpu.memory_space<hbm>> -> memref<1x640x64xf32, #tpu.memory_space<hbm>>
      %dma_wait3A_173 = tpu.memref_squeeze %dma_wait3A_172 : memref<1x640x64xf32, #tpu.memory_space<hbm>> -> memref<640x64xf32, #tpu.memory_space<hbm>>
      %dma_wait3A_174 = arith.constant 0 : i32
      %dma_wait3A_175 = tpu.memref_slice %arg9[%mul3A_165, %dma_wait3A_174] : memref<10240x64xf32, #tpu.memory_space<vmem_shared>> -> memref<640x64xf32, #tpu.memory_space<vmem_shared>>
      tpu.wait_dma2 semaphore(%run_scoped3A : memref<!tpu.dma_semaphore, #tpu.memory_space<semaphore_mem>>) src(%dma_wait3A_175 : memref<640x64xf32, #tpu.memory_space<vmem_shared>>) dst(%dma_wait3A_173 : memref<640x64xf32, #tpu.memory_space<hbm>>)
      tpu.yield
    }) : () -> ()
    return
  }
}

#map = affine_map<(d0, d1) -> (0, 0)>
#map1 = affine_map<(d0, d1) -> (0, 0, 0)>
module attributes {stable_mosaic.version = 14 : i64} {
  func.func @sk(%arg0: i32, %arg1: i32, %arg2: memref<2560x128xi32, #tpu.memory_space<hbm>>, %arg3: memref<2560x128xi32, #tpu.memory_space<hbm>>, %arg4: memref<10000x64xf32, #tpu.memory_space<hbm>>, %arg5: memref<2x10240x64xf32, #tpu.memory_space<hbm>>, %arg6: memref<80x128xi32, #tpu.memory_space<vmem>>, %arg7: memref<80x128xi32, #tpu.memory_space<vmem>>, %arg8: memref<8x128x64xf32, #tpu.memory_space<vmem>>, %arg9: memref<10240x64xf32, #tpu.memory_space<vmem_shared>>, %arg10: memref<!tpu.dma_semaphore, #tpu.memory_space<semaphore_mem>>, %arg11: memref<!tpu.dma_semaphore, #tpu.memory_space<semaphore_mem>>, %arg12: memref<!tpu.dma_semaphore, #tpu.memory_space<semaphore_mem>>, %arg13: memref<!tpu.dma_semaphore, #tpu.memory_space<semaphore_mem>>, %arg14: memref<!tpu.dma_semaphore, #tpu.memory_space<semaphore_mem>>, %arg15: memref<!tpu.dma_semaphore, #tpu.memory_space<semaphore_mem>>, %arg16: memref<!tpu.dma_semaphore, #tpu.memory_space<semaphore_mem>>, %arg17: memref<!tpu.dma_semaphore, #tpu.memory_space<semaphore_mem>>, %arg18: memref<!tpu.dma_semaphore, #tpu.memory_space<semaphore_mem>>, %arg19: memref<!tpu.dma_semaphore, #tpu.memory_space<semaphore_mem>>, %arg20: memref<!tpu.dma_semaphore, #tpu.memory_space<semaphore_mem>>, %arg21: memref<!tpu.dma_semaphore, #tpu.memory_space<semaphore_mem>>, %arg22: memref<!tpu.dma_semaphore, #tpu.memory_space<semaphore_mem>>, %arg23: memref<!tpu.dma_semaphore, #tpu.memory_space<semaphore_mem>>, %arg24: memref<!tpu.dma_semaphore, #tpu.memory_space<semaphore_mem>>, %arg25: memref<!tpu.dma_semaphore, #tpu.memory_space<semaphore_mem>>) attributes {dimension_semantics = [#tpu.dimension_semantics<core_parallel>, #tpu.dimension_semantics<subcore_parallel>], iteration_bounds = array<i64: 2, 16>, scalar_prefetch = 0 : i64, scratch_operands = 20 : i64, tpu.core_type = #tpu.core_type<sc_vector_subcore>, window_params = [{transform_indices = #map}, {transform_indices = #map}, {transform_indices = #map}, {transform_indices = #map1}]} {
    %mul3A = arith.constant 16 : i32
    %mul3A_0 = arith.muli %arg0, %mul3A : i32
    %add3A = arith.addi %mul3A_0, %arg1 : i32
    %scan3A = arith.constant 0 : i32
    %scan3A_1 = arith.constant 128 : i32
    %scan3A_2 = arith.addi %scan3A, %scan3A_1 : i32
    %scan3A_3 = arith.constant 1 : i32
    scf.for %scan3A_166 = %scan3A to %scan3A_2 step %scan3A_3  : i32 {
      %mul3A_167 = arith.constant 1 : i32
      %mul3A_168 = arith.muli %scan3A_166, %mul3A_167 : i32
      %add3A_169 = arith.constant 0 : i32
      %add3A_170 = arith.addi %add3A_169, %mul3A_168 : i32
      %broadcast_in_dim3A = arith.constant 0.000000e+00 : f32
      %broadcast_in_dim3A_171 = vector.broadcast %broadcast_in_dim3A : f32 to vector<16xf32>
      %swap3A = arith.constant 0 : i32
      %swap3A_172 = arith.index_cast %swap3A : i32 to index
      %swap3A_173 = arith.index_cast %add3A_170 : i32 to index
      %swap3A_174 = arith.constant 0 : index
      %swap3A_175 = tpu.vector_load %arg8[%swap3A_172, %swap3A_173, %swap3A_174] {strides = array<i32>} : memref<8x128x64xf32, #tpu.memory_space<vmem>>, vector<16xf32>,
      tpu.vector_store %arg8[%swap3A_172, %swap3A_173, %swap3A_174], %broadcast_in_dim3A_171 {strides = array<i32>} : memref<8x128x64xf32, #tpu.memory_space<vmem>>, vector<16xf32>,
      %broadcast_in_dim3A_176 = arith.constant 0.000000e+00 : f32
      %broadcast_in_dim3A_177 = vector.broadcast %broadcast_in_dim3A_176 : f32 to vector<16xf32>
      %swap3A_178 = arith.constant 0 : i32
      %swap3A_179 = arith.index_cast %swap3A_178 : i32 to index
      %swap3A_180 = arith.index_cast %add3A_170 : i32 to index
      %swap3A_181 = arith.constant 16 : index
      %swap3A_182 = tpu.vector_load %arg8[%swap3A_179, %swap3A_180, %swap3A_181] {strides = array<i32>} : memref<8x128x64xf32, #tpu.memory_space<vmem>>, vector<16xf32>,
      tpu.vector_store %arg8[%swap3A_179, %swap3A_180, %swap3A_181], %broadcast_in_dim3A_177 {strides = array<i32>} : memref<8x128x64xf32, #tpu.memory_space<vmem>>, vector<16xf32>,
      %broadcast_in_dim3A_183 = arith.constant 0.000000e+00 : f32
      %broadcast_in_dim3A_184 = vector.broadcast %broadcast_in_dim3A_183 : f32 to vector<16xf32>
      %swap3A_185 = arith.constant 0 : i32
      %swap3A_186 = arith.index_cast %swap3A_185 : i32 to index
      %swap3A_187 = arith.index_cast %add3A_170 : i32 to index
      %swap3A_188 = arith.constant 32 : index
      %swap3A_189 = tpu.vector_load %arg8[%swap3A_186, %swap3A_187, %swap3A_188] {strides = array<i32>} : memref<8x128x64xf32, #tpu.memory_space<vmem>>, vector<16xf32>,
      tpu.vector_store %arg8[%swap3A_186, %swap3A_187, %swap3A_188], %broadcast_in_dim3A_184 {strides = array<i32>} : memref<8x128x64xf32, #tpu.memory_space<vmem>>, vector<16xf32>,
      %broadcast_in_dim3A_190 = arith.constant 0.000000e+00 : f32
      %broadcast_in_dim3A_191 = vector.broadcast %broadcast_in_dim3A_190 : f32 to vector<16xf32>
      %swap3A_192 = arith.constant 0 : i32
      %swap3A_193 = arith.index_cast %swap3A_192 : i32 to index
      %swap3A_194 = arith.index_cast %add3A_170 : i32 to index
      %swap3A_195 = arith.constant 48 : index
      %swap3A_196 = tpu.vector_load %arg8[%swap3A_193, %swap3A_194, %swap3A_195] {strides = array<i32>} : memref<8x128x64xf32, #tpu.memory_space<vmem>>, vector<16xf32>,
      tpu.vector_store %arg8[%swap3A_193, %swap3A_194, %swap3A_195], %broadcast_in_dim3A_191 {strides = array<i32>} : memref<8x128x64xf32, #tpu.memory_space<vmem>>, vector<16xf32>,
    }
    %scan3A_4 = arith.constant 128 : i32
    %mul3A_5 = arith.constant 640 : i32
    %mul3A_6 = arith.muli %arg1, %mul3A_5 : i32
    %scan3A_7 = arith.constant 0 : i32
    %scan3A_8 = arith.constant 5 : i32
    %scan3A_9 = arith.addi %scan3A_7, %scan3A_8 : i32
    %scan3A_10 = arith.constant 1 : i32
    scf.for %scan3A_166 = %scan3A_7 to %scan3A_9 step %scan3A_10  : i32 {
      %mul3A_167 = arith.constant 1 : i32
      %mul3A_168 = arith.muli %scan3A_166, %mul3A_167 : i32
      %add3A_169 = arith.constant 0 : i32
      %add3A_170 = arith.addi %add3A_169, %mul3A_168 : i32
      %mul3A_171 = arith.constant 128 : i32
      %mul3A_172 = arith.muli %add3A_170, %mul3A_171 : i32
      %add3A_173 = arith.addi %mul3A_6, %mul3A_172 : i32
      %run_scoped3A = arith.constant 0 : i32
      "tpu.region"() ({
        %run_scoped3A_174 = tpu.sem_alloc : memref<!tpu.dma_semaphore, #tpu.memory_space<semaphore_mem>>
        %dma_start3A_175 = arith.constant 0 : i32
        %dma_start3A_176 = arith.constant 0 : i32
        %dma_start3A_177 = tpu.memref_slice %arg8[%run_scoped3A, %dma_start3A_175, %dma_start3A_176] : memref<8x128x64xf32, #tpu.memory_space<vmem>> -> memref<1x128x64xf32, #tpu.memory_space<vmem>>
        %dma_start3A_178 = tpu.memref_squeeze %dma_start3A_177 : memref<1x128x64xf32, #tpu.memory_space<vmem>> -> memref<128x64xf32, #tpu.memory_space<vmem>>
        %dma_start3A_179 = arith.constant 0 : i32
        %dma_start3A_180 = tpu.memref_slice %arg9[%add3A_173, %dma_start3A_179] : memref<10240x64xf32, #tpu.memory_space<vmem_shared>> -> memref<128x64xf32, #tpu.memory_space<vmem_shared>>
        %dma_start3A_181 = arith.constant 0 : i32
        %dma_start3A_182 = tpu.memref_slice %arg9[%add3A_173, %dma_start3A_181] : memref<10240x64xf32, #tpu.memory_space<vmem_shared>> -> memref<128x64xf32, #tpu.memory_space<vmem_shared>>
        %dma_start3A_183 = arith.constant 0 : i32
        %dma_start3A_184 = arith.constant 0 : i32
        %dma_start3A_185 = tpu.memref_slice %arg8[%run_scoped3A, %dma_start3A_183, %dma_start3A_184] : memref<8x128x64xf32, #tpu.memory_space<vmem>> -> memref<1x128x64xf32, #tpu.memory_space<vmem>>
        %dma_start3A_186 = tpu.memref_squeeze %dma_start3A_185 : memref<1x128x64xf32, #tpu.memory_space<vmem>> -> memref<128x64xf32, #tpu.memory_space<vmem>>
        tpu.enqueue_dma source(%dma_start3A_186 : memref<128x64xf32, #tpu.memory_space<vmem>>) target(%dma_start3A_182 : memref<128x64xf32, #tpu.memory_space<vmem_shared>>) target_semaphore(%run_scoped3A_174 : memref<!tpu.dma_semaphore, #tpu.memory_space<semaphore_mem>>)
        %dma_wait3A_187 = arith.constant 0 : i32
        %dma_wait3A_188 = arith.constant 0 : i32
        %dma_wait3A_189 = tpu.memref_slice %arg8[%run_scoped3A, %dma_wait3A_187, %dma_wait3A_188] : memref<8x128x64xf32, #tpu.memory_space<vmem>> -> memref<1x128x64xf32, #tpu.memory_space<vmem>>
        %dma_wait3A_190 = tpu.memref_squeeze %dma_wait3A_189 : memref<1x128x64xf32, #tpu.memory_space<vmem>> -> memref<128x64xf32, #tpu.memory_space<vmem>>
        %dma_wait3A_191 = arith.constant 0 : i32
        %dma_wait3A_192 = tpu.memref_slice %arg9[%add3A_173, %dma_wait3A_191] : memref<10240x64xf32, #tpu.memory_space<vmem_shared>> -> memref<128x64xf32, #tpu.memory_space<vmem_shared>>
        %dma_wait3A_193 = arith.constant 0 : i32
        %dma_wait3A_194 = tpu.memref_slice %arg9[%add3A_173, %dma_wait3A_193] : memref<10240x64xf32, #tpu.memory_space<vmem_shared>> -> memref<128x64xf32, #tpu.memory_space<vmem_shared>>
        %dma_wait3A_195 = arith.constant 0 : i32
        %dma_wait3A_196 = arith.constant 0 : i32
        %dma_wait3A_197 = tpu.memref_slice %arg8[%run_scoped3A, %dma_wait3A_195, %dma_wait3A_196] : memref<8x128x64xf32, #tpu.memory_space<vmem>> -> memref<1x128x64xf32, #tpu.memory_space<vmem>>
        %dma_wait3A_198 = tpu.memref_squeeze %dma_wait3A_197 : memref<1x128x64xf32, #tpu.memory_space<vmem>> -> memref<128x64xf32, #tpu.memory_space<vmem>>
        tpu.wait_dma2 semaphore(%run_scoped3A_174 : memref<!tpu.dma_semaphore, #tpu.memory_space<semaphore_mem>>) src(%dma_wait3A_198 : memref<128x64xf32, #tpu.memory_space<vmem>>) dst(%dma_wait3A_194 : memref<128x64xf32, #tpu.memory_space<vmem_shared>>)
        tpu.yield
      }) : () -> ()
    }
    %scan3A_11 = arith.constant 5 : i32
    %mul3A_12 = arith.constant 80 : i32
    %mul3A_13 = arith.muli %add3A, %mul3A_12 : i32
    "tpu.region"() ({
      %run_scoped3A = tpu.sem_alloc : memref<!tpu.dma_semaphore, #tpu.memory_space<semaphore_mem>>
      %dma_start3A_166 = arith.constant 0 : i32
      %dma_start3A_167 = tpu.memref_slice %arg2[%mul3A_13, %dma_start3A_166] : memref<2560x128xi32, #tpu.memory_space<hbm>> -> memref<80x128xi32, #tpu.memory_space<hbm>>
      %dma_start3A_168 = arith.constant 0 : i32
      %dma_start3A_169 = tpu.memref_slice %arg2[%mul3A_13, %dma_start3A_168] : memref<2560x128xi32, #tpu.memory_space<hbm>> -> memref<80x128xi32, #tpu.memory_space<hbm>>
      tpu.enqueue_dma source(%dma_start3A_169 : memref<80x128xi32, #tpu.memory_space<hbm>>) target(%arg6 : memref<80x128xi32, #tpu.memory_space<vmem>>) target_semaphore(%run_scoped3A : memref<!tpu.dma_semaphore, #tpu.memory_space<semaphore_mem>>)
      %dma_wait3A_170 = arith.constant 0 : i32
      %dma_wait3A_171 = tpu.memref_slice %arg2[%mul3A_13, %dma_wait3A_170] : memref<2560x128xi32, #tpu.memory_space<hbm>> -> memref<80x128xi32, #tpu.memory_space<hbm>>
      %dma_wait3A_172 = arith.constant 0 : i32
      %dma_wait3A_173 = tpu.memref_slice %arg2[%mul3A_13, %dma_wait3A_172] : memref<2560x128xi32, #tpu.memory_space<hbm>> -> memref<80x128xi32, #tpu.memory_space<hbm>>
      tpu.wait_dma2 semaphore(%run_scoped3A : memref<!tpu.dma_semaphore, #tpu.memory_space<semaphore_mem>>) src(%dma_wait3A_173 : memref<80x128xi32, #tpu.memory_space<hbm>>) dst(%arg6 : memref<80x128xi32, #tpu.memory_space<vmem>>)
      tpu.yield
    }) : () -> ()
    %mul3A_14 = arith.constant 80 : i32
    %mul3A_15 = arith.muli %add3A, %mul3A_14 : i32
    "tpu.region"() ({
      %run_scoped3A = tpu.sem_alloc : memref<!tpu.dma_semaphore, #tpu.memory_space<semaphore_mem>>
      %dma_start3A_166 = arith.constant 0 : i32
      %dma_start3A_167 = tpu.memref_slice %arg3[%mul3A_15, %dma_start3A_166] : memref<2560x128xi32, #tpu.memory_space<hbm>> -> memref<80x128xi32, #tpu.memory_space<hbm>>
      %dma_start3A_168 = arith.constant 0 : i32
      %dma_start3A_169 = tpu.memref_slice %arg3[%mul3A_15, %dma_start3A_168] : memref<2560x128xi32, #tpu.memory_space<hbm>> -> memref<80x128xi32, #tpu.memory_space<hbm>>
      tpu.enqueue_dma source(%dma_start3A_169 : memref<80x128xi32, #tpu.memory_space<hbm>>) target(%arg7 : memref<80x128xi32, #tpu.memory_space<vmem>>) target_semaphore(%run_scoped3A : memref<!tpu.dma_semaphore, #tpu.memory_space<semaphore_mem>>)
      %dma_wait3A_170 = arith.constant 0 : i32
      %dma_wait3A_171 = tpu.memref_slice %arg3[%mul3A_15, %dma_wait3A_170] : memref<2560x128xi32, #tpu.memory_space<hbm>> -> memref<80x128xi32, #tpu.memory_space<hbm>>
      %dma_wait3A_172 = arith.constant 0 : i32
      %dma_wait3A_173 = tpu.memref_slice %arg3[%mul3A_15, %dma_wait3A_172] : memref<2560x128xi32, #tpu.memory_space<hbm>> -> memref<80x128xi32, #tpu.memory_space<hbm>>
      tpu.wait_dma2 semaphore(%run_scoped3A : memref<!tpu.dma_semaphore, #tpu.memory_space<semaphore_mem>>) src(%dma_wait3A_173 : memref<80x128xi32, #tpu.memory_space<hbm>>) dst(%arg7 : memref<80x128xi32, #tpu.memory_space<vmem>>)
      tpu.yield
    }) : () -> ()
    %barrier3A = arith.constant 0 : index
    tpu.barrier barrier_id(%barrier3A)
    %dma_start3A = arith.constant 0 : i32
    %dma_start3A_16 = arith.constant 0 : i32
    %dma_start3A_17 = arith.constant 0 : i32
    %dma_start3A_18 = arith.constant 0 : i32
    %dma_start3A_19 = tpu.memref_slice %arg8[%dma_start3A_16, %dma_start3A_17, %dma_start3A_18] : memref<8x128x64xf32, #tpu.memory_space<vmem>> -> memref<1x128x64xf32, #tpu.memory_space<vmem>>
    %dma_start3A_20 = tpu.memref_squeeze %dma_start3A_19 : memref<1x128x64xf32, #tpu.memory_space<vmem>> -> memref<128x64xf32, #tpu.memory_space<vmem>>
    %dma_start3A_21 = arith.constant 0 : i32
    %dma_start3A_22 = tpu.memref_slice %arg6[%dma_start3A, %dma_start3A_21] : memref<80x128xi32, #tpu.memory_space<vmem>> -> memref<1x128xi32, #tpu.memory_space<vmem>>
    %dma_start3A_23 = tpu.memref_squeeze %dma_start3A_22 : memref<1x128xi32, #tpu.memory_space<vmem>> -> memref<128xi32, #tpu.memory_space<vmem>>
    %dma_start3A_24 = arith.constant 0 : i32
    %dma_start3A_25 = arith.constant 0 : i32
    %dma_start3A_26 = tpu.memref_slice %arg4[%dma_start3A_24, %dma_start3A_25] : memref<10000x64xf32, #tpu.memory_space<hbm>> -> memref<10000x64xf32, #tpu.memory_space<hbm>>
    tpu.enqueue_indirect_dma source(%dma_start3A_26 : memref<10000x64xf32, #tpu.memory_space<hbm>>) target(%dma_start3A_20 : memref<128x64xf32, #tpu.memory_space<vmem>>) offsets(%dma_start3A_23 : memref<128xi32, #tpu.memory_space<vmem>>) semaphore(%arg10 : memref<!tpu.dma_semaphore, #tpu.memory_space<semaphore_mem>>)
    %dma_start3A_27 = arith.constant 1 : i32
    %dma_start3A_28 = arith.constant 1 : i32
    %dma_start3A_29 = arith.constant 0 : i32
    %dma_start3A_30 = arith.constant 0 : i32
    %dma_start3A_31 = tpu.memref_slice %arg8[%dma_start3A_28, %dma_start3A_29, %dma_start3A_30] : memref<8x128x64xf32, #tpu.memory_space<vmem>> -> memref<1x128x64xf32, #tpu.memory_space<vmem>>
    %dma_start3A_32 = tpu.memref_squeeze %dma_start3A_31 : memref<1x128x64xf32, #tpu.memory_space<vmem>> -> memref<128x64xf32, #tpu.memory_space<vmem>>
    %dma_start3A_33 = arith.constant 0 : i32
    %dma_start3A_34 = tpu.memref_slice %arg6[%dma_start3A_27, %dma_start3A_33] : memref<80x128xi32, #tpu.memory_space<vmem>> -> memref<1x128xi32, #tpu.memory_space<vmem>>
    %dma_start3A_35 = tpu.memref_squeeze %dma_start3A_34 : memref<1x128xi32, #tpu.memory_space<vmem>> -> memref<128xi32, #tpu.memory_space<vmem>>
    %dma_start3A_36 = arith.constant 0 : i32
    %dma_start3A_37 = arith.constant 0 : i32
    %dma_start3A_38 = tpu.memref_slice %arg4[%dma_start3A_36, %dma_start3A_37] : memref<10000x64xf32, #tpu.memory_space<hbm>> -> memref<10000x64xf32, #tpu.memory_space<hbm>>
    tpu.enqueue_indirect_dma source(%dma_start3A_38 : memref<10000x64xf32, #tpu.memory_space<hbm>>) target(%dma_start3A_32 : memref<128x64xf32, #tpu.memory_space<vmem>>) offsets(%dma_start3A_35 : memref<128xi32, #tpu.memory_space<vmem>>) semaphore(%arg11 : memref<!tpu.dma_semaphore, #tpu.memory_space<semaphore_mem>>)
    %dma_start3A_39 = arith.constant 2 : i32
    %dma_start3A_40 = arith.constant 2 : i32
    %dma_start3A_41 = arith.constant 0 : i32
    %dma_start3A_42 = arith.constant 0 : i32
    %dma_start3A_43 = tpu.memref_slice %arg8[%dma_start3A_40, %dma_start3A_41, %dma_start3A_42] : memref<8x128x64xf32, #tpu.memory_space<vmem>> -> memref<1x128x64xf32, #tpu.memory_space<vmem>>
    %dma_start3A_44 = tpu.memref_squeeze %dma_start3A_43 : memref<1x128x64xf32, #tpu.memory_space<vmem>> -> memref<128x64xf32, #tpu.memory_space<vmem>>
    %dma_start3A_45 = arith.constant 0 : i32
    %dma_start3A_46 = tpu.memref_slice %arg6[%dma_start3A_39, %dma_start3A_45] : memref<80x128xi32, #tpu.memory_space<vmem>> -> memref<1x128xi32, #tpu.memory_space<vmem>>
    %dma_start3A_47 = tpu.memref_squeeze %dma_start3A_46 : memref<1x128xi32, #tpu.memory_space<vmem>> -> memref<128xi32, #tpu.memory_space<vmem>>
    %dma_start3A_48 = arith.constant 0 : i32
    %dma_start3A_49 = arith.constant 0 : i32
    %dma_start3A_50 = tpu.memref_slice %arg4[%dma_start3A_48, %dma_start3A_49] : memref<10000x64xf32, #tpu.memory_space<hbm>> -> memref<10000x64xf32, #tpu.memory_space<hbm>>
    tpu.enqueue_indirect_dma source(%dma_start3A_50 : memref<10000x64xf32, #tpu.memory_space<hbm>>) target(%dma_start3A_44 : memref<128x64xf32, #tpu.memory_space<vmem>>) offsets(%dma_start3A_47 : memref<128xi32, #tpu.memory_space<vmem>>) semaphore(%arg12 : memref<!tpu.dma_semaphore, #tpu.memory_space<semaphore_mem>>)
    %dma_start3A_51 = arith.constant 3 : i32
    %dma_start3A_52 = arith.constant 3 : i32
    %dma_start3A_53 = arith.constant 0 : i32
    %dma_start3A_54 = arith.constant 0 : i32
    %dma_start3A_55 = tpu.memref_slice %arg8[%dma_start3A_52, %dma_start3A_53, %dma_start3A_54] : memref<8x128x64xf32, #tpu.memory_space<vmem>> -> memref<1x128x64xf32, #tpu.memory_space<vmem>>
    %dma_start3A_56 = tpu.memref_squeeze %dma_start3A_55 : memref<1x128x64xf32, #tpu.memory_space<vmem>> -> memref<128x64xf32, #tpu.memory_space<vmem>>
    %dma_start3A_57 = arith.constant 0 : i32
    %dma_start3A_58 = tpu.memref_slice %arg6[%dma_start3A_51, %dma_start3A_57] : memref<80x128xi32, #tpu.memory_space<vmem>> -> memref<1x128xi32, #tpu.memory_space<vmem>>
    %dma_start3A_59 = tpu.memref_squeeze %dma_start3A_58 : memref<1x128xi32, #tpu.memory_space<vmem>> -> memref<128xi32, #tpu.memory_space<vmem>>
    %dma_start3A_60 = arith.constant 0 : i32
    %dma_start3A_61 = arith.constant 0 : i32
    %dma_start3A_62 = tpu.memref_slice %arg4[%dma_start3A_60, %dma_start3A_61] : memref<10000x64xf32, #tpu.memory_space<hbm>> -> memref<10000x64xf32, #tpu.memory_space<hbm>>
    tpu.enqueue_indirect_dma source(%dma_start3A_62 : memref<10000x64xf32, #tpu.memory_space<hbm>>) target(%dma_start3A_56 : memref<128x64xf32, #tpu.memory_space<vmem>>) offsets(%dma_start3A_59 : memref<128xi32, #tpu.memory_space<vmem>>) semaphore(%arg13 : memref<!tpu.dma_semaphore, #tpu.memory_space<semaphore_mem>>)
    %scan3A_63 = arith.constant 0 : i32
    %scan3A_64 = arith.constant 10 : i32
    %scan3A_65 = arith.addi %scan3A_63, %scan3A_64 : i32
    %scan3A_66 = arith.constant 1 : i32
    scf.for %scan3A_166 = %scan3A_63 to %scan3A_65 step %scan3A_66  : i32 {
      %mul3A_167 = arith.constant 1 : i32
      %mul3A_168 = arith.muli %scan3A_166, %mul3A_167 : i32
      %add3A_169 = arith.constant 0 : i32
      %add3A_170 = arith.addi %add3A_169, %mul3A_168 : i32
      %mul3A_171 = arith.constant 8 : i32
      %mul3A_172 = arith.muli %add3A_170, %mul3A_171 : i32
      %add3A_173 = arith.constant 0 : i32
      %add3A_174 = arith.addi %mul3A_172, %add3A_173 : i32
      %dma_wait3A_175 = arith.constant 0 : i32
      %dma_wait3A_176 = arith.constant 0 : i32
      %dma_wait3A_177 = arith.constant 0 : i32
      %dma_wait3A_178 = tpu.memref_slice %arg8[%dma_wait3A_175, %dma_wait3A_176, %dma_wait3A_177] : memref<8x128x64xf32, #tpu.memory_space<vmem>> -> memref<1x128x64xf32, #tpu.memory_space<vmem>>
      %dma_wait3A_179 = tpu.memref_squeeze %dma_wait3A_178 : memref<1x128x64xf32, #tpu.memory_space<vmem>> -> memref<128x64xf32, #tpu.memory_space<vmem>>
      %dma_wait3A_180 = arith.constant 0 : i32
      %dma_wait3A_181 = tpu.memref_slice %arg6[%add3A_174, %dma_wait3A_180] : memref<80x128xi32, #tpu.memory_space<vmem>> -> memref<1x128xi32, #tpu.memory_space<vmem>>
      %dma_wait3A_182 = tpu.memref_squeeze %dma_wait3A_181 : memref<1x128xi32, #tpu.memory_space<vmem>> -> memref<128xi32, #tpu.memory_space<vmem>>
      %dma_wait3A_183 = arith.constant 0 : i32
      %dma_wait3A_184 = arith.constant 0 : i32
      %dma_wait3A_185 = tpu.memref_slice %arg4[%dma_wait3A_183, %dma_wait3A_184] : memref<10000x64xf32, #tpu.memory_space<hbm>> -> memref<10000x64xf32, #tpu.memory_space<hbm>>
      tpu.wait_indirect_dma semaphore(%arg10 : memref<!tpu.dma_semaphore, #tpu.memory_space<semaphore_mem>>) src(%dma_wait3A_185 : memref<10000x64xf32, #tpu.memory_space<hbm>>) dst(%dma_wait3A_179 : memref<128x64xf32, #tpu.memory_space<vmem>>)
      %dma_start3A_186 = arith.constant 0 : i32
      %dma_start3A_187 = arith.constant 0 : i32
      %dma_start3A_188 = arith.constant 0 : i32
      %dma_start3A_189 = tpu.memref_slice %arg8[%dma_start3A_186, %dma_start3A_187, %dma_start3A_188] : memref<8x128x64xf32, #tpu.memory_space<vmem>> -> memref<1x128x64xf32, #tpu.memory_space<vmem>>
      %dma_start3A_190 = tpu.memref_squeeze %dma_start3A_189 : memref<1x128x64xf32, #tpu.memory_space<vmem>> -> memref<128x64xf32, #tpu.memory_space<vmem>>
      %dma_start3A_191 = arith.constant 0 : i32
      %dma_start3A_192 = tpu.memref_slice %arg7[%add3A_174, %dma_start3A_191] : memref<80x128xi32, #tpu.memory_space<vmem>> -> memref<1x128xi32, #tpu.memory_space<vmem>>
      %dma_start3A_193 = tpu.memref_squeeze %dma_start3A_192 : memref<1x128xi32, #tpu.memory_space<vmem>> -> memref<128xi32, #tpu.memory_space<vmem>>
      %dma_start3A_194 = arith.constant 0 : i32
      %dma_start3A_195 = arith.constant 0 : i32
      %dma_start3A_196 = tpu.memref_slice %arg9[%dma_start3A_194, %dma_start3A_195] : memref<10240x64xf32, #tpu.memory_space<vmem_shared>> -> memref<10240x64xf32, #tpu.memory_space<vmem_shared>>
      tpu.enqueue_indirect_dma source(%dma_start3A_190 : memref<128x64xf32, #tpu.memory_space<vmem>>) target(%dma_start3A_196 : memref<10240x64xf32, #tpu.memory_space<vmem_shared>>) offsets(%dma_start3A_193 : memref<128xi32, #tpu.memory_space<vmem>>) semaphore(%arg18 : memref<!tpu.dma_semaphore, #tpu.memory_space<semaphore_mem>>) {add = true}
      %add3A_197 = arith.constant 4 : i32
      %add3A_198 = arith.addi %add3A_174, %add3A_197 : i32
      %lt3A = arith.constant 80 : i32
      %lt3A_199 = arith.cmpi slt, %add3A_198, %lt3A : i32
      %convert_element_type3A = arith.extui %lt3A_199 : i1 to i32
      %cond3A = arith.constant 0 : i32
      %cond3A_200 = arith.cmpi ne, %convert_element_type3A, %cond3A : i32
      scf.if %cond3A_200 {
        %ge3A = arith.constant 4 : i32
        %ge3A_432 = arith.cmpi sge, %add3A_174, %ge3A : i32
        %convert_element_type3A_433 = arith.extui %ge3A_432 : i1 to i32
        %cond3A_434 = arith.constant 0 : i32
        %cond3A_435 = arith.cmpi ne, %convert_element_type3A_433, %cond3A_434 : i32
        scf.if %cond3A_435 {
          %sub3A = arith.constant 8 : i32
          %sub3A_447 = arith.subi %add3A_198, %sub3A : i32
          %dma_wait3A_448 = arith.constant 4 : i32
          %dma_wait3A_449 = arith.constant 0 : i32
          %dma_wait3A_450 = arith.constant 0 : i32
          %dma_wait3A_451 = tpu.memref_slice %arg8[%dma_wait3A_448, %dma_wait3A_449, %dma_wait3A_450] : memref<8x128x64xf32, #tpu.memory_space<vmem>> -> memref<1x128x64xf32, #tpu.memory_space<vmem>>
          %dma_wait3A_452 = tpu.memref_squeeze %dma_wait3A_451 : memref<1x128x64xf32, #tpu.memory_space<vmem>> -> memref<128x64xf32, #tpu.memory_space<vmem>>
          %dma_wait3A_453 = arith.constant 0 : i32
          %dma_wait3A_454 = tpu.memref_slice %arg7[%sub3A_447, %dma_wait3A_453] : memref<80x128xi32, #tpu.memory_space<vmem>> -> memref<1x128xi32, #tpu.memory_space<vmem>>
          %dma_wait3A_455 = tpu.memref_squeeze %dma_wait3A_454 : memref<1x128xi32, #tpu.memory_space<vmem>> -> memref<128xi32, #tpu.memory_space<vmem>>
          %dma_wait3A_456 = arith.constant 0 : i32
          %dma_wait3A_457 = arith.constant 0 : i32
          %dma_wait3A_458 = tpu.memref_slice %arg9[%dma_wait3A_456, %dma_wait3A_457] : memref<10240x64xf32, #tpu.memory_space<vmem_shared>> -> memref<10240x64xf32, #tpu.memory_space<vmem_shared>>
          tpu.wait_indirect_dma semaphore(%arg22 : memref<!tpu.dma_semaphore, #tpu.memory_space<semaphore_mem>>) src(%dma_wait3A_452 : memref<128x64xf32, #tpu.memory_space<vmem>>) dst(%dma_wait3A_458 : memref<10240x64xf32, #tpu.memory_space<vmem_shared>>)
        } else {
        }
        %dma_start3A_436 = arith.constant 4 : i32
        %dma_start3A_437 = arith.constant 0 : i32
        %dma_start3A_438 = arith.constant 0 : i32
        %dma_start3A_439 = tpu.memref_slice %arg8[%dma_start3A_436, %dma_start3A_437, %dma_start3A_438] : memref<8x128x64xf32, #tpu.memory_space<vmem>> -> memref<1x128x64xf32, #tpu.memory_space<vmem>>
        %dma_start3A_440 = tpu.memref_squeeze %dma_start3A_439 : memref<1x128x64xf32, #tpu.memory_space<vmem>> -> memref<128x64xf32, #tpu.memory_space<vmem>>
        %dma_start3A_441 = arith.constant 0 : i32
        %dma_start3A_442 = tpu.memref_slice %arg6[%add3A_198, %dma_start3A_441] : memref<80x128xi32, #tpu.memory_space<vmem>> -> memref<1x128xi32, #tpu.memory_space<vmem>>
        %dma_start3A_443 = tpu.memref_squeeze %dma_start3A_442 : memref<1x128xi32, #tpu.memory_space<vmem>> -> memref<128xi32, #tpu.memory_space<vmem>>
        %dma_start3A_444 = arith.constant 0 : i32
        %dma_start3A_445 = arith.constant 0 : i32
        %dma_start3A_446 = tpu.memref_slice %arg4[%dma_start3A_444, %dma_start3A_445] : memref<10000x64xf32, #tpu.memory_space<hbm>> -> memref<10000x64xf32, #tpu.memory_space<hbm>>
        tpu.enqueue_indirect_dma source(%dma_start3A_446 : memref<10000x64xf32, #tpu.memory_space<hbm>>) target(%dma_start3A_440 : memref<128x64xf32, #tpu.memory_space<vmem>>) offsets(%dma_start3A_443 : memref<128xi32, #tpu.memory_space<vmem>>) semaphore(%arg14 : memref<!tpu.dma_semaphore, #tpu.memory_space<semaphore_mem>>)
      } else {
      }
      %mul3A_201 = arith.constant 8 : i32
      %mul3A_202 = arith.muli %add3A_170, %mul3A_201 : i32
      %add3A_203 = arith.constant 1 : i32
      %add3A_204 = arith.addi %mul3A_202, %add3A_203 : i32
      %dma_wait3A_205 = arith.constant 1 : i32
      %dma_wait3A_206 = arith.constant 0 : i32
      %dma_wait3A_207 = arith.constant 0 : i32
      %dma_wait3A_208 = tpu.memref_slice %arg8[%dma_wait3A_205, %dma_wait3A_206, %dma_wait3A_207] : memref<8x128x64xf32, #tpu.memory_space<vmem>> -> memref<1x128x64xf32, #tpu.memory_space<vmem>>
      %dma_wait3A_209 = tpu.memref_squeeze %dma_wait3A_208 : memref<1x128x64xf32, #tpu.memory_space<vmem>> -> memref<128x64xf32, #tpu.memory_space<vmem>>
      %dma_wait3A_210 = arith.constant 0 : i32
      %dma_wait3A_211 = tpu.memref_slice %arg6[%add3A_204, %dma_wait3A_210] : memref<80x128xi32, #tpu.memory_space<vmem>> -> memref<1x128xi32, #tpu.memory_space<vmem>>
      %dma_wait3A_212 = tpu.memref_squeeze %dma_wait3A_211 : memref<1x128xi32, #tpu.memory_space<vmem>> -> memref<128xi32, #tpu.memory_space<vmem>>
      %dma_wait3A_213 = arith.constant 0 : i32
      %dma_wait3A_214 = arith.constant 0 : i32
      %dma_wait3A_215 = tpu.memref_slice %arg4[%dma_wait3A_213, %dma_wait3A_214] : memref<10000x64xf32, #tpu.memory_space<hbm>> -> memref<10000x64xf32, #tpu.memory_space<hbm>>
      tpu.wait_indirect_dma semaphore(%arg11 : memref<!tpu.dma_semaphore, #tpu.memory_space<semaphore_mem>>) src(%dma_wait3A_215 : memref<10000x64xf32, #tpu.memory_space<hbm>>) dst(%dma_wait3A_209 : memref<128x64xf32, #tpu.memory_space<vmem>>)
      %dma_start3A_216 = arith.constant 1 : i32
      %dma_start3A_217 = arith.constant 0 : i32
      %dma_start3A_218 = arith.constant 0 : i32
      %dma_start3A_219 = tpu.memref_slice %arg8[%dma_start3A_216, %dma_start3A_217, %dma_start3A_218] : memref<8x128x64xf32, #tpu.memory_space<vmem>> -> memref<1x128x64xf32, #tpu.memory_space<vmem>>
      %dma_start3A_220 = tpu.memref_squeeze %dma_start3A_219 : memref<1x128x64xf32, #tpu.memory_space<vmem>> -> memref<128x64xf32, #tpu.memory_space<vmem>>
      %dma_start3A_221 = arith.constant 0 : i32
      %dma_start3A_222 = tpu.memref_slice %arg7[%add3A_204, %dma_start3A_221] : memref<80x128xi32, #tpu.memory_space<vmem>> -> memref<1x128xi32, #tpu.memory_space<vmem>>
      %dma_start3A_223 = tpu.memref_squeeze %dma_start3A_222 : memref<1x128xi32, #tpu.memory_space<vmem>> -> memref<128xi32, #tpu.memory_space<vmem>>
      %dma_start3A_224 = arith.constant 0 : i32
      %dma_start3A_225 = arith.constant 0 : i32
      %dma_start3A_226 = tpu.memref_slice %arg9[%dma_start3A_224, %dma_start3A_225] : memref<10240x64xf32, #tpu.memory_space<vmem_shared>> -> memref<10240x64xf32, #tpu.memory_space<vmem_shared>>
      tpu.enqueue_indirect_dma source(%dma_start3A_220 : memref<128x64xf32, #tpu.memory_space<vmem>>) target(%dma_start3A_226 : memref<10240x64xf32, #tpu.memory_space<vmem_shared>>) offsets(%dma_start3A_223 : memref<128xi32, #tpu.memory_space<vmem>>) semaphore(%arg19 : memref<!tpu.dma_semaphore, #tpu.memory_space<semaphore_mem>>) {add = true}
      %add3A_227 = arith.constant 4 : i32
      %add3A_228 = arith.addi %add3A_204, %add3A_227 : i32
      %lt3A_229 = arith.constant 80 : i32
      %lt3A_230 = arith.cmpi slt, %add3A_228, %lt3A_229 : i32
      %convert_element_type3A_231 = arith.extui %lt3A_230 : i1 to i32
      %cond3A_232 = arith.constant 0 : i32
      %cond3A_233 = arith.cmpi ne, %convert_element_type3A_231, %cond3A_232 : i32
      scf.if %cond3A_233 {
        %ge3A = arith.constant 4 : i32
        %ge3A_432 = arith.cmpi sge, %add3A_204, %ge3A : i32
        %convert_element_type3A_433 = arith.extui %ge3A_432 : i1 to i32
        %cond3A_434 = arith.constant 0 : i32
        %cond3A_435 = arith.cmpi ne, %convert_element_type3A_433, %cond3A_434 : i32
        scf.if %cond3A_435 {
          %sub3A = arith.constant 8 : i32
          %sub3A_447 = arith.subi %add3A_228, %sub3A : i32
          %dma_wait3A_448 = arith.constant 5 : i32
          %dma_wait3A_449 = arith.constant 0 : i32
          %dma_wait3A_450 = arith.constant 0 : i32
          %dma_wait3A_451 = tpu.memref_slice %arg8[%dma_wait3A_448, %dma_wait3A_449, %dma_wait3A_450] : memref<8x128x64xf32, #tpu.memory_space<vmem>> -> memref<1x128x64xf32, #tpu.memory_space<vmem>>
          %dma_wait3A_452 = tpu.memref_squeeze %dma_wait3A_451 : memref<1x128x64xf32, #tpu.memory_space<vmem>> -> memref<128x64xf32, #tpu.memory_space<vmem>>
          %dma_wait3A_453 = arith.constant 0 : i32
          %dma_wait3A_454 = tpu.memref_slice %arg7[%sub3A_447, %dma_wait3A_453] : memref<80x128xi32, #tpu.memory_space<vmem>> -> memref<1x128xi32, #tpu.memory_space<vmem>>
          %dma_wait3A_455 = tpu.memref_squeeze %dma_wait3A_454 : memref<1x128xi32, #tpu.memory_space<vmem>> -> memref<128xi32, #tpu.memory_space<vmem>>
          %dma_wait3A_456 = arith.constant 0 : i32
          %dma_wait3A_457 = arith.constant 0 : i32
          %dma_wait3A_458 = tpu.memref_slice %arg9[%dma_wait3A_456, %dma_wait3A_457] : memref<10240x64xf32, #tpu.memory_space<vmem_shared>> -> memref<10240x64xf32, #tpu.memory_space<vmem_shared>>
          tpu.wait_indirect_dma semaphore(%arg23 : memref<!tpu.dma_semaphore, #tpu.memory_space<semaphore_mem>>) src(%dma_wait3A_452 : memref<128x64xf32, #tpu.memory_space<vmem>>) dst(%dma_wait3A_458 : memref<10240x64xf32, #tpu.memory_space<vmem_shared>>)
        } else {
        }
        %dma_start3A_436 = arith.constant 5 : i32
        %dma_start3A_437 = arith.constant 0 : i32
        %dma_start3A_438 = arith.constant 0 : i32
        %dma_start3A_439 = tpu.memref_slice %arg8[%dma_start3A_436, %dma_start3A_437, %dma_start3A_438] : memref<8x128x64xf32, #tpu.memory_space<vmem>> -> memref<1x128x64xf32, #tpu.memory_space<vmem>>
        %dma_start3A_440 = tpu.memref_squeeze %dma_start3A_439 : memref<1x128x64xf32, #tpu.memory_space<vmem>> -> memref<128x64xf32, #tpu.memory_space<vmem>>
        %dma_start3A_441 = arith.constant 0 : i32
        %dma_start3A_442 = tpu.memref_slice %arg6[%add3A_228, %dma_start3A_441] : memref<80x128xi32, #tpu.memory_space<vmem>> -> memref<1x128xi32, #tpu.memory_space<vmem>>
        %dma_start3A_443 = tpu.memref_squeeze %dma_start3A_442 : memref<1x128xi32, #tpu.memory_space<vmem>> -> memref<128xi32, #tpu.memory_space<vmem>>
        %dma_start3A_444 = arith.constant 0 : i32
        %dma_start3A_445 = arith.constant 0 : i32
        %dma_start3A_446 = tpu.memref_slice %arg4[%dma_start3A_444, %dma_start3A_445] : memref<10000x64xf32, #tpu.memory_space<hbm>> -> memref<10000x64xf32, #tpu.memory_space<hbm>>
        tpu.enqueue_indirect_dma source(%dma_start3A_446 : memref<10000x64xf32, #tpu.memory_space<hbm>>) target(%dma_start3A_440 : memref<128x64xf32, #tpu.memory_space<vmem>>) offsets(%dma_start3A_443 : memref<128xi32, #tpu.memory_space<vmem>>) semaphore(%arg15 : memref<!tpu.dma_semaphore, #tpu.memory_space<semaphore_mem>>)
      } else {
      }
      %mul3A_234 = arith.constant 8 : i32
      %mul3A_235 = arith.muli %add3A_170, %mul3A_234 : i32
      %add3A_236 = arith.constant 2 : i32
      %add3A_237 = arith.addi %mul3A_235, %add3A_236 : i32
      %dma_wait3A_238 = arith.constant 2 : i32
      %dma_wait3A_239 = arith.constant 0 : i32
      %dma_wait3A_240 = arith.constant 0 : i32
      %dma_wait3A_241 = tpu.memref_slice %arg8[%dma_wait3A_238, %dma_wait3A_239, %dma_wait3A_240] : memref<8x128x64xf32, #tpu.memory_space<vmem>> -> memref<1x128x64xf32, #tpu.memory_space<vmem>>
      %dma_wait3A_242 = tpu.memref_squeeze %dma_wait3A_241 : memref<1x128x64xf32, #tpu.memory_space<vmem>> -> memref<128x64xf32, #tpu.memory_space<vmem>>
      %dma_wait3A_243 = arith.constant 0 : i32
      %dma_wait3A_244 = tpu.memref_slice %arg6[%add3A_237, %dma_wait3A_243] : memref<80x128xi32, #tpu.memory_space<vmem>> -> memref<1x128xi32, #tpu.memory_space<vmem>>
      %dma_wait3A_245 = tpu.memref_squeeze %dma_wait3A_244 : memref<1x128xi32, #tpu.memory_space<vmem>> -> memref<128xi32, #tpu.memory_space<vmem>>
      %dma_wait3A_246 = arith.constant 0 : i32
      %dma_wait3A_247 = arith.constant 0 : i32
      %dma_wait3A_248 = tpu.memref_slice %arg4[%dma_wait3A_246, %dma_wait3A_247] : memref<10000x64xf32, #tpu.memory_space<hbm>> -> memref<10000x64xf32, #tpu.memory_space<hbm>>
      tpu.wait_indirect_dma semaphore(%arg12 : memref<!tpu.dma_semaphore, #tpu.memory_space<semaphore_mem>>) src(%dma_wait3A_248 : memref<10000x64xf32, #tpu.memory_space<hbm>>) dst(%dma_wait3A_242 : memref<128x64xf32, #tpu.memory_space<vmem>>)
      %dma_start3A_249 = arith.constant 2 : i32
      %dma_start3A_250 = arith.constant 0 : i32
      %dma_start3A_251 = arith.constant 0 : i32
      %dma_start3A_252 = tpu.memref_slice %arg8[%dma_start3A_249, %dma_start3A_250, %dma_start3A_251] : memref<8x128x64xf32, #tpu.memory_space<vmem>> -> memref<1x128x64xf32, #tpu.memory_space<vmem>>
      %dma_start3A_253 = tpu.memref_squeeze %dma_start3A_252 : memref<1x128x64xf32, #tpu.memory_space<vmem>> -> memref<128x64xf32, #tpu.memory_space<vmem>>
      %dma_start3A_254 = arith.constant 0 : i32
      %dma_start3A_255 = tpu.memref_slice %arg7[%add3A_237, %dma_start3A_254] : memref<80x128xi32, #tpu.memory_space<vmem>> -> memref<1x128xi32, #tpu.memory_space<vmem>>
      %dma_start3A_256 = tpu.memref_squeeze %dma_start3A_255 : memref<1x128xi32, #tpu.memory_space<vmem>> -> memref<128xi32, #tpu.memory_space<vmem>>
      %dma_start3A_257 = arith.constant 0 : i32
      %dma_start3A_258 = arith.constant 0 : i32
      %dma_start3A_259 = tpu.memref_slice %arg9[%dma_start3A_257, %dma_start3A_258] : memref<10240x64xf32, #tpu.memory_space<vmem_shared>> -> memref<10240x64xf32, #tpu.memory_space<vmem_shared>>
      tpu.enqueue_indirect_dma source(%dma_start3A_253 : memref<128x64xf32, #tpu.memory_space<vmem>>) target(%dma_start3A_259 : memref<10240x64xf32, #tpu.memory_space<vmem_shared>>) offsets(%dma_start3A_256 : memref<128xi32, #tpu.memory_space<vmem>>) semaphore(%arg20 : memref<!tpu.dma_semaphore, #tpu.memory_space<semaphore_mem>>) {add = true}
      %add3A_260 = arith.constant 4 : i32
      %add3A_261 = arith.addi %add3A_237, %add3A_260 : i32
      %lt3A_262 = arith.constant 80 : i32
      %lt3A_263 = arith.cmpi slt, %add3A_261, %lt3A_262 : i32
      %convert_element_type3A_264 = arith.extui %lt3A_263 : i1 to i32
      %cond3A_265 = arith.constant 0 : i32
      %cond3A_266 = arith.cmpi ne, %convert_element_type3A_264, %cond3A_265 : i32
      scf.if %cond3A_266 {
        %ge3A = arith.constant 4 : i32
        %ge3A_432 = arith.cmpi sge, %add3A_237, %ge3A : i32
        %convert_element_type3A_433 = arith.extui %ge3A_432 : i1 to i32
        %cond3A_434 = arith.constant 0 : i32
        %cond3A_435 = arith.cmpi ne, %convert_element_type3A_433, %cond3A_434 : i32
        scf.if %cond3A_435 {
          %sub3A = arith.constant 8 : i32
          %sub3A_447 = arith.subi %add3A_261, %sub3A : i32
          %dma_wait3A_448 = arith.constant 6 : i32
          %dma_wait3A_449 = arith.constant 0 : i32
          %dma_wait3A_450 = arith.constant 0 : i32
          %dma_wait3A_451 = tpu.memref_slice %arg8[%dma_wait3A_448, %dma_wait3A_449, %dma_wait3A_450] : memref<8x128x64xf32, #tpu.memory_space<vmem>> -> memref<1x128x64xf32, #tpu.memory_space<vmem>>
          %dma_wait3A_452 = tpu.memref_squeeze %dma_wait3A_451 : memref<1x128x64xf32, #tpu.memory_space<vmem>> -> memref<128x64xf32, #tpu.memory_space<vmem>>
          %dma_wait3A_453 = arith.constant 0 : i32
          %dma_wait3A_454 = tpu.memref_slice %arg7[%sub3A_447, %dma_wait3A_453] : memref<80x128xi32, #tpu.memory_space<vmem>> -> memref<1x128xi32, #tpu.memory_space<vmem>>
          %dma_wait3A_455 = tpu.memref_squeeze %dma_wait3A_454 : memref<1x128xi32, #tpu.memory_space<vmem>> -> memref<128xi32, #tpu.memory_space<vmem>>
          %dma_wait3A_456 = arith.constant 0 : i32
          %dma_wait3A_457 = arith.constant 0 : i32
          %dma_wait3A_458 = tpu.memref_slice %arg9[%dma_wait3A_456, %dma_wait3A_457] : memref<10240x64xf32, #tpu.memory_space<vmem_shared>> -> memref<10240x64xf32, #tpu.memory_space<vmem_shared>>
          tpu.wait_indirect_dma semaphore(%arg24 : memref<!tpu.dma_semaphore, #tpu.memory_space<semaphore_mem>>) src(%dma_wait3A_452 : memref<128x64xf32, #tpu.memory_space<vmem>>) dst(%dma_wait3A_458 : memref<10240x64xf32, #tpu.memory_space<vmem_shared>>)
        } else {
        }
        %dma_start3A_436 = arith.constant 6 : i32
        %dma_start3A_437 = arith.constant 0 : i32
        %dma_start3A_438 = arith.constant 0 : i32
        %dma_start3A_439 = tpu.memref_slice %arg8[%dma_start3A_436, %dma_start3A_437, %dma_start3A_438] : memref<8x128x64xf32, #tpu.memory_space<vmem>> -> memref<1x128x64xf32, #tpu.memory_space<vmem>>
        %dma_start3A_440 = tpu.memref_squeeze %dma_start3A_439 : memref<1x128x64xf32, #tpu.memory_space<vmem>> -> memref<128x64xf32, #tpu.memory_space<vmem>>
        %dma_start3A_441 = arith.constant 0 : i32
        %dma_start3A_442 = tpu.memref_slice %arg6[%add3A_261, %dma_start3A_441] : memref<80x128xi32, #tpu.memory_space<vmem>> -> memref<1x128xi32, #tpu.memory_space<vmem>>
        %dma_start3A_443 = tpu.memref_squeeze %dma_start3A_442 : memref<1x128xi32, #tpu.memory_space<vmem>> -> memref<128xi32, #tpu.memory_space<vmem>>
        %dma_start3A_444 = arith.constant 0 : i32
        %dma_start3A_445 = arith.constant 0 : i32
        %dma_start3A_446 = tpu.memref_slice %arg4[%dma_start3A_444, %dma_start3A_445] : memref<10000x64xf32, #tpu.memory_space<hbm>> -> memref<10000x64xf32, #tpu.memory_space<hbm>>
        tpu.enqueue_indirect_dma source(%dma_start3A_446 : memref<10000x64xf32, #tpu.memory_space<hbm>>) target(%dma_start3A_440 : memref<128x64xf32, #tpu.memory_space<vmem>>) offsets(%dma_start3A_443 : memref<128xi32, #tpu.memory_space<vmem>>) semaphore(%arg16 : memref<!tpu.dma_semaphore, #tpu.memory_space<semaphore_mem>>)
      } else {
      }
      %mul3A_267 = arith.constant 8 : i32
      %mul3A_268 = arith.muli %add3A_170, %mul3A_267 : i32
      %add3A_269 = arith.constant 3 : i32
      %add3A_270 = arith.addi %mul3A_268, %add3A_269 : i32
      %dma_wait3A_271 = arith.constant 3 : i32
      %dma_wait3A_272 = arith.constant 0 : i32
      %dma_wait3A_273 = arith.constant 0 : i32
      %dma_wait3A_274 = tpu.memref_slice %arg8[%dma_wait3A_271, %dma_wait3A_272, %dma_wait3A_273] : memref<8x128x64xf32, #tpu.memory_space<vmem>> -> memref<1x128x64xf32, #tpu.memory_space<vmem>>
      %dma_wait3A_275 = tpu.memref_squeeze %dma_wait3A_274 : memref<1x128x64xf32, #tpu.memory_space<vmem>> -> memref<128x64xf32, #tpu.memory_space<vmem>>
      %dma_wait3A_276 = arith.constant 0 : i32
      %dma_wait3A_277 = tpu.memref_slice %arg6[%add3A_270, %dma_wait3A_276] : memref<80x128xi32, #tpu.memory_space<vmem>> -> memref<1x128xi32, #tpu.memory_space<vmem>>
      %dma_wait3A_278 = tpu.memref_squeeze %dma_wait3A_277 : memref<1x128xi32, #tpu.memory_space<vmem>> -> memref<128xi32, #tpu.memory_space<vmem>>
      %dma_wait3A_279 = arith.constant 0 : i32
      %dma_wait3A_280 = arith.constant 0 : i32
      %dma_wait3A_281 = tpu.memref_slice %arg4[%dma_wait3A_279, %dma_wait3A_280] : memref<10000x64xf32, #tpu.memory_space<hbm>> -> memref<10000x64xf32, #tpu.memory_space<hbm>>
      tpu.wait_indirect_dma semaphore(%arg13 : memref<!tpu.dma_semaphore, #tpu.memory_space<semaphore_mem>>) src(%dma_wait3A_281 : memref<10000x64xf32, #tpu.memory_space<hbm>>) dst(%dma_wait3A_275 : memref<128x64xf32, #tpu.memory_space<vmem>>)
      %dma_start3A_282 = arith.constant 3 : i32
      %dma_start3A_283 = arith.constant 0 : i32
      %dma_start3A_284 = arith.constant 0 : i32
      %dma_start3A_285 = tpu.memref_slice %arg8[%dma_start3A_282, %dma_start3A_283, %dma_start3A_284] : memref<8x128x64xf32, #tpu.memory_space<vmem>> -> memref<1x128x64xf32, #tpu.memory_space<vmem>>
      %dma_start3A_286 = tpu.memref_squeeze %dma_start3A_285 : memref<1x128x64xf32, #tpu.memory_space<vmem>> -> memref<128x64xf32, #tpu.memory_space<vmem>>
      %dma_start3A_287 = arith.constant 0 : i32
      %dma_start3A_288 = tpu.memref_slice %arg7[%add3A_270, %dma_start3A_287] : memref<80x128xi32, #tpu.memory_space<vmem>> -> memref<1x128xi32, #tpu.memory_space<vmem>>
      %dma_start3A_289 = tpu.memref_squeeze %dma_start3A_288 : memref<1x128xi32, #tpu.memory_space<vmem>> -> memref<128xi32, #tpu.memory_space<vmem>>
      %dma_start3A_290 = arith.constant 0 : i32
      %dma_start3A_291 = arith.constant 0 : i32
      %dma_start3A_292 = tpu.memref_slice %arg9[%dma_start3A_290, %dma_start3A_291] : memref<10240x64xf32, #tpu.memory_space<vmem_shared>> -> memref<10240x64xf32, #tpu.memory_space<vmem_shared>>
      tpu.enqueue_indirect_dma source(%dma_start3A_286 : memref<128x64xf32, #tpu.memory_space<vmem>>) target(%dma_start3A_292 : memref<10240x64xf32, #tpu.memory_space<vmem_shared>>) offsets(%dma_start3A_289 : memref<128xi32, #tpu.memory_space<vmem>>) semaphore(%arg21 : memref<!tpu.dma_semaphore, #tpu.memory_space<semaphore_mem>>) {add = true}
      %add3A_293 = arith.constant 4 : i32
      %add3A_294 = arith.addi %add3A_270, %add3A_293 : i32
      %lt3A_295 = arith.constant 80 : i32
      %lt3A_296 = arith.cmpi slt, %add3A_294, %lt3A_295 : i32
      %convert_element_type3A_297 = arith.extui %lt3A_296 : i1 to i32
      %cond3A_298 = arith.constant 0 : i32
      %cond3A_299 = arith.cmpi ne, %convert_element_type3A_297, %cond3A_298 : i32
      scf.if %cond3A_299 {
        %ge3A = arith.constant 4 : i32
        %ge3A_432 = arith.cmpi sge, %add3A_270, %ge3A : i32
        %convert_element_type3A_433 = arith.extui %ge3A_432 : i1 to i32
        %cond3A_434 = arith.constant 0 : i32
        %cond3A_435 = arith.cmpi ne, %convert_element_type3A_433, %cond3A_434 : i32
        scf.if %cond3A_435 {
          %sub3A = arith.constant 8 : i32
          %sub3A_447 = arith.subi %add3A_294, %sub3A : i32
          %dma_wait3A_448 = arith.constant 7 : i32
          %dma_wait3A_449 = arith.constant 0 : i32
          %dma_wait3A_450 = arith.constant 0 : i32
          %dma_wait3A_451 = tpu.memref_slice %arg8[%dma_wait3A_448, %dma_wait3A_449, %dma_wait3A_450] : memref<8x128x64xf32, #tpu.memory_space<vmem>> -> memref<1x128x64xf32, #tpu.memory_space<vmem>>
          %dma_wait3A_452 = tpu.memref_squeeze %dma_wait3A_451 : memref<1x128x64xf32, #tpu.memory_space<vmem>> -> memref<128x64xf32, #tpu.memory_space<vmem>>
          %dma_wait3A_453 = arith.constant 0 : i32
          %dma_wait3A_454 = tpu.memref_slice %arg7[%sub3A_447, %dma_wait3A_453] : memref<80x128xi32, #tpu.memory_space<vmem>> -> memref<1x128xi32, #tpu.memory_space<vmem>>
          %dma_wait3A_455 = tpu.memref_squeeze %dma_wait3A_454 : memref<1x128xi32, #tpu.memory_space<vmem>> -> memref<128xi32, #tpu.memory_space<vmem>>
          %dma_wait3A_456 = arith.constant 0 : i32
          %dma_wait3A_457 = arith.constant 0 : i32
          %dma_wait3A_458 = tpu.memref_slice %arg9[%dma_wait3A_456, %dma_wait3A_457] : memref<10240x64xf32, #tpu.memory_space<vmem_shared>> -> memref<10240x64xf32, #tpu.memory_space<vmem_shared>>
          tpu.wait_indirect_dma semaphore(%arg25 : memref<!tpu.dma_semaphore, #tpu.memory_space<semaphore_mem>>) src(%dma_wait3A_452 : memref<128x64xf32, #tpu.memory_space<vmem>>) dst(%dma_wait3A_458 : memref<10240x64xf32, #tpu.memory_space<vmem_shared>>)
        } else {
        }
        %dma_start3A_436 = arith.constant 7 : i32
        %dma_start3A_437 = arith.constant 0 : i32
        %dma_start3A_438 = arith.constant 0 : i32
        %dma_start3A_439 = tpu.memref_slice %arg8[%dma_start3A_436, %dma_start3A_437, %dma_start3A_438] : memref<8x128x64xf32, #tpu.memory_space<vmem>> -> memref<1x128x64xf32, #tpu.memory_space<vmem>>
        %dma_start3A_440 = tpu.memref_squeeze %dma_start3A_439 : memref<1x128x64xf32, #tpu.memory_space<vmem>> -> memref<128x64xf32, #tpu.memory_space<vmem>>
        %dma_start3A_441 = arith.constant 0 : i32
        %dma_start3A_442 = tpu.memref_slice %arg6[%add3A_294, %dma_start3A_441] : memref<80x128xi32, #tpu.memory_space<vmem>> -> memref<1x128xi32, #tpu.memory_space<vmem>>
        %dma_start3A_443 = tpu.memref_squeeze %dma_start3A_442 : memref<1x128xi32, #tpu.memory_space<vmem>> -> memref<128xi32, #tpu.memory_space<vmem>>
        %dma_start3A_444 = arith.constant 0 : i32
        %dma_start3A_445 = arith.constant 0 : i32
        %dma_start3A_446 = tpu.memref_slice %arg4[%dma_start3A_444, %dma_start3A_445] : memref<10000x64xf32, #tpu.memory_space<hbm>> -> memref<10000x64xf32, #tpu.memory_space<hbm>>
        tpu.enqueue_indirect_dma source(%dma_start3A_446 : memref<10000x64xf32, #tpu.memory_space<hbm>>) target(%dma_start3A_440 : memref<128x64xf32, #tpu.memory_space<vmem>>) offsets(%dma_start3A_443 : memref<128xi32, #tpu.memory_space<vmem>>) semaphore(%arg17 : memref<!tpu.dma_semaphore, #tpu.memory_space<semaphore_mem>>)
      } else {
      }
      %mul3A_300 = arith.constant 8 : i32
      %mul3A_301 = arith.muli %add3A_170, %mul3A_300 : i32
      %add3A_302 = arith.constant 4 : i32
      %add3A_303 = arith.addi %mul3A_301, %add3A_302 : i32
      %dma_wait3A_304 = arith.constant 4 : i32
      %dma_wait3A_305 = arith.constant 0 : i32
      %dma_wait3A_306 = arith.constant 0 : i32
      %dma_wait3A_307 = tpu.memref_slice %arg8[%dma_wait3A_304, %dma_wait3A_305, %dma_wait3A_306] : memref<8x128x64xf32, #tpu.memory_space<vmem>> -> memref<1x128x64xf32, #tpu.memory_space<vmem>>
      %dma_wait3A_308 = tpu.memref_squeeze %dma_wait3A_307 : memref<1x128x64xf32, #tpu.memory_space<vmem>> -> memref<128x64xf32, #tpu.memory_space<vmem>>
      %dma_wait3A_309 = arith.constant 0 : i32
      %dma_wait3A_310 = tpu.memref_slice %arg6[%add3A_303, %dma_wait3A_309] : memref<80x128xi32, #tpu.memory_space<vmem>> -> memref<1x128xi32, #tpu.memory_space<vmem>>
      %dma_wait3A_311 = tpu.memref_squeeze %dma_wait3A_310 : memref<1x128xi32, #tpu.memory_space<vmem>> -> memref<128xi32, #tpu.memory_space<vmem>>
      %dma_wait3A_312 = arith.constant 0 : i32
      %dma_wait3A_313 = arith.constant 0 : i32
      %dma_wait3A_314 = tpu.memref_slice %arg4[%dma_wait3A_312, %dma_wait3A_313] : memref<10000x64xf32, #tpu.memory_space<hbm>> -> memref<10000x64xf32, #tpu.memory_space<hbm>>
      tpu.wait_indirect_dma semaphore(%arg14 : memref<!tpu.dma_semaphore, #tpu.memory_space<semaphore_mem>>) src(%dma_wait3A_314 : memref<10000x64xf32, #tpu.memory_space<hbm>>) dst(%dma_wait3A_308 : memref<128x64xf32, #tpu.memory_space<vmem>>)
      %dma_start3A_315 = arith.constant 4 : i32
      %dma_start3A_316 = arith.constant 0 : i32
      %dma_start3A_317 = arith.constant 0 : i32
      %dma_start3A_318 = tpu.memref_slice %arg8[%dma_start3A_315, %dma_start3A_316, %dma_start3A_317] : memref<8x128x64xf32, #tpu.memory_space<vmem>> -> memref<1x128x64xf32, #tpu.memory_space<vmem>>
      %dma_start3A_319 = tpu.memref_squeeze %dma_start3A_318 : memref<1x128x64xf32, #tpu.memory_space<vmem>> -> memref<128x64xf32, #tpu.memory_space<vmem>>
      %dma_start3A_320 = arith.constant 0 : i32
      %dma_start3A_321 = tpu.memref_slice %arg7[%add3A_303, %dma_start3A_320] : memref<80x128xi32, #tpu.memory_space<vmem>> -> memref<1x128xi32, #tpu.memory_space<vmem>>
      %dma_start3A_322 = tpu.memref_squeeze %dma_start3A_321 : memref<1x128xi32, #tpu.memory_space<vmem>> -> memref<128xi32, #tpu.memory_space<vmem>>
      %dma_start3A_323 = arith.constant 0 : i32
      %dma_start3A_324 = arith.constant 0 : i32
      %dma_start3A_325 = tpu.memref_slice %arg9[%dma_start3A_323, %dma_start3A_324] : memref<10240x64xf32, #tpu.memory_space<vmem_shared>> -> memref<10240x64xf32, #tpu.memory_space<vmem_shared>>
      tpu.enqueue_indirect_dma source(%dma_start3A_319 : memref<128x64xf32, #tpu.memory_space<vmem>>) target(%dma_start3A_325 : memref<10240x64xf32, #tpu.memory_space<vmem_shared>>) offsets(%dma_start3A_322 : memref<128xi32, #tpu.memory_space<vmem>>) semaphore(%arg22 : memref<!tpu.dma_semaphore, #tpu.memory_space<semaphore_mem>>) {add = true}
      %add3A_326 = arith.constant 4 : i32
      %add3A_327 = arith.addi %add3A_303, %add3A_326 : i32
      %lt3A_328 = arith.constant 80 : i32
      %lt3A_329 = arith.cmpi slt, %add3A_327, %lt3A_328 : i32
      %convert_element_type3A_330 = arith.extui %lt3A_329 : i1 to i32
      %cond3A_331 = arith.constant 0 : i32
      %cond3A_332 = arith.cmpi ne, %convert_element_type3A_330, %cond3A_331 : i32
      scf.if %cond3A_332 {
        %ge3A = arith.constant 4 : i32
        %ge3A_432 = arith.cmpi sge, %add3A_303, %ge3A : i32
        %convert_element_type3A_433 = arith.extui %ge3A_432 : i1 to i32
        %cond3A_434 = arith.constant 0 : i32
        %cond3A_435 = arith.cmpi ne, %convert_element_type3A_433, %cond3A_434 : i32
        scf.if %cond3A_435 {
          %sub3A = arith.constant 8 : i32
          %sub3A_447 = arith.subi %add3A_327, %sub3A : i32
          %dma_wait3A_448 = arith.constant 0 : i32
          %dma_wait3A_449 = arith.constant 0 : i32
          %dma_wait3A_450 = arith.constant 0 : i32
          %dma_wait3A_451 = tpu.memref_slice %arg8[%dma_wait3A_448, %dma_wait3A_449, %dma_wait3A_450] : memref<8x128x64xf32, #tpu.memory_space<vmem>> -> memref<1x128x64xf32, #tpu.memory_space<vmem>>
          %dma_wait3A_452 = tpu.memref_squeeze %dma_wait3A_451 : memref<1x128x64xf32, #tpu.memory_space<vmem>> -> memref<128x64xf32, #tpu.memory_space<vmem>>
          %dma_wait3A_453 = arith.constant 0 : i32
          %dma_wait3A_454 = tpu.memref_slice %arg7[%sub3A_447, %dma_wait3A_453] : memref<80x128xi32, #tpu.memory_space<vmem>> -> memref<1x128xi32, #tpu.memory_space<vmem>>
          %dma_wait3A_455 = tpu.memref_squeeze %dma_wait3A_454 : memref<1x128xi32, #tpu.memory_space<vmem>> -> memref<128xi32, #tpu.memory_space<vmem>>
          %dma_wait3A_456 = arith.constant 0 : i32
          %dma_wait3A_457 = arith.constant 0 : i32
          %dma_wait3A_458 = tpu.memref_slice %arg9[%dma_wait3A_456, %dma_wait3A_457] : memref<10240x64xf32, #tpu.memory_space<vmem_shared>> -> memref<10240x64xf32, #tpu.memory_space<vmem_shared>>
          tpu.wait_indirect_dma semaphore(%arg18 : memref<!tpu.dma_semaphore, #tpu.memory_space<semaphore_mem>>) src(%dma_wait3A_452 : memref<128x64xf32, #tpu.memory_space<vmem>>) dst(%dma_wait3A_458 : memref<10240x64xf32, #tpu.memory_space<vmem_shared>>)
        } else {
        }
        %dma_start3A_436 = arith.constant 0 : i32
        %dma_start3A_437 = arith.constant 0 : i32
        %dma_start3A_438 = arith.constant 0 : i32
        %dma_start3A_439 = tpu.memref_slice %arg8[%dma_start3A_436, %dma_start3A_437, %dma_start3A_438] : memref<8x128x64xf32, #tpu.memory_space<vmem>> -> memref<1x128x64xf32, #tpu.memory_space<vmem>>
        %dma_start3A_440 = tpu.memref_squeeze %dma_start3A_439 : memref<1x128x64xf32, #tpu.memory_space<vmem>> -> memref<128x64xf32, #tpu.memory_space<vmem>>
        %dma_start3A_441 = arith.constant 0 : i32
        %dma_start3A_442 = tpu.memref_slice %arg6[%add3A_327, %dma_start3A_441] : memref<80x128xi32, #tpu.memory_space<vmem>> -> memref<1x128xi32, #tpu.memory_space<vmem>>
        %dma_start3A_443 = tpu.memref_squeeze %dma_start3A_442 : memref<1x128xi32, #tpu.memory_space<vmem>> -> memref<128xi32, #tpu.memory_space<vmem>>
        %dma_start3A_444 = arith.constant 0 : i32
        %dma_start3A_445 = arith.constant 0 : i32
        %dma_start3A_446 = tpu.memref_slice %arg4[%dma_start3A_444, %dma_start3A_445] : memref<10000x64xf32, #tpu.memory_space<hbm>> -> memref<10000x64xf32, #tpu.memory_space<hbm>>
        tpu.enqueue_indirect_dma source(%dma_start3A_446 : memref<10000x64xf32, #tpu.memory_space<hbm>>) target(%dma_start3A_440 : memref<128x64xf32, #tpu.memory_space<vmem>>) offsets(%dma_start3A_443 : memref<128xi32, #tpu.memory_space<vmem>>) semaphore(%arg10 : memref<!tpu.dma_semaphore, #tpu.memory_space<semaphore_mem>>)
      } else {
      }
      %mul3A_333 = arith.constant 8 : i32
      %mul3A_334 = arith.muli %add3A_170, %mul3A_333 : i32
      %add3A_335 = arith.constant 5 : i32
      %add3A_336 = arith.addi %mul3A_334, %add3A_335 : i32
      %dma_wait3A_337 = arith.constant 5 : i32
      %dma_wait3A_338 = arith.constant 0 : i32
      %dma_wait3A_339 = arith.constant 0 : i32
      %dma_wait3A_340 = tpu.memref_slice %arg8[%dma_wait3A_337, %dma_wait3A_338, %dma_wait3A_339] : memref<8x128x64xf32, #tpu.memory_space<vmem>> -> memref<1x128x64xf32, #tpu.memory_space<vmem>>
      %dma_wait3A_341 = tpu.memref_squeeze %dma_wait3A_340 : memref<1x128x64xf32, #tpu.memory_space<vmem>> -> memref<128x64xf32, #tpu.memory_space<vmem>>
      %dma_wait3A_342 = arith.constant 0 : i32
      %dma_wait3A_343 = tpu.memref_slice %arg6[%add3A_336, %dma_wait3A_342] : memref<80x128xi32, #tpu.memory_space<vmem>> -> memref<1x128xi32, #tpu.memory_space<vmem>>
      %dma_wait3A_344 = tpu.memref_squeeze %dma_wait3A_343 : memref<1x128xi32, #tpu.memory_space<vmem>> -> memref<128xi32, #tpu.memory_space<vmem>>
      %dma_wait3A_345 = arith.constant 0 : i32
      %dma_wait3A_346 = arith.constant 0 : i32
      %dma_wait3A_347 = tpu.memref_slice %arg4[%dma_wait3A_345, %dma_wait3A_346] : memref<10000x64xf32, #tpu.memory_space<hbm>> -> memref<10000x64xf32, #tpu.memory_space<hbm>>
      tpu.wait_indirect_dma semaphore(%arg15 : memref<!tpu.dma_semaphore, #tpu.memory_space<semaphore_mem>>) src(%dma_wait3A_347 : memref<10000x64xf32, #tpu.memory_space<hbm>>) dst(%dma_wait3A_341 : memref<128x64xf32, #tpu.memory_space<vmem>>)
      %dma_start3A_348 = arith.constant 5 : i32
      %dma_start3A_349 = arith.constant 0 : i32
      %dma_start3A_350 = arith.constant 0 : i32
      %dma_start3A_351 = tpu.memref_slice %arg8[%dma_start3A_348, %dma_start3A_349, %dma_start3A_350] : memref<8x128x64xf32, #tpu.memory_space<vmem>> -> memref<1x128x64xf32, #tpu.memory_space<vmem>>
      %dma_start3A_352 = tpu.memref_squeeze %dma_start3A_351 : memref<1x128x64xf32, #tpu.memory_space<vmem>> -> memref<128x64xf32, #tpu.memory_space<vmem>>
      %dma_start3A_353 = arith.constant 0 : i32
      %dma_start3A_354 = tpu.memref_slice %arg7[%add3A_336, %dma_start3A_353] : memref<80x128xi32, #tpu.memory_space<vmem>> -> memref<1x128xi32, #tpu.memory_space<vmem>>
      %dma_start3A_355 = tpu.memref_squeeze %dma_start3A_354 : memref<1x128xi32, #tpu.memory_space<vmem>> -> memref<128xi32, #tpu.memory_space<vmem>>
      %dma_start3A_356 = arith.constant 0 : i32
      %dma_start3A_357 = arith.constant 0 : i32
      %dma_start3A_358 = tpu.memref_slice %arg9[%dma_start3A_356, %dma_start3A_357] : memref<10240x64xf32, #tpu.memory_space<vmem_shared>> -> memref<10240x64xf32, #tpu.memory_space<vmem_shared>>
      tpu.enqueue_indirect_dma source(%dma_start3A_352 : memref<128x64xf32, #tpu.memory_space<vmem>>) target(%dma_start3A_358 : memref<10240x64xf32, #tpu.memory_space<vmem_shared>>) offsets(%dma_start3A_355 : memref<128xi32, #tpu.memory_space<vmem>>) semaphore(%arg23 : memref<!tpu.dma_semaphore, #tpu.memory_space<semaphore_mem>>) {add = true}
      %add3A_359 = arith.constant 4 : i32
      %add3A_360 = arith.addi %add3A_336, %add3A_359 : i32
      %lt3A_361 = arith.constant 80 : i32
      %lt3A_362 = arith.cmpi slt, %add3A_360, %lt3A_361 : i32
      %convert_element_type3A_363 = arith.extui %lt3A_362 : i1 to i32
      %cond3A_364 = arith.constant 0 : i32
      %cond3A_365 = arith.cmpi ne, %convert_element_type3A_363, %cond3A_364 : i32
      scf.if %cond3A_365 {
        %ge3A = arith.constant 4 : i32
        %ge3A_432 = arith.cmpi sge, %add3A_336, %ge3A : i32
        %convert_element_type3A_433 = arith.extui %ge3A_432 : i1 to i32
        %cond3A_434 = arith.constant 0 : i32
        %cond3A_435 = arith.cmpi ne, %convert_element_type3A_433, %cond3A_434 : i32
        scf.if %cond3A_435 {
          %sub3A = arith.constant 8 : i32
          %sub3A_447 = arith.subi %add3A_360, %sub3A : i32
          %dma_wait3A_448 = arith.constant 1 : i32
          %dma_wait3A_449 = arith.constant 0 : i32
          %dma_wait3A_450 = arith.constant 0 : i32
          %dma_wait3A_451 = tpu.memref_slice %arg8[%dma_wait3A_448, %dma_wait3A_449, %dma_wait3A_450] : memref<8x128x64xf32, #tpu.memory_space<vmem>> -> memref<1x128x64xf32, #tpu.memory_space<vmem>>
          %dma_wait3A_452 = tpu.memref_squeeze %dma_wait3A_451 : memref<1x128x64xf32, #tpu.memory_space<vmem>> -> memref<128x64xf32, #tpu.memory_space<vmem>>
          %dma_wait3A_453 = arith.constant 0 : i32
          %dma_wait3A_454 = tpu.memref_slice %arg7[%sub3A_447, %dma_wait3A_453] : memref<80x128xi32, #tpu.memory_space<vmem>> -> memref<1x128xi32, #tpu.memory_space<vmem>>
          %dma_wait3A_455 = tpu.memref_squeeze %dma_wait3A_454 : memref<1x128xi32, #tpu.memory_space<vmem>> -> memref<128xi32, #tpu.memory_space<vmem>>
          %dma_wait3A_456 = arith.constant 0 : i32
          %dma_wait3A_457 = arith.constant 0 : i32
          %dma_wait3A_458 = tpu.memref_slice %arg9[%dma_wait3A_456, %dma_wait3A_457] : memref<10240x64xf32, #tpu.memory_space<vmem_shared>> -> memref<10240x64xf32, #tpu.memory_space<vmem_shared>>
          tpu.wait_indirect_dma semaphore(%arg19 : memref<!tpu.dma_semaphore, #tpu.memory_space<semaphore_mem>>) src(%dma_wait3A_452 : memref<128x64xf32, #tpu.memory_space<vmem>>) dst(%dma_wait3A_458 : memref<10240x64xf32, #tpu.memory_space<vmem_shared>>)
        } else {
        }
        %dma_start3A_436 = arith.constant 1 : i32
        %dma_start3A_437 = arith.constant 0 : i32
        %dma_start3A_438 = arith.constant 0 : i32
        %dma_start3A_439 = tpu.memref_slice %arg8[%dma_start3A_436, %dma_start3A_437, %dma_start3A_438] : memref<8x128x64xf32, #tpu.memory_space<vmem>> -> memref<1x128x64xf32, #tpu.memory_space<vmem>>
        %dma_start3A_440 = tpu.memref_squeeze %dma_start3A_439 : memref<1x128x64xf32, #tpu.memory_space<vmem>> -> memref<128x64xf32, #tpu.memory_space<vmem>>
        %dma_start3A_441 = arith.constant 0 : i32
        %dma_start3A_442 = tpu.memref_slice %arg6[%add3A_360, %dma_start3A_441] : memref<80x128xi32, #tpu.memory_space<vmem>> -> memref<1x128xi32, #tpu.memory_space<vmem>>
        %dma_start3A_443 = tpu.memref_squeeze %dma_start3A_442 : memref<1x128xi32, #tpu.memory_space<vmem>> -> memref<128xi32, #tpu.memory_space<vmem>>
        %dma_start3A_444 = arith.constant 0 : i32
        %dma_start3A_445 = arith.constant 0 : i32
        %dma_start3A_446 = tpu.memref_slice %arg4[%dma_start3A_444, %dma_start3A_445] : memref<10000x64xf32, #tpu.memory_space<hbm>> -> memref<10000x64xf32, #tpu.memory_space<hbm>>
        tpu.enqueue_indirect_dma source(%dma_start3A_446 : memref<10000x64xf32, #tpu.memory_space<hbm>>) target(%dma_start3A_440 : memref<128x64xf32, #tpu.memory_space<vmem>>) offsets(%dma_start3A_443 : memref<128xi32, #tpu.memory_space<vmem>>) semaphore(%arg11 : memref<!tpu.dma_semaphore, #tpu.memory_space<semaphore_mem>>)
      } else {
      }
      %mul3A_366 = arith.constant 8 : i32
      %mul3A_367 = arith.muli %add3A_170, %mul3A_366 : i32
      %add3A_368 = arith.constant 6 : i32
      %add3A_369 = arith.addi %mul3A_367, %add3A_368 : i32
      %dma_wait3A_370 = arith.constant 6 : i32
      %dma_wait3A_371 = arith.constant 0 : i32
      %dma_wait3A_372 = arith.constant 0 : i32
      %dma_wait3A_373 = tpu.memref_slice %arg8[%dma_wait3A_370, %dma_wait3A_371, %dma_wait3A_372] : memref<8x128x64xf32, #tpu.memory_space<vmem>> -> memref<1x128x64xf32, #tpu.memory_space<vmem>>
      %dma_wait3A_374 = tpu.memref_squeeze %dma_wait3A_373 : memref<1x128x64xf32, #tpu.memory_space<vmem>> -> memref<128x64xf32, #tpu.memory_space<vmem>>
      %dma_wait3A_375 = arith.constant 0 : i32
      %dma_wait3A_376 = tpu.memref_slice %arg6[%add3A_369, %dma_wait3A_375] : memref<80x128xi32, #tpu.memory_space<vmem>> -> memref<1x128xi32, #tpu.memory_space<vmem>>
      %dma_wait3A_377 = tpu.memref_squeeze %dma_wait3A_376 : memref<1x128xi32, #tpu.memory_space<vmem>> -> memref<128xi32, #tpu.memory_space<vmem>>
      %dma_wait3A_378 = arith.constant 0 : i32
      %dma_wait3A_379 = arith.constant 0 : i32
      %dma_wait3A_380 = tpu.memref_slice %arg4[%dma_wait3A_378, %dma_wait3A_379] : memref<10000x64xf32, #tpu.memory_space<hbm>> -> memref<10000x64xf32, #tpu.memory_space<hbm>>
      tpu.wait_indirect_dma semaphore(%arg16 : memref<!tpu.dma_semaphore, #tpu.memory_space<semaphore_mem>>) src(%dma_wait3A_380 : memref<10000x64xf32, #tpu.memory_space<hbm>>) dst(%dma_wait3A_374 : memref<128x64xf32, #tpu.memory_space<vmem>>)
      %dma_start3A_381 = arith.constant 6 : i32
      %dma_start3A_382 = arith.constant 0 : i32
      %dma_start3A_383 = arith.constant 0 : i32
      %dma_start3A_384 = tpu.memref_slice %arg8[%dma_start3A_381, %dma_start3A_382, %dma_start3A_383] : memref<8x128x64xf32, #tpu.memory_space<vmem>> -> memref<1x128x64xf32, #tpu.memory_space<vmem>>
      %dma_start3A_385 = tpu.memref_squeeze %dma_start3A_384 : memref<1x128x64xf32, #tpu.memory_space<vmem>> -> memref<128x64xf32, #tpu.memory_space<vmem>>
      %dma_start3A_386 = arith.constant 0 : i32
      %dma_start3A_387 = tpu.memref_slice %arg7[%add3A_369, %dma_start3A_386] : memref<80x128xi32, #tpu.memory_space<vmem>> -> memref<1x128xi32, #tpu.memory_space<vmem>>
      %dma_start3A_388 = tpu.memref_squeeze %dma_start3A_387 : memref<1x128xi32, #tpu.memory_space<vmem>> -> memref<128xi32, #tpu.memory_space<vmem>>
      %dma_start3A_389 = arith.constant 0 : i32
      %dma_start3A_390 = arith.constant 0 : i32
      %dma_start3A_391 = tpu.memref_slice %arg9[%dma_start3A_389, %dma_start3A_390] : memref<10240x64xf32, #tpu.memory_space<vmem_shared>> -> memref<10240x64xf32, #tpu.memory_space<vmem_shared>>
      tpu.enqueue_indirect_dma source(%dma_start3A_385 : memref<128x64xf32, #tpu.memory_space<vmem>>) target(%dma_start3A_391 : memref<10240x64xf32, #tpu.memory_space<vmem_shared>>) offsets(%dma_start3A_388 : memref<128xi32, #tpu.memory_space<vmem>>) semaphore(%arg24 : memref<!tpu.dma_semaphore, #tpu.memory_space<semaphore_mem>>) {add = true}
      %add3A_392 = arith.constant 4 : i32
      %add3A_393 = arith.addi %add3A_369, %add3A_392 : i32
      %lt3A_394 = arith.constant 80 : i32
      %lt3A_395 = arith.cmpi slt, %add3A_393, %lt3A_394 : i32
      %convert_element_type3A_396 = arith.extui %lt3A_395 : i1 to i32
      %cond3A_397 = arith.constant 0 : i32
      %cond3A_398 = arith.cmpi ne, %convert_element_type3A_396, %cond3A_397 : i32
      scf.if %cond3A_398 {
        %ge3A = arith.constant 4 : i32
        %ge3A_432 = arith.cmpi sge, %add3A_369, %ge3A : i32
        %convert_element_type3A_433 = arith.extui %ge3A_432 : i1 to i32
        %cond3A_434 = arith.constant 0 : i32
        %cond3A_435 = arith.cmpi ne, %convert_element_type3A_433, %cond3A_434 : i32
        scf.if %cond3A_435 {
          %sub3A = arith.constant 8 : i32
          %sub3A_447 = arith.subi %add3A_393, %sub3A : i32
          %dma_wait3A_448 = arith.constant 2 : i32
          %dma_wait3A_449 = arith.constant 0 : i32
          %dma_wait3A_450 = arith.constant 0 : i32
          %dma_wait3A_451 = tpu.memref_slice %arg8[%dma_wait3A_448, %dma_wait3A_449, %dma_wait3A_450] : memref<8x128x64xf32, #tpu.memory_space<vmem>> -> memref<1x128x64xf32, #tpu.memory_space<vmem>>
          %dma_wait3A_452 = tpu.memref_squeeze %dma_wait3A_451 : memref<1x128x64xf32, #tpu.memory_space<vmem>> -> memref<128x64xf32, #tpu.memory_space<vmem>>
          %dma_wait3A_453 = arith.constant 0 : i32
          %dma_wait3A_454 = tpu.memref_slice %arg7[%sub3A_447, %dma_wait3A_453] : memref<80x128xi32, #tpu.memory_space<vmem>> -> memref<1x128xi32, #tpu.memory_space<vmem>>
          %dma_wait3A_455 = tpu.memref_squeeze %dma_wait3A_454 : memref<1x128xi32, #tpu.memory_space<vmem>> -> memref<128xi32, #tpu.memory_space<vmem>>
          %dma_wait3A_456 = arith.constant 0 : i32
          %dma_wait3A_457 = arith.constant 0 : i32
          %dma_wait3A_458 = tpu.memref_slice %arg9[%dma_wait3A_456, %dma_wait3A_457] : memref<10240x64xf32, #tpu.memory_space<vmem_shared>> -> memref<10240x64xf32, #tpu.memory_space<vmem_shared>>
          tpu.wait_indirect_dma semaphore(%arg20 : memref<!tpu.dma_semaphore, #tpu.memory_space<semaphore_mem>>) src(%dma_wait3A_452 : memref<128x64xf32, #tpu.memory_space<vmem>>) dst(%dma_wait3A_458 : memref<10240x64xf32, #tpu.memory_space<vmem_shared>>)
        } else {
        }
        %dma_start3A_436 = arith.constant 2 : i32
        %dma_start3A_437 = arith.constant 0 : i32
        %dma_start3A_438 = arith.constant 0 : i32
        %dma_start3A_439 = tpu.memref_slice %arg8[%dma_start3A_436, %dma_start3A_437, %dma_start3A_438] : memref<8x128x64xf32, #tpu.memory_space<vmem>> -> memref<1x128x64xf32, #tpu.memory_space<vmem>>
        %dma_start3A_440 = tpu.memref_squeeze %dma_start3A_439 : memref<1x128x64xf32, #tpu.memory_space<vmem>> -> memref<128x64xf32, #tpu.memory_space<vmem>>
        %dma_start3A_441 = arith.constant 0 : i32
        %dma_start3A_442 = tpu.memref_slice %arg6[%add3A_393, %dma_start3A_441] : memref<80x128xi32, #tpu.memory_space<vmem>> -> memref<1x128xi32, #tpu.memory_space<vmem>>
        %dma_start3A_443 = tpu.memref_squeeze %dma_start3A_442 : memref<1x128xi32, #tpu.memory_space<vmem>> -> memref<128xi32, #tpu.memory_space<vmem>>
        %dma_start3A_444 = arith.constant 0 : i32
        %dma_start3A_445 = arith.constant 0 : i32
        %dma_start3A_446 = tpu.memref_slice %arg4[%dma_start3A_444, %dma_start3A_445] : memref<10000x64xf32, #tpu.memory_space<hbm>> -> memref<10000x64xf32, #tpu.memory_space<hbm>>
        tpu.enqueue_indirect_dma source(%dma_start3A_446 : memref<10000x64xf32, #tpu.memory_space<hbm>>) target(%dma_start3A_440 : memref<128x64xf32, #tpu.memory_space<vmem>>) offsets(%dma_start3A_443 : memref<128xi32, #tpu.memory_space<vmem>>) semaphore(%arg12 : memref<!tpu.dma_semaphore, #tpu.memory_space<semaphore_mem>>)
      } else {
      }
      %mul3A_399 = arith.constant 8 : i32
      %mul3A_400 = arith.muli %add3A_170, %mul3A_399 : i32
      %add3A_401 = arith.constant 7 : i32
      %add3A_402 = arith.addi %mul3A_400, %add3A_401 : i32
      %dma_wait3A_403 = arith.constant 7 : i32
      %dma_wait3A_404 = arith.constant 0 : i32
      %dma_wait3A_405 = arith.constant 0 : i32
      %dma_wait3A_406 = tpu.memref_slice %arg8[%dma_wait3A_403, %dma_wait3A_404, %dma_wait3A_405] : memref<8x128x64xf32, #tpu.memory_space<vmem>> -> memref<1x128x64xf32, #tpu.memory_space<vmem>>
      %dma_wait3A_407 = tpu.memref_squeeze %dma_wait3A_406 : memref<1x128x64xf32, #tpu.memory_space<vmem>> -> memref<128x64xf32, #tpu.memory_space<vmem>>
      %dma_wait3A_408 = arith.constant 0 : i32
      %dma_wait3A_409 = tpu.memref_slice %arg6[%add3A_402, %dma_wait3A_408] : memref<80x128xi32, #tpu.memory_space<vmem>> -> memref<1x128xi32, #tpu.memory_space<vmem>>
      %dma_wait3A_410 = tpu.memref_squeeze %dma_wait3A_409 : memref<1x128xi32, #tpu.memory_space<vmem>> -> memref<128xi32, #tpu.memory_space<vmem>>
      %dma_wait3A_411 = arith.constant 0 : i32
      %dma_wait3A_412 = arith.constant 0 : i32
      %dma_wait3A_413 = tpu.memref_slice %arg4[%dma_wait3A_411, %dma_wait3A_412] : memref<10000x64xf32, #tpu.memory_space<hbm>> -> memref<10000x64xf32, #tpu.memory_space<hbm>>
      tpu.wait_indirect_dma semaphore(%arg17 : memref<!tpu.dma_semaphore, #tpu.memory_space<semaphore_mem>>) src(%dma_wait3A_413 : memref<10000x64xf32, #tpu.memory_space<hbm>>) dst(%dma_wait3A_407 : memref<128x64xf32, #tpu.memory_space<vmem>>)
      %dma_start3A_414 = arith.constant 7 : i32
      %dma_start3A_415 = arith.constant 0 : i32
      %dma_start3A_416 = arith.constant 0 : i32
      %dma_start3A_417 = tpu.memref_slice %arg8[%dma_start3A_414, %dma_start3A_415, %dma_start3A_416] : memref<8x128x64xf32, #tpu.memory_space<vmem>> -> memref<1x128x64xf32, #tpu.memory_space<vmem>>
      %dma_start3A_418 = tpu.memref_squeeze %dma_start3A_417 : memref<1x128x64xf32, #tpu.memory_space<vmem>> -> memref<128x64xf32, #tpu.memory_space<vmem>>
      %dma_start3A_419 = arith.constant 0 : i32
      %dma_start3A_420 = tpu.memref_slice %arg7[%add3A_402, %dma_start3A_419] : memref<80x128xi32, #tpu.memory_space<vmem>> -> memref<1x128xi32, #tpu.memory_space<vmem>>
      %dma_start3A_421 = tpu.memref_squeeze %dma_start3A_420 : memref<1x128xi32, #tpu.memory_space<vmem>> -> memref<128xi32, #tpu.memory_space<vmem>>
      %dma_start3A_422 = arith.constant 0 : i32
      %dma_start3A_423 = arith.constant 0 : i32
      %dma_start3A_424 = tpu.memref_slice %arg9[%dma_start3A_422, %dma_start3A_423] : memref<10240x64xf32, #tpu.memory_space<vmem_shared>> -> memref<10240x64xf32, #tpu.memory_space<vmem_shared>>
      tpu.enqueue_indirect_dma source(%dma_start3A_418 : memref<128x64xf32, #tpu.memory_space<vmem>>) target(%dma_start3A_424 : memref<10240x64xf32, #tpu.memory_space<vmem_shared>>) offsets(%dma_start3A_421 : memref<128xi32, #tpu.memory_space<vmem>>) semaphore(%arg25 : memref<!tpu.dma_semaphore, #tpu.memory_space<semaphore_mem>>) {add = true}
      %add3A_425 = arith.constant 4 : i32
      %add3A_426 = arith.addi %add3A_402, %add3A_425 : i32
      %lt3A_427 = arith.constant 80 : i32
      %lt3A_428 = arith.cmpi slt, %add3A_426, %lt3A_427 : i32
      %convert_element_type3A_429 = arith.extui %lt3A_428 : i1 to i32
      %cond3A_430 = arith.constant 0 : i32
      %cond3A_431 = arith.cmpi ne, %convert_element_type3A_429, %cond3A_430 : i32
      scf.if %cond3A_431 {
        %ge3A = arith.constant 4 : i32
        %ge3A_432 = arith.cmpi sge, %add3A_402, %ge3A : i32
        %convert_element_type3A_433 = arith.extui %ge3A_432 : i1 to i32
        %cond3A_434 = arith.constant 0 : i32
        %cond3A_435 = arith.cmpi ne, %convert_element_type3A_433, %cond3A_434 : i32
        scf.if %cond3A_435 {
          %sub3A = arith.constant 8 : i32
          %sub3A_447 = arith.subi %add3A_426, %sub3A : i32
          %dma_wait3A_448 = arith.constant 3 : i32
          %dma_wait3A_449 = arith.constant 0 : i32
          %dma_wait3A_450 = arith.constant 0 : i32
          %dma_wait3A_451 = tpu.memref_slice %arg8[%dma_wait3A_448, %dma_wait3A_449, %dma_wait3A_450] : memref<8x128x64xf32, #tpu.memory_space<vmem>> -> memref<1x128x64xf32, #tpu.memory_space<vmem>>
          %dma_wait3A_452 = tpu.memref_squeeze %dma_wait3A_451 : memref<1x128x64xf32, #tpu.memory_space<vmem>> -> memref<128x64xf32, #tpu.memory_space<vmem>>
          %dma_wait3A_453 = arith.constant 0 : i32
          %dma_wait3A_454 = tpu.memref_slice %arg7[%sub3A_447, %dma_wait3A_453] : memref<80x128xi32, #tpu.memory_space<vmem>> -> memref<1x128xi32, #tpu.memory_space<vmem>>
          %dma_wait3A_455 = tpu.memref_squeeze %dma_wait3A_454 : memref<1x128xi32, #tpu.memory_space<vmem>> -> memref<128xi32, #tpu.memory_space<vmem>>
          %dma_wait3A_456 = arith.constant 0 : i32
          %dma_wait3A_457 = arith.constant 0 : i32
          %dma_wait3A_458 = tpu.memref_slice %arg9[%dma_wait3A_456, %dma_wait3A_457] : memref<10240x64xf32, #tpu.memory_space<vmem_shared>> -> memref<10240x64xf32, #tpu.memory_space<vmem_shared>>
          tpu.wait_indirect_dma semaphore(%arg21 : memref<!tpu.dma_semaphore, #tpu.memory_space<semaphore_mem>>) src(%dma_wait3A_452 : memref<128x64xf32, #tpu.memory_space<vmem>>) dst(%dma_wait3A_458 : memref<10240x64xf32, #tpu.memory_space<vmem_shared>>)
        } else {
        }
        %dma_start3A_436 = arith.constant 3 : i32
        %dma_start3A_437 = arith.constant 0 : i32
        %dma_start3A_438 = arith.constant 0 : i32
        %dma_start3A_439 = tpu.memref_slice %arg8[%dma_start3A_436, %dma_start3A_437, %dma_start3A_438] : memref<8x128x64xf32, #tpu.memory_space<vmem>> -> memref<1x128x64xf32, #tpu.memory_space<vmem>>
        %dma_start3A_440 = tpu.memref_squeeze %dma_start3A_439 : memref<1x128x64xf32, #tpu.memory_space<vmem>> -> memref<128x64xf32, #tpu.memory_space<vmem>>
        %dma_start3A_441 = arith.constant 0 : i32
        %dma_start3A_442 = tpu.memref_slice %arg6[%add3A_426, %dma_start3A_441] : memref<80x128xi32, #tpu.memory_space<vmem>> -> memref<1x128xi32, #tpu.memory_space<vmem>>
        %dma_start3A_443 = tpu.memref_squeeze %dma_start3A_442 : memref<1x128xi32, #tpu.memory_space<vmem>> -> memref<128xi32, #tpu.memory_space<vmem>>
        %dma_start3A_444 = arith.constant 0 : i32
        %dma_start3A_445 = arith.constant 0 : i32
        %dma_start3A_446 = tpu.memref_slice %arg4[%dma_start3A_444, %dma_start3A_445] : memref<10000x64xf32, #tpu.memory_space<hbm>> -> memref<10000x64xf32, #tpu.memory_space<hbm>>
        tpu.enqueue_indirect_dma source(%dma_start3A_446 : memref<10000x64xf32, #tpu.memory_space<hbm>>) target(%dma_start3A_440 : memref<128x64xf32, #tpu.memory_space<vmem>>) offsets(%dma_start3A_443 : memref<128xi32, #tpu.memory_space<vmem>>) semaphore(%arg13 : memref<!tpu.dma_semaphore, #tpu.memory_space<semaphore_mem>>)
      } else {
      }
    }
    %scan3A_67 = arith.constant 10 : i32
    %dma_wait3A = arith.constant 0 : i32
    %dma_wait3A_68 = arith.constant 72 : i32
    %dma_wait3A_69 = arith.constant 0 : i32
    %dma_wait3A_70 = arith.constant 0 : i32
    %dma_wait3A_71 = tpu.memref_slice %arg8[%dma_wait3A, %dma_wait3A_69, %dma_wait3A_70] : memref<8x128x64xf32, #tpu.memory_space<vmem>> -> memref<1x128x64xf32, #tpu.memory_space<vmem>>
    %dma_wait3A_72 = tpu.memref_squeeze %dma_wait3A_71 : memref<1x128x64xf32, #tpu.memory_space<vmem>> -> memref<128x64xf32, #tpu.memory_space<vmem>>
    %dma_wait3A_73 = arith.constant 0 : i32
    %dma_wait3A_74 = tpu.memref_slice %arg7[%dma_wait3A_68, %dma_wait3A_73] : memref<80x128xi32, #tpu.memory_space<vmem>> -> memref<1x128xi32, #tpu.memory_space<vmem>>
    %dma_wait3A_75 = tpu.memref_squeeze %dma_wait3A_74 : memref<1x128xi32, #tpu.memory_space<vmem>> -> memref<128xi32, #tpu.memory_space<vmem>>
    %dma_wait3A_76 = arith.constant 0 : i32
    %dma_wait3A_77 = arith.constant 0 : i32
    %dma_wait3A_78 = tpu.memref_slice %arg9[%dma_wait3A_76, %dma_wait3A_77] : memref<10240x64xf32, #tpu.memory_space<vmem_shared>> -> memref<10240x64xf32, #tpu.memory_space<vmem_shared>>
    tpu.wait_indirect_dma semaphore(%arg18 : memref<!tpu.dma_semaphore, #tpu.memory_space<semaphore_mem>>) src(%dma_wait3A_72 : memref<128x64xf32, #tpu.memory_space<vmem>>) dst(%dma_wait3A_78 : memref<10240x64xf32, #tpu.memory_space<vmem_shared>>)
    %dma_wait3A_79 = arith.constant 1 : i32
    %dma_wait3A_80 = arith.constant 73 : i32
    %dma_wait3A_81 = arith.constant 0 : i32
    %dma_wait3A_82 = arith.constant 0 : i32
    %dma_wait3A_83 = tpu.memref_slice %arg8[%dma_wait3A_79, %dma_wait3A_81, %dma_wait3A_82] : memref<8x128x64xf32, #tpu.memory_space<vmem>> -> memref<1x128x64xf32, #tpu.memory_space<vmem>>
    %dma_wait3A_84 = tpu.memref_squeeze %dma_wait3A_83 : memref<1x128x64xf32, #tpu.memory_space<vmem>> -> memref<128x64xf32, #tpu.memory_space<vmem>>
    %dma_wait3A_85 = arith.constant 0 : i32
    %dma_wait3A_86 = tpu.memref_slice %arg7[%dma_wait3A_80, %dma_wait3A_85] : memref<80x128xi32, #tpu.memory_space<vmem>> -> memref<1x128xi32, #tpu.memory_space<vmem>>
    %dma_wait3A_87 = tpu.memref_squeeze %dma_wait3A_86 : memref<1x128xi32, #tpu.memory_space<vmem>> -> memref<128xi32, #tpu.memory_space<vmem>>
    %dma_wait3A_88 = arith.constant 0 : i32
    %dma_wait3A_89 = arith.constant 0 : i32
    %dma_wait3A_90 = tpu.memref_slice %arg9[%dma_wait3A_88, %dma_wait3A_89] : memref<10240x64xf32, #tpu.memory_space<vmem_shared>> -> memref<10240x64xf32, #tpu.memory_space<vmem_shared>>
    tpu.wait_indirect_dma semaphore(%arg19 : memref<!tpu.dma_semaphore, #tpu.memory_space<semaphore_mem>>) src(%dma_wait3A_84 : memref<128x64xf32, #tpu.memory_space<vmem>>) dst(%dma_wait3A_90 : memref<10240x64xf32, #tpu.memory_space<vmem_shared>>)
    %dma_wait3A_91 = arith.constant 2 : i32
    %dma_wait3A_92 = arith.constant 74 : i32
    %dma_wait3A_93 = arith.constant 0 : i32
    %dma_wait3A_94 = arith.constant 0 : i32
    %dma_wait3A_95 = tpu.memref_slice %arg8[%dma_wait3A_91, %dma_wait3A_93, %dma_wait3A_94] : memref<8x128x64xf32, #tpu.memory_space<vmem>> -> memref<1x128x64xf32, #tpu.memory_space<vmem>>
    %dma_wait3A_96 = tpu.memref_squeeze %dma_wait3A_95 : memref<1x128x64xf32, #tpu.memory_space<vmem>> -> memref<128x64xf32, #tpu.memory_space<vmem>>
    %dma_wait3A_97 = arith.constant 0 : i32
    %dma_wait3A_98 = tpu.memref_slice %arg7[%dma_wait3A_92, %dma_wait3A_97] : memref<80x128xi32, #tpu.memory_space<vmem>> -> memref<1x128xi32, #tpu.memory_space<vmem>>
    %dma_wait3A_99 = tpu.memref_squeeze %dma_wait3A_98 : memref<1x128xi32, #tpu.memory_space<vmem>> -> memref<128xi32, #tpu.memory_space<vmem>>
    %dma_wait3A_100 = arith.constant 0 : i32
    %dma_wait3A_101 = arith.constant 0 : i32
    %dma_wait3A_102 = tpu.memref_slice %arg9[%dma_wait3A_100, %dma_wait3A_101] : memref<10240x64xf32, #tpu.memory_space<vmem_shared>> -> memref<10240x64xf32, #tpu.memory_space<vmem_shared>>
    tpu.wait_indirect_dma semaphore(%arg20 : memref<!tpu.dma_semaphore, #tpu.memory_space<semaphore_mem>>) src(%dma_wait3A_96 : memref<128x64xf32, #tpu.memory_space<vmem>>) dst(%dma_wait3A_102 : memref<10240x64xf32, #tpu.memory_space<vmem_shared>>)
    %dma_wait3A_103 = arith.constant 3 : i32
    %dma_wait3A_104 = arith.constant 75 : i32
    %dma_wait3A_105 = arith.constant 0 : i32
    %dma_wait3A_106 = arith.constant 0 : i32
    %dma_wait3A_107 = tpu.memref_slice %arg8[%dma_wait3A_103, %dma_wait3A_105, %dma_wait3A_106] : memref<8x128x64xf32, #tpu.memory_space<vmem>> -> memref<1x128x64xf32, #tpu.memory_space<vmem>>
    %dma_wait3A_108 = tpu.memref_squeeze %dma_wait3A_107 : memref<1x128x64xf32, #tpu.memory_space<vmem>> -> memref<128x64xf32, #tpu.memory_space<vmem>>
    %dma_wait3A_109 = arith.constant 0 : i32
    %dma_wait3A_110 = tpu.memref_slice %arg7[%dma_wait3A_104, %dma_wait3A_109] : memref<80x128xi32, #tpu.memory_space<vmem>> -> memref<1x128xi32, #tpu.memory_space<vmem>>
    %dma_wait3A_111 = tpu.memref_squeeze %dma_wait3A_110 : memref<1x128xi32, #tpu.memory_space<vmem>> -> memref<128xi32, #tpu.memory_space<vmem>>
    %dma_wait3A_112 = arith.constant 0 : i32
    %dma_wait3A_113 = arith.constant 0 : i32
    %dma_wait3A_114 = tpu.memref_slice %arg9[%dma_wait3A_112, %dma_wait3A_113] : memref<10240x64xf32, #tpu.memory_space<vmem_shared>> -> memref<10240x64xf32, #tpu.memory_space<vmem_shared>>
    tpu.wait_indirect_dma semaphore(%arg21 : memref<!tpu.dma_semaphore, #tpu.memory_space<semaphore_mem>>) src(%dma_wait3A_108 : memref<128x64xf32, #tpu.memory_space<vmem>>) dst(%dma_wait3A_114 : memref<10240x64xf32, #tpu.memory_space<vmem_shared>>)
    %dma_wait3A_115 = arith.constant 4 : i32
    %dma_wait3A_116 = arith.constant 76 : i32
    %dma_wait3A_117 = arith.constant 0 : i32
    %dma_wait3A_118 = arith.constant 0 : i32
    %dma_wait3A_119 = tpu.memref_slice %arg8[%dma_wait3A_115, %dma_wait3A_117, %dma_wait3A_118] : memref<8x128x64xf32, #tpu.memory_space<vmem>> -> memref<1x128x64xf32, #tpu.memory_space<vmem>>
    %dma_wait3A_120 = tpu.memref_squeeze %dma_wait3A_119 : memref<1x128x64xf32, #tpu.memory_space<vmem>> -> memref<128x64xf32, #tpu.memory_space<vmem>>
    %dma_wait3A_121 = arith.constant 0 : i32
    %dma_wait3A_122 = tpu.memref_slice %arg7[%dma_wait3A_116, %dma_wait3A_121] : memref<80x128xi32, #tpu.memory_space<vmem>> -> memref<1x128xi32, #tpu.memory_space<vmem>>
    %dma_wait3A_123 = tpu.memref_squeeze %dma_wait3A_122 : memref<1x128xi32, #tpu.memory_space<vmem>> -> memref<128xi32, #tpu.memory_space<vmem>>
    %dma_wait3A_124 = arith.constant 0 : i32
    %dma_wait3A_125 = arith.constant 0 : i32
    %dma_wait3A_126 = tpu.memref_slice %arg9[%dma_wait3A_124, %dma_wait3A_125] : memref<10240x64xf32, #tpu.memory_space<vmem_shared>> -> memref<10240x64xf32, #tpu.memory_space<vmem_shared>>
    tpu.wait_indirect_dma semaphore(%arg22 : memref<!tpu.dma_semaphore, #tpu.memory_space<semaphore_mem>>) src(%dma_wait3A_120 : memref<128x64xf32, #tpu.memory_space<vmem>>) dst(%dma_wait3A_126 : memref<10240x64xf32, #tpu.memory_space<vmem_shared>>)
    %dma_wait3A_127 = arith.constant 5 : i32
    %dma_wait3A_128 = arith.constant 77 : i32
    %dma_wait3A_129 = arith.constant 0 : i32
    %dma_wait3A_130 = arith.constant 0 : i32
    %dma_wait3A_131 = tpu.memref_slice %arg8[%dma_wait3A_127, %dma_wait3A_129, %dma_wait3A_130] : memref<8x128x64xf32, #tpu.memory_space<vmem>> -> memref<1x128x64xf32, #tpu.memory_space<vmem>>
    %dma_wait3A_132 = tpu.memref_squeeze %dma_wait3A_131 : memref<1x128x64xf32, #tpu.memory_space<vmem>> -> memref<128x64xf32, #tpu.memory_space<vmem>>
    %dma_wait3A_133 = arith.constant 0 : i32
    %dma_wait3A_134 = tpu.memref_slice %arg7[%dma_wait3A_128, %dma_wait3A_133] : memref<80x128xi32, #tpu.memory_space<vmem>> -> memref<1x128xi32, #tpu.memory_space<vmem>>
    %dma_wait3A_135 = tpu.memref_squeeze %dma_wait3A_134 : memref<1x128xi32, #tpu.memory_space<vmem>> -> memref<128xi32, #tpu.memory_space<vmem>>
    %dma_wait3A_136 = arith.constant 0 : i32
    %dma_wait3A_137 = arith.constant 0 : i32
    %dma_wait3A_138 = tpu.memref_slice %arg9[%dma_wait3A_136, %dma_wait3A_137] : memref<10240x64xf32, #tpu.memory_space<vmem_shared>> -> memref<10240x64xf32, #tpu.memory_space<vmem_shared>>
    tpu.wait_indirect_dma semaphore(%arg23 : memref<!tpu.dma_semaphore, #tpu.memory_space<semaphore_mem>>) src(%dma_wait3A_132 : memref<128x64xf32, #tpu.memory_space<vmem>>) dst(%dma_wait3A_138 : memref<10240x64xf32, #tpu.memory_space<vmem_shared>>)
    %dma_wait3A_139 = arith.constant 6 : i32
    %dma_wait3A_140 = arith.constant 78 : i32
    %dma_wait3A_141 = arith.constant 0 : i32
    %dma_wait3A_142 = arith.constant 0 : i32
    %dma_wait3A_143 = tpu.memref_slice %arg8[%dma_wait3A_139, %dma_wait3A_141, %dma_wait3A_142] : memref<8x128x64xf32, #tpu.memory_space<vmem>> -> memref<1x128x64xf32, #tpu.memory_space<vmem>>
    %dma_wait3A_144 = tpu.memref_squeeze %dma_wait3A_143 : memref<1x128x64xf32, #tpu.memory_space<vmem>> -> memref<128x64xf32, #tpu.memory_space<vmem>>
    %dma_wait3A_145 = arith.constant 0 : i32
    %dma_wait3A_146 = tpu.memref_slice %arg7[%dma_wait3A_140, %dma_wait3A_145] : memref<80x128xi32, #tpu.memory_space<vmem>> -> memref<1x128xi32, #tpu.memory_space<vmem>>
    %dma_wait3A_147 = tpu.memref_squeeze %dma_wait3A_146 : memref<1x128xi32, #tpu.memory_space<vmem>> -> memref<128xi32, #tpu.memory_space<vmem>>
    %dma_wait3A_148 = arith.constant 0 : i32
    %dma_wait3A_149 = arith.constant 0 : i32
    %dma_wait3A_150 = tpu.memref_slice %arg9[%dma_wait3A_148, %dma_wait3A_149] : memref<10240x64xf32, #tpu.memory_space<vmem_shared>> -> memref<10240x64xf32, #tpu.memory_space<vmem_shared>>
    tpu.wait_indirect_dma semaphore(%arg24 : memref<!tpu.dma_semaphore, #tpu.memory_space<semaphore_mem>>) src(%dma_wait3A_144 : memref<128x64xf32, #tpu.memory_space<vmem>>) dst(%dma_wait3A_150 : memref<10240x64xf32, #tpu.memory_space<vmem_shared>>)
    %dma_wait3A_151 = arith.constant 7 : i32
    %dma_wait3A_152 = arith.constant 79 : i32
    %dma_wait3A_153 = arith.constant 0 : i32
    %dma_wait3A_154 = arith.constant 0 : i32
    %dma_wait3A_155 = tpu.memref_slice %arg8[%dma_wait3A_151, %dma_wait3A_153, %dma_wait3A_154] : memref<8x128x64xf32, #tpu.memory_space<vmem>> -> memref<1x128x64xf32, #tpu.memory_space<vmem>>
    %dma_wait3A_156 = tpu.memref_squeeze %dma_wait3A_155 : memref<1x128x64xf32, #tpu.memory_space<vmem>> -> memref<128x64xf32, #tpu.memory_space<vmem>>
    %dma_wait3A_157 = arith.constant 0 : i32
    %dma_wait3A_158 = tpu.memref_slice %arg7[%dma_wait3A_152, %dma_wait3A_157] : memref<80x128xi32, #tpu.memory_space<vmem>> -> memref<1x128xi32, #tpu.memory_space<vmem>>
    %dma_wait3A_159 = tpu.memref_squeeze %dma_wait3A_158 : memref<1x128xi32, #tpu.memory_space<vmem>> -> memref<128xi32, #tpu.memory_space<vmem>>
    %dma_wait3A_160 = arith.constant 0 : i32
    %dma_wait3A_161 = arith.constant 0 : i32
    %dma_wait3A_162 = tpu.memref_slice %arg9[%dma_wait3A_160, %dma_wait3A_161] : memref<10240x64xf32, #tpu.memory_space<vmem_shared>> -> memref<10240x64xf32, #tpu.memory_space<vmem_shared>>
    tpu.wait_indirect_dma semaphore(%arg25 : memref<!tpu.dma_semaphore, #tpu.memory_space<semaphore_mem>>) src(%dma_wait3A_156 : memref<128x64xf32, #tpu.memory_space<vmem>>) dst(%dma_wait3A_162 : memref<10240x64xf32, #tpu.memory_space<vmem_shared>>)
    %barrier3A_163 = arith.constant 0 : index
    tpu.barrier barrier_id(%barrier3A_163)
    %mul3A_164 = arith.constant 640 : i32
    %mul3A_165 = arith.muli %arg1, %mul3A_164 : i32
    "tpu.region"() ({
      %run_scoped3A = tpu.sem_alloc : memref<!tpu.dma_semaphore, #tpu.memory_space<semaphore_mem>>
      %dma_start3A_166 = arith.constant 0 : i32
      %dma_start3A_167 = tpu.memref_slice %arg5[%arg0, %mul3A_165, %dma_start3A_166] : memref<2x10240x64xf32, #tpu.memory_space<hbm>> -> memref<1x640x64xf32, #tpu.memory_space<hbm>>
      %dma_start3A_168 = tpu.memref_squeeze %dma_start3A_167 : memref<1x640x64xf32, #tpu.memory_space<hbm>> -> memref<640x64xf32, #tpu.memory_space<hbm>>
      %dma_start3A_169 = arith.constant 0 : i32
      %dma_start3A_170 = tpu.memref_slice %arg9[%mul3A_165, %dma_start3A_169] : memref<10240x64xf32, #tpu.memory_space<vmem_shared>> -> memref<640x64xf32, #tpu.memory_space<vmem_shared>>
      tpu.enqueue_dma source(%dma_start3A_170 : memref<640x64xf32, #tpu.memory_space<vmem_shared>>) target(%dma_start3A_168 : memref<640x64xf32, #tpu.memory_space<hbm>>) target_semaphore(%run_scoped3A : memref<!tpu.dma_semaphore, #tpu.memory_space<semaphore_mem>>)
      %dma_wait3A_171 = arith.constant 0 : i32
      %dma_wait3A_172 = tpu.memref_slice %arg5[%arg0, %mul3A_165, %dma_wait3A_171] : memref<2x10240x64xf32, #tpu.memory_space<hbm>> -> memref<1x640x64xf32, #tpu.memory_space<hbm>>
      %dma_wait3A_173 = tpu.memref_squeeze %dma_wait3A_172 : memref<1x640x64xf32, #tpu.memory_space<hbm>> -> memref<640x64xf32, #tpu.memory_space<hbm>>
      %dma_wait3A_174 = arith.constant 0 : i32
      %dma_wait3A_175 = tpu.memref_slice %arg9[%mul3A_165, %dma_wait3A_174] : memref<10240x64xf32, #tpu.memory_space<vmem_shared>> -> memref<640x64xf32, #tpu.memory_space<vmem_shared>>
      tpu.wait_dma2 semaphore(%run_scoped3A : memref<!tpu.dma_semaphore, #tpu.memory_space<semaphore_mem>>) src(%dma_wait3A_175 : memref<640x64xf32, #tpu.memory_space<vmem_shared>>) dst(%dma_wait3A_173 : memref<640x64xf32, #tpu.memory_space<hbm>>)
      tpu.yield
    }) : () -> ()
    return
  }
}

module attributes {stable_mosaic.version = 14 : i64} {
  func.func @_proj1_body(%arg0: memref<10000x128xf32, #tpu.memory_space<vmem>>, %arg1: memref<128x16xf32, #tpu.memory_space<vmem>>, %arg2: memref<2x10240x1xf32, #tpu.memory_space<vmem>>, %arg3: memref<10000x16xf32, #tpu.memory_space<vmem>>) attributes {dimension_semantics = [], scalar_prefetch = 0 : i64, scratch_operands = 0 : i64, tpu.core_type = #tpu.core_type<tc>} {
    %get3A = arith.constant 0 : index
    %get3A_0 = arith.constant 0 : index
    %get3A_1 = arith.constant 0 : index
    %get3A_2 = vector.load %arg2[%get3A, %get3A_0, %get3A_1] : memref<2x10240x1xf32, #tpu.memory_space<vmem>>, vector<1x10000x1xf32>
    %get3A_3 = vector.shape_cast %get3A_2 : vector<1x10000x1xf32> to vector<10000x1xf32>
    %get3A_4 = arith.constant 1 : index
    %get3A_5 = arith.constant 0 : index
    %get3A_6 = arith.constant 0 : index
    %get3A_7 = vector.load %arg2[%get3A_4, %get3A_5, %get3A_6] : memref<2x10240x1xf32, #tpu.memory_space<vmem>>, vector<1x10000x1xf32>
    %get3A_8 = vector.shape_cast %get3A_7 : vector<1x10000x1xf32> to vector<10000x1xf32>
    %add3A = arith.addf %get3A_3, %get3A_8 : vector<10000x1xf32>
    %add3A_9 = arith.constant 1.000000e+00 : f32
    %add3A_10 = vector.broadcast %add3A_9 : f32 to vector<10000x1xf32>
    %add3A_11 = arith.addf %add3A, %add3A_10 : vector<10000x1xf32>
    %rsqrt3A = math.rsqrt %add3A_11 : vector<10000x1xf32>
    %get3A_12 = arith.constant 0 : index
    %get3A_13 = arith.constant 0 : index
    %get3A_14 = vector.load %arg0[%get3A_12, %get3A_13] : memref<10000x128xf32, #tpu.memory_space<vmem>>, vector<10000x128xf32>
    %get3A_15 = arith.constant 0 : index
    %get3A_16 = arith.constant 0 : index
    %get3A_17 = vector.load %arg1[%get3A_15, %get3A_16] : memref<128x16xf32, #tpu.memory_space<vmem>>, vector<128x16xf32>
    %dot_general3A = arith.constant dense<0.000000e+00> : vector<10000x16xf32>
    %dot_general3A_18 = tpu.matmul %get3A_14, %get3A_17, %dot_general3A {dimension_numbers = #tpu.dot_dimension_numbers<[1], [0], [0], [1], [0, 0, 1, 1], [], []>, transpose_lhs_hint = false} : vector<10000x128xf32>, vector<128x16xf32>, vector<10000x16xf32> -> vector<10000x16xf32>
    %mul3A = vector.broadcast %rsqrt3A : vector<10000x1xf32> to vector<10000x16xf32>
    %mul3A_19 = arith.mulf %dot_general3A_18, %mul3A : vector<10000x16xf32>
    %swap3A = arith.constant 0 : index
    %swap3A_20 = arith.constant 0 : index
    %swap3A_21 = vector.load %arg3[%swap3A, %swap3A_20] : memref<10000x16xf32, #tpu.memory_space<vmem>>, vector<10000x16xf32>
    tpu.vector_store %arg3[%swap3A, %swap3A_20], %mul3A_19 {strides = array<i32>} : memref<10000x16xf32, #tpu.memory_space<vmem>>, vector<10000x16xf32>,
    return
  }
}

module attributes {stable_mosaic.version = 14 : i64} {
  func.func @_mid_body(%arg0: memref<2x10240x16xf32, #tpu.memory_space<vmem>>, %arg1: memref<10000x16xf32, #tpu.memory_space<vmem>>, %arg2: memref<2x10240x1xf32, #tpu.memory_space<vmem>>, %arg3: memref<1x16xf32, #tpu.memory_space<vmem>>, %arg4: memref<1x16xf32, #tpu.memory_space<vmem>>, %arg5: memref<1x16xf32, #tpu.memory_space<vmem>>, %arg6: memref<16x64xf32, #tpu.memory_space<vmem>>, %arg7: memref<10000x64xf32, #tpu.memory_space<vmem>>) attributes {dimension_semantics = [], scalar_prefetch = 0 : i64, scratch_operands = 0 : i64, tpu.core_type = #tpu.core_type<tc>} {
    %get3A = arith.constant 0 : index
    %get3A_0 = arith.constant 0 : index
    %get3A_1 = arith.constant 0 : index
    %get3A_2 = vector.load %arg2[%get3A, %get3A_0, %get3A_1] : memref<2x10240x1xf32, #tpu.memory_space<vmem>>, vector<1x10000x1xf32>
    %get3A_3 = vector.shape_cast %get3A_2 : vector<1x10000x1xf32> to vector<10000x1xf32>
    %get3A_4 = arith.constant 1 : index
    %get3A_5 = arith.constant 0 : index
    %get3A_6 = arith.constant 0 : index
    %get3A_7 = vector.load %arg2[%get3A_4, %get3A_5, %get3A_6] : memref<2x10240x1xf32, #tpu.memory_space<vmem>>, vector<1x10000x1xf32>
    %get3A_8 = vector.shape_cast %get3A_7 : vector<1x10000x1xf32> to vector<10000x1xf32>
    %add3A = arith.addf %get3A_3, %get3A_8 : vector<10000x1xf32>
    %add3A_9 = arith.constant 1.000000e+00 : f32
    %add3A_10 = vector.broadcast %add3A_9 : f32 to vector<10000x1xf32>
    %add3A_11 = arith.addf %add3A, %add3A_10 : vector<10000x1xf32>
    %rsqrt3A = math.rsqrt %add3A_11 : vector<10000x1xf32>
    %get3A_12 = arith.constant 0 : index
    %get3A_13 = arith.constant 0 : index
    %get3A_14 = arith.constant 0 : index
    %get3A_15 = vector.load %arg0[%get3A_12, %get3A_13, %get3A_14] : memref<2x10240x16xf32, #tpu.memory_space<vmem>>, vector<1x10000x16xf32>
    %get3A_16 = vector.shape_cast %get3A_15 : vector<1x10000x16xf32> to vector<10000x16xf32>
    %get3A_17 = arith.constant 1 : index
    %get3A_18 = arith.constant 0 : index
    %get3A_19 = arith.constant 0 : index
    %get3A_20 = vector.load %arg0[%get3A_17, %get3A_18, %get3A_19] : memref<2x10240x16xf32, #tpu.memory_space<vmem>>, vector<1x10000x16xf32>
    %get3A_21 = vector.shape_cast %get3A_20 : vector<1x10000x16xf32> to vector<10000x16xf32>
    %add3A_22 = arith.addf %get3A_16, %get3A_21 : vector<10000x16xf32>
    %get3A_23 = arith.constant 0 : index
    %get3A_24 = arith.constant 0 : index
    %get3A_25 = vector.load %arg1[%get3A_23, %get3A_24] : memref<10000x16xf32, #tpu.memory_space<vmem>>, vector<10000x16xf32>
    %add3A_26 = arith.addf %add3A_22, %get3A_25 : vector<10000x16xf32>
    %mul3A = vector.broadcast %rsqrt3A : vector<10000x1xf32> to vector<10000x16xf32>
    %mul3A_27 = arith.mulf %add3A_26, %mul3A : vector<10000x16xf32>
    %get3A_28 = arith.constant 0 : index
    %get3A_29 = arith.constant 0 : index
    %get3A_30 = vector.load %arg3[%get3A_28, %get3A_29] : memref<1x16xf32, #tpu.memory_space<vmem>>, vector<1x16xf32>
    %add3A_31 = vector.broadcast %get3A_30 : vector<1x16xf32> to vector<10000x16xf32>
    %add3A_32 = arith.addf %mul3A_27, %add3A_31 : vector<10000x16xf32>
    %tanh3A = math.tanh %add3A_32 : vector<10000x16xf32>
    %reduce_sum3A = arith.constant dense<0.000000e+00> : vector<16xf32>
    %reduce_sum3A_33 = vector.multi_reduction <add>, %tanh3A, %reduce_sum3A [0] : vector<10000x16xf32> to vector<16xf32>
    %broadcast_in_dim3A = vector.shape_cast %reduce_sum3A_33 : vector<16xf32> to vector<1x16xf32>
    %div3A = arith.constant 1.000000e+04 : f32
    %div3A_34 = vector.broadcast %div3A : f32 to vector<1x16xf32>
    %div3A_35 = arith.divf %broadcast_in_dim3A, %div3A_34 : vector<1x16xf32>
    %sub3A = vector.broadcast %div3A_35 : vector<1x16xf32> to vector<10000x16xf32>
    %sub3A_36 = arith.subf %tanh3A, %sub3A : vector<10000x16xf32>
    %sub3A_37 = vector.broadcast %div3A_35 : vector<1x16xf32> to vector<10000x16xf32>
    %sub3A_38 = arith.subf %tanh3A, %sub3A_37 : vector<10000x16xf32>
    %mul3A_39 = arith.mulf %sub3A_36, %sub3A_38 : vector<10000x16xf32>
    %reduce_sum3A_40 = arith.constant dense<0.000000e+00> : vector<16xf32>
    %reduce_sum3A_41 = vector.multi_reduction <add>, %mul3A_39, %reduce_sum3A_40 [0] : vector<10000x16xf32> to vector<16xf32>
    %broadcast_in_dim3A_42 = vector.shape_cast %reduce_sum3A_41 : vector<16xf32> to vector<1x16xf32>
    %div3A_43 = arith.constant 1.000000e+04 : f32
    %div3A_44 = vector.broadcast %div3A_43 : f32 to vector<1x16xf32>
    %div3A_45 = arith.divf %broadcast_in_dim3A_42, %div3A_44 : vector<1x16xf32>
    %get3A_46 = arith.constant 0 : index
    %get3A_47 = arith.constant 0 : index
    %get3A_48 = vector.load %arg4[%get3A_46, %get3A_47] : memref<1x16xf32, #tpu.memory_space<vmem>>, vector<1x16xf32>
    %sub3A_49 = vector.broadcast %div3A_35 : vector<1x16xf32> to vector<10000x16xf32>
    %sub3A_50 = arith.subf %tanh3A, %sub3A_49 : vector<10000x16xf32>
    %mul3A_51 = vector.broadcast %get3A_48 : vector<1x16xf32> to vector<10000x16xf32>
    %mul3A_52 = arith.mulf %mul3A_51, %sub3A_50 : vector<10000x16xf32>
    %add3A_53 = arith.constant 9.99999974E-6 : f32
    %add3A_54 = vector.broadcast %add3A_53 : f32 to vector<1x16xf32>
    %add3A_55 = arith.addf %div3A_45, %add3A_54 : vector<1x16xf32>
    %rsqrt3A_56 = math.rsqrt %add3A_55 : vector<1x16xf32>
    %mul3A_57 = vector.broadcast %rsqrt3A_56 : vector<1x16xf32> to vector<10000x16xf32>
    %mul3A_58 = arith.mulf %mul3A_52, %mul3A_57 : vector<10000x16xf32>
    %get3A_59 = arith.constant 0 : index
    %get3A_60 = arith.constant 0 : index
    %get3A_61 = vector.load %arg5[%get3A_59, %get3A_60] : memref<1x16xf32, #tpu.memory_space<vmem>>, vector<1x16xf32>
    %add3A_62 = vector.broadcast %get3A_61 : vector<1x16xf32> to vector<10000x16xf32>
    %add3A_63 = arith.addf %mul3A_58, %add3A_62 : vector<10000x16xf32>
    %get3A_64 = arith.constant 0 : index
    %get3A_65 = arith.constant 0 : index
    %get3A_66 = vector.load %arg6[%get3A_64, %get3A_65] : memref<16x64xf32, #tpu.memory_space<vmem>>, vector<16x64xf32>
    %dot_general3A = arith.constant dense<0.000000e+00> : vector<10000x64xf32>
    %dot_general3A_67 = tpu.matmul %add3A_63, %get3A_66, %dot_general3A {dimension_numbers = #tpu.dot_dimension_numbers<[1], [0], [0], [1], [0, 0, 1, 1], [], []>, transpose_lhs_hint = false} : vector<10000x16xf32>, vector<16x64xf32>, vector<10000x64xf32> -> vector<10000x64xf32>
    %mul3A_68 = vector.broadcast %rsqrt3A : vector<10000x1xf32> to vector<10000x64xf32>
    %mul3A_69 = arith.mulf %dot_general3A_67, %mul3A_68 : vector<10000x64xf32>
    %swap3A = arith.constant 0 : index
    %swap3A_70 = arith.constant 0 : index
    %swap3A_71 = vector.load %arg7[%swap3A, %swap3A_70] : memref<10000x64xf32, #tpu.memory_space<vmem>>, vector<10000x64xf32>
    tpu.vector_store %arg7[%swap3A, %swap3A_70], %mul3A_69 {strides = array<i32>} : memref<10000x64xf32, #tpu.memory_space<vmem>>, vector<10000x64xf32>,
    return
  }
}

module attributes {stable_mosaic.version = 14 : i64} {
  func.func @_mid_body(%arg0: memref<2x10240x64xf32, #tpu.memory_space<vmem>>, %arg1: memref<10000x64xf32, #tpu.memory_space<vmem>>, %arg2: memref<2x10240x1xf32, #tpu.memory_space<vmem>>, %arg3: memref<1x64xf32, #tpu.memory_space<vmem>>, %arg4: memref<1x64xf32, #tpu.memory_space<vmem>>, %arg5: memref<1x64xf32, #tpu.memory_space<vmem>>, %arg6: memref<64x64xf32, #tpu.memory_space<vmem>>, %arg7: memref<10000x64xf32, #tpu.memory_space<vmem>>) attributes {dimension_semantics = [], scalar_prefetch = 0 : i64, scratch_operands = 0 : i64, tpu.core_type = #tpu.core_type<tc>} {
    %get3A = arith.constant 0 : index
    %get3A_0 = arith.constant 0 : index
    %get3A_1 = arith.constant 0 : index
    %get3A_2 = vector.load %arg2[%get3A, %get3A_0, %get3A_1] : memref<2x10240x1xf32, #tpu.memory_space<vmem>>, vector<1x10000x1xf32>
    %get3A_3 = vector.shape_cast %get3A_2 : vector<1x10000x1xf32> to vector<10000x1xf32>
    %get3A_4 = arith.constant 1 : index
    %get3A_5 = arith.constant 0 : index
    %get3A_6 = arith.constant 0 : index
    %get3A_7 = vector.load %arg2[%get3A_4, %get3A_5, %get3A_6] : memref<2x10240x1xf32, #tpu.memory_space<vmem>>, vector<1x10000x1xf32>
    %get3A_8 = vector.shape_cast %get3A_7 : vector<1x10000x1xf32> to vector<10000x1xf32>
    %add3A = arith.addf %get3A_3, %get3A_8 : vector<10000x1xf32>
    %add3A_9 = arith.constant 1.000000e+00 : f32
    %add3A_10 = vector.broadcast %add3A_9 : f32 to vector<10000x1xf32>
    %add3A_11 = arith.addf %add3A, %add3A_10 : vector<10000x1xf32>
    %rsqrt3A = math.rsqrt %add3A_11 : vector<10000x1xf32>
    %get3A_12 = arith.constant 0 : index
    %get3A_13 = arith.constant 0 : index
    %get3A_14 = arith.constant 0 : index
    %get3A_15 = vector.load %arg0[%get3A_12, %get3A_13, %get3A_14] : memref<2x10240x64xf32, #tpu.memory_space<vmem>>, vector<1x10000x64xf32>
    %get3A_16 = vector.shape_cast %get3A_15 : vector<1x10000x64xf32> to vector<10000x64xf32>
    %get3A_17 = arith.constant 1 : index
    %get3A_18 = arith.constant 0 : index
    %get3A_19 = arith.constant 0 : index
    %get3A_20 = vector.load %arg0[%get3A_17, %get3A_18, %get3A_19] : memref<2x10240x64xf32, #tpu.memory_space<vmem>>, vector<1x10000x64xf32>
    %get3A_21 = vector.shape_cast %get3A_20 : vector<1x10000x64xf32> to vector<10000x64xf32>
    %add3A_22 = arith.addf %get3A_16, %get3A_21 : vector<10000x64xf32>
    %get3A_23 = arith.constant 0 : index
    %get3A_24 = arith.constant 0 : index
    %get3A_25 = vector.load %arg1[%get3A_23, %get3A_24] : memref<10000x64xf32, #tpu.memory_space<vmem>>, vector<10000x64xf32>
    %add3A_26 = arith.addf %add3A_22, %get3A_25 : vector<10000x64xf32>
    %mul3A = vector.broadcast %rsqrt3A : vector<10000x1xf32> to vector<10000x64xf32>
    %mul3A_27 = arith.mulf %add3A_26, %mul3A : vector<10000x64xf32>
    %get3A_28 = arith.constant 0 : index
    %get3A_29 = arith.constant 0 : index
    %get3A_30 = vector.load %arg3[%get3A_28, %get3A_29] : memref<1x64xf32, #tpu.memory_space<vmem>>, vector<1x64xf32>
    %add3A_31 = vector.broadcast %get3A_30 : vector<1x64xf32> to vector<10000x64xf32>
    %add3A_32 = arith.addf %mul3A_27, %add3A_31 : vector<10000x64xf32>
    %tanh3A = math.tanh %add3A_32 : vector<10000x64xf32>
    %reduce_sum3A = arith.constant dense<0.000000e+00> : vector<64xf32>
    %reduce_sum3A_33 = vector.multi_reduction <add>, %tanh3A, %reduce_sum3A [0] : vector<10000x64xf32> to vector<64xf32>
    %broadcast_in_dim3A = vector.shape_cast %reduce_sum3A_33 : vector<64xf32> to vector<1x64xf32>
    %div3A = arith.constant 1.000000e+04 : f32
    %div3A_34 = vector.broadcast %div3A : f32 to vector<1x64xf32>
    %div3A_35 = arith.divf %broadcast_in_dim3A, %div3A_34 : vector<1x64xf32>
    %sub3A = vector.broadcast %div3A_35 : vector<1x64xf32> to vector<10000x64xf32>
    %sub3A_36 = arith.subf %tanh3A, %sub3A : vector<10000x64xf32>
    %sub3A_37 = vector.broadcast %div3A_35 : vector<1x64xf32> to vector<10000x64xf32>
    %sub3A_38 = arith.subf %tanh3A, %sub3A_37 : vector<10000x64xf32>
    %mul3A_39 = arith.mulf %sub3A_36, %sub3A_38 : vector<10000x64xf32>
    %reduce_sum3A_40 = arith.constant dense<0.000000e+00> : vector<64xf32>
    %reduce_sum3A_41 = vector.multi_reduction <add>, %mul3A_39, %reduce_sum3A_40 [0] : vector<10000x64xf32> to vector<64xf32>
    %broadcast_in_dim3A_42 = vector.shape_cast %reduce_sum3A_41 : vector<64xf32> to vector<1x64xf32>
    %div3A_43 = arith.constant 1.000000e+04 : f32
    %div3A_44 = vector.broadcast %div3A_43 : f32 to vector<1x64xf32>
    %div3A_45 = arith.divf %broadcast_in_dim3A_42, %div3A_44 : vector<1x64xf32>
    %get3A_46 = arith.constant 0 : index
    %get3A_47 = arith.constant 0 : index
    %get3A_48 = vector.load %arg4[%get3A_46, %get3A_47] : memref<1x64xf32, #tpu.memory_space<vmem>>, vector<1x64xf32>
    %sub3A_49 = vector.broadcast %div3A_35 : vector<1x64xf32> to vector<10000x64xf32>
    %sub3A_50 = arith.subf %tanh3A, %sub3A_49 : vector<10000x64xf32>
    %mul3A_51 = vector.broadcast %get3A_48 : vector<1x64xf32> to vector<10000x64xf32>
    %mul3A_52 = arith.mulf %mul3A_51, %sub3A_50 : vector<10000x64xf32>
    %add3A_53 = arith.constant 9.99999974E-6 : f32
    %add3A_54 = vector.broadcast %add3A_53 : f32 to vector<1x64xf32>
    %add3A_55 = arith.addf %div3A_45, %add3A_54 : vector<1x64xf32>
    %rsqrt3A_56 = math.rsqrt %add3A_55 : vector<1x64xf32>
    %mul3A_57 = vector.broadcast %rsqrt3A_56 : vector<1x64xf32> to vector<10000x64xf32>
    %mul3A_58 = arith.mulf %mul3A_52, %mul3A_57 : vector<10000x64xf32>
    %get3A_59 = arith.constant 0 : index
    %get3A_60 = arith.constant 0 : index
    %get3A_61 = vector.load %arg5[%get3A_59, %get3A_60] : memref<1x64xf32, #tpu.memory_space<vmem>>, vector<1x64xf32>
    %add3A_62 = vector.broadcast %get3A_61 : vector<1x64xf32> to vector<10000x64xf32>
    %add3A_63 = arith.addf %mul3A_58, %add3A_62 : vector<10000x64xf32>
    %get3A_64 = arith.constant 0 : index
    %get3A_65 = arith.constant 0 : index
    %get3A_66 = vector.load %arg6[%get3A_64, %get3A_65] : memref<64x64xf32, #tpu.memory_space<vmem>>, vector<64x64xf32>
    %dot_general3A = arith.constant dense<0.000000e+00> : vector<10000x64xf32>
    %dot_general3A_67 = tpu.matmul %add3A_63, %get3A_66, %dot_general3A {dimension_numbers = #tpu.dot_dimension_numbers<[1], [0], [0], [1], [0, 0, 1, 1], [], []>, transpose_lhs_hint = false} : vector<10000x64xf32>, vector<64x64xf32>, vector<10000x64xf32> -> vector<10000x64xf32>
    %mul3A_68 = vector.broadcast %rsqrt3A : vector<10000x1xf32> to vector<10000x64xf32>
    %mul3A_69 = arith.mulf %dot_general3A_67, %mul3A_68 : vector<10000x64xf32>
    %swap3A = arith.constant 0 : index
    %swap3A_70 = arith.constant 0 : index
    %swap3A_71 = vector.load %arg7[%swap3A, %swap3A_70] : memref<10000x64xf32, #tpu.memory_space<vmem>>, vector<10000x64xf32>
    tpu.vector_store %arg7[%swap3A, %swap3A_70], %mul3A_69 {strides = array<i32>} : memref<10000x64xf32, #tpu.memory_space<vmem>>, vector<10000x64xf32>,
    return
  }
}

module attributes {stable_mosaic.version = 14 : i64} {
  func.func @_final_body(%arg0: memref<2x10240x64xf32, #tpu.memory_space<vmem>>, %arg1: memref<10000x64xf32, #tpu.memory_space<vmem>>, %arg2: memref<2x10240x1xf32, #tpu.memory_space<vmem>>, %arg3: memref<1x64xf32, #tpu.memory_space<vmem>>, %arg4: memref<1x10000xi32, #tpu.memory_space<vmem>>, %arg5: memref<64x1xf32, #tpu.memory_space<vmem>>, %arg6: memref<1x1xf32, #tpu.memory_space<vmem>>, %arg7: memref<64x1xf32, #tpu.memory_space<vmem>>) attributes {dimension_semantics = [], scalar_prefetch = 0 : i64, scratch_operands = 0 : i64, tpu.core_type = #tpu.core_type<tc>} {
    %get3A = arith.constant 0 : index
    %get3A_0 = arith.constant 0 : index
    %get3A_1 = arith.constant 0 : index
    %get3A_2 = vector.load %arg2[%get3A, %get3A_0, %get3A_1] : memref<2x10240x1xf32, #tpu.memory_space<vmem>>, vector<1x10000x1xf32>
    %get3A_3 = vector.shape_cast %get3A_2 : vector<1x10000x1xf32> to vector<10000x1xf32>
    %get3A_4 = arith.constant 1 : index
    %get3A_5 = arith.constant 0 : index
    %get3A_6 = arith.constant 0 : index
    %get3A_7 = vector.load %arg2[%get3A_4, %get3A_5, %get3A_6] : memref<2x10240x1xf32, #tpu.memory_space<vmem>>, vector<1x10000x1xf32>
    %get3A_8 = vector.shape_cast %get3A_7 : vector<1x10000x1xf32> to vector<10000x1xf32>
    %add3A = arith.addf %get3A_3, %get3A_8 : vector<10000x1xf32>
    %add3A_9 = arith.constant 1.000000e+00 : f32
    %add3A_10 = vector.broadcast %add3A_9 : f32 to vector<10000x1xf32>
    %add3A_11 = arith.addf %add3A, %add3A_10 : vector<10000x1xf32>
    %rsqrt3A = math.rsqrt %add3A_11 : vector<10000x1xf32>
    %get3A_12 = arith.constant 0 : index
    %get3A_13 = arith.constant 0 : index
    %get3A_14 = arith.constant 0 : index
    %get3A_15 = vector.load %arg0[%get3A_12, %get3A_13, %get3A_14] : memref<2x10240x64xf32, #tpu.memory_space<vmem>>, vector<1x10000x64xf32>
    %get3A_16 = vector.shape_cast %get3A_15 : vector<1x10000x64xf32> to vector<10000x64xf32>
    %get3A_17 = arith.constant 1 : index
    %get3A_18 = arith.constant 0 : index
    %get3A_19 = arith.constant 0 : index
    %get3A_20 = vector.load %arg0[%get3A_17, %get3A_18, %get3A_19] : memref<2x10240x64xf32, #tpu.memory_space<vmem>>, vector<1x10000x64xf32>
    %get3A_21 = vector.shape_cast %get3A_20 : vector<1x10000x64xf32> to vector<10000x64xf32>
    %add3A_22 = arith.addf %get3A_16, %get3A_21 : vector<10000x64xf32>
    %get3A_23 = arith.constant 0 : index
    %get3A_24 = arith.constant 0 : index
    %get3A_25 = vector.load %arg1[%get3A_23, %get3A_24] : memref<10000x64xf32, #tpu.memory_space<vmem>>, vector<10000x64xf32>
    %add3A_26 = arith.addf %add3A_22, %get3A_25 : vector<10000x64xf32>
    %mul3A = vector.broadcast %rsqrt3A : vector<10000x1xf32> to vector<10000x64xf32>
    %mul3A_27 = arith.mulf %add3A_26, %mul3A : vector<10000x64xf32>
    %get3A_28 = arith.constant 0 : index
    %get3A_29 = arith.constant 0 : index
    %get3A_30 = vector.load %arg3[%get3A_28, %get3A_29] : memref<1x64xf32, #tpu.memory_space<vmem>>, vector<1x64xf32>
    %add3A_31 = vector.broadcast %get3A_30 : vector<1x64xf32> to vector<10000x64xf32>
    %add3A_32 = arith.addf %mul3A_27, %add3A_31 : vector<10000x64xf32>
    %tanh3A = math.tanh %add3A_32 : vector<10000x64xf32>
    %iota3A = tpu.iota {dimensions = array<i32: 0>} : vector<64x10000xi32>
    %get3A_33 = arith.constant 0 : index
    %get3A_34 = arith.constant 0 : index
    %get3A_35 = vector.load %arg4[%get3A_33, %get3A_34] : memref<1x10000xi32, #tpu.memory_space<vmem>>, vector<1x10000xi32>
    %eq3A = vector.broadcast %get3A_35 : vector<1x10000xi32> to vector<64x10000xi32>
    %eq3A_36 = arith.cmpi eq, %iota3A, %eq3A : vector<64x10000xi32>
    %convert_element_type3A = arith.extui %eq3A_36 : vector<64x10000xi1> to vector<64x10000xi32>
    %convert_element_type3A_37 = arith.sitofp %convert_element_type3A : vector<64x10000xi32> to vector<64x10000xf32>
    %dot_general3A = arith.constant dense<0.000000e+00> : vector<64x64xf32>
    %dot_general3A_38 = tpu.matmul %convert_element_type3A_37, %tanh3A, %dot_general3A {dimension_numbers = #tpu.dot_dimension_numbers<[1], [0], [0], [1], [0, 0, 1, 1], [], []>, transpose_lhs_hint = false} : vector<64x10000xf32>, vector<10000x64xf32>, vector<64x64xf32> -> vector<64x64xf32>
    %reduce_sum3A = arith.constant dense<0.000000e+00> : vector<64xf32>
    %reduce_sum3A_39 = vector.multi_reduction <add>, %convert_element_type3A_37, %reduce_sum3A [1] : vector<64x10000xf32> to vector<64xf32>
    %broadcast_in_dim3A = vector.shape_cast %reduce_sum3A_39 : vector<64xf32> to vector<64x1xf32>
    %max3A = arith.constant 1.000000e+00 : f32
    %max3A_40 = vector.broadcast %max3A : f32 to vector<64x1xf32>
    %max3A_41 = arith.maximumf %broadcast_in_dim3A, %max3A_40 : vector<64x1xf32>
    %div3A = vector.broadcast %max3A_41 : vector<64x1xf32> to vector<64x64xf32>
    %div3A_42 = arith.divf %dot_general3A_38, %div3A : vector<64x64xf32>
    %get3A_43 = arith.constant 0 : index
    %get3A_44 = arith.constant 0 : index
    %get3A_45 = vector.load %arg5[%get3A_43, %get3A_44] : memref<64x1xf32, #tpu.memory_space<vmem>>, vector<64x1xf32>
    %dot_general3A_46 = arith.constant dense<0.000000e+00> : vector<64x1xf32>
    %dot_general3A_47 = tpu.matmul %div3A_42, %get3A_45, %dot_general3A_46 {dimension_numbers = #tpu.dot_dimension_numbers<[1], [0], [0], [1], [0, 0, 1, 1], [], []>, transpose_lhs_hint = false} : vector<64x64xf32>, vector<64x1xf32>, vector<64x1xf32> -> vector<64x1xf32>
    %get3A_48 = arith.constant 0 : index
    %get3A_49 = arith.constant 0 : index
    %get3A_50 = vector.load %arg6[%get3A_48, %get3A_49] : memref<1x1xf32, #tpu.memory_space<vmem>>, vector<1x1xf32>
    %add3A_51 = vector.broadcast %get3A_50 : vector<1x1xf32> to vector<64x1xf32>
    %add3A_52 = arith.addf %dot_general3A_47, %add3A_51 : vector<64x1xf32>
    %swap3A = arith.constant 0 : index
    %swap3A_53 = arith.constant 0 : index
    %swap3A_54 = vector.load %arg7[%swap3A, %swap3A_53] : memref<64x1xf32, #tpu.memory_space<vmem>>, vector<64x1xf32>
    tpu.vector_store %arg7[%swap3A, %swap3A_53], %add3A_52 {strides = array<i32>} : memref<64x1xf32, #tpu.memory_space<vmem>>, vector<64x1xf32>,
    return
  }
}

</mosaic_0001>

<sc_bundles>
// kernel: kernel.10.cloned.1.call-start
scs
__scs_entry_jumppad:
0x0: {  	(pc) =	sbr.rel $0x88, $3  }
0x1: {  	(tag) =	ssettag $0x0;
	lr =	simm.s32 $0x1  }
0x2: {  	[smem:$0x3F92] =	sst lr;
	_ =	strace $0xD0000000  }
0x3: {  	_ = 	snop  }
0x4: {  	_ = 	snop  }
0x5: {  	_ = 	snop  }
0x6: {  	_ = 	snop  }
0x7: {  	_ = 	snop  }
__scs_overlays_trampoline_lowered:
0x8: {  	[smem:$0x3FA1] =	sst s0  }
0x9: {  	[smem:$0x3FA2] =	sst s1  }
0xa: {  	[smem:$0x3FA3] =	sst s2  }
0xb: {  	[smem:$0x3FA4] =	sst s3  }
0xc: {  	[smem:$0x3FA5] =	sst s4  }
0xd: {  	[smem:$0x3FA6] =	sst s5  }
0xe: {  	[smem:$0x3FA7] =	sst s6  }
0xf: {  	[smem:$0x3FA8] =	sst s7  }
0x10: {  	[smem:$0x3FA9] =	sst s8  }
0x11: {  	[smem:$0x3FAA] =	sst s9;
	s0 =	simm.s32 @!p0 $0x0  }
0x12: {  	s1 =	sld [smem:$0x3F90];
	s0 =	simm.s32 @p0 $0x1  }
0x13: {  	[smem:$0x3FAB] =	sst s0;
	s0 =	simm.s32 @!p1 $0x0  }
0x14: {  	s2 =	sld [smem:$0x3F8F];
	s0 =	simm.s32 @p1 $0x1  }
0x15: {  	[smem:$0x3FAC] =	sst s0;
	s0 =	simm.s32 @!p2 $0x0  }
0x16: {  	s3 =	sld [smem:$0x3FDB];
	s0 =	simm.s32 @p2 $0x1  }
0x17: {  	s4 =	simm.s32 $0x1BF5;
	[smem:$0x3FAE] =	sst s0  }
0x18: {  	s0 =	sld [smem:$0x3F91];
	_ =	swait.ge [sflag:s4], $0x0  }
0x19: {  	s7 =	sld [smem:$0x3F92]  }
0x1a: {  	s8 =	sadd.s32 $0xFFFFE003, lr  }
0x1b: {  	s9 =	sadd.s32 $0xFFFFFEF7, lr;
	s5 =	simm.s32 $0xFFFFFFFF;
	p2 =	slt.u32 s8, $0xFFFFF086  }
0x1c: {  	p1 =	slt.u32 s9, $0xF7A;
	s5 =	simm.s32 @!p2 $0x0  }
0x1d: {  	s5 =	simm.s32 @p1 $0x1;
	p0 =	seq.s32 s7, s2  }
0x1e: {  	s7 =	smul.u32 @!p0 $0xF7A, s2;
	p2 =	seq.s32 @!p0 s5, $0x0  }
0x1f: {  	s9 =	smul.u32 $0xF7A, s1;
	s8 =	simm.s32 @!p0 $0x1BF5;
	p2 =	por !p2, p0  }
0x20: {  	[sflag:s8] =	ssyncset.s32 @!p0 $0xFFFFF086;
	s6 =	sadd.s32 @!p0 s3, s7;
	s7 =	simm.s32 @!p0 $0x108  }
0x21: {  	s3 =	sadd.s32 s3, s9;
	s6 =	sadd.s32 @!p0 $0x88, s6;
	s7 =	simm.s32 @p2 $0x1082  }
0x22: {  	[simem:s7], [sflag:s8] =	dma.local @!p0 [hbm:s6], $0xF7A  }
0x23: {  	s9 =	sor.u32 $0xD0000000, s2;
	s6 =	simm.s32 $0x108;
	_ =	swait.ge @!p0 [sflag:s8], $0x0  }
0x24: {  	s3 =	sadd.s32 $0x88, s3;
	s6 =	simm.s32 @!p1 $0x1082;
	[sflag:s4] =	ssyncset.s32 $0xFFFFF086  }
0x25: {  	[simem:s6], [sflag:s4] =	dma.local [hbm:s3], $0xF7A  }
0x26: {  	[smem:$0x3F92] =	sst s1;
	(tag) =	ssettag s2;
	_ =	strace s9  }
0x27: {  	s1 =	sld [smem:$0x3FA2]  }
0x28: {  	s2 =	sld [smem:$0x3FA3]  }
0x29: {  	s4 =	sld [smem:$0x3FA5]  }
0x2a: {  	p0 =	seq.s32 s5, $0x0;
	s5 =	sld [smem:$0x3FA6]  }
0x2b: {  	s6 =	sld [smem:$0x3FA7]  }
0x2c: {  	s7 =	sld [smem:$0x3FA8]  }
0x2d: {  	s3 =	simm.s32 $0x108;
	s8 =	sld [smem:$0x3FA9]  }
0x2e: {  	s3 =	simm.s32 @!p0 $0x1082;
	s9 =	sld [smem:$0x3FAA]  }
0x2f: {  	lr =	sadd.s32 s0, s3;
	s0 =	sld [smem:$0x3FA1]  }
0x30: {  	s3 =	sld [smem:$0x3FA4]  }
0x31: {  	[smem:$0x3FAD] =	sst s10  }
0x32: {  	s10 =	sld [smem:$0x3FAB];
	_ =	sdelay $0x3  }
0x33: {  	p0 =	seq.s32 s10, $0x1;
	s10 =	sld [smem:$0x3FAD];
	_ =	sdelay $0x3  }
0x34: {  	[smem:$0x3FAD] =	sst s10  }
0x35: {  	s10 =	sld [smem:$0x3FAC];
	_ =	sdelay $0x3  }
0x36: {  	p1 =	seq.s32 s10, $0x1;
	s10 =	sld [smem:$0x3FAD];
	_ =	sdelay $0x3  }
0x37: {  	[smem:$0x3FAD] =	sst s10  }
0x38: {  	s10 =	sld [smem:$0x3FAE]  }
0x39: {  	_ = 	snop;
	(pc) =	sbr.ind lr, $3  }
0x3a: {  	_ = 	snop  }
0x3b: {  	_ = 	snop  }
0x3c: {  	p2 =	seq.s32 s10, $0x1;
	s10 =	sld [smem:$0x3FAD]  }
0x3d: {  	_ =	shalt  }
0x3e: {  	_ =	shalt  }
0x3f: {  	_ =	shalt  }
0x40: {  	_ =	shalt  }
0x41: {  	_ =	shalt  }
0x42: {  	_ =	shalt  }
0x43: {  	_ =	shalt  }
0x44: {  	_ =	shalt  }
0x45: {  	_ =	shalt  }
0x46: {  	_ =	shalt  }
0x47: {  	_ =	shalt  }
0x48: {  	_ =	shalt  }
0x49: {  	_ =	shalt  }
0x4a: {  	_ =	shalt  }
0x4b: {  	_ =	shalt  }
0x4c: {  	_ =	shalt  }
0x4d: {  	_ =	shalt  }
0x4e: {  	_ =	shalt  }
0x4f: {  	_ =	shalt  }
0x50: {  	_ =	shalt  }
0x51: {  	_ =	shalt  }
0x52: {  	_ =	shalt  }
0x53: {  	_ =	shalt  }
0x54: {  	_ =	shalt  }
0x55: {  	_ =	shalt  }
0x56: {  	_ =	shalt  }
0x57: {  	_ =	shalt  }
0x58: {  	_ =	shalt  }
0x59: {  	_ =	shalt  }
0x5a: {  	_ =	shalt  }
0x5b: {  	_ =	shalt  }
0x5c: {  	_ =	shalt  }
0x5d: {  	_ =	shalt  }
0x5e: {  	_ =	shalt  }
0x5f: {  	_ =	shalt  }
0x60: {  	_ =	shalt  }
0x61: {  	_ =	shalt  }
0x62: {  	_ =	shalt  }
0x63: {  	_ =	shalt  }
0x64: {  	_ =	shalt  }
0x65: {  	_ =	shalt  }
0x66: {  	_ =	shalt  }
0x67: {  	_ =	shalt  }
0x68: {  	_ =	shalt  }
0x69: {  	_ =	shalt  }
0x6a: {  	_ =	shalt  }
0x6b: {  	_ =	shalt  }
0x6c: {  	_ =	shalt  }
0x6d: {  	_ =	shalt  }
0x6e: {  	_ =	shalt  }
0x6f: {  	_ =	shalt  }
0x70: {  	_ =	shalt  }
0x71: {  	_ =	shalt  }
0x72: {  	_ =	shalt  }
0x73: {  	_ =	shalt  }
0x74: {  	_ =	shalt  }
0x75: {  	_ =	shalt  }
0x76: {  	_ =	shalt  }
0x77: {  	_ =	shalt  }
0x78: {  	_ =	shalt  }
0x79: {  	_ =	shalt  }
0x7a: {  	_ =	shalt  }
0x7b: {  	_ =	shalt  }
0x7c: {  	_ =	shalt  }
0x7d: {  	_ =	shalt  }
0x7e: {  	_ =	shalt  }
0x7f: {  	_ =	shalt  }
0x80: {  	_ =	shalt  }
0x81: {  	_ =	shalt  }
0x82: {  	_ =	shalt  }
0x83: {  	_ =	shalt  }
0x84: {  	_ =	shalt  }
0x85: {  	_ =	shalt  }
0x86: {  	_ =	shalt  }
0x87: {  	_ =	shalt  }
.Lfunc_end0:
.L_simem_size_0:
called_computation_lowered:
.L_overlay_start_0:
0x88: {  	s2 =	sld [smem:$0x3FD9]  }
0x89: {  	s3 =	sld [smem:$0x3FFE];
	_ =	sdelay $0x1  }
0x8a: {  	s1 =	srdreg.scid  }
0x8b: {  	s0 =	sand.u32 $0x1, s1  }
0x8c: {  	s16 =	sshll.u32 s0, $0xA;
	s2 =	sadd.s32 s3, s2  }
0x8d: {  	s2 =	sadd.s32 s2, s16  }
0x8e: {  	[smem:$0x3FB9] =	sst s2  }
0x8f: {  	_ = 	snop  }
0x90: {  	(tm) =	ssettm $0x1  }
0x91: {  	s17 =	sld [smem:$0x3FFB];
	_ =	sdelay $0x3  }
0x92: {  	_ =	strace s17  }
0x93: {  	s2 =	sld [smem:$0x3FFC];
	_ =	sdelay $0x3  }
0x94: {  	_ =	strace s2  }
0x95: {  	s2 =	sld [smem:$0x3FFD];
	_ =	sdelay $0x3  }
0x96: {  	_ =	strace s2  }
0x97: {  	_ =	strace $0x8FFFFFFF  }
0x98: {  	s18 =	sld [smem:$0x3FDB];
	_ =	sdelay $0x1  }
0x99: {  	s19 =	simm.s32 $_scs_section_size  }
0x9a: {  	s4 =	simm.s32 $_size__tile_overlayer_lowered;
	s5 =	simm.s32 $_tile_overlayer_lowered  }
0x9b: {  	s22 =	simm.s32 $0x1BFF;
	s21 =	sshll.u32 s5, $0x1;
	s2 =	sadd.s32 s19, s18  }
0x9c: {  	s6 =	simm.s32 $0x0;
	s20 =	sshll.u32 s4, $0x1;
	s4 =	sadd.s32 s21, s2  }
0x9d: {  	[timem:s6], [sflag:s22] =	dma.local [hbm:s4], s20  }
0x9e: {  	_ =	swait.ge [sflag:s22], s20  }
0x9f: {  	s3 =	ssub.s32 $0x0, s20;
	[sflag:s22] =	ssyncset.done $0x0  }
0xa0: {  	[sflag:s22] =	ssyncadd.s32 s3;
	_ =	sdelay $0x1  }
0xa1: {  	s23 =	simm.s32 $0x1B8B  }
0xa2: {  	_ =	swait.ge [sflag:s23], $0x1  }
0xa3: {  	[sflag:s23] =	ssyncset.done $0x0  }
0xa4: {  	s25 =	simm.s32 $0x1B8E;
	s24 =	sld [smem:$0x3FFE];
	[sflag:s23] =	ssyncadd.s32 $0xFFFFFFFF  }
0xa5: {  	s26 =	simm.s32 $execute0_lowered;
	[smem:$0x3FD2] =	sst s25  }
0xa6: {  	s4 =	sshll.u32 s26, $0x1;
	_ =	strace $0x80000046;
	[dreg:$0x1] =	wrdreg $0xFFFFFFFF  }
0xa7: {  	s28 =	simm.s32 $_size_execute0_lowered;
	s2 =	sadd.s32 s2, s4;
	[dreg:$0x0] =	wrdreg $0x0  }
0xa8: {  	s4 =	sshll.u32 s28, $0x1;
	[dreg:$0x2] =	wrdreg s2  }
0xa9: {  	[dreg:$0x3] =	wrdreg s4  }
0xaa: {  	[dreg:$0x4] =	wrdreg $0xC0  }
0xab: {  	_ =	task [dreg:s6], $0x5FFFF  }
0xac: {  	[dreg:$0x1] =	wrdreg $0xFFFFFFFF  }
0xad: {  	[dreg:$0x0] =	wrdreg $0x60  }
0xae: {  	[dreg:$0x2] =	wrdreg s24  }
0xaf: {  	[dreg:$0x3] =	wrdreg $0x2C000  }
0xb0: {  	[dreg:$0x4] =	wrdreg $0x9  }
0xb1: {  	_ =	task.clear_ibuf [dreg:s6], $0x5FFFF;
	_ =	strace $0x90000046  }
0xb2: {  	s29 =	simm.s32 $0x9;
	_ =	strace $0x80000048  }
0xb3: {  	_ =	swait.ge [sflag:s29], $0x1  }
0xb4: {  	[sflag:s29] =	ssyncadd.s32 $0xFFFFFFFF  }
0xb5: {  	_ =	strace $0x90000048  }
0xb6: {  	_ =	sfence  }
0xb7: {  	s30 =	sld [smem:$0x0];
	_ =	sdelay $0x2  }
0xb8: {  	s31 =	sshll.u32 s1, $0xD;
	s1 =	sshrl.u32 s1, $0x2  }
0xb9: {  	s3 =	sand.u32 $0x4000, s31;
	s1 =	sadd.s32 s1, s30  }
0xba: {  	s0 =	sor.u32 s3, s0;
	s1 =	sshll.u32 s1, $0x11  }
0xbb: {  	s0 =	sor.u32 s1, s0  }
0xbc: {  	s0 =	sadd.s32 $0x8F2B, s0  }
0xbd: {  	[sflag:s0] =	ssyncadd.remote.s32 $0x1  }
0xbe: {  	_ =	sfence.sel $0xFFFF  }
0xbf: {  	[dreg:$0x0] =	wrdreg $0xFFFFFFFF;
	(pc) =	sbr.abs _section_cstart, $3  }
0xc0: {  	[dreg:$0x1] =	wrdreg $0xFFFFFFFF  }
0xc1: {  	_ =	task.clear_ibuf [dreg:s6], $0x2FFFF;
	_ =	strace $0x9FFFFFFF  }
0xc2: {  	(tm) =	ssettm $0x7FFFFFFF  }
0xc3: {  	_ =	shalt  }
tec
execute0_lowered:
.L_overlay_start_1:
0x0: {  	(tag) =	ssettag $0x1  }
0x1: {  	s5 =	rddreg [dreg:$0x0]  }
0x2: {  	s0 =	srdreg.scid;
	s2 =	rddreg [dreg:$0x1]  }
0x3: {  	s3 =	simm.s32 $0x0;
	s12 =	simm.s32 $0x2800;
	s4 =	sand.u32 $0x1, s0  }
0x4: {  	s13 =	simm.s32 $0x1;
	s0 =	stileid.u32;
	s7 =	smul.u32 $0x14000, s4  }
0x5: {  	s14 =	simm.s32 $0x80;
	s17 =	simm.s32 $0x0;
	s8 =	smul.u32 $0x1400, s0  }
0x6: {  	[smem:$0x7FF] =	sst s3;
	s1 =	sshll.u32 s4, $0x4;
	s9 =	smul.u32 $0x5000, s0  }
0x7: {  	s4 =	ssub.s32 $0x2, s4;
	s15 =	sshll.u32 s0, $0x6;
	s1 =	sor.u32 s0, s1  }
0x8: {  	s10 =	sshrl.u32 s4, $0x1;
	s15 =	sor.u32 $0x1C01, s15;
	s6 =	smul.u32 $0x500, s1  }
0x9: {  	v0 =	vlaneseq.u32;
	s1 =	rddreg [dreg:$0x2];
	_ =	strace $0x80000047;
	s7 =	sadd.s32 s8, s7  }
0xa: {  	v0 =	vmul.u32 $0x8, v0;
	s9 =	sshrl.u32 s9, $0x2;
	s10 =	ssub.s32 s4, s10;
	s16 =	sadd.s32 s8, s2  }
0xb: {  	s7 =	sshrl.u32 s7, $0x3;
	s4 =	sadd.s32 s9, s2;
	s16 =	sshrl.u32 s16, $0x3  }
0xc: {  	v1 =	vimm.f32 $0.0e+00;
	v9 =	vimm.f32 $1.000000000e+00;
	v2 =	vor.u32 $0x80, v0;
	s6 =	sadd.s32 s6, s5;
	s7 =	sadd.s32 s7, s5;
	s8 =	sadd.s32 $0x400, s4  }
0xd: {  	v3 =	vor.u32 $0x100, v0;
	v4 =	vor.u32 $0x180, v0;
	v5 =	vor.u32 $0x200, v0;
	s9 =	sadd.s32 $0x800, s4;
	s11 =	sadd.s32 $0x1000, s4;
	s5 =	sadd.s32 $0xD600, s6  }
0xe: {  	v6 =	vor.u32 $0x280, v0;
	v7 =	vor.u32 $0x300, v0;
	v8 =	vor.u32 $0x380, v0;
	s6 =	sadd.s32 $0x17600, s7;
	s7 =	smax.u32 s10, $0x1;
	s10 =	sadd.s32 $0xC00, s4  }
.LBB2_1:
0xf: {  	_ =	sdelay $0x3  }
0x10: {  	[tilespmem:v0+s12+$0x0] =	vst.idx.msk $0xffff, v1  }
0x11: {  	[tilespmem:v2+s12+$0x0] =	vst.idx.msk $0xffff, v1  }
0x12: {  	[tilespmem:v3+s12+$0x0] =	vst.idx.msk $0xffff, v1  }
0x13: {  	[tilespmem:v4+s12+$0x0] =	vst.idx.msk $0xffff, v1  }
0x14: {  	[tilespmem:v5+s12+$0x0] =	vst.idx.msk $0xffff, v1  }
0x15: {  	[tilespmem:v6+s12+$0x0] =	vst.idx.msk $0xffff, v1  }
0x16: {  	[tilespmem:v7+s12+$0x0] =	vst.idx.msk $0xffff, v1  }
0x17: {  	[tilespmem:v8+s12+$0x0] =	vst.idx.msk $0xffff, v1  }
0x18: {  	[spmem:s4] =	stream.linear.scatter [tilespmem:s12], [sflag:$0x1], $0x400, $0x38;
	[tilespmem:$0x2E80] =	vst v63  }
0x19: {  	_ =	swait.ge [sflag:s13], $0x400  }
0x1a: {  	[sflag:s13] =	ssyncset.done $0x0  }
0x1b: {  	[sflag:s13] =	ssyncadd.s32 $0xFFFFFC00  }
0x1c: {  	[spmem:s8] =	stream.linear.scatter [tilespmem:s12], [sflag:$0x1], $0x400, $0x38;
	[tilespmem:$0x2E80] =	vst v63  }
0x1d: {  	_ =	swait.ge [sflag:s13], $0x400  }
0x1e: {  	[sflag:s13] =	ssyncset.done $0x0  }
0x1f: {  	[sflag:s13] =	ssyncadd.s32 $0xFFFFFC00  }
0x20: {  	[spmem:s9] =	stream.linear.scatter [tilespmem:s12], [sflag:$0x1], $0x400, $0x38;
	[tilespmem:$0x2E80] =	vst v63  }
0x21: {  	_ =	swait.ge [sflag:s13], $0x400  }
0x22: {  	[sflag:s13] =	ssyncset.done $0x0  }
0x23: {  	[sflag:s13] =	ssyncadd.s32 $0xFFFFFC00  }
0x24: {  	[spmem:s10] =	stream.linear.scatter [tilespmem:s12], [sflag:$0x1], $0x400, $0x38;
	[tilespmem:$0x2E80] =	vst v63  }
0x25: {  	_ =	swait.ge [sflag:s13], $0x400  }
0x26: {  	[sflag:s13] =	ssyncset.done $0x0  }
0x27: {  	[sflag:s13] =	ssyncadd.s32 $0xFFFFFC00  }
0x28: {  	[spmem:s11] =	stream.linear.scatter [tilespmem:s12], [sflag:$0x1], $0x400, $0x38;
	[tilespmem:$0x2E80] =	vst v63  }
0x29: {  	_ =	swait.ge [sflag:s13], $0x400  }
0x2a: {  	[sflag:s13] =	ssyncset.done $0x0  }
0x2b: {  	[sflag:s13] =	ssyncadd.s32 $0xFFFFFC00  }
0x2c: {  	[tilespmem:v0+s12+$0x0] =	vst.idx.msk $0xffff, v9  }
0x2d: {  	[tilespmem:v2+s12+$0x0] =	vst.idx.msk $0xffff, v9  }
0x2e: {  	[tilespmem:v3+s12+$0x0] =	vst.idx.msk $0xffff, v9  }
0x2f: {  	[tilespmem:v4+s12+$0x0] =	vst.idx.msk $0xffff, v9  }
0x30: {  	[tilespmem:v5+s12+$0x0] =	vst.idx.msk $0xffff, v9  }
0x31: {  	[tilespmem:v6+s12+$0x0] =	vst.idx.msk $0xffff, v9  }
0x32: {  	[tilespmem:v7+s12+$0x0] =	vst.idx.msk $0xffff, v9  }
0x33: {  	[tilespmem:v8+s12+$0x0] =	vst.idx.msk $0xffff, v9  }
0x34: {  	[tilespmem:s3], [sflag:$0x1] =	stream.linear.gather [hbm4b:s5+s3], $0x2800, $0x38;
	[tilespmem:$0x2E80] =	vst v63  }
0x35: {  	_ =	swait.ge [sflag:s13], $0x2800  }
0x36: {  	[sflag:s13] =	ssyncset.done $0x0  }
0x37: {  	[sflag:s13] =	ssyncadd.s32 $0xFFFFD800  }
0x38: {  	s18 =	simm.s32 $0x0;
	[bflag:$0x0] =	sbarrier.arrive $0xFFFF  }
0x39: {  	[spmem:s2] =	stream.indirect.scatter.add.f32 [tilespmem:s12], [sflag:$0x1], $0x1, s18, s14, $0xb8;
	[tilespmem:$0x2E80] =	vst v63  }
0x3a: {  	_ =	swait.ge [sflag:s13], $0x80  }
0x3b: {  	s18 =	simm.s32 $0x200;
	[sflag:s13] =	ssyncset.done $0x0  }
.LBB2_2:
0x3c: {  	s19 =	sshra.s32 s18, $0x2;
	[sflag:s13] =	ssyncadd.s32 $0xFFFFFF80;
	p0 =	sne.s32 s18, $0x9E00  }
0x3d: {  	[spmem:s2] =	stream.indirect.scatter.add.f32 [tilespmem:s12], [sflag:$0x1], $0x1, s19, s14, $0xb8;
	[tilespmem:$0x2E80] =	vst v63  }
.Ltmp0:
0x3e: {  	_ = 	snop;
	(pc) =	sbr.rel @p0 .LBB2_2-.Ltmp0, $4  }
0x3f: {  	_ = 	snop  }
0x40: {  	s18 =	sadd.s32 $0x200, s18  }
0x41: {  	_ =	swait.ge [sflag:s13], $0x80  }
0x42: {  	[sflag:s13] =	ssyncset.done $0x0  }
0x43: {  	s17 =	sadd.s32 $0x1, s17  }
0x44: {  	[sflag:s13] =	ssyncadd.s32 $0xFFFFFF80;
	p0 =	sne.s32 s17, s7  }
.Ltmp1:
0x45: {  	[bflag:$0x0] =	sbarrier.arrive $0xFFFF;
	(pc) =	sbr.rel @p0 .LBB2_1-.Ltmp1, $4  }
0x46: {  	[hbm:s6], [sflag:s15] =	dma.local [spmem:s16], $0x280  }
0x47: {  	_ =	swait.ge [sflag:s13], $0x280  }
0x48: {  	[sflag:s13] =	ssyncset.done $0x0  }
0x49: {  	[sflag:s13] =	ssyncadd.s32 $0xFFFFFD80  }
0x4a: {  	_ =	sfence.sel $0x180000  }
0x4b: {  	[bflag:$0x0] =	sbarrier.arrive $0xFFFF  }
0x4c: {  	p0 =	sne.s32 s0, $0x0;
	_ =	strace $0x90000047  }
0x4d: {  	s0 =	sadd.s32 @!p0 $0x100000, s1;
	[bflag:$0x2] =	sbarrier.arrive $0xFFFF  }
0x4e: {  	[sflag:s0] =	ssyncadd.tile.s32 @!p0 $0x1;
	_ =	shalt  }
.Lfunc_end2:
_tile_overlayer_lowered:
.L_overlay_start_2:
0x4f: {  	(tag) =	ssettag $0x2  }
0x50: {  	s0 =	rddreg [dreg:$0x0];
	s2 =	stileid.u32  }
0x51: {  	s1 =	rddreg [dreg:$0x1];
	p0 =	sne.s32 s2, $0x0  }
0x52: {  	s3 =	rddreg [dreg:$0x2];
	[bflag:$0x3] =	sbarrier.arrive $0xFFFF;
	s2 =	simm.s32 @!p0 $0x1C01  }
0x53: {  	[timem:s3], [sflag:s2] =	dma.local @!p0 [hbm:s0], s1  }
0x54: {  	s0 =	simm.s32 @!p0 $0x1  }
0x55: {  	_ =	swait.ge @!p0 [sflag:s0], s1  }
0x56: {  	s1 =	ssub.s32 @!p0 $0x0, s1;
	[sflag:s0] =	ssyncset.done @!p0 $0x0  }
0x57: {  	[sflag:s0] =	ssyncadd.s32 @!p0 s1  }
0x58: {  	[bflag:$0x3] =	sbarrier.arrive $0xFFFF  }
0x59: {  	_ =	shalt  }

// kernel: kernel.13.cloned.1.call-start
scs
__scs_entry_jumppad:
0x0: {  	(pc) =	sbr.rel $0x88, $3  }
0x1: {  	(tag) =	ssettag $0x0;
	lr =	simm.s32 $0x1  }
0x2: {  	[smem:$0x3F92] =	sst lr;
	_ =	strace $0xD0000000  }
0x3: {  	_ = 	snop  }
0x4: {  	_ = 	snop  }
0x5: {  	_ = 	snop  }
0x6: {  	_ = 	snop  }
0x7: {  	_ = 	snop  }
__scs_overlays_trampoline_lowered:
0x8: {  	[smem:$0x3FA1] =	sst s0  }
0x9: {  	[smem:$0x3FA2] =	sst s1  }
0xa: {  	[smem:$0x3FA3] =	sst s2  }
0xb: {  	[smem:$0x3FA4] =	sst s3  }
0xc: {  	[smem:$0x3FA5] =	sst s4  }
0xd: {  	[smem:$0x3FA6] =	sst s5  }
0xe: {  	[smem:$0x3FA7] =	sst s6  }
0xf: {  	[smem:$0x3FA8] =	sst s7  }
0x10: {  	[smem:$0x3FA9] =	sst s8  }
0x11: {  	[smem:$0x3FAA] =	sst s9;
	s0 =	simm.s32 @!p0 $0x0  }
0x12: {  	s1 =	sld [smem:$0x3F90];
	s0 =	simm.s32 @p0 $0x1  }
0x13: {  	[smem:$0x3FAB] =	sst s0;
	s0 =	simm.s32 @!p1 $0x0  }
0x14: {  	s2 =	sld [smem:$0x3F8F];
	s0 =	simm.s32 @p1 $0x1  }
0x15: {  	[smem:$0x3FAC] =	sst s0;
	s0 =	simm.s32 @!p2 $0x0  }
0x16: {  	s3 =	sld [smem:$0x3FDB];
	s0 =	simm.s32 @p2 $0x1  }
0x17: {  	s4 =	simm.s32 $0x1BF5;
	[smem:$0x3FAE] =	sst s0  }
0x18: {  	s0 =	sld [smem:$0x3F91];
	_ =	swait.ge [sflag:s4], $0x0  }
0x19: {  	s7 =	sld [smem:$0x3F92]  }
0x1a: {  	s8 =	sadd.s32 $0xFFFFE003, lr  }
0x1b: {  	s9 =	sadd.s32 $0xFFFFFEF7, lr;
	s5 =	simm.s32 $0xFFFFFFFF;
	p2 =	slt.u32 s8, $0xFFFFF086  }
0x1c: {  	p1 =	slt.u32 s9, $0xF7A;
	s5 =	simm.s32 @!p2 $0x0  }
0x1d: {  	s5 =	simm.s32 @p1 $0x1;
	p0 =	seq.s32 s7, s2  }
0x1e: {  	s7 =	smul.u32 @!p0 $0xF7A, s2;
	p2 =	seq.s32 @!p0 s5, $0x0  }
0x1f: {  	s9 =	smul.u32 $0xF7A, s1;
	s8 =	simm.s32 @!p0 $0x1BF5;
	p2 =	por !p2, p0  }
0x20: {  	[sflag:s8] =	ssyncset.s32 @!p0 $0xFFFFF086;
	s6 =	sadd.s32 @!p0 s3, s7;
	s7 =	simm.s32 @!p0 $0x108  }
0x21: {  	s3 =	sadd.s32 s3, s9;
	s6 =	sadd.s32 @!p0 $0x88, s6;
	s7 =	simm.s32 @p2 $0x1082  }
0x22: {  	[simem:s7], [sflag:s8] =	dma.local @!p0 [hbm:s6], $0xF7A  }
0x23: {  	s9 =	sor.u32 $0xD0000000, s2;
	s6 =	simm.s32 $0x108;
	_ =	swait.ge @!p0 [sflag:s8], $0x0  }
0x24: {  	s3 =	sadd.s32 $0x88, s3;
	s6 =	simm.s32 @!p1 $0x1082;
	[sflag:s4] =	ssyncset.s32 $0xFFFFF086  }
0x25: {  	[simem:s6], [sflag:s4] =	dma.local [hbm:s3], $0xF7A  }
0x26: {  	[smem:$0x3F92] =	sst s1;
	(tag) =	ssettag s2;
	_ =	strace s9  }
0x27: {  	s1 =	sld [smem:$0x3FA2]  }
0x28: {  	s2 =	sld [smem:$0x3FA3]  }
0x29: {  	s4 =	sld [smem:$0x3FA5]  }
0x2a: {  	p0 =	seq.s32 s5, $0x0;
	s5 =	sld [smem:$0x3FA6]  }
0x2b: {  	s6 =	sld [smem:$0x3FA7]  }
0x2c: {  	s7 =	sld [smem:$0x3FA8]  }
0x2d: {  	s3 =	simm.s32 $0x108;
	s8 =	sld [smem:$0x3FA9]  }
0x2e: {  	s3 =	simm.s32 @!p0 $0x1082;
	s9 =	sld [smem:$0x3FAA]  }
0x2f: {  	lr =	sadd.s32 s0, s3;
	s0 =	sld [smem:$0x3FA1]  }
0x30: {  	s3 =	sld [smem:$0x3FA4]  }
0x31: {  	[smem:$0x3FAD] =	sst s10  }
0x32: {  	s10 =	sld [smem:$0x3FAB];
	_ =	sdelay $0x3  }
0x33: {  	p0 =	seq.s32 s10, $0x1;
	s10 =	sld [smem:$0x3FAD];
	_ =	sdelay $0x3  }
0x34: {  	[smem:$0x3FAD] =	sst s10  }
0x35: {  	s10 =	sld [smem:$0x3FAC];
	_ =	sdelay $0x3  }
0x36: {  	p1 =	seq.s32 s10, $0x1;
	s10 =	sld [smem:$0x3FAD];
	_ =	sdelay $0x3  }
0x37: {  	[smem:$0x3FAD] =	sst s10  }
0x38: {  	s10 =	sld [smem:$0x3FAE]  }
0x39: {  	_ = 	snop;
	(pc) =	sbr.ind lr, $3  }
0x3a: {  	_ = 	snop  }
0x3b: {  	_ = 	snop  }
0x3c: {  	p2 =	seq.s32 s10, $0x1;
	s10 =	sld [smem:$0x3FAD]  }
0x3d: {  	_ =	shalt  }
0x3e: {  	_ =	shalt  }
0x3f: {  	_ =	shalt  }
0x40: {  	_ =	shalt  }
0x41: {  	_ =	shalt  }
0x42: {  	_ =	shalt  }
0x43: {  	_ =	shalt  }
0x44: {  	_ =	shalt  }
0x45: {  	_ =	shalt  }
0x46: {  	_ =	shalt  }
0x47: {  	_ =	shalt  }
0x48: {  	_ =	shalt  }
0x49: {  	_ =	shalt  }
0x4a: {  	_ =	shalt  }
0x4b: {  	_ =	shalt  }
0x4c: {  	_ =	shalt  }
0x4d: {  	_ =	shalt  }
0x4e: {  	_ =	shalt  }
0x4f: {  	_ =	shalt  }
0x50: {  	_ =	shalt  }
0x51: {  	_ =	shalt  }
0x52: {  	_ =	shalt  }
0x53: {  	_ =	shalt  }
0x54: {  	_ =	shalt  }
0x55: {  	_ =	shalt  }
0x56: {  	_ =	shalt  }
0x57: {  	_ =	shalt  }
0x58: {  	_ =	shalt  }
0x59: {  	_ =	shalt  }
0x5a: {  	_ =	shalt  }
0x5b: {  	_ =	shalt  }
0x5c: {  	_ =	shalt  }
0x5d: {  	_ =	shalt  }
0x5e: {  	_ =	shalt  }
0x5f: {  	_ =	shalt  }
0x60: {  	_ =	shalt  }
0x61: {  	_ =	shalt  }
0x62: {  	_ =	shalt  }
0x63: {  	_ =	shalt  }
0x64: {  	_ =	shalt  }
0x65: {  	_ =	shalt  }
0x66: {  	_ =	shalt  }
0x67: {  	_ =	shalt  }
0x68: {  	_ =	shalt  }
0x69: {  	_ =	shalt  }
0x6a: {  	_ =	shalt  }
0x6b: {  	_ =	shalt  }
0x6c: {  	_ =	shalt  }
0x6d: {  	_ =	shalt  }
0x6e: {  	_ =	shalt  }
0x6f: {  	_ =	shalt  }
0x70: {  	_ =	shalt  }
0x71: {  	_ =	shalt  }
0x72: {  	_ =	shalt  }
0x73: {  	_ =	shalt  }
0x74: {  	_ =	shalt  }
0x75: {  	_ =	shalt  }
0x76: {  	_ =	shalt  }
0x77: {  	_ =	shalt  }
0x78: {  	_ =	shalt  }
0x79: {  	_ =	shalt  }
0x7a: {  	_ =	shalt  }
0x7b: {  	_ =	shalt  }
0x7c: {  	_ =	shalt  }
0x7d: {  	_ =	shalt  }
0x7e: {  	_ =	shalt  }
0x7f: {  	_ =	shalt  }
0x80: {  	_ =	shalt  }
0x81: {  	_ =	shalt  }
0x82: {  	_ =	shalt  }
0x83: {  	_ =	shalt  }
0x84: {  	_ =	shalt  }
0x85: {  	_ =	shalt  }
0x86: {  	_ =	shalt  }
0x87: {  	_ =	shalt  }
.Lfunc_end0:
.L_simem_size_0:
called_computation.1_lowered:
.L_overlay_start_0:
0x88: {  	s2 =	sld [smem:$0x3FD9]  }
0x89: {  	s3 =	sld [smem:$0x3FFE];
	_ =	sdelay $0x1  }
0x8a: {  	s1 =	srdreg.scid  }
0x8b: {  	s0 =	sand.u32 $0x1, s1  }
0x8c: {  	s16 =	sshll.u32 s0, $0xA;
	s2 =	sadd.s32 s3, s2  }
0x8d: {  	s2 =	sadd.s32 s2, s16  }
0x8e: {  	[smem:$0x3FB9] =	sst s2  }
0x8f: {  	_ = 	snop  }
0x90: {  	(tm) =	ssettm $0x1  }
0x91: {  	s17 =	sld [smem:$0x3FFB];
	_ =	sdelay $0x3  }
0x92: {  	_ =	strace s17  }
0x93: {  	s2 =	sld [smem:$0x3FFC];
	_ =	sdelay $0x3  }
0x94: {  	_ =	strace s2  }
0x95: {  	s2 =	sld [smem:$0x3FFD];
	_ =	sdelay $0x3  }
0x96: {  	_ =	strace s2  }
0x97: {  	_ =	strace $0x8FFFFFFF  }
0x98: {  	s18 =	sld [smem:$0x3FDB];
	_ =	sdelay $0x1  }
0x99: {  	s19 =	simm.s32 $_scs_section_size  }
0x9a: {  	s4 =	simm.s32 $_size__tile_overlayer_lowered;
	s5 =	simm.s32 $_tile_overlayer_lowered  }
0x9b: {  	s22 =	simm.s32 $0x1BFF;
	s21 =	sshll.u32 s5, $0x1;
	s2 =	sadd.s32 s19, s18  }
0x9c: {  	s6 =	simm.s32 $0x0;
	s20 =	sshll.u32 s4, $0x1;
	s4 =	sadd.s32 s21, s2  }
0x9d: {  	[timem:s6], [sflag:s22] =	dma.local [hbm:s4], s20  }
0x9e: {  	_ =	swait.ge [sflag:s22], s20  }
0x9f: {  	s3 =	ssub.s32 $0x0, s20;
	[sflag:s22] =	ssyncset.done $0x0  }
0xa0: {  	[sflag:s22] =	ssyncadd.s32 s3;
	_ =	sdelay $0x1  }
0xa1: {  	s23 =	simm.s32 $0x1B8B  }
0xa2: {  	_ =	swait.ge [sflag:s23], $0x1  }
0xa3: {  	[sflag:s23] =	ssyncset.done $0x0  }
0xa4: {  	s25 =	simm.s32 $0x1B8E;
	s24 =	sld [smem:$0x3FFE];
	[sflag:s23] =	ssyncadd.s32 $0xFFFFFFFF  }
0xa5: {  	s26 =	simm.s32 $execute0_lowered;
	[smem:$0x3FD2] =	sst s25  }
0xa6: {  	s4 =	sshll.u32 s26, $0x1;
	_ =	strace $0x80000049;
	[dreg:$0x1] =	wrdreg $0xFFFFFFFF  }
0xa7: {  	s28 =	simm.s32 $_size_execute0_lowered;
	s2 =	sadd.s32 s2, s4;
	[dreg:$0x0] =	wrdreg $0x0  }
0xa8: {  	s4 =	sshll.u32 s28, $0x1;
	[dreg:$0x2] =	wrdreg s2  }
0xa9: {  	[dreg:$0x3] =	wrdreg s4  }
0xaa: {  	[dreg:$0x4] =	wrdreg $0xC0  }
0xab: {  	_ =	task [dreg:s6], $0x5FFFF  }
0xac: {  	[dreg:$0x1] =	wrdreg $0xFFFFFFFF  }
0xad: {  	[dreg:$0x0] =	wrdreg $0x60  }
0xae: {  	[dreg:$0x2] =	wrdreg s24  }
0xaf: {  	[dreg:$0x3] =	wrdreg $0x90000  }
0xb0: {  	[dreg:$0x4] =	wrdreg $0x9  }
0xb1: {  	_ =	task.clear_ibuf [dreg:s6], $0x5FFFF;
	_ =	strace $0x90000049  }
0xb2: {  	s29 =	simm.s32 $0x9;
	_ =	strace $0x8000004B  }
0xb3: {  	_ =	swait.ge [sflag:s29], $0x1  }
0xb4: {  	[sflag:s29] =	ssyncadd.s32 $0xFFFFFFFF  }
0xb5: {  	_ =	strace $0x9000004B  }
0xb6: {  	_ =	sfence  }
0xb7: {  	s30 =	sld [smem:$0x0];
	_ =	sdelay $0x2  }
0xb8: {  	s31 =	sshll.u32 s1, $0xD;
	s1 =	sshrl.u32 s1, $0x2  }
0xb9: {  	s3 =	sand.u32 $0x4000, s31;
	s1 =	sadd.s32 s1, s30  }
0xba: {  	s0 =	sor.u32 s3, s0;
	s1 =	sshll.u32 s1, $0x11  }
0xbb: {  	s0 =	sor.u32 s1, s0  }
0xbc: {  	s0 =	sadd.s32 $0x8F2B, s0  }
0xbd: {  	[sflag:s0] =	ssyncadd.remote.s32 $0x1  }
0xbe: {  	_ =	sfence.sel $0xFFFF  }
0xbf: {  	[dreg:$0x0] =	wrdreg $0xFFFFFFFF;
	(pc) =	sbr.abs _section_cstart, $3  }
0xc0: {  	[dreg:$0x1] =	wrdreg $0xFFFFFFFF  }
0xc1: {  	_ =	task.clear_ibuf [dreg:s6], $0x2FFFF;
	_ =	strace $0x9FFFFFFF  }
0xc2: {  	(tm) =	ssettm $0x7FFFFFFF  }
0xc3: {  	_ =	shalt  }
tec
execute0_lowered:
.L_overlay_start_1:
0x0: {  	(tag) =	ssettag $0x1  }
0x1: {  	s0 =	srdreg.scid;
	s5 =	rddreg [dreg:$0x0]  }
0x2: {  	s8 =	stileid.u32;
	s2 =	rddreg [dreg:$0x1]  }
0x3: {  	s3 =	simm.s32 $0x0;
	s14 =	simm.s32 $0x5000;
	s15 =	simm.s32 $0x11  }
0x4: {  	s17 =	simm.s32 $0x80;
	s28 =	simm.s32 $0x7800;
	s29 =	simm.s32 $0x3  }
0x5: {  	s30 =	simm.s32 $0x8000;
	s31 =	simm.s32 $0x4;
	s16 =	simm.s32 $0x7  }
0x6: {  	s0 =	sand.u32 $0x1, s0;
	[smem:$0x7FF] =	sst s3;
	s6 =	smul.u32 $0x2800, s8  }
0x7: {  	s1 =	sshll.u32 s0, $0x4;
	s4 =	smul.u32 $0x28000, s0;
	_ =	strace $0x8000004A  }
0x8: {  	s0 =	ssub.s32 $0x2, s0;
	s1 =	sor.u32 s8, s1;
	s8 =	smul.u32 $0xA000, s8  }
0x9: {  	s9 =	sshrl.u32 s0, $0x1;
	s21 =	sadd.s32 s6, s2;
	s1 =	smul.u32 $0x500, s1  }
0xa: {  	s7 =	sadd.s32 s6, s4;
	s4 =	sadd.s32 $0x8E800, s5;
	s0 =	ssub.s32 s0, s9  }
0xb: {  	s26 =	sshrl.u32 s21, $0x3;
	s7 =	sshrl.u32 s7, $0x3;
	s18 =	sshrl.u32 s8, $0x2  }
0xc: {  	s0 =	smax.u32 s0, $0x1;
	[dreg:$0xc] =	wrdreg s26;
	s1 =	sadd.s32 s1, s5  }
0xd: {  	s5 =	sadd.s32 s7, s5;
	s7 =	sadd.s32 s18, s2;
	[dreg:$0x7] =	wrdreg s0  }
0xe: {  	s10 =	simm.s32 $0xE;
	s19 =	sadd.s32 $0x3600, s1;
	[dreg:$0x3] =	wrdreg s7  }
0xf: {  	s11 =	simm.s32 $0xF;
	s1 =	sadd.s32 $0xD600, s1;
	[dreg:$0x4] =	wrdreg s19  }
0x10: {  	s12 =	simm.s32 $0x10;
	s20 =	sadd.s32 $0x93800, s5;
	[dreg:$0x5] =	wrdreg s1  }
0x11: {  	s26 =	simm.s32 $0x2;
	s22 =	sadd.s32 $0x800, s7;
	[dreg:$0x6] =	wrdreg s20  }
0x12: {  	s8 =	simm.s32 $0xC;
	s23 =	sadd.s32 $0x1000, s7;
	[dreg:$0x8] =	wrdreg s22  }
.Ltmp0:
0x13: {  	s24 =	sadd.s32 $0x1800, s7;
	[dreg:$0x9] =	wrdreg s23;
	(pc) =	sbr.rel .LBB2_1-.Ltmp0, $4  }
0x14: {  	s18 =	simm.s32 $0x5800;
	s25 =	sadd.s32 $0x2000, s7;
	[dreg:$0xa] =	wrdreg s24  }
0x15: {  	s0 =	simm.s32 $0x5;
	s7 =	simm.s32 $0xB;
	[dreg:$0xb] =	wrdreg s25  }
0x16: {  	s20 =	simm.s32 $0x6000;
	s22 =	simm.s32 $0x6800;
	s23 =	simm.s32 $0x1  }
0x17: {  	v0 =	vimm.f32 $0.0e+00;
	s24 =	simm.s32 $0x7000;
	s1 =	simm.s32 $0x8800;
	s19 =	simm.s32 $0x8  }
.LBB2_6:
0x18: {  	_ =	swait.ge [sflag:s19], $0x800  }
0x19: {  	[sflag:s19] =	ssyncset.done $0x0  }
0x1a: {  	s6 =	simm.s32 $0x9;
	[sflag:s19] =	ssyncadd.s32 $0xFFFFF800  }
0x1b: {  	[spmem:s2] =	stream.indirect.scatter.add.f32 [tilespmem:s1], [sflag:$0x10], $0x10, s5, s17, $0xb8;
	[tilespmem:$0xB800] =	vst v63  }
0x1c: {  	_ =	swait.ge [sflag:s6], $0x800  }
0x1d: {  	[sflag:s6] =	ssyncset.done $0x0  }
0x1e: {  	s9 =	simm.s32 $0xA;
	[sflag:s6] =	ssyncadd.s32 $0xFFFFF800  }
0x1f: {  	_ =	swait.ge [sflag:s9], $0x800  }
0x20: {  	[sflag:s9] =	ssyncset.done $0x0  }
0x21: {  	[sflag:s9] =	ssyncadd.s32 $0xFFFFF800  }
0x22: {  	_ =	swait.ge [sflag:s7], $0x800  }
0x23: {  	[sflag:s7] =	ssyncset.done $0x0  }
0x24: {  	[sflag:s7] =	ssyncadd.s32 $0xFFFFF800  }
0x25: {  	_ =	swait.ge [sflag:s8], $0x800  }
0x26: {  	[sflag:s8] =	ssyncset.done $0x0  }
0x27: {  	s13 =	simm.s32 $0xD;
	[sflag:s8] =	ssyncadd.s32 $0xFFFFF800  }
0x28: {  	_ =	swait.ge [sflag:s13], $0x800  }
0x29: {  	[sflag:s13] =	ssyncset.done $0x0  }
0x2a: {  	[sflag:s13] =	ssyncadd.s32 $0xFFFFF800  }
0x2b: {  	_ =	swait.ge [sflag:s10], $0x800  }
0x2c: {  	[sflag:s10] =	ssyncset.done $0x0  }
0x2d: {  	[sflag:s10] =	ssyncadd.s32 $0xFFFFF800  }
0x2e: {  	_ =	swait.ge [sflag:s11], $0x800  }
0x2f: {  	[sflag:s11] =	ssyncset.done $0x0  }
0x30: {  	[sflag:s11] =	ssyncadd.s32 $0xFFFFF800  }
0x31: {  	_ =	swait.ge [sflag:s12], $0x800  }
0x32: {  	[sflag:s12] =	ssyncset.done $0x0  }
0x33: {  	[sflag:s12] =	ssyncadd.s32 $0xFFFFF800  }
0x34: {  	s21 =	stileid.u32;
	[bflag:$0x0] =	sbarrier.arrive $0xFFFF  }
0x35: {  	s5 =	sshll.u32 s21, $0x6;
	s6 =	rddreg [dreg:$0x6]  }
0x36: {  	s5 =	sor.u32 $0x1C11, s5;
	s9 =	rddreg [dreg:$0xc]  }
0x37: {  	[hbm:s6], [sflag:s5] =	dma.local [spmem:s9], $0x500  }
0x38: {  	_ =	swait.ge [sflag:s15], $0x500  }
0x39: {  	s3 =	sadd.s32 $0x1, s3;
	s25 =	rddreg [dreg:$0x7]  }
0x3a: {  	p0 =	sne.s32 s3, s25  }
.Ltmp1:
0x3b: {  	_ = 	snop;
	(pc) =	sbr.rel @!p0 .LBB2_7-.Ltmp1, $3  }
0x3c: {  	_ =	sdelay $0x1  }
0x3d: {  	[sflag:s15] =	ssyncset.done $0x0  }
0x3e: {  	[sflag:s15] =	ssyncadd.s32 $0xFFFFFB00  }
.LBB2_1:
0x3f: {  	s5 =	simm.s32 $0x40;
	s13 =	simm.s32 $0x0  }
.LBB2_2:
0x40: {  	p0 =	sne.s32 s5, $0x1FC0;
	[tilespmem:s13+$0x5000] =	vst v0;
	s13 =	smov.u32 s5;
	s5 =	sadd.s32 $0x40, s5  }
.Ltmp2:
0x41: {  	(pc) =	sbr.rel @p0 .LBB2_2-.Ltmp2, $2  }
0x42: {  	_ =	sdelay $0x2  }
0x43: {  	s13 =	sshra.s32 s13, $0x2  }
0x44: {  	[tilespmem:s13+$0x5000] =	vst v0;
	s5 =	rddreg [dreg:$0x3]  }
0x45: {  	[spmem:s5] =	stream.linear.scatter [tilespmem:s14], [sflag:$0x11], $0x800, $0x38;
	[tilespmem:$0xB800] =	vst v63  }
0x46: {  	_ =	swait.ge [sflag:s15], $0x800  }
0x47: {  	[sflag:s15] =	ssyncset.done $0x0  }
0x48: {  	s9 =	rddreg [dreg:$0x8];
	[sflag:s15] =	ssyncadd.s32 $0xFFFFF800  }
0x49: {  	[spmem:s9] =	stream.linear.scatter [tilespmem:s14], [sflag:$0x11], $0x800, $0x38;
	[tilespmem:$0xB800] =	vst v63  }
0x4a: {  	_ =	swait.ge [sflag:s15], $0x800  }
0x4b: {  	[sflag:s15] =	ssyncset.done $0x0  }
0x4c: {  	s13 =	rddreg [dreg:$0x9];
	[sflag:s15] =	ssyncadd.s32 $0xFFFFF800  }
0x4d: {  	[spmem:s13] =	stream.linear.scatter [tilespmem:s14], [sflag:$0x11], $0x800, $0x38;
	[tilespmem:$0xB800] =	vst v63  }
0x4e: {  	_ =	swait.ge [sflag:s15], $0x800  }
0x4f: {  	[sflag:s15] =	ssyncset.done $0x0  }
0x50: {  	s21 =	rddreg [dreg:$0xa];
	[sflag:s15] =	ssyncadd.s32 $0xFFFFF800  }
0x51: {  	[spmem:s21] =	stream.linear.scatter [tilespmem:s14], [sflag:$0x11], $0x800, $0x38;
	[tilespmem:$0xB800] =	vst v63  }
0x52: {  	_ =	swait.ge [sflag:s15], $0x800  }
0x53: {  	[sflag:s15] =	ssyncset.done $0x0  }
0x54: {  	s25 =	rddreg [dreg:$0xb];
	[sflag:s15] =	ssyncadd.s32 $0xFFFFF800  }
0x55: {  	[spmem:s25] =	stream.linear.scatter [tilespmem:s14], [sflag:$0x11], $0x800, $0x38;
	[tilespmem:$0xB800] =	vst v63  }
0x56: {  	_ =	swait.ge [sflag:s15], $0x800  }
0x57: {  	[sflag:s15] =	ssyncset.done $0x0  }
0x58: {  	s13 =	simm.s32 $0x0;
	s6 =	rddreg [dreg:$0x4];
	[sflag:s15] =	ssyncadd.s32 $0xFFFFF800  }
0x59: {  	[tilespmem:s13], [sflag:$0x11] =	stream.linear.gather [hbm4b:s6+s13], $0x2800, $0x38;
	[tilespmem:$0xB800] =	vst v63  }
0x5a: {  	_ =	swait.ge [sflag:s15], $0x2800  }
0x5b: {  	[sflag:s15] =	ssyncset.done $0x0  }
0x5c: {  	s6 =	simm.s32 $0x2800;
	s9 =	rddreg [dreg:$0x5];
	[sflag:s15] =	ssyncadd.s32 $0xFFFFD800  }
0x5d: {  	[tilespmem:s6], [sflag:$0x11] =	stream.linear.gather [hbm4b:s9+s13], $0x2800, $0x38;
	[tilespmem:$0xB800] =	vst v63  }
0x5e: {  	_ =	swait.ge [sflag:s15], $0x2800  }
0x5f: {  	[sflag:s15] =	ssyncset.done $0x0  }
0x60: {  	[sflag:s15] =	ssyncadd.s32 $0xFFFFD800  }
0x61: {  	[bflag:$0x0] =	sbarrier.arrive $0xFFFF  }
0x62: {  	[tilespmem:s14], [sflag:$0x1] =	stream.indirect.gather [hbm4b:s4+s17], $0x10, s13, s17, $0xb8;
	[tilespmem:$0xB800] =	vst v63  }
0x63: {  	_ = 	snop  }
0x64: {  	[tilespmem:s18], [sflag:$0x2] =	stream.indirect.gather [hbm4b:s4+s17], $0x10, s17, s17, $0xb8;
	[tilespmem:$0xB800] =	vst v63  }
0x65: {  	s21 =	simm.s32 $0x100  }
0x66: {  	[tilespmem:s20], [sflag:$0x3] =	stream.indirect.gather [hbm4b:s4+s17], $0x10, s21, s17, $0xb8;
	[tilespmem:$0xB800] =	vst v63  }
0x67: {  	s25 =	simm.s32 $0x180  }
0x68: {  	[tilespmem:s22], [sflag:$0x4] =	stream.indirect.gather [hbm4b:s4+s17], $0x10, s25, s17, $0xb8;
	[tilespmem:$0xB800] =	vst v63  }
.LBB2_4:
0x69: {  	_ =	swait.ge [sflag:s23], $0x800  }
0x6a: {  	s25 =	sshra.s32 s13, $0x2;
	[sflag:s23] =	ssyncset.done $0x0  }
0x6b: {  	p0 =	seq.s32 s13, $0x0;
	s5 =	sadd.s32 $0x2800, s25;
	[sflag:s23] =	ssyncadd.s32 $0xFFFFF800  }
0x6c: {  	[spmem:s2] =	stream.indirect.scatter.add.f32 [tilespmem:s14], [sflag:$0x9], $0x10, s5, s17, $0xb8;
	[tilespmem:$0xB800] =	vst v63  }
0x6d: {  	s5 =	simm.s32 @!p0 $0xD  }
0x6e: {  	_ =	swait.ge @!p0 [sflag:s5], $0x800  }
0x6f: {  	[sflag:s5] =	ssyncset.done @!p0 $0x0  }
0x70: {  	s6 =	sadd.s32 $0x200, s25;
	[sflag:s5] =	ssyncadd.s32 @!p0 $0xFFFFF800  }
0x71: {  	[tilespmem:s24], [sflag:$0x5] =	stream.indirect.gather [hbm4b:s4+s17], $0x10, s6, s17, $0xb8;
	[tilespmem:$0xB800] =	vst v63  }
0x72: {  	_ =	swait.ge [sflag:s26], $0x800  }
0x73: {  	[sflag:s26] =	ssyncset.done $0x0  }
0x74: {  	s9 =	sadd.s32 $0x2880, s25;
	s5 =	simm.s32 @!p0 $0xE;
	[sflag:s26] =	ssyncadd.s32 $0xFFFFF800  }
0x75: {  	[spmem:s2] =	stream.indirect.scatter.add.f32 [tilespmem:s18], [sflag:$0xA], $0x10, s9, s17, $0xb8;
	[tilespmem:$0xB800] =	vst v63  }
0x76: {  	_ =	swait.ge @!p0 [sflag:s5], $0x800  }
0x77: {  	[sflag:s5] =	ssyncset.done @!p0 $0x0  }
0x78: {  	s21 =	sadd.s32 $0x280, s25;
	[sflag:s5] =	ssyncadd.s32 @!p0 $0xFFFFF800  }
0x79: {  	[tilespmem:s28], [sflag:$0x6] =	stream.indirect.gather [hbm4b:s4+s17], $0x10, s21, s17, $0xb8;
	[tilespmem:$0xB800] =	vst v63  }
0x7a: {  	_ =	swait.ge [sflag:s29], $0x800  }
0x7b: {  	[sflag:s29] =	ssyncset.done $0x0  }
0x7c: {  	s6 =	sadd.s32 $0x2900, s25;
	s5 =	simm.s32 @!p0 $0xF;
	[sflag:s29] =	ssyncadd.s32 $0xFFFFF800  }
0x7d: {  	[spmem:s2] =	stream.indirect.scatter.add.f32 [tilespmem:s20], [sflag:$0xB], $0x10, s6, s17, $0xb8;
	[tilespmem:$0xB800] =	vst v63  }
0x7e: {  	_ =	swait.ge @!p0 [sflag:s5], $0x800  }
0x7f: {  	[sflag:s5] =	ssyncset.done @!p0 $0x0  }
0x80: {  	s9 =	sadd.s32 $0x300, s25;
	[sflag:s5] =	ssyncadd.s32 @!p0 $0xFFFFF800  }
0x81: {  	[tilespmem:s30], [sflag:$0x7] =	stream.indirect.gather [hbm4b:s4+s17], $0x10, s9, s17, $0xb8;
	[tilespmem:$0xB800] =	vst v63  }
0x82: {  	_ =	swait.ge [sflag:s31], $0x800  }
0x83: {  	[sflag:s31] =	ssyncset.done $0x0  }
0x84: {  	s21 =	sadd.s32 $0x2980, s25;
	s5 =	simm.s32 @!p0 $0x10;
	[sflag:s31] =	ssyncadd.s32 $0xFFFFF800  }
0x85: {  	[spmem:s2] =	stream.indirect.scatter.add.f32 [tilespmem:s22], [sflag:$0xC], $0x10, s21, s17, $0xb8;
	[tilespmem:$0xB800] =	vst v63  }
0x86: {  	_ =	swait.ge @!p0 [sflag:s5], $0x800  }
0x87: {  	[sflag:s5] =	ssyncset.done @!p0 $0x0  }
0x88: {  	s6 =	sadd.s32 $0x380, s25;
	[sflag:s5] =	ssyncadd.s32 @!p0 $0xFFFFF800  }
0x89: {  	[tilespmem:s1], [sflag:$0x8] =	stream.indirect.gather [hbm4b:s4+s17], $0x10, s6, s17, $0xb8;
	[tilespmem:$0xB800] =	vst v63  }
0x8a: {  	_ =	swait.ge [sflag:s0], $0x800  }
0x8b: {  	p0 =	seq.s32 s13, $0x9000;
	[sflag:s0] =	ssyncset.done $0x0  }
0x8c: {  	s9 =	sadd.s32 $0x2A00, s25;
	s5 =	simm.s32 @p0 $0x6;
	[sflag:s0] =	ssyncadd.s32 $0xFFFFF800  }
0x8d: {  	[spmem:s2] =	stream.indirect.scatter.add.f32 [tilespmem:s24], [sflag:$0xD], $0x10, s9, s17, $0xb8;
	[tilespmem:$0xB800] =	vst v63  }
0x8e: {  	_ =	swait.ge @p0 [sflag:s5], $0x800  }
0x8f: {  	[sflag:s5] =	ssyncset.done @p0 $0x0  }
0x90: {  	[sflag:s5] =	ssyncadd.s32 @p0 $0xFFFFF800;
	s5 =	sshra.s32 @p0 s13, $0x2  }
0x91: {  	s21 =	simm.s32 @p0 $0x80;
	s6 =	simm.s32 @p0 $0x7800;
	s5 =	sadd.s32 @p0 $0x2A80, s5  }
0x92: {  	[spmem:s2] =	stream.indirect.scatter.add.f32 @p0 [tilespmem:s6], [sflag:$0xE], $0x10, s5, s21, $0xb8;
	[tilespmem:$0xB800] =	vst v63  }
0x93: {  	s5 =	simm.s32 @!p0 $0x9  }
0x94: {  	_ =	swait.ge @!p0 [sflag:s5], $0x800  }
0x95: {  	[sflag:s5] =	ssyncset.done @!p0 $0x0  }
0x96: {  	[sflag:s5] =	ssyncadd.s32 @!p0 $0xFFFFF800;
	s5 =	sshra.s32 @!p0 s13, $0x2  }
0x97: {  	s9 =	simm.s32 @!p0 $0x5000;
	s21 =	simm.s32 @!p0 $0x80;
	s6 =	sadd.s32 @!p0 $0x400, s5  }
0x98: {  	[tilespmem:s9], [sflag:$0x1] =	stream.indirect.gather @!p0 [hbm4b:s4+s21], $0x10, s6, s21, $0xb8;
	[tilespmem:$0xB800] =	vst v63  }
0x99: {  	s6 =	simm.s32 @!p0 $0x6  }
0x9a: {  	_ =	swait.ge @!p0 [sflag:s6], $0x800  }
0x9b: {  	[sflag:s6] =	ssyncset.done @!p0 $0x0  }
0x9c: {  	s9 =	simm.s32 @!p0 $0x7800;
	[sflag:s6] =	ssyncadd.s32 @!p0 $0xFFFFF800;
	s6 =	sadd.s32 @!p0 $0x2A80, s5  }
0x9d: {  	[spmem:s2] =	stream.indirect.scatter.add.f32 @!p0 [tilespmem:s9], [sflag:$0xE], $0x10, s6, s21, $0xb8;
	[tilespmem:$0xB800] =	vst v63  }
0x9e: {  	s6 =	simm.s32 @!p0 $0xA  }
0x9f: {  	_ =	swait.ge @!p0 [sflag:s6], $0x800  }
0xa0: {  	[sflag:s6] =	ssyncset.done @!p0 $0x0  }
0xa1: {  	s5 =	sadd.s32 @!p0 $0x480, s5;
	[sflag:s6] =	ssyncadd.s32 @!p0 $0xFFFFF800;
	s6 =	simm.s32 @!p0 $0x5800  }
0xa2: {  	[tilespmem:s6], [sflag:$0x2] =	stream.indirect.gather @!p0 [hbm4b:s4+s21], $0x10, s5, s21, $0xb8;
	[tilespmem:$0xB800] =	vst v63  }
.Ltmp3:
0xa3: {  	_ = 	snop;
	(pc) =	sbr.rel @p0 .LBB2_6-.Ltmp3, $4  }
0xa4: {  	_ =	swait.ge [sflag:s16], $0x800  }
0xa5: {  	[sflag:s16] =	ssyncset.done $0x0  }
0xa6: {  	s21 =	sadd.s32 $0x2B00, s25;
	s5 =	sadd.s32 $0x2B80, s25;
	[sflag:s16] =	ssyncadd.s32 $0xFFFFF800  }
0xa7: {  	[spmem:s2] =	stream.indirect.scatter.add.f32 [tilespmem:s30], [sflag:$0xF], $0x10, s21, s17, $0xb8;
	[tilespmem:$0xB800] =	vst v63  }
0xa8: {  	_ =	swait.ge [sflag:s7], $0x800  }
0xa9: {  	[sflag:s7] =	ssyncset.done $0x0  }
0xaa: {  	s6 =	sadd.s32 $0x500, s25;
	[sflag:s7] =	ssyncadd.s32 $0xFFFFF800  }
0xab: {  	[tilespmem:s20], [sflag:$0x3] =	stream.indirect.gather [hbm4b:s4+s17], $0x10, s6, s17, $0xb8;
	[tilespmem:$0xB800] =	vst v63  }
0xac: {  	_ =	swait.ge [sflag:s19], $0x800  }
0xad: {  	[sflag:s19] =	ssyncset.done $0x0  }
0xae: {  	[sflag:s19] =	ssyncadd.s32 $0xFFFFF800  }
0xaf: {  	[spmem:s2] =	stream.indirect.scatter.add.f32 [tilespmem:s1], [sflag:$0x10], $0x10, s5, s17, $0xb8;
	[tilespmem:$0xB800] =	vst v63  }
.Ltmp4:
0xb0: {  	_ = 	snop;
	(pc) =	sbr.rel .LBB2_4-.Ltmp4, $4  }
0xb1: {  	_ =	swait.ge [sflag:s8], $0x800  }
0xb2: {  	[sflag:s8] =	ssyncset.done $0x0  }
0xb3: {  	s25 =	sadd.s32 $0x580, s25;
	s13 =	sadd.s32 $0x1000, s13;
	[sflag:s8] =	ssyncadd.s32 $0xFFFFF800  }
0xb4: {  	[tilespmem:s22], [sflag:$0x4] =	stream.indirect.gather [hbm4b:s4+s17], $0x10, s25, s17, $0xb8;
	[tilespmem:$0xB800] =	vst v63  }
.LBB2_7:
0xb5: {  	_ =	sfence.sel $0x180000  }
0xb6: {  	[bflag:$0x0] =	sbarrier.arrive $0xFFFF  }
0xb7: {  	_ =	strace $0x9000004A  }
0xb8: {  	s0 =	stileid.u32;
	[bflag:$0x2] =	sbarrier.arrive $0xFFFF  }
0xb9: {  	p0 =	sne.s32 s0, $0x0;
	s0 =	rddreg [dreg:$0x2]  }
0xba: {  	s0 =	sadd.s32 @!p0 $0x100000, s0  }
0xbb: {  	[sflag:s0] =	ssyncadd.tile.s32 @!p0 $0x1;
	_ =	shalt  }
.Lfunc_end2:
_tile_overlayer_lowered:
.L_overlay_start_2:
0xbc: {  	(tag) =	ssettag $0x2  }
0xbd: {  	s0 =	rddreg [dreg:$0x0];
	s2 =	stileid.u32  }
0xbe: {  	s1 =	rddreg [dreg:$0x1];
	p0 =	sne.s32 s2, $0x0  }
0xbf: {  	s3 =	rddreg [dreg:$0x2];
	[bflag:$0x3] =	sbarrier.arrive $0xFFFF;
	s2 =	simm.s32 @!p0 $0x1C11  }
0xc0: {  	[timem:s3], [sflag:s2] =	dma.local @!p0 [hbm:s0], s1  }
0xc1: {  	s0 =	simm.s32 @!p0 $0x11  }
0xc2: {  	_ =	swait.ge @!p0 [sflag:s0], s1  }
0xc3: {  	s1 =	ssub.s32 @!p0 $0x0, s1;
	[sflag:s0] =	ssyncset.done @!p0 $0x0  }
0xc4: {  	[sflag:s0] =	ssyncadd.s32 @!p0 s1  }
0xc5: {  	[bflag:$0x3] =	sbarrier.arrive $0xFFFF  }
0xc6: {  	_ =	shalt  }

// kernel: kernel.16.cloned.1.call-start
scs
__scs_entry_jumppad:
0x0: {  	(pc) =	sbr.rel $0x88, $3  }
0x1: {  	(tag) =	ssettag $0x0;
	lr =	simm.s32 $0x1  }
0x2: {  	[smem:$0x3F92] =	sst lr;
	_ =	strace $0xD0000000  }
0x3: {  	_ = 	snop  }
0x4: {  	_ = 	snop  }
0x5: {  	_ = 	snop  }
0x6: {  	_ = 	snop  }
0x7: {  	_ = 	snop  }
__scs_overlays_trampoline_lowered:
0x8: {  	[smem:$0x3FA1] =	sst s0  }
0x9: {  	[smem:$0x3FA2] =	sst s1  }
0xa: {  	[smem:$0x3FA3] =	sst s2  }
0xb: {  	[smem:$0x3FA4] =	sst s3  }
0xc: {  	[smem:$0x3FA5] =	sst s4  }
0xd: {  	[smem:$0x3FA6] =	sst s5  }
0xe: {  	[smem:$0x3FA7] =	sst s6  }
0xf: {  	[smem:$0x3FA8] =	sst s7  }
0x10: {  	[smem:$0x3FA9] =	sst s8  }
0x11: {  	[smem:$0x3FAA] =	sst s9;
	s0 =	simm.s32 @!p0 $0x0  }
0x12: {  	s1 =	sld [smem:$0x3F90];
	s0 =	simm.s32 @p0 $0x1  }
0x13: {  	[smem:$0x3FAB] =	sst s0;
	s0 =	simm.s32 @!p1 $0x0  }
0x14: {  	s2 =	sld [smem:$0x3F8F];
	s0 =	simm.s32 @p1 $0x1  }
0x15: {  	[smem:$0x3FAC] =	sst s0;
	s0 =	simm.s32 @!p2 $0x0  }
0x16: {  	s3 =	sld [smem:$0x3FDB];
	s0 =	simm.s32 @p2 $0x1  }
0x17: {  	s4 =	simm.s32 $0x1BF5;
	[smem:$0x3FAE] =	sst s0  }
0x18: {  	s0 =	sld [smem:$0x3F91];
	_ =	swait.ge [sflag:s4], $0x0  }
0x19: {  	s7 =	sld [smem:$0x3F92]  }
0x1a: {  	s8 =	sadd.s32 $0xFFFFE003, lr  }
0x1b: {  	s9 =	sadd.s32 $0xFFFFFEF7, lr;
	s5 =	simm.s32 $0xFFFFFFFF;
	p2 =	slt.u32 s8, $0xFFFFF086  }
0x1c: {  	p1 =	slt.u32 s9, $0xF7A;
	s5 =	simm.s32 @!p2 $0x0  }
0x1d: {  	s5 =	simm.s32 @p1 $0x1;
	p0 =	seq.s32 s7, s2  }
0x1e: {  	s7 =	smul.u32 @!p0 $0xF7A, s2;
	p2 =	seq.s32 @!p0 s5, $0x0  }
0x1f: {  	s9 =	smul.u32 $0xF7A, s1;
	s8 =	simm.s32 @!p0 $0x1BF5;
	p2 =	por !p2, p0  }
0x20: {  	[sflag:s8] =	ssyncset.s32 @!p0 $0xFFFFF086;
	s6 =	sadd.s32 @!p0 s3, s7;
	s7 =	simm.s32 @!p0 $0x108  }
0x21: {  	s3 =	sadd.s32 s3, s9;
	s6 =	sadd.s32 @!p0 $0x88, s6;
	s7 =	simm.s32 @p2 $0x1082  }
0x22: {  	[simem:s7], [sflag:s8] =	dma.local @!p0 [hbm:s6], $0xF7A  }
0x23: {  	s9 =	sor.u32 $0xD0000000, s2;
	s6 =	simm.s32 $0x108;
	_ =	swait.ge @!p0 [sflag:s8], $0x0  }
0x24: {  	s3 =	sadd.s32 $0x88, s3;
	s6 =	simm.s32 @!p1 $0x1082;
	[sflag:s4] =	ssyncset.s32 $0xFFFFF086  }
0x25: {  	[simem:s6], [sflag:s4] =	dma.local [hbm:s3], $0xF7A  }
0x26: {  	[smem:$0x3F92] =	sst s1;
	(tag) =	ssettag s2;
	_ =	strace s9  }
0x27: {  	s1 =	sld [smem:$0x3FA2]  }
0x28: {  	s2 =	sld [smem:$0x3FA3]  }
0x29: {  	s4 =	sld [smem:$0x3FA5]  }
0x2a: {  	p0 =	seq.s32 s5, $0x0;
	s5 =	sld [smem:$0x3FA6]  }
0x2b: {  	s6 =	sld [smem:$0x3FA7]  }
0x2c: {  	s7 =	sld [smem:$0x3FA8]  }
0x2d: {  	s3 =	simm.s32 $0x108;
	s8 =	sld [smem:$0x3FA9]  }
0x2e: {  	s3 =	simm.s32 @!p0 $0x1082;
	s9 =	sld [smem:$0x3FAA]  }
0x2f: {  	lr =	sadd.s32 s0, s3;
	s0 =	sld [smem:$0x3FA1]  }
0x30: {  	s3 =	sld [smem:$0x3FA4]  }
0x31: {  	[smem:$0x3FAD] =	sst s10  }
0x32: {  	s10 =	sld [smem:$0x3FAB];
	_ =	sdelay $0x3  }
0x33: {  	p0 =	seq.s32 s10, $0x1;
	s10 =	sld [smem:$0x3FAD];
	_ =	sdelay $0x3  }
0x34: {  	[smem:$0x3FAD] =	sst s10  }
0x35: {  	s10 =	sld [smem:$0x3FAC];
	_ =	sdelay $0x3  }
0x36: {  	p1 =	seq.s32 s10, $0x1;
	s10 =	sld [smem:$0x3FAD];
	_ =	sdelay $0x3  }
0x37: {  	[smem:$0x3FAD] =	sst s10  }
0x38: {  	s10 =	sld [smem:$0x3FAE]  }
0x39: {  	_ = 	snop;
	(pc) =	sbr.ind lr, $3  }
0x3a: {  	_ = 	snop  }
0x3b: {  	_ = 	snop  }
0x3c: {  	p2 =	seq.s32 s10, $0x1;
	s10 =	sld [smem:$0x3FAD]  }
0x3d: {  	_ =	shalt  }
0x3e: {  	_ =	shalt  }
0x3f: {  	_ =	shalt  }
0x40: {  	_ =	shalt  }
0x41: {  	_ =	shalt  }
0x42: {  	_ =	shalt  }
0x43: {  	_ =	shalt  }
0x44: {  	_ =	shalt  }
0x45: {  	_ =	shalt  }
0x46: {  	_ =	shalt  }
0x47: {  	_ =	shalt  }
0x48: {  	_ =	shalt  }
0x49: {  	_ =	shalt  }
0x4a: {  	_ =	shalt  }
0x4b: {  	_ =	shalt  }
0x4c: {  	_ =	shalt  }
0x4d: {  	_ =	shalt  }
0x4e: {  	_ =	shalt  }
0x4f: {  	_ =	shalt  }
0x50: {  	_ =	shalt  }
0x51: {  	_ =	shalt  }
0x52: {  	_ =	shalt  }
0x53: {  	_ =	shalt  }
0x54: {  	_ =	shalt  }
0x55: {  	_ =	shalt  }
0x56: {  	_ =	shalt  }
0x57: {  	_ =	shalt  }
0x58: {  	_ =	shalt  }
0x59: {  	_ =	shalt  }
0x5a: {  	_ =	shalt  }
0x5b: {  	_ =	shalt  }
0x5c: {  	_ =	shalt  }
0x5d: {  	_ =	shalt  }
0x5e: {  	_ =	shalt  }
0x5f: {  	_ =	shalt  }
0x60: {  	_ =	shalt  }
0x61: {  	_ =	shalt  }
0x62: {  	_ =	shalt  }
0x63: {  	_ =	shalt  }
0x64: {  	_ =	shalt  }
0x65: {  	_ =	shalt  }
0x66: {  	_ =	shalt  }
0x67: {  	_ =	shalt  }
0x68: {  	_ =	shalt  }
0x69: {  	_ =	shalt  }
0x6a: {  	_ =	shalt  }
0x6b: {  	_ =	shalt  }
0x6c: {  	_ =	shalt  }
0x6d: {  	_ =	shalt  }
0x6e: {  	_ =	shalt  }
0x6f: {  	_ =	shalt  }
0x70: {  	_ =	shalt  }
0x71: {  	_ =	shalt  }
0x72: {  	_ =	shalt  }
0x73: {  	_ =	shalt  }
0x74: {  	_ =	shalt  }
0x75: {  	_ =	shalt  }
0x76: {  	_ =	shalt  }
0x77: {  	_ =	shalt  }
0x78: {  	_ =	shalt  }
0x79: {  	_ =	shalt  }
0x7a: {  	_ =	shalt  }
0x7b: {  	_ =	shalt  }
0x7c: {  	_ =	shalt  }
0x7d: {  	_ =	shalt  }
0x7e: {  	_ =	shalt  }
0x7f: {  	_ =	shalt  }
0x80: {  	_ =	shalt  }
0x81: {  	_ =	shalt  }
0x82: {  	_ =	shalt  }
0x83: {  	_ =	shalt  }
0x84: {  	_ =	shalt  }
0x85: {  	_ =	shalt  }
0x86: {  	_ =	shalt  }
0x87: {  	_ =	shalt  }
.Lfunc_end0:
.L_simem_size_0:
called_computation.2_lowered:
.L_overlay_start_0:
0x88: {  	s2 =	sld [smem:$0x3FD9]  }
0x89: {  	s3 =	sld [smem:$0x3FFE];
	_ =	sdelay $0x1  }
0x8a: {  	s1 =	srdreg.scid  }
0x8b: {  	s0 =	sand.u32 $0x1, s1  }
0x8c: {  	s16 =	sshll.u32 s0, $0xA;
	s2 =	sadd.s32 s3, s2  }
0x8d: {  	s2 =	sadd.s32 s2, s16  }
0x8e: {  	[smem:$0x3FB9] =	sst s2  }
0x8f: {  	_ = 	snop  }
0x90: {  	(tm) =	ssettm $0x1  }
0x91: {  	s17 =	sld [smem:$0x3FFB];
	_ =	sdelay $0x3  }
0x92: {  	_ =	strace s17  }
0x93: {  	s2 =	sld [smem:$0x3FFC];
	_ =	sdelay $0x3  }
0x94: {  	_ =	strace s2  }
0x95: {  	s2 =	sld [smem:$0x3FFD];
	_ =	sdelay $0x3  }
0x96: {  	_ =	strace s2  }
0x97: {  	_ =	strace $0x8FFFFFFF  }
0x98: {  	s18 =	sld [smem:$0x3FDB];
	_ =	sdelay $0x1  }
0x99: {  	s19 =	simm.s32 $_scs_section_size  }
0x9a: {  	s4 =	simm.s32 $_size__tile_overlayer_lowered;
	s5 =	simm.s32 $_tile_overlayer_lowered  }
0x9b: {  	s22 =	simm.s32 $0x1BFF;
	s21 =	sshll.u32 s5, $0x1;
	s2 =	sadd.s32 s19, s18  }
0x9c: {  	s6 =	simm.s32 $0x0;
	s20 =	sshll.u32 s4, $0x1;
	s4 =	sadd.s32 s21, s2  }
0x9d: {  	[timem:s6], [sflag:s22] =	dma.local [hbm:s4], s20  }
0x9e: {  	_ =	swait.ge [sflag:s22], s20  }
0x9f: {  	s3 =	ssub.s32 $0x0, s20;
	[sflag:s22] =	ssyncset.done $0x0  }
0xa0: {  	[sflag:s22] =	ssyncadd.s32 s3;
	_ =	sdelay $0x1  }
0xa1: {  	s23 =	simm.s32 $0x1B8B  }
0xa2: {  	_ =	swait.ge [sflag:s23], $0x1  }
0xa3: {  	[sflag:s23] =	ssyncset.done $0x0  }
0xa4: {  	s25 =	simm.s32 $0x1B8E;
	s24 =	sld [smem:$0x3FFE];
	[sflag:s23] =	ssyncadd.s32 $0xFFFFFFFF  }
0xa5: {  	s26 =	simm.s32 $execute0_lowered;
	[smem:$0x3FD2] =	sst s25  }
0xa6: {  	s4 =	sshll.u32 s26, $0x1;
	_ =	strace $0x8000004C;
	[dreg:$0x1] =	wrdreg $0xFFFFFFFF  }
0xa7: {  	s28 =	simm.s32 $_size_execute0_lowered;
	s2 =	sadd.s32 s2, s4;
	[dreg:$0x0] =	wrdreg $0x0  }
0xa8: {  	s4 =	sshll.u32 s28, $0x1;
	[dreg:$0x2] =	wrdreg s2  }
0xa9: {  	[dreg:$0x3] =	wrdreg s4  }
0xaa: {  	[dreg:$0x4] =	wrdreg $0xC0  }
0xab: {  	_ =	task [dreg:s6], $0x5FFFF  }
0xac: {  	[dreg:$0x1] =	wrdreg $0xFFFFFFFF  }
0xad: {  	[dreg:$0x0] =	wrdreg $0x60  }
0xae: {  	[dreg:$0x2] =	wrdreg s24  }
0xaf: {  	[dreg:$0x3] =	wrdreg $0x150000  }
0xb0: {  	[dreg:$0x4] =	wrdreg $0x9  }
0xb1: {  	_ =	task.clear_ibuf [dreg:s6], $0x5FFFF;
	_ =	strace $0x9000004C  }
0xb2: {  	s29 =	simm.s32 $0x9;
	_ =	strace $0x8000004E  }
0xb3: {  	_ =	swait.ge [sflag:s29], $0x1  }
0xb4: {  	[sflag:s29] =	ssyncadd.s32 $0xFFFFFFFF  }
0xb5: {  	_ =	strace $0x9000004E  }
0xb6: {  	_ =	sfence  }
0xb7: {  	s30 =	sld [smem:$0x0];
	_ =	sdelay $0x2  }
0xb8: {  	s31 =	sshll.u32 s1, $0xD;
	s1 =	sshrl.u32 s1, $0x2  }
0xb9: {  	s3 =	sand.u32 $0x4000, s31;
	s1 =	sadd.s32 s1, s30  }
0xba: {  	s0 =	sor.u32 s3, s0;
	s1 =	sshll.u32 s1, $0x11  }
0xbb: {  	s0 =	sor.u32 s1, s0  }
0xbc: {  	s0 =	sadd.s32 $0x8F2B, s0  }
0xbd: {  	[sflag:s0] =	ssyncadd.remote.s32 $0x1  }
0xbe: {  	_ =	sfence.sel $0xFFFF  }
0xbf: {  	[dreg:$0x0] =	wrdreg $0xFFFFFFFF;
	(pc) =	sbr.abs _section_cstart, $3  }
0xc0: {  	[dreg:$0x1] =	wrdreg $0xFFFFFFFF  }
0xc1: {  	_ =	task.clear_ibuf [dreg:s6], $0x2FFFF;
	_ =	strace $0x9FFFFFFF  }
0xc2: {  	(tm) =	ssettm $0x7FFFFFFF  }
0xc3: {  	_ =	shalt  }
tec
execute0_lowered:
.L_overlay_start_1:
0x0: {  	(tag) =	ssettag $0x1  }
0x1: {  	s0 =	srdreg.scid;
	s5 =	rddreg [dreg:$0x0]  }
0x2: {  	s8 =	stileid.u32;
	s2 =	rddreg [dreg:$0x1]  }
0x3: {  	s3 =	simm.s32 $0x0;
	s14 =	simm.s32 $0x5000;
	s15 =	simm.s32 $0x11  }
0x4: {  	s17 =	simm.s32 $0x80;
	s28 =	simm.s32 $0xF000;
	s29 =	simm.s32 $0x3  }
0x5: {  	s30 =	simm.s32 $0x11000;
	s31 =	simm.s32 $0x4;
	s16 =	simm.s32 $0x7  }
0x6: {  	s0 =	sand.u32 $0x1, s0;
	[smem:$0x7FF] =	sst s3;
	s6 =	smul.u32 $0xA000, s8  }
0x7: {  	s1 =	sshll.u32 s0, $0x4;
	s4 =	smul.u32 $0xA0000, s0;
	_ =	strace $0x8000004D  }
0x8: {  	s0 =	ssub.s32 $0x2, s0;
	s1 =	sor.u32 s8, s1;
	s8 =	smul.u32 $0x28000, s8  }
0x9: {  	s9 =	sshrl.u32 s0, $0x1;
	s21 =	sadd.s32 s6, s2;
	s1 =	smul.u32 $0x500, s1  }
0xa: {  	s7 =	sadd.s32 s6, s4;
	s4 =	sadd.s32 $0x67600, s5;
	s0 =	ssub.s32 s0, s9  }
0xb: {  	s26 =	sshrl.u32 s21, $0x3;
	s7 =	sshrl.u32 s7, $0x3;
	s18 =	sshrl.u32 s8, $0x2  }
0xc: {  	s0 =	smax.u32 s0, $0x1;
	[dreg:$0xc] =	wrdreg s26;
	s1 =	sadd.s32 s1, s5  }
0xd: {  	s5 =	sadd.s32 s7, s5;
	s7 =	sadd.s32 s18, s2;
	[dreg:$0x7] =	wrdreg s0  }
0xe: {  	s10 =	simm.s32 $0xE;
	s19 =	sadd.s32 $0x3600, s1;
	[dreg:$0x3] =	wrdreg s7  }
0xf: {  	s11 =	simm.s32 $0xF;
	s1 =	sadd.s32 $0xD600, s1;
	[dreg:$0x4] =	wrdreg s19  }
0x10: {  	s12 =	simm.s32 $0x10;
	s20 =	sadd.s32 $0x7B000, s5;
	[dreg:$0x5] =	wrdreg s1  }
0x11: {  	s26 =	simm.s32 $0x2;
	s22 =	sadd.s32 $0x2000, s7;
	[dreg:$0x6] =	wrdreg s20  }
0x12: {  	s8 =	simm.s32 $0xC;
	s23 =	sadd.s32 $0x4000, s7;
	[dreg:$0x8] =	wrdreg s22  }
.Ltmp0:
0x13: {  	s24 =	sadd.s32 $0x6000, s7;
	[dreg:$0x9] =	wrdreg s23;
	(pc) =	sbr.rel .LBB2_1-.Ltmp0, $4  }
0x14: {  	s18 =	simm.s32 $0x7000;
	s25 =	sadd.s32 $0x8000, s7;
	[dreg:$0xa] =	wrdreg s24  }
0x15: {  	s0 =	simm.s32 $0x5;
	s7 =	simm.s32 $0xB;
	[dreg:$0xb] =	wrdreg s25  }
0x16: {  	s20 =	simm.s32 $0x9000;
	s22 =	simm.s32 $0xB000;
	s23 =	simm.s32 $0x1  }
0x17: {  	v0 =	vimm.f32 $0.0e+00;
	s24 =	simm.s32 $0xD000;
	s1 =	simm.s32 $0x13000;
	s19 =	simm.s32 $0x8  }
.LBB2_6:
0x18: {  	_ =	swait.ge [sflag:s19], $0x2000  }
0x19: {  	[sflag:s19] =	ssyncset.done $0x0  }
0x1a: {  	s6 =	simm.s32 $0x9;
	[sflag:s19] =	ssyncadd.s32 $0xFFFFE000  }
0x1b: {  	[spmem:s2] =	stream.indirect.scatter.add.f32 [tilespmem:s1], [sflag:$0x10], $0x40, s5, s17, $0xb8;
	[tilespmem:$0x1F000] =	vst v63  }
0x1c: {  	_ =	swait.ge [sflag:s6], $0x2000  }
0x1d: {  	[sflag:s6] =	ssyncset.done $0x0  }
0x1e: {  	s9 =	simm.s32 $0xA;
	[sflag:s6] =	ssyncadd.s32 $0xFFFFE000  }
0x1f: {  	_ =	swait.ge [sflag:s9], $0x2000  }
0x20: {  	[sflag:s9] =	ssyncset.done $0x0  }
0x21: {  	[sflag:s9] =	ssyncadd.s32 $0xFFFFE000  }
0x22: {  	_ =	swait.ge [sflag:s7], $0x2000  }
0x23: {  	[sflag:s7] =	ssyncset.done $0x0  }
0x24: {  	[sflag:s7] =	ssyncadd.s32 $0xFFFFE000  }
0x25: {  	_ =	swait.ge [sflag:s8], $0x2000  }
0x26: {  	[sflag:s8] =	ssyncset.done $0x0  }
0x27: {  	s13 =	simm.s32 $0xD;
	[sflag:s8] =	ssyncadd.s32 $0xFFFFE000  }
0x28: {  	_ =	swait.ge [sflag:s13], $0x2000  }
0x29: {  	[sflag:s13] =	ssyncset.done $0x0  }
0x2a: {  	[sflag:s13] =	ssyncadd.s32 $0xFFFFE000  }
0x2b: {  	_ =	swait.ge [sflag:s10], $0x2000  }
0x2c: {  	[sflag:s10] =	ssyncset.done $0x0  }
0x2d: {  	[sflag:s10] =	ssyncadd.s32 $0xFFFFE000  }
0x2e: {  	_ =	swait.ge [sflag:s11], $0x2000  }
0x2f: {  	[sflag:s11] =	ssyncset.done $0x0  }
0x30: {  	[sflag:s11] =	ssyncadd.s32 $0xFFFFE000  }
0x31: {  	_ =	swait.ge [sflag:s12], $0x2000  }
0x32: {  	[sflag:s12] =	ssyncset.done $0x0  }
0x33: {  	[sflag:s12] =	ssyncadd.s32 $0xFFFFE000  }
0x34: {  	s21 =	stileid.u32;
	[bflag:$0x0] =	sbarrier.arrive $0xFFFF  }
0x35: {  	s5 =	sshll.u32 s21, $0x6;
	s6 =	rddreg [dreg:$0x6]  }
0x36: {  	s5 =	sor.u32 $0x1C11, s5;
	s9 =	rddreg [dreg:$0xc]  }
0x37: {  	[hbm:s6], [sflag:s5] =	dma.local [spmem:s9], $0x1400  }
0x38: {  	_ =	swait.ge [sflag:s15], $0x1400  }
0x39: {  	s3 =	sadd.s32 $0x1, s3;
	s25 =	rddreg [dreg:$0x7]  }
0x3a: {  	p0 =	sne.s32 s3, s25  }
.Ltmp1:
0x3b: {  	_ = 	snop;
	(pc) =	sbr.rel @!p0 .LBB2_7-.Ltmp1, $3  }
0x3c: {  	_ =	sdelay $0x1  }
0x3d: {  	[sflag:s15] =	ssyncset.done $0x0  }
0x3e: {  	[sflag:s15] =	ssyncadd.s32 $0xFFFFEC00  }
.LBB2_1:
0x3f: {  	s25 =	simm.s32 $0x100;
	s13 =	simm.s32 $0x0  }
.LBB2_2:
0x40: {  	p0 =	sne.s32 s25, $0x7F00;
	[tilespmem:s13+$0x5030] =	vst v0;
	s5 =	smov.u32 s25;
	s25 =	sadd.s32 $0x100, s25  }
.Ltmp2:
0x41: {  	[tilespmem:s13+$0x5020] =	vst v0;
	(pc) =	sbr.rel @p0 .LBB2_2-.Ltmp2, $3  }
0x42: {  	[tilespmem:s13+$0x5000] =	vst v0  }
0x43: {  	[tilespmem:s13+$0x5010] =	vst v0;
	_ =	sdelay $0x1  }
0x44: {  	s13 =	sshra.s32 s5, $0x2  }
0x45: {  	[tilespmem:s13+$0x5030] =	vst v0  }
0x46: {  	[tilespmem:s13+$0x5020] =	vst v0  }
0x47: {  	[tilespmem:s13+$0x5000] =	vst v0  }
0x48: {  	[tilespmem:s13+$0x5010] =	vst v0;
	s5 =	rddreg [dreg:$0x3]  }
0x49: {  	[spmem:s5] =	stream.linear.scatter [tilespmem:s14], [sflag:$0x11], $0x2000, $0x38;
	[tilespmem:$0x1F000] =	vst v63  }
0x4a: {  	_ =	swait.ge [sflag:s15], $0x2000  }
0x4b: {  	[sflag:s15] =	ssyncset.done $0x0  }
0x4c: {  	s9 =	rddreg [dreg:$0x8];
	[sflag:s15] =	ssyncadd.s32 $0xFFFFE000  }
0x4d: {  	[spmem:s9] =	stream.linear.scatter [tilespmem:s14], [sflag:$0x11], $0x2000, $0x38;
	[tilespmem:$0x1F000] =	vst v63  }
0x4e: {  	_ =	swait.ge [sflag:s15], $0x2000  }
0x4f: {  	[sflag:s15] =	ssyncset.done $0x0  }
0x50: {  	s13 =	rddreg [dreg:$0x9];
	[sflag:s15] =	ssyncadd.s32 $0xFFFFE000  }
0x51: {  	[spmem:s13] =	stream.linear.scatter [tilespmem:s14], [sflag:$0x11], $0x2000, $0x38;
	[tilespmem:$0x1F000] =	vst v63  }
0x52: {  	_ =	swait.ge [sflag:s15], $0x2000  }
0x53: {  	[sflag:s15] =	ssyncset.done $0x0  }
0x54: {  	s21 =	rddreg [dreg:$0xa];
	[sflag:s15] =	ssyncadd.s32 $0xFFFFE000  }
0x55: {  	[spmem:s21] =	stream.linear.scatter [tilespmem:s14], [sflag:$0x11], $0x2000, $0x38;
	[tilespmem:$0x1F000] =	vst v63  }
0x56: {  	_ =	swait.ge [sflag:s15], $0x2000  }
0x57: {  	[sflag:s15] =	ssyncset.done $0x0  }
0x58: {  	s25 =	rddreg [dreg:$0xb];
	[sflag:s15] =	ssyncadd.s32 $0xFFFFE000  }
0x59: {  	[spmem:s25] =	stream.linear.scatter [tilespmem:s14], [sflag:$0x11], $0x2000, $0x38;
	[tilespmem:$0x1F000] =	vst v63  }
0x5a: {  	_ =	swait.ge [sflag:s15], $0x2000  }
0x5b: {  	[sflag:s15] =	ssyncset.done $0x0  }
0x5c: {  	s13 =	simm.s32 $0x0;
	s6 =	rddreg [dreg:$0x4];
	[sflag:s15] =	ssyncadd.s32 $0xFFFFE000  }
0x5d: {  	[tilespmem:s13], [sflag:$0x11] =	stream.linear.gather [hbm4b:s6+s13], $0x2800, $0x38;
	[tilespmem:$0x1F000] =	vst v63  }
0x5e: {  	_ =	swait.ge [sflag:s15], $0x2800  }
0x5f: {  	[sflag:s15] =	ssyncset.done $0x0  }
0x60: {  	s6 =	simm.s32 $0x2800;
	s9 =	rddreg [dreg:$0x5];
	[sflag:s15] =	ssyncadd.s32 $0xFFFFD800  }
0x61: {  	[tilespmem:s6], [sflag:$0x11] =	stream.linear.gather [hbm4b:s9+s13], $0x2800, $0x38;
	[tilespmem:$0x1F000] =	vst v63  }
0x62: {  	_ =	swait.ge [sflag:s15], $0x2800  }
0x63: {  	[sflag:s15] =	ssyncset.done $0x0  }
0x64: {  	[sflag:s15] =	ssyncadd.s32 $0xFFFFD800  }
0x65: {  	[bflag:$0x0] =	sbarrier.arrive $0xFFFF  }
0x66: {  	[tilespmem:s14], [sflag:$0x1] =	stream.indirect.gather [hbm4b:s4+s17], $0x40, s13, s17, $0xb8;
	[tilespmem:$0x1F000] =	vst v63  }
0x67: {  	_ = 	snop  }
0x68: {  	[tilespmem:s18], [sflag:$0x2] =	stream.indirect.gather [hbm4b:s4+s17], $0x40, s17, s17, $0xb8;
	[tilespmem:$0x1F000] =	vst v63  }
0x69: {  	s21 =	simm.s32 $0x100  }
0x6a: {  	[tilespmem:s20], [sflag:$0x3] =	stream.indirect.gather [hbm4b:s4+s17], $0x40, s21, s17, $0xb8;
	[tilespmem:$0x1F000] =	vst v63  }
0x6b: {  	s25 =	simm.s32 $0x180  }
0x6c: {  	[tilespmem:s22], [sflag:$0x4] =	stream.indirect.gather [hbm4b:s4+s17], $0x40, s25, s17, $0xb8;
	[tilespmem:$0x1F000] =	vst v63  }
.LBB2_4:
0x6d: {  	_ =	swait.ge [sflag:s23], $0x2000  }
0x6e: {  	s25 =	sshra.s32 s13, $0x2;
	[sflag:s23] =	ssyncset.done $0x0  }
0x6f: {  	p0 =	seq.s32 s13, $0x0;
	s5 =	sadd.s32 $0x2800, s25;
	[sflag:s23] =	ssyncadd.s32 $0xFFFFE000  }
0x70: {  	[spmem:s2] =	stream.indirect.scatter.add.f32 [tilespmem:s14], [sflag:$0x9], $0x40, s5, s17, $0xb8;
	[tilespmem:$0x1F000] =	vst v63  }
0x71: {  	s5 =	simm.s32 @!p0 $0xD  }
0x72: {  	_ =	swait.ge @!p0 [sflag:s5], $0x2000  }
0x73: {  	[sflag:s5] =	ssyncset.done @!p0 $0x0  }
0x74: {  	s6 =	sadd.s32 $0x200, s25;
	[sflag:s5] =	ssyncadd.s32 @!p0 $0xFFFFE000  }
0x75: {  	[tilespmem:s24], [sflag:$0x5] =	stream.indirect.gather [hbm4b:s4+s17], $0x40, s6, s17, $0xb8;
	[tilespmem:$0x1F000] =	vst v63  }
0x76: {  	_ =	swait.ge [sflag:s26], $0x2000  }
0x77: {  	[sflag:s26] =	ssyncset.done $0x0  }
0x78: {  	s9 =	sadd.s32 $0x2880, s25;
	s5 =	simm.s32 @!p0 $0xE;
	[sflag:s26] =	ssyncadd.s32 $0xFFFFE000  }
0x79: {  	[spmem:s2] =	stream.indirect.scatter.add.f32 [tilespmem:s18], [sflag:$0xA], $0x40, s9, s17, $0xb8;
	[tilespmem:$0x1F000] =	vst v63  }
0x7a: {  	_ =	swait.ge @!p0 [sflag:s5], $0x2000  }
0x7b: {  	[sflag:s5] =	ssyncset.done @!p0 $0x0  }
0x7c: {  	s21 =	sadd.s32 $0x280, s25;
	[sflag:s5] =	ssyncadd.s32 @!p0 $0xFFFFE000  }
0x7d: {  	[tilespmem:s28], [sflag:$0x6] =	stream.indirect.gather [hbm4b:s4+s17], $0x40, s21, s17, $0xb8;
	[tilespmem:$0x1F000] =	vst v63  }
0x7e: {  	_ =	swait.ge [sflag:s29], $0x2000  }
0x7f: {  	[sflag:s29] =	ssyncset.done $0x0  }
0x80: {  	s6 =	sadd.s32 $0x2900, s25;
	s5 =	simm.s32 @!p0 $0xF;
	[sflag:s29] =	ssyncadd.s32 $0xFFFFE000  }
0x81: {  	[spmem:s2] =	stream.indirect.scatter.add.f32 [tilespmem:s20], [sflag:$0xB], $0x40, s6, s17, $0xb8;
	[tilespmem:$0x1F000] =	vst v63  }
0x82: {  	_ =	swait.ge @!p0 [sflag:s5], $0x2000  }
0x83: {  	[sflag:s5] =	ssyncset.done @!p0 $0x0  }
0x84: {  	s9 =	sadd.s32 $0x300, s25;
	[sflag:s5] =	ssyncadd.s32 @!p0 $0xFFFFE000  }
0x85: {  	[tilespmem:s30], [sflag:$0x7] =	stream.indirect.gather [hbm4b:s4+s17], $0x40, s9, s17, $0xb8;
	[tilespmem:$0x1F000] =	vst v63  }
0x86: {  	_ =	swait.ge [sflag:s31], $0x2000  }
0x87: {  	[sflag:s31] =	ssyncset.done $0x0  }
0x88: {  	s21 =	sadd.s32 $0x2980, s25;
	s5 =	simm.s32 @!p0 $0x10;
	[sflag:s31] =	ssyncadd.s32 $0xFFFFE000  }
0x89: {  	[spmem:s2] =	stream.indirect.scatter.add.f32 [tilespmem:s22], [sflag:$0xC], $0x40, s21, s17, $0xb8;
	[tilespmem:$0x1F000] =	vst v63  }
0x8a: {  	_ =	swait.ge @!p0 [sflag:s5], $0x2000  }
0x8b: {  	[sflag:s5] =	ssyncset.done @!p0 $0x0  }
0x8c: {  	s6 =	sadd.s32 $0x380, s25;
	[sflag:s5] =	ssyncadd.s32 @!p0 $0xFFFFE000  }
0x8d: {  	[tilespmem:s1], [sflag:$0x8] =	stream.indirect.gather [hbm4b:s4+s17], $0x40, s6, s17, $0xb8;
	[tilespmem:$0x1F000] =	vst v63  }
0x8e: {  	_ =	swait.ge [sflag:s0], $0x2000  }
0x8f: {  	p0 =	seq.s32 s13, $0x9000;
	[sflag:s0] =	ssyncset.done $0x0  }
0x90: {  	s9 =	sadd.s32 $0x2A00, s25;
	s5 =	simm.s32 @p0 $0x6;
	[sflag:s0] =	ssyncadd.s32 $0xFFFFE000  }
0x91: {  	[spmem:s2] =	stream.indirect.scatter.add.f32 [tilespmem:s24], [sflag:$0xD], $0x40, s9, s17, $0xb8;
	[tilespmem:$0x1F000] =	vst v63  }
0x92: {  	_ =	swait.ge @p0 [sflag:s5], $0x2000  }
0x93: {  	[sflag:s5] =	ssyncset.done @p0 $0x0  }
0x94: {  	[sflag:s5] =	ssyncadd.s32 @p0 $0xFFFFE000;
	s5 =	sshra.s32 @p0 s13, $0x2  }
0x95: {  	s21 =	simm.s32 @p0 $0x80;
	s6 =	simm.s32 @p0 $0xF000;
	s5 =	sadd.s32 @p0 $0x2A80, s5  }
0x96: {  	[spmem:s2] =	stream.indirect.scatter.add.f32 @p0 [tilespmem:s6], [sflag:$0xE], $0x40, s5, s21, $0xb8;
	[tilespmem:$0x1F000] =	vst v63  }
0x97: {  	s5 =	simm.s32 @!p0 $0x9  }
0x98: {  	_ =	swait.ge @!p0 [sflag:s5], $0x2000  }
0x99: {  	[sflag:s5] =	ssyncset.done @!p0 $0x0  }
0x9a: {  	[sflag:s5] =	ssyncadd.s32 @!p0 $0xFFFFE000;
	s5 =	sshra.s32 @!p0 s13, $0x2  }
0x9b: {  	s9 =	simm.s32 @!p0 $0x5000;
	s21 =	simm.s32 @!p0 $0x80;
	s6 =	sadd.s32 @!p0 $0x400, s5  }
0x9c: {  	[tilespmem:s9], [sflag:$0x1] =	stream.indirect.gather @!p0 [hbm4b:s4+s21], $0x40, s6, s21, $0xb8;
	[tilespmem:$0x1F000] =	vst v63  }
0x9d: {  	s6 =	simm.s32 @!p0 $0x6  }
0x9e: {  	_ =	swait.ge @!p0 [sflag:s6], $0x2000  }
0x9f: {  	[sflag:s6] =	ssyncset.done @!p0 $0x0  }
0xa0: {  	s9 =	simm.s32 @!p0 $0xF000;
	[sflag:s6] =	ssyncadd.s32 @!p0 $0xFFFFE000;
	s6 =	sadd.s32 @!p0 $0x2A80, s5  }
0xa1: {  	[spmem:s2] =	stream.indirect.scatter.add.f32 @!p0 [tilespmem:s9], [sflag:$0xE], $0x40, s6, s21, $0xb8;
	[tilespmem:$0x1F000] =	vst v63  }
0xa2: {  	s6 =	simm.s32 @!p0 $0xA  }
0xa3: {  	_ =	swait.ge @!p0 [sflag:s6], $0x2000  }
0xa4: {  	[sflag:s6] =	ssyncset.done @!p0 $0x0  }
0xa5: {  	s5 =	sadd.s32 @!p0 $0x480, s5;
	[sflag:s6] =	ssyncadd.s32 @!p0 $0xFFFFE000;
	s6 =	simm.s32 @!p0 $0x7000  }
0xa6: {  	[tilespmem:s6], [sflag:$0x2] =	stream.indirect.gather @!p0 [hbm4b:s4+s21], $0x40, s5, s21, $0xb8;
	[tilespmem:$0x1F000] =	vst v63  }
.Ltmp3:
0xa7: {  	_ = 	snop;
	(pc) =	sbr.rel @p0 .LBB2_6-.Ltmp3, $4  }
0xa8: {  	_ =	swait.ge [sflag:s16], $0x2000  }
0xa9: {  	[sflag:s16] =	ssyncset.done $0x0  }
0xaa: {  	s21 =	sadd.s32 $0x2B00, s25;
	s5 =	sadd.s32 $0x2B80, s25;
	[sflag:s16] =	ssyncadd.s32 $0xFFFFE000  }
0xab: {  	[spmem:s2] =	stream.indirect.scatter.add.f32 [tilespmem:s30], [sflag:$0xF], $0x40, s21, s17, $0xb8;
	[tilespmem:$0x1F000] =	vst v63  }
0xac: {  	_ =	swait.ge [sflag:s7], $0x2000  }
0xad: {  	[sflag:s7] =	ssyncset.done $0x0  }
0xae: {  	s6 =	sadd.s32 $0x500, s25;
	[sflag:s7] =	ssyncadd.s32 $0xFFFFE000  }
0xaf: {  	[tilespmem:s20], [sflag:$0x3] =	stream.indirect.gather [hbm4b:s4+s17], $0x40, s6, s17, $0xb8;
	[tilespmem:$0x1F000] =	vst v63  }
0xb0: {  	_ =	swait.ge [sflag:s19], $0x2000  }
0xb1: {  	[sflag:s19] =	ssyncset.done $0x0  }
0xb2: {  	[sflag:s19] =	ssyncadd.s32 $0xFFFFE000  }
0xb3: {  	[spmem:s2] =	stream.indirect.scatter.add.f32 [tilespmem:s1], [sflag:$0x10], $0x40, s5, s17, $0xb8;
	[tilespmem:$0x1F000] =	vst v63  }
.Ltmp4:
0xb4: {  	_ = 	snop;
	(pc) =	sbr.rel .LBB2_4-.Ltmp4, $4  }
0xb5: {  	_ =	swait.ge [sflag:s8], $0x2000  }
0xb6: {  	[sflag:s8] =	ssyncset.done $0x0  }
0xb7: {  	s25 =	sadd.s32 $0x580, s25;
	s13 =	sadd.s32 $0x1000, s13;
	[sflag:s8] =	ssyncadd.s32 $0xFFFFE000  }
0xb8: {  	[tilespmem:s22], [sflag:$0x4] =	stream.indirect.gather [hbm4b:s4+s17], $0x40, s25, s17, $0xb8;
	[tilespmem:$0x1F000] =	vst v63  }
.LBB2_7:
0xb9: {  	_ =	sfence.sel $0x180000  }
0xba: {  	[bflag:$0x0] =	sbarrier.arrive $0xFFFF  }
0xbb: {  	_ =	strace $0x9000004D  }
0xbc: {  	s0 =	stileid.u32;
	[bflag:$0x2] =	sbarrier.arrive $0xFFFF  }
0xbd: {  	p0 =	sne.s32 s0, $0x0;
	s0 =	rddreg [dreg:$0x2]  }
0xbe: {  	s0 =	sadd.s32 @!p0 $0x100000, s0  }
0xbf: {  	[sflag:s0] =	ssyncadd.tile.s32 @!p0 $0x1;
	_ =	shalt  }
.Lfunc_end2:
_tile_overlayer_lowered:
.L_overlay_start_2:
0xc0: {  	(tag) =	ssettag $0x2  }
0xc1: {  	s0 =	rddreg [dreg:$0x0];
	s2 =	stileid.u32  }
0xc2: {  	s1 =	rddreg [dreg:$0x1];
	p0 =	sne.s32 s2, $0x0  }
0xc3: {  	s3 =	rddreg [dreg:$0x2];
	[bflag:$0x3] =	sbarrier.arrive $0xFFFF;
	s2 =	simm.s32 @!p0 $0x1C11  }
0xc4: {  	[timem:s3], [sflag:s2] =	dma.local @!p0 [hbm:s0], s1  }
0xc5: {  	s0 =	simm.s32 @!p0 $0x11  }
0xc6: {  	_ =	swait.ge @!p0 [sflag:s0], s1  }
0xc7: {  	s1 =	ssub.s32 @!p0 $0x0, s1;
	[sflag:s0] =	ssyncset.done @!p0 $0x0  }
0xc8: {  	[sflag:s0] =	ssyncadd.s32 @!p0 s1  }
0xc9: {  	[bflag:$0x3] =	sbarrier.arrive $0xFFFF  }
0xca: {  	_ =	shalt  }

// kernel: kernel.19.cloned.1.call-start
scs
__scs_entry_jumppad:
0x0: {  	(pc) =	sbr.rel $0x88, $3  }
0x1: {  	(tag) =	ssettag $0x0;
	lr =	simm.s32 $0x1  }
0x2: {  	[smem:$0x3F92] =	sst lr;
	_ =	strace $0xD0000000  }
0x3: {  	_ = 	snop  }
0x4: {  	_ = 	snop  }
0x5: {  	_ = 	snop  }
0x6: {  	_ = 	snop  }
0x7: {  	_ = 	snop  }
__scs_overlays_trampoline_lowered:
0x8: {  	[smem:$0x3FA1] =	sst s0  }
0x9: {  	[smem:$0x3FA2] =	sst s1  }
0xa: {  	[smem:$0x3FA3] =	sst s2  }
0xb: {  	[smem:$0x3FA4] =	sst s3  }
0xc: {  	[smem:$0x3FA5] =	sst s4  }
0xd: {  	[smem:$0x3FA6] =	sst s5  }
0xe: {  	[smem:$0x3FA7] =	sst s6  }
0xf: {  	[smem:$0x3FA8] =	sst s7  }
0x10: {  	[smem:$0x3FA9] =	sst s8  }
0x11: {  	[smem:$0x3FAA] =	sst s9;
	s0 =	simm.s32 @!p0 $0x0  }
0x12: {  	s1 =	sld [smem:$0x3F90];
	s0 =	simm.s32 @p0 $0x1  }
0x13: {  	[smem:$0x3FAB] =	sst s0;
	s0 =	simm.s32 @!p1 $0x0  }
0x14: {  	s2 =	sld [smem:$0x3F8F];
	s0 =	simm.s32 @p1 $0x1  }
0x15: {  	[smem:$0x3FAC] =	sst s0;
	s0 =	simm.s32 @!p2 $0x0  }
0x16: {  	s3 =	sld [smem:$0x3FDB];
	s0 =	simm.s32 @p2 $0x1  }
0x17: {  	s4 =	simm.s32 $0x1BF5;
	[smem:$0x3FAE] =	sst s0  }
0x18: {  	s0 =	sld [smem:$0x3F91];
	_ =	swait.ge [sflag:s4], $0x0  }
0x19: {  	s7 =	sld [smem:$0x3F92]  }
0x1a: {  	s8 =	sadd.s32 $0xFFFFE003, lr  }
0x1b: {  	s9 =	sadd.s32 $0xFFFFFEF7, lr;
	s5 =	simm.s32 $0xFFFFFFFF;
	p2 =	slt.u32 s8, $0xFFFFF086  }
0x1c: {  	p1 =	slt.u32 s9, $0xF7A;
	s5 =	simm.s32 @!p2 $0x0  }
0x1d: {  	s5 =	simm.s32 @p1 $0x1;
	p0 =	seq.s32 s7, s2  }
0x1e: {  	s7 =	smul.u32 @!p0 $0xF7A, s2;
	p2 =	seq.s32 @!p0 s5, $0x0  }
0x1f: {  	s9 =	smul.u32 $0xF7A, s1;
	s8 =	simm.s32 @!p0 $0x1BF5;
	p2 =	por !p2, p0  }
0x20: {  	[sflag:s8] =	ssyncset.s32 @!p0 $0xFFFFF086;
	s6 =	sadd.s32 @!p0 s3, s7;
	s7 =	simm.s32 @!p0 $0x108  }
0x21: {  	s3 =	sadd.s32 s3, s9;
	s6 =	sadd.s32 @!p0 $0x88, s6;
	s7 =	simm.s32 @p2 $0x1082  }
0x22: {  	[simem:s7], [sflag:s8] =	dma.local @!p0 [hbm:s6], $0xF7A  }
0x23: {  	s9 =	sor.u32 $0xD0000000, s2;
	s6 =	simm.s32 $0x108;
	_ =	swait.ge @!p0 [sflag:s8], $0x0  }
0x24: {  	s3 =	sadd.s32 $0x88, s3;
	s6 =	simm.s32 @!p1 $0x1082;
	[sflag:s4] =	ssyncset.s32 $0xFFFFF086  }
0x25: {  	[simem:s6], [sflag:s4] =	dma.local [hbm:s3], $0xF7A  }
0x26: {  	[smem:$0x3F92] =	sst s1;
	(tag) =	ssettag s2;
	_ =	strace s9  }
0x27: {  	s1 =	sld [smem:$0x3FA2]  }
0x28: {  	s2 =	sld [smem:$0x3FA3]  }
0x29: {  	s4 =	sld [smem:$0x3FA5]  }
0x2a: {  	p0 =	seq.s32 s5, $0x0;
	s5 =	sld [smem:$0x3FA6]  }
0x2b: {  	s6 =	sld [smem:$0x3FA7]  }
0x2c: {  	s7 =	sld [smem:$0x3FA8]  }
0x2d: {  	s3 =	simm.s32 $0x108;
	s8 =	sld [smem:$0x3FA9]  }
0x2e: {  	s3 =	simm.s32 @!p0 $0x1082;
	s9 =	sld [smem:$0x3FAA]  }
0x2f: {  	lr =	sadd.s32 s0, s3;
	s0 =	sld [smem:$0x3FA1]  }
0x30: {  	s3 =	sld [smem:$0x3FA4]  }
0x31: {  	[smem:$0x3FAD] =	sst s10  }
0x32: {  	s10 =	sld [smem:$0x3FAB];
	_ =	sdelay $0x3  }
0x33: {  	p0 =	seq.s32 s10, $0x1;
	s10 =	sld [smem:$0x3FAD];
	_ =	sdelay $0x3  }
0x34: {  	[smem:$0x3FAD] =	sst s10  }
0x35: {  	s10 =	sld [smem:$0x3FAC];
	_ =	sdelay $0x3  }
0x36: {  	p1 =	seq.s32 s10, $0x1;
	s10 =	sld [smem:$0x3FAD];
	_ =	sdelay $0x3  }
0x37: {  	[smem:$0x3FAD] =	sst s10  }
0x38: {  	s10 =	sld [smem:$0x3FAE]  }
0x39: {  	_ = 	snop;
	(pc) =	sbr.ind lr, $3  }
0x3a: {  	_ = 	snop  }
0x3b: {  	_ = 	snop  }
0x3c: {  	p2 =	seq.s32 s10, $0x1;
	s10 =	sld [smem:$0x3FAD]  }
0x3d: {  	_ =	shalt  }
0x3e: {  	_ =	shalt  }
0x3f: {  	_ =	shalt  }
0x40: {  	_ =	shalt  }
0x41: {  	_ =	shalt  }
0x42: {  	_ =	shalt  }
0x43: {  	_ =	shalt  }
0x44: {  	_ =	shalt  }
0x45: {  	_ =	shalt  }
0x46: {  	_ =	shalt  }
0x47: {  	_ =	shalt  }
0x48: {  	_ =	shalt  }
0x49: {  	_ =	shalt  }
0x4a: {  	_ =	shalt  }
0x4b: {  	_ =	shalt  }
0x4c: {  	_ =	shalt  }
0x4d: {  	_ =	shalt  }
0x4e: {  	_ =	shalt  }
0x4f: {  	_ =	shalt  }
0x50: {  	_ =	shalt  }
0x51: {  	_ =	shalt  }
0x52: {  	_ =	shalt  }
0x53: {  	_ =	shalt  }
0x54: {  	_ =	shalt  }
0x55: {  	_ =	shalt  }
0x56: {  	_ =	shalt  }
0x57: {  	_ =	shalt  }
0x58: {  	_ =	shalt  }
0x59: {  	_ =	shalt  }
0x5a: {  	_ =	shalt  }
0x5b: {  	_ =	shalt  }
0x5c: {  	_ =	shalt  }
0x5d: {  	_ =	shalt  }
0x5e: {  	_ =	shalt  }
0x5f: {  	_ =	shalt  }
0x60: {  	_ =	shalt  }
0x61: {  	_ =	shalt  }
0x62: {  	_ =	shalt  }
0x63: {  	_ =	shalt  }
0x64: {  	_ =	shalt  }
0x65: {  	_ =	shalt  }
0x66: {  	_ =	shalt  }
0x67: {  	_ =	shalt  }
0x68: {  	_ =	shalt  }
0x69: {  	_ =	shalt  }
0x6a: {  	_ =	shalt  }
0x6b: {  	_ =	shalt  }
0x6c: {  	_ =	shalt  }
0x6d: {  	_ =	shalt  }
0x6e: {  	_ =	shalt  }
0x6f: {  	_ =	shalt  }
0x70: {  	_ =	shalt  }
0x71: {  	_ =	shalt  }
0x72: {  	_ =	shalt  }
0x73: {  	_ =	shalt  }
0x74: {  	_ =	shalt  }
0x75: {  	_ =	shalt  }
0x76: {  	_ =	shalt  }
0x77: {  	_ =	shalt  }
0x78: {  	_ =	shalt  }
0x79: {  	_ =	shalt  }
0x7a: {  	_ =	shalt  }
0x7b: {  	_ =	shalt  }
0x7c: {  	_ =	shalt  }
0x7d: {  	_ =	shalt  }
0x7e: {  	_ =	shalt  }
0x7f: {  	_ =	shalt  }
0x80: {  	_ =	shalt  }
0x81: {  	_ =	shalt  }
0x82: {  	_ =	shalt  }
0x83: {  	_ =	shalt  }
0x84: {  	_ =	shalt  }
0x85: {  	_ =	shalt  }
0x86: {  	_ =	shalt  }
0x87: {  	_ =	shalt  }
.Lfunc_end0:
.L_simem_size_0:
called_computation.3_lowered:
.L_overlay_start_0:
0x88: {  	s2 =	sld [smem:$0x3FD9]  }
0x89: {  	s3 =	sld [smem:$0x3FFE];
	_ =	sdelay $0x1  }
0x8a: {  	s1 =	srdreg.scid  }
0x8b: {  	s0 =	sand.u32 $0x1, s1  }
0x8c: {  	s16 =	sshll.u32 s0, $0xA;
	s2 =	sadd.s32 s3, s2  }
0x8d: {  	s2 =	sadd.s32 s2, s16  }
0x8e: {  	[smem:$0x3FB9] =	sst s2  }
0x8f: {  	_ = 	snop  }
0x90: {  	(tm) =	ssettm $0x1  }
0x91: {  	s17 =	sld [smem:$0x3FFB];
	_ =	sdelay $0x3  }
0x92: {  	_ =	strace s17  }
0x93: {  	s2 =	sld [smem:$0x3FFC];
	_ =	sdelay $0x3  }
0x94: {  	_ =	strace s2  }
0x95: {  	s2 =	sld [smem:$0x3FFD];
	_ =	sdelay $0x3  }
0x96: {  	_ =	strace s2  }
0x97: {  	_ =	strace $0x8FFFFFFF  }
0x98: {  	s18 =	sld [smem:$0x3FDB];
	_ =	sdelay $0x1  }
0x99: {  	s19 =	simm.s32 $_scs_section_size  }
0x9a: {  	s4 =	simm.s32 $_size__tile_overlayer_lowered;
	s5 =	simm.s32 $_tile_overlayer_lowered  }
0x9b: {  	s22 =	simm.s32 $0x1BFF;
	s21 =	sshll.u32 s5, $0x1;
	s2 =	sadd.s32 s19, s18  }
0x9c: {  	s6 =	simm.s32 $0x0;
	s20 =	sshll.u32 s4, $0x1;
	s4 =	sadd.s32 s21, s2  }
0x9d: {  	[timem:s6], [sflag:s22] =	dma.local [hbm:s4], s20  }
0x9e: {  	_ =	swait.ge [sflag:s22], s20  }
0x9f: {  	s3 =	ssub.s32 $0x0, s20;
	[sflag:s22] =	ssyncset.done $0x0  }
0xa0: {  	[sflag:s22] =	ssyncadd.s32 s3;
	_ =	sdelay $0x1  }
0xa1: {  	s23 =	simm.s32 $0x1B8B  }
0xa2: {  	_ =	swait.ge [sflag:s23], $0x1  }
0xa3: {  	[sflag:s23] =	ssyncset.done $0x0  }
0xa4: {  	s25 =	simm.s32 $0x1B8E;
	s24 =	sld [smem:$0x3FFE];
	[sflag:s23] =	ssyncadd.s32 $0xFFFFFFFF  }
0xa5: {  	s26 =	simm.s32 $execute0_lowered;
	[smem:$0x3FD2] =	sst s25  }
0xa6: {  	s4 =	sshll.u32 s26, $0x1;
	_ =	strace $0x8000004F;
	[dreg:$0x1] =	wrdreg $0xFFFFFFFF  }
0xa7: {  	s28 =	simm.s32 $_size_execute0_lowered;
	s2 =	sadd.s32 s2, s4;
	[dreg:$0x0] =	wrdreg $0x0  }
0xa8: {  	s4 =	sshll.u32 s28, $0x1;
	[dreg:$0x2] =	wrdreg s2  }
0xa9: {  	[dreg:$0x3] =	wrdreg s4  }
0xaa: {  	[dreg:$0x4] =	wrdreg $0xC0  }
0xab: {  	_ =	task [dreg:s6], $0x5FFFF  }
0xac: {  	[dreg:$0x1] =	wrdreg $0xFFFFFFFF  }
0xad: {  	[dreg:$0x0] =	wrdreg $0x60  }
0xae: {  	[dreg:$0x2] =	wrdreg s24  }
0xaf: {  	[dreg:$0x3] =	wrdreg $0x150000  }
0xb0: {  	[dreg:$0x4] =	wrdreg $0x9  }
0xb1: {  	_ =	task.clear_ibuf [dreg:s6], $0x5FFFF;
	_ =	strace $0x9000004F  }
0xb2: {  	s29 =	simm.s32 $0x9;
	_ =	strace $0x80000051  }
0xb3: {  	_ =	swait.ge [sflag:s29], $0x1  }
0xb4: {  	[sflag:s29] =	ssyncadd.s32 $0xFFFFFFFF  }
0xb5: {  	_ =	strace $0x90000051  }
0xb6: {  	_ =	sfence  }
0xb7: {  	s30 =	sld [smem:$0x0];
	_ =	sdelay $0x2  }
0xb8: {  	s31 =	sshll.u32 s1, $0xD;
	s1 =	sshrl.u32 s1, $0x2  }
0xb9: {  	s3 =	sand.u32 $0x4000, s31;
	s1 =	sadd.s32 s1, s30  }
0xba: {  	s0 =	sor.u32 s3, s0;
	s1 =	sshll.u32 s1, $0x11  }
0xbb: {  	s0 =	sor.u32 s1, s0  }
0xbc: {  	s0 =	sadd.s32 $0x8F2B, s0  }
0xbd: {  	[sflag:s0] =	ssyncadd.remote.s32 $0x1  }
0xbe: {  	_ =	sfence.sel $0xFFFF  }
0xbf: {  	[dreg:$0x0] =	wrdreg $0xFFFFFFFF;
	(pc) =	sbr.abs _section_cstart, $3  }
0xc0: {  	[dreg:$0x1] =	wrdreg $0xFFFFFFFF  }
0xc1: {  	_ =	task.clear_ibuf [dreg:s6], $0x2FFFF;
	_ =	strace $0x9FFFFFFF  }
0xc2: {  	(tm) =	ssettm $0x7FFFFFFF  }
0xc3: {  	_ =	shalt  }
tec
execute0_lowered:
.L_overlay_start_1:
0x0: {  	(tag) =	ssettag $0x1  }
0x1: {  	s0 =	srdreg.scid;
	s5 =	rddreg [dreg:$0x0]  }
0x2: {  	s8 =	stileid.u32;
	s2 =	rddreg [dreg:$0x1]  }
0x3: {  	s3 =	simm.s32 $0x0;
	s14 =	simm.s32 $0x5000;
	s15 =	simm.s32 $0x11  }
0x4: {  	s17 =	simm.s32 $0x80;
	s28 =	simm.s32 $0xF000;
	s29 =	simm.s32 $0x3  }
0x5: {  	s30 =	simm.s32 $0x11000;
	s31 =	simm.s32 $0x4;
	s16 =	simm.s32 $0x7  }
0x6: {  	s0 =	sand.u32 $0x1, s0;
	[smem:$0x7FF] =	sst s3;
	s6 =	smul.u32 $0xA000, s8  }
0x7: {  	s1 =	sshll.u32 s0, $0x4;
	s4 =	smul.u32 $0xA0000, s0;
	_ =	strace $0x80000050  }
0x8: {  	s0 =	ssub.s32 $0x2, s0;
	s1 =	sor.u32 s8, s1;
	s8 =	smul.u32 $0x28000, s8  }
0x9: {  	s9 =	sshrl.u32 s0, $0x1;
	s21 =	sadd.s32 s6, s2;
	s1 =	smul.u32 $0x500, s1  }
0xa: {  	s7 =	sadd.s32 s6, s4;
	s4 =	sadd.s32 $0x67600, s5;
	s0 =	ssub.s32 s0, s9  }
0xb: {  	s26 =	sshrl.u32 s21, $0x3;
	s7 =	sshrl.u32 s7, $0x3;
	s18 =	sshrl.u32 s8, $0x2  }
0xc: {  	s0 =	smax.u32 s0, $0x1;
	[dreg:$0xc] =	wrdreg s26;
	s1 =	sadd.s32 s1, s5  }
0xd: {  	s5 =	sadd.s32 s7, s5;
	s7 =	sadd.s32 s18, s2;
	[dreg:$0x7] =	wrdreg s0  }
0xe: {  	s10 =	simm.s32 $0xE;
	s19 =	sadd.s32 $0x3600, s1;
	[dreg:$0x3] =	wrdreg s7  }
0xf: {  	s11 =	simm.s32 $0xF;
	s1 =	sadd.s32 $0xD600, s1;
	[dreg:$0x4] =	wrdreg s19  }
0x10: {  	s12 =	simm.s32 $0x10;
	s20 =	sadd.s32 $0x7B000, s5;
	[dreg:$0x5] =	wrdreg s1  }
0x11: {  	s26 =	simm.s32 $0x2;
	s22 =	sadd.s32 $0x2000, s7;
	[dreg:$0x6] =	wrdreg s20  }
0x12: {  	s8 =	simm.s32 $0xC;
	s23 =	sadd.s32 $0x4000, s7;
	[dreg:$0x8] =	wrdreg s22  }
.Ltmp0:
0x13: {  	s24 =	sadd.s32 $0x6000, s7;
	[dreg:$0x9] =	wrdreg s23;
	(pc) =	sbr.rel .LBB2_1-.Ltmp0, $4  }
0x14: {  	s18 =	simm.s32 $0x7000;
	s25 =	sadd.s32 $0x8000, s7;
	[dreg:$0xa] =	wrdreg s24  }
0x15: {  	s0 =	simm.s32 $0x5;
	s7 =	simm.s32 $0xB;
	[dreg:$0xb] =	wrdreg s25  }
0x16: {  	s20 =	simm.s32 $0x9000;
	s22 =	simm.s32 $0xB000;
	s23 =	simm.s32 $0x1  }
0x17: {  	v0 =	vimm.f32 $0.0e+00;
	s24 =	simm.s32 $0xD000;
	s1 =	simm.s32 $0x13000;
	s19 =	simm.s32 $0x8  }
.LBB2_6:
0x18: {  	_ =	swait.ge [sflag:s19], $0x2000  }
0x19: {  	[sflag:s19] =	ssyncset.done $0x0  }
0x1a: {  	s6 =	simm.s32 $0x9;
	[sflag:s19] =	ssyncadd.s32 $0xFFFFE000  }
0x1b: {  	[spmem:s2] =	stream.indirect.scatter.add.f32 [tilespmem:s1], [sflag:$0x10], $0x40, s5, s17, $0xb8;
	[tilespmem:$0x1F000] =	vst v63  }
0x1c: {  	_ =	swait.ge [sflag:s6], $0x2000  }
0x1d: {  	[sflag:s6] =	ssyncset.done $0x0  }
0x1e: {  	s9 =	simm.s32 $0xA;
	[sflag:s6] =	ssyncadd.s32 $0xFFFFE000  }
0x1f: {  	_ =	swait.ge [sflag:s9], $0x2000  }
0x20: {  	[sflag:s9] =	ssyncset.done $0x0  }
0x21: {  	[sflag:s9] =	ssyncadd.s32 $0xFFFFE000  }
0x22: {  	_ =	swait.ge [sflag:s7], $0x2000  }
0x23: {  	[sflag:s7] =	ssyncset.done $0x0  }
0x24: {  	[sflag:s7] =	ssyncadd.s32 $0xFFFFE000  }
0x25: {  	_ =	swait.ge [sflag:s8], $0x2000  }
0x26: {  	[sflag:s8] =	ssyncset.done $0x0  }
0x27: {  	s13 =	simm.s32 $0xD;
	[sflag:s8] =	ssyncadd.s32 $0xFFFFE000  }
0x28: {  	_ =	swait.ge [sflag:s13], $0x2000  }
0x29: {  	[sflag:s13] =	ssyncset.done $0x0  }
0x2a: {  	[sflag:s13] =	ssyncadd.s32 $0xFFFFE000  }
0x2b: {  	_ =	swait.ge [sflag:s10], $0x2000  }
0x2c: {  	[sflag:s10] =	ssyncset.done $0x0  }
0x2d: {  	[sflag:s10] =	ssyncadd.s32 $0xFFFFE000  }
0x2e: {  	_ =	swait.ge [sflag:s11], $0x2000  }
0x2f: {  	[sflag:s11] =	ssyncset.done $0x0  }
0x30: {  	[sflag:s11] =	ssyncadd.s32 $0xFFFFE000  }
0x31: {  	_ =	swait.ge [sflag:s12], $0x2000  }
0x32: {  	[sflag:s12] =	ssyncset.done $0x0  }
0x33: {  	[sflag:s12] =	ssyncadd.s32 $0xFFFFE000  }
0x34: {  	s21 =	stileid.u32;
	[bflag:$0x0] =	sbarrier.arrive $0xFFFF  }
0x35: {  	s5 =	sshll.u32 s21, $0x6;
	s6 =	rddreg [dreg:$0x6]  }
0x36: {  	s5 =	sor.u32 $0x1C11, s5;
	s9 =	rddreg [dreg:$0xc]  }
0x37: {  	[hbm:s6], [sflag:s5] =	dma.local [spmem:s9], $0x1400  }
0x38: {  	_ =	swait.ge [sflag:s15], $0x1400  }
0x39: {  	s3 =	sadd.s32 $0x1, s3;
	s25 =	rddreg [dreg:$0x7]  }
0x3a: {  	p0 =	sne.s32 s3, s25  }
.Ltmp1:
0x3b: {  	_ = 	snop;
	(pc) =	sbr.rel @!p0 .LBB2_7-.Ltmp1, $3  }
0x3c: {  	_ =	sdelay $0x1  }
0x3d: {  	[sflag:s15] =	ssyncset.done $0x0  }
0x3e: {  	[sflag:s15] =	ssyncadd.s32 $0xFFFFEC00  }
.LBB2_1:
0x3f: {  	s25 =	simm.s32 $0x100;
	s13 =	simm.s32 $0x0  }
.LBB2_2:
0x40: {  	p0 =	sne.s32 s25, $0x7F00;
	[tilespmem:s13+$0x5030] =	vst v0;
	s5 =	smov.u32 s25;
	s25 =	sadd.s32 $0x100, s25  }
.Ltmp2:
0x41: {  	[tilespmem:s13+$0x5020] =	vst v0;
	(pc) =	sbr.rel @p0 .LBB2_2-.Ltmp2, $3  }
0x42: {  	[tilespmem:s13+$0x5000] =	vst v0  }
0x43: {  	[tilespmem:s13+$0x5010] =	vst v0;
	_ =	sdelay $0x1  }
0x44: {  	s13 =	sshra.s32 s5, $0x2  }
0x45: {  	[tilespmem:s13+$0x5030] =	vst v0  }
0x46: {  	[tilespmem:s13+$0x5020] =	vst v0  }
0x47: {  	[tilespmem:s13+$0x5000] =	vst v0  }
0x48: {  	[tilespmem:s13+$0x5010] =	vst v0;
	s5 =	rddreg [dreg:$0x3]  }
0x49: {  	[spmem:s5] =	stream.linear.scatter [tilespmem:s14], [sflag:$0x11], $0x2000, $0x38;
	[tilespmem:$0x1F000] =	vst v63  }
0x4a: {  	_ =	swait.ge [sflag:s15], $0x2000  }
0x4b: {  	[sflag:s15] =	ssyncset.done $0x0  }
0x4c: {  	s9 =	rddreg [dreg:$0x8];
	[sflag:s15] =	ssyncadd.s32 $0xFFFFE000  }
0x4d: {  	[spmem:s9] =	stream.linear.scatter [tilespmem:s14], [sflag:$0x11], $0x2000, $0x38;
	[tilespmem:$0x1F000] =	vst v63  }
0x4e: {  	_ =	swait.ge [sflag:s15], $0x2000  }
0x4f: {  	[sflag:s15] =	ssyncset.done $0x0  }
0x50: {  	s13 =	rddreg [dreg:$0x9];
	[sflag:s15] =	ssyncadd.s32 $0xFFFFE000  }
0x51: {  	[spmem:s13] =	stream.linear.scatter [tilespmem:s14], [sflag:$0x11], $0x2000, $0x38;
	[tilespmem:$0x1F000] =	vst v63  }
0x52: {  	_ =	swait.ge [sflag:s15], $0x2000  }
0x53: {  	[sflag:s15] =	ssyncset.done $0x0  }
0x54: {  	s21 =	rddreg [dreg:$0xa];
	[sflag:s15] =	ssyncadd.s32 $0xFFFFE000  }
0x55: {  	[spmem:s21] =	stream.linear.scatter [tilespmem:s14], [sflag:$0x11], $0x2000, $0x38;
	[tilespmem:$0x1F000] =	vst v63  }
0x56: {  	_ =	swait.ge [sflag:s15], $0x2000  }
0x57: {  	[sflag:s15] =	ssyncset.done $0x0  }
0x58: {  	s25 =	rddreg [dreg:$0xb];
	[sflag:s15] =	ssyncadd.s32 $0xFFFFE000  }
0x59: {  	[spmem:s25] =	stream.linear.scatter [tilespmem:s14], [sflag:$0x11], $0x2000, $0x38;
	[tilespmem:$0x1F000] =	vst v63  }
0x5a: {  	_ =	swait.ge [sflag:s15], $0x2000  }
0x5b: {  	[sflag:s15] =	ssyncset.done $0x0  }
0x5c: {  	s13 =	simm.s32 $0x0;
	s6 =	rddreg [dreg:$0x4];
	[sflag:s15] =	ssyncadd.s32 $0xFFFFE000  }
0x5d: {  	[tilespmem:s13], [sflag:$0x11] =	stream.linear.gather [hbm4b:s6+s13], $0x2800, $0x38;
	[tilespmem:$0x1F000] =	vst v63  }
0x5e: {  	_ =	swait.ge [sflag:s15], $0x2800  }
0x5f: {  	[sflag:s15] =	ssyncset.done $0x0  }
0x60: {  	s6 =	simm.s32 $0x2800;
	s9 =	rddreg [dreg:$0x5];
	[sflag:s15] =	ssyncadd.s32 $0xFFFFD800  }
0x61: {  	[tilespmem:s6], [sflag:$0x11] =	stream.linear.gather [hbm4b:s9+s13], $0x2800, $0x38;
	[tilespmem:$0x1F000] =	vst v63  }
0x62: {  	_ =	swait.ge [sflag:s15], $0x2800  }
0x63: {  	[sflag:s15] =	ssyncset.done $0x0  }
0x64: {  	[sflag:s15] =	ssyncadd.s32 $0xFFFFD800  }
0x65: {  	[bflag:$0x0] =	sbarrier.arrive $0xFFFF  }
0x66: {  	[tilespmem:s14], [sflag:$0x1] =	stream.indirect.gather [hbm4b:s4+s17], $0x40, s13, s17, $0xb8;
	[tilespmem:$0x1F000] =	vst v63  }
0x67: {  	_ = 	snop  }
0x68: {  	[tilespmem:s18], [sflag:$0x2] =	stream.indirect.gather [hbm4b:s4+s17], $0x40, s17, s17, $0xb8;
	[tilespmem:$0x1F000] =	vst v63  }
0x69: {  	s21 =	simm.s32 $0x100  }
0x6a: {  	[tilespmem:s20], [sflag:$0x3] =	stream.indirect.gather [hbm4b:s4+s17], $0x40, s21, s17, $0xb8;
	[tilespmem:$0x1F000] =	vst v63  }
0x6b: {  	s25 =	simm.s32 $0x180  }
0x6c: {  	[tilespmem:s22], [sflag:$0x4] =	stream.indirect.gather [hbm4b:s4+s17], $0x40, s25, s17, $0xb8;
	[tilespmem:$0x1F000] =	vst v63  }
.LBB2_4:
0x6d: {  	_ =	swait.ge [sflag:s23], $0x2000  }
0x6e: {  	s25 =	sshra.s32 s13, $0x2;
	[sflag:s23] =	ssyncset.done $0x0  }
0x6f: {  	p0 =	seq.s32 s13, $0x0;
	s5 =	sadd.s32 $0x2800, s25;
	[sflag:s23] =	ssyncadd.s32 $0xFFFFE000  }
0x70: {  	[spmem:s2] =	stream.indirect.scatter.add.f32 [tilespmem:s14], [sflag:$0x9], $0x40, s5, s17, $0xb8;
	[tilespmem:$0x1F000] =	vst v63  }
0x71: {  	s5 =	simm.s32 @!p0 $0xD  }
0x72: {  	_ =	swait.ge @!p0 [sflag:s5], $0x2000  }
0x73: {  	[sflag:s5] =	ssyncset.done @!p0 $0x0  }
0x74: {  	s6 =	sadd.s32 $0x200, s25;
	[sflag:s5] =	ssyncadd.s32 @!p0 $0xFFFFE000  }
0x75: {  	[tilespmem:s24], [sflag:$0x5] =	stream.indirect.gather [hbm4b:s4+s17], $0x40, s6, s17, $0xb8;
	[tilespmem:$0x1F000] =	vst v63  }
0x76: {  	_ =	swait.ge [sflag:s26], $0x2000  }
0x77: {  	[sflag:s26] =	ssyncset.done $0x0  }
0x78: {  	s9 =	sadd.s32 $0x2880, s25;
	s5 =	simm.s32 @!p0 $0xE;
	[sflag:s26] =	ssyncadd.s32 $0xFFFFE000  }
0x79: {  	[spmem:s2] =	stream.indirect.scatter.add.f32 [tilespmem:s18], [sflag:$0xA], $0x40, s9, s17, $0xb8;
	[tilespmem:$0x1F000] =	vst v63  }
0x7a: {  	_ =	swait.ge @!p0 [sflag:s5], $0x2000  }
0x7b: {  	[sflag:s5] =	ssyncset.done @!p0 $0x0  }
0x7c: {  	s21 =	sadd.s32 $0x280, s25;
	[sflag:s5] =	ssyncadd.s32 @!p0 $0xFFFFE000  }
0x7d: {  	[tilespmem:s28], [sflag:$0x6] =	stream.indirect.gather [hbm4b:s4+s17], $0x40, s21, s17, $0xb8;
	[tilespmem:$0x1F000] =	vst v63  }
0x7e: {  	_ =	swait.ge [sflag:s29], $0x2000  }
0x7f: {  	[sflag:s29] =	ssyncset.done $0x0  }
0x80: {  	s6 =	sadd.s32 $0x2900, s25;
	s5 =	simm.s32 @!p0 $0xF;
	[sflag:s29] =	ssyncadd.s32 $0xFFFFE000  }
0x81: {  	[spmem:s2] =	stream.indirect.scatter.add.f32 [tilespmem:s20], [sflag:$0xB], $0x40, s6, s17, $0xb8;
	[tilespmem:$0x1F000] =	vst v63  }
0x82: {  	_ =	swait.ge @!p0 [sflag:s5], $0x2000  }
0x83: {  	[sflag:s5] =	ssyncset.done @!p0 $0x0  }
0x84: {  	s9 =	sadd.s32 $0x300, s25;
	[sflag:s5] =	ssyncadd.s32 @!p0 $0xFFFFE000  }
0x85: {  	[tilespmem:s30], [sflag:$0x7] =	stream.indirect.gather [hbm4b:s4+s17], $0x40, s9, s17, $0xb8;
	[tilespmem:$0x1F000] =	vst v63  }
0x86: {  	_ =	swait.ge [sflag:s31], $0x2000  }
0x87: {  	[sflag:s31] =	ssyncset.done $0x0  }
0x88: {  	s21 =	sadd.s32 $0x2980, s25;
	s5 =	simm.s32 @!p0 $0x10;
	[sflag:s31] =	ssyncadd.s32 $0xFFFFE000  }
0x89: {  	[spmem:s2] =	stream.indirect.scatter.add.f32 [tilespmem:s22], [sflag:$0xC], $0x40, s21, s17, $0xb8;
	[tilespmem:$0x1F000] =	vst v63  }
0x8a: {  	_ =	swait.ge @!p0 [sflag:s5], $0x2000  }
0x8b: {  	[sflag:s5] =	ssyncset.done @!p0 $0x0  }
0x8c: {  	s6 =	sadd.s32 $0x380, s25;
	[sflag:s5] =	ssyncadd.s32 @!p0 $0xFFFFE000  }
0x8d: {  	[tilespmem:s1], [sflag:$0x8] =	stream.indirect.gather [hbm4b:s4+s17], $0x40, s6, s17, $0xb8;
	[tilespmem:$0x1F000] =	vst v63  }
0x8e: {  	_ =	swait.ge [sflag:s0], $0x2000  }
0x8f: {  	p0 =	seq.s32 s13, $0x9000;
	[sflag:s0] =	ssyncset.done $0x0  }
0x90: {  	s9 =	sadd.s32 $0x2A00, s25;
	s5 =	simm.s32 @p0 $0x6;
	[sflag:s0] =	ssyncadd.s32 $0xFFFFE000  }
0x91: {  	[spmem:s2] =	stream.indirect.scatter.add.f32 [tilespmem:s24], [sflag:$0xD], $0x40, s9, s17, $0xb8;
	[tilespmem:$0x1F000] =	vst v63  }
0x92: {  	_ =	swait.ge @p0 [sflag:s5], $0x2000  }
0x93: {  	[sflag:s5] =	ssyncset.done @p0 $0x0  }
0x94: {  	[sflag:s5] =	ssyncadd.s32 @p0 $0xFFFFE000;
	s5 =	sshra.s32 @p0 s13, $0x2  }
0x95: {  	s21 =	simm.s32 @p0 $0x80;
	s6 =	simm.s32 @p0 $0xF000;
	s5 =	sadd.s32 @p0 $0x2A80, s5  }
0x96: {  	[spmem:s2] =	stream.indirect.scatter.add.f32 @p0 [tilespmem:s6], [sflag:$0xE], $0x40, s5, s21, $0xb8;
	[tilespmem:$0x1F000] =	vst v63  }
0x97: {  	s5 =	simm.s32 @!p0 $0x9  }
0x98: {  	_ =	swait.ge @!p0 [sflag:s5], $0x2000  }
0x99: {  	[sflag:s5] =	ssyncset.done @!p0 $0x0  }
0x9a: {  	[sflag:s5] =	ssyncadd.s32 @!p0 $0xFFFFE000;
	s5 =	sshra.s32 @!p0 s13, $0x2  }
0x9b: {  	s9 =	simm.s32 @!p0 $0x5000;
	s21 =	simm.s32 @!p0 $0x80;
	s6 =	sadd.s32 @!p0 $0x400, s5  }
0x9c: {  	[tilespmem:s9], [sflag:$0x1] =	stream.indirect.gather @!p0 [hbm4b:s4+s21], $0x40, s6, s21, $0xb8;
	[tilespmem:$0x1F000] =	vst v63  }
0x9d: {  	s6 =	simm.s32 @!p0 $0x6  }
0x9e: {  	_ =	swait.ge @!p0 [sflag:s6], $0x2000  }
0x9f: {  	[sflag:s6] =	ssyncset.done @!p0 $0x0  }
0xa0: {  	s9 =	simm.s32 @!p0 $0xF000;
	[sflag:s6] =	ssyncadd.s32 @!p0 $0xFFFFE000;
	s6 =	sadd.s32 @!p0 $0x2A80, s5  }
0xa1: {  	[spmem:s2] =	stream.indirect.scatter.add.f32 @!p0 [tilespmem:s9], [sflag:$0xE], $0x40, s6, s21, $0xb8;
	[tilespmem:$0x1F000] =	vst v63  }
0xa2: {  	s6 =	simm.s32 @!p0 $0xA  }
0xa3: {  	_ =	swait.ge @!p0 [sflag:s6], $0x2000  }
0xa4: {  	[sflag:s6] =	ssyncset.done @!p0 $0x0  }
0xa5: {  	s5 =	sadd.s32 @!p0 $0x480, s5;
	[sflag:s6] =	ssyncadd.s32 @!p0 $0xFFFFE000;
	s6 =	simm.s32 @!p0 $0x7000  }
0xa6: {  	[tilespmem:s6], [sflag:$0x2] =	stream.indirect.gather @!p0 [hbm4b:s4+s21], $0x40, s5, s21, $0xb8;
	[tilespmem:$0x1F000] =	vst v63  }
.Ltmp3:
0xa7: {  	_ = 	snop;
	(pc) =	sbr.rel @p0 .LBB2_6-.Ltmp3, $4  }
0xa8: {  	_ =	swait.ge [sflag:s16], $0x2000  }
0xa9: {  	[sflag:s16] =	ssyncset.done $0x0  }
0xaa: {  	s21 =	sadd.s32 $0x2B00, s25;
	s5 =	sadd.s32 $0x2B80, s25;
	[sflag:s16] =	ssyncadd.s32 $0xFFFFE000  }
0xab: {  	[spmem:s2] =	stream.indirect.scatter.add.f32 [tilespmem:s30], [sflag:$0xF], $0x40, s21, s17, $0xb8;
	[tilespmem:$0x1F000] =	vst v63  }
0xac: {  	_ =	swait.ge [sflag:s7], $0x2000  }
0xad: {  	[sflag:s7] =	ssyncset.done $0x0  }
0xae: {  	s6 =	sadd.s32 $0x500, s25;
	[sflag:s7] =	ssyncadd.s32 $0xFFFFE000  }
0xaf: {  	[tilespmem:s20], [sflag:$0x3] =	stream.indirect.gather [hbm4b:s4+s17], $0x40, s6, s17, $0xb8;
	[tilespmem:$0x1F000] =	vst v63  }
0xb0: {  	_ =	swait.ge [sflag:s19], $0x2000  }
0xb1: {  	[sflag:s19] =	ssyncset.done $0x0  }
0xb2: {  	[sflag:s19] =	ssyncadd.s32 $0xFFFFE000  }
0xb3: {  	[spmem:s2] =	stream.indirect.scatter.add.f32 [tilespmem:s1], [sflag:$0x10], $0x40, s5, s17, $0xb8;
	[tilespmem:$0x1F000] =	vst v63  }
.Ltmp4:
0xb4: {  	_ = 	snop;
	(pc) =	sbr.rel .LBB2_4-.Ltmp4, $4  }
0xb5: {  	_ =	swait.ge [sflag:s8], $0x2000  }
0xb6: {  	[sflag:s8] =	ssyncset.done $0x0  }
0xb7: {  	s25 =	sadd.s32 $0x580, s25;
	s13 =	sadd.s32 $0x1000, s13;
	[sflag:s8] =	ssyncadd.s32 $0xFFFFE000  }
0xb8: {  	[tilespmem:s22], [sflag:$0x4] =	stream.indirect.gather [hbm4b:s4+s17], $0x40, s25, s17, $0xb8;
	[tilespmem:$0x1F000] =	vst v63  }
.LBB2_7:
0xb9: {  	_ =	sfence.sel $0x180000  }
0xba: {  	[bflag:$0x0] =	sbarrier.arrive $0xFFFF  }
0xbb: {  	_ =	strace $0x90000050  }
0xbc: {  	s0 =	stileid.u32;
	[bflag:$0x2] =	sbarrier.arrive $0xFFFF  }
0xbd: {  	p0 =	sne.s32 s0, $0x0;
	s0 =	rddreg [dreg:$0x2]  }
0xbe: {  	s0 =	sadd.s32 @!p0 $0x100000, s0  }
0xbf: {  	[sflag:s0] =	ssyncadd.tile.s32 @!p0 $0x1;
	_ =	shalt  }
.Lfunc_end2:
_tile_overlayer_lowered:
.L_overlay_start_2:
0xc0: {  	(tag) =	ssettag $0x2  }
0xc1: {  	s0 =	rddreg [dreg:$0x0];
	s2 =	stileid.u32  }
0xc2: {  	s1 =	rddreg [dreg:$0x1];
	p0 =	sne.s32 s2, $0x0  }
0xc3: {  	s3 =	rddreg [dreg:$0x2];
	[bflag:$0x3] =	sbarrier.arrive $0xFFFF;
	s2 =	simm.s32 @!p0 $0x1C11  }
0xc4: {  	[timem:s3], [sflag:s2] =	dma.local @!p0 [hbm:s0], s1  }
0xc5: {  	s0 =	simm.s32 @!p0 $0x11  }
0xc6: {  	_ =	swait.ge @!p0 [sflag:s0], s1  }
0xc7: {  	s1 =	ssub.s32 @!p0 $0x0, s1;
	[sflag:s0] =	ssyncset.done @!p0 $0x0  }
0xc8: {  	[sflag:s0] =	ssyncadd.s32 @!p0 s1  }
0xc9: {  	[bflag:$0x3] =	sbarrier.arrive $0xFFFF  }
0xca: {  	_ =	shalt  }

</sc_bundles>
